<compile_context>
chip_gen: v7x
topology: tpu7x:2x2x1
jax: 0.10.2.dev20260603
libtpu: 0.0.44.dev20260713+nightly
codegen_flags: <defaults>
</compile_context>

<pallas_src>
import functools

import jax
import jax.numpy as jnp
from jax.experimental import pallas as pl
from jax.experimental.pallas import tpu as pltpu
from jax.experimental.pallas import tpu_sc as plsc

_B, _N, _K = 4, 512, 8
_HID = 64
_NW = 32
_RPT = (_B * _N) // _NW
_NG = _RPT // 16
_TPG = _N // _RPT


@functools.partial(
    pl.kernel,
    out_type=jax.ShapeDtypeStruct((_B * _N * _N,), jnp.float32),
    mesh=plsc.VectorSubcoreMesh(core_axis_name="c", subcore_axis_name="s"),
    compiler_params=pltpu.CompilerParams(needs_layout_passes=False),
    scratch_types=[
        pltpu.VMEM((_N,), jnp.float32),
        pltpu.VMEM((_N,), jnp.float32),
        pltpu.VMEM((_NG * _N * 16,), jnp.float32),
        pltpu.VMEM((_RPT * _N,), jnp.float32),
    ],
)
def _knn_sc(ptst_hbm, s_hbm, pxv, pyv, d2buf, sbuf):
    f32 = jnp.float32
    lane = jax.lax.broadcasted_iota(jnp.int32, (16,), 0)
    wid = jax.lax.axis_index("s") * 2 + jax.lax.axis_index("c")
    b = wid // _TPG
    ib = (wid % _TPG) * _RPT

    pltpu.sync_copy(ptst_hbm.at[b, 0], pxv)
    pltpu.sync_copy(ptst_hbm.at[b, 1], pyv)

    zeros = jnp.zeros((16,), f32)

    def zbody(t, _):
        sbuf[pl.ds(t * 16, 16)] = zeros
        return 0

    jax.lax.fori_loop(0, _RPT * _N // 16, zbody, 0)

    inf_v = jnp.full((16,), jnp.inf, f32)
    ones = jnp.ones((16,), f32)

    for g in range(_NG):
        xo = pxv[pl.ds(ib + g * 16, 16)]
        yo = pyv[pl.ds(ib + g * 16, 16)]

        def dbody(cc, _):
            pcx = pxv[pl.ds(cc * 16, 16)]
            pcy = pyv[pl.ds(cc * 16, 16)]
            for k in range(16):
                dx = xo - pcx[k]
                dy = yo - pcy[k]
                d2buf[pl.ds((g * _N + cc * 16 + k) * 16, 16)] = dx * dx + dy * dy
            return 0

        jax.lax.fori_loop(0, _N // 16, dbody, 0)

        for p in range(_K + 1):
            def pbody(j, carry):
                rm, ri = carry
                d2v = d2buf[pl.ds((g * _N + j) * 16, 16)]
                c = d2v < rm
                return jnp.where(c, d2v, rm), jnp.where(c, j, ri)

            rm, ri = jax.lax.fori_loop(
                0, _N, pbody,
                (inf_v, jnp.zeros((16,), jnp.int32)))
            plsc.store_scatter(d2buf, [(g * _N + ri) * 16 + lane], inf_v)
            if p > 0:
                plsc.store_scatter(sbuf, [(g * 16 + lane) * _N + ri], ones)

    pltpu.sync_copy(sbuf, s_hbm.at[pl.ds(wid * _RPT * _N, _RPT * _N)])


def _t(x):
    n = x.shape[1]
    eye = (jax.lax.broadcasted_iota(jnp.int32, (n, n), 0)
           == jax.lax.broadcasted_iota(jnp.int32, (n, n), 1)).astype(jnp.float32)
    return jax.lax.dot_general(eye, x, (((1,), (1,)), ((), ())),
                               preferred_element_type=jnp.float32)


def _body(pts_ref, s_ref, w1_ref, b1_ref, w2_ref, b2_ref, w3_ref, b3_ref,
          wm1a_ref, wm1b_ref, bm1_ref, wm2_ref, bm2_ref, out_ref):
    f32 = jnp.float32
    px_c = pts_ref[0, :, 0:1]
    py_c = pts_ref[0, :, 1:2]

    S = s_ref[0]
    St = _t(S)
    indeg = jnp.sum(St, axis=1, keepdims=True)
    dis = jax.lax.rsqrt(indeg + f32(_K + 1))
    M = S + St

    def dot(a, b):
        return jax.lax.dot_general(a, b, (((1,), (0,)), ((), ())),
                                   preferred_element_type=f32)

    y = px_c * w1_ref[0:1, :] + py_c * w1_ref[1:2, :]
    z = dis * y
    x = jnp.maximum(dis * dot(M, z) + dis * dis * y + b1_ref[...], 0.0)
    for w_ref, b_ref in ((w2_ref, b2_ref), (w3_ref, b3_ref)):
        y = dot(x, w_ref[...])
        z = dis * y
        x = jnp.maximum(dis * dot(M, z) + dis * dis * y + b_ref[...], 0.0)

    A = dot(x, wm1a_ref[...]) + bm1_ref[...]
    At = _t(A)
    Ct = _t(dot(x, wm1b_ref[...]))
    wm2 = wm2_ref[...]

    acc = jnp.zeros((_N, _N), f32)
    CH = 8
    for c in range(_HID // CH):
        a3 = At[c * CH:(c + 1) * CH, :].reshape(CH, _N, 1)
        c3 = Ct[c * CH:(c + 1) * CH, :].reshape(CH, 1, _N)
        w3 = wm2[c * CH:(c + 1) * CH, :].reshape(CH, 1, 1)
        acc = acc + jnp.sum(jnp.maximum(a3 + c3, 0.0) * w3, axis=0)

    logits = acc + bm2_ref[...]
    prob = 1.0 / (1.0 + jnp.exp(-logits))
    row = jax.lax.broadcasted_iota(jnp.int32, (_N, _N), 0)
    col = jax.lax.broadcasted_iota(jnp.int32, (_N, _N), 1)
    upper = jnp.where(col > row, prob, 0.0)
    out_ref[0] = upper + _t(upper)


def kernel(batch_points, W1, b1, W2, b2, W3, b3, Wm1, bm1, Wm2, bm2):
    pts = batch_points.astype(jnp.float32)
    ptst = jnp.transpose(pts, (0, 2, 1))
    S4 = _knn_sc(ptst).reshape(_B, _N, _N)
    full = lambda shape: pl.BlockSpec(shape, lambda b: (0,) * len(shape))
    grid_spec = pl.GridSpec(
        grid=(_B,),
        in_specs=[
            pl.BlockSpec((1, _N, 2), lambda b: (b, 0, 0)),
            pl.BlockSpec((1, _N, _N), lambda b: (b, 0, 0)),
            full((2, _HID)), full((1, _HID)),
            full((_HID, _HID)), full((1, _HID)),
            full((_HID, _HID)), full((1, _HID)),
            full((_HID, _HID)), full((_HID, _HID)), full((1, _HID)),
            full((_HID, 1)), full((1, 1)),
        ],
        out_specs=pl.BlockSpec((1, _N, _N), lambda b: (b, 0, 0)),
    )
    return pl.pallas_call(
        _body,
        grid_spec=grid_spec,
        out_shape=jax.ShapeDtypeStruct((_B, _N, _N), jnp.float32),
    )(pts, S4, W1, b1.reshape(1, _HID), W2, b2.reshape(1, _HID),
      W3, b3.reshape(1, _HID), Wm1[:_HID], Wm1[_HID:], bm1.reshape(1, _HID),
      Wm2, bm2.reshape(1, 1))

# --- scband reference (transcript-rebuilt; emitter-appended) ---
"""Pipeline reference for scband-graph-edge-predictor-30580167147631 (READ-ONLY COPY).

The authoritative reference and input builder live on the scoring server;
editing this copy changes nothing except your own understanding.
"""

import jax, jax.numpy as jnp
import numpy as np

B, N, K = 4, 512, 8
HID = 64
MLP_HID = 64

def _glorot(key, shape):
    lim = (6.0 / (shape[0] + shape[1])) ** 0.5
    return jax.random.uniform(key, shape, jnp.float32, -lim, lim)

def setup_inputs(seed: int = 0) -> dict:
    key = jax.random.key(seed)
    ks = jax.random.split(key, 8)
    return {
        "batch_points": jax.random.normal(ks[0], (B, N, 2), jnp.float32),
        "W1": _glorot(ks[1], (2, HID)), "b1": jnp.zeros((HID,), jnp.float32),
        "W2": _glorot(ks[2], (HID, HID)), "b2": jnp.zeros((HID,), jnp.float32),
        "W3": _glorot(ks[3], (HID, HID)), "b3": jnp.zeros((HID,), jnp.float32),
        "Wm1": _glorot(ks[4], (2 * HID, MLP_HID)), "bm1": jnp.zeros((MLP_HID,), jnp.float32),
        "Wm2": _glorot(ks[5], (MLP_HID, 1)), "bm2": jnp.zeros((1,), jnp.float32),
    }

def build_knn_edges(points):
    # indices from topk are non-differentiable in torch as well; use squared
    # distances (same ordering as p=2 cdist) and stop_gradient for safety.
    p = jax.lax.stop_gradient(points)
    d2 = jnp.sum((p[:, :, None, :] - p[:, None, :, :]) ** 2, axis=-1)  # (B,N,N)
    _, knn_idx = jax.lax.top_k(-d2, K + 1)
    knn_idx = knn_idx[:, :, 1:]  # drop self
    src = jnp.broadcast_to(jnp.arange(N)[None, :, None], (B, N, K))
    off = (jnp.arange(B) * N)[:, None, None]
    s = (src + off).reshape(-1)
    t = (knn_idx + off).reshape(-1)
    edge_index = jnp.concatenate([jnp.stack([s, t], axis=0), jnp.stack([t, s], axis=0)], axis=1)
    return edge_index

def gcn_conv(x, edge_index, W, b):
    num_nodes = x.shape[0]
    x = x @ W
    loops = jnp.arange(num_nodes)
    row = jnp.concatenate([edge_index[0], loops])
    col = jnp.concatenate([edge_index[1], loops])
    deg = jax.ops.segment_sum(jnp.ones(row.shape[0], jnp.float32), col, num_segments=num_nodes)
    dis = jnp.where(deg > 0, 1.0 / jnp.sqrt(jnp.maximum(deg, 1e-12)), 0.0)
    norm = dis[row] * dis[col]
    out = jax.ops.segment_sum(norm[:, None] * x[row], col, num_segments=num_nodes)
    return out + b

def reference(batch_points, W1, b1, W2, b2, W3, b3, Wm1, bm1, Wm2, bm2):
    edge_index = build_knn_edges(batch_points)
    x = batch_points.reshape(B * N, 2)
    for W, bb in ((W1, b1), (W2, b2), (W3, b3)):
        x = jax.nn.relu(gcn_conv(x, edge_index, W, bb))
    H = x.reshape(B, N, HID)
    ii, jj = jnp.triu_indices(N, k=1)  # same order as itertools.combinations
    h_cat = jnp.concatenate([H[:, ii], H[:, jj]], axis=-1).reshape(-1, 2 * HID)
    prob = jax.nn.sigmoid(jax.nn.relu(h_cat @ Wm1 + bm1) @ Wm2 + bm2)
    prob = prob.reshape(B, -1)
    adj = jnp.zeros((B, N, N), jnp.float32).at[:, ii, jj].set(prob)
    adj = adj + jnp.transpose(adj, (0, 2, 1))
    return adj

if __name__ == "__main__":
    import jax
    _d = setup_inputs()
    print(jax.jit(kernel)(*tuple(_d.values())))

</pallas_src>

<mosaic_0001>
#map = affine_map<(d0, d1) -> (0, 0, 0)>
#map1 = affine_map<(d0, d1) -> (0)>
module attributes {stable_mosaic.version = 14 : i64} {
  func.func @_knn_sc(%arg0: i32, %arg1: i32, %arg2: memref<4x2x512xf32, #tpu.memory_space<hbm>>, %arg3: memref<1048576xf32, #tpu.memory_space<hbm>>, %arg4: memref<512xf32, #tpu.memory_space<vmem>>, %arg5: memref<512xf32, #tpu.memory_space<vmem>>, %arg6: memref<32768xf32, #tpu.memory_space<vmem>>, %arg7: memref<32768xf32, #tpu.memory_space<vmem>>) attributes {dimension_semantics = [#tpu.dimension_semantics<core_parallel>, #tpu.dimension_semantics<subcore_parallel>], iteration_bounds = array<i64: 2, 16>, scalar_prefetch = 0 : i64, scratch_operands = 4 : i64, tpu.core_type = #tpu.core_type<sc_vector_subcore>, window_params = [{transform_indices = #map}, {transform_indices = #map1}]} {
    %iota3A = tpu.iota {dimensions = array<i32: 0>} : vector<16xi32>
    %mul3A = arith.constant 2 : i32
    %mul3A_0 = arith.muli %arg1, %mul3A : i32
    %add3A = arith.addi %mul3A_0, %arg0 : i32
    %jit3A = arith.constant 8 : i32
    %div3A = arith.divsi %add3A, %jit3A : i32
    %sign3A = arith.constant 0 : i32
    %sign3A_1 = arith.cmpi sgt, %add3A, %sign3A : i32
    %sign3A_2 = arith.extui %sign3A_1 : i1 to i32
    %sign3A_3 = arith.constant 0 : i32
    %sign3A_4 = arith.cmpi slt, %add3A, %sign3A_3 : i32
    %sign3A_5 = arith.extui %sign3A_4 : i1 to i32
    %sign3A_6 = arith.subi %sign3A_2, %sign3A_5 : i32
    %sign3A_7 = arith.constant 0 : i32
    %sign3A_8 = arith.cmpi sgt, %jit3A, %sign3A_7 : i32
    %sign3A_9 = arith.extui %sign3A_8 : i1 to i32
    %sign3A_10 = arith.constant 0 : i32
    %sign3A_11 = arith.cmpi slt, %jit3A, %sign3A_10 : i32
    %sign3A_12 = arith.extui %sign3A_11 : i1 to i32
    %sign3A_13 = arith.subi %sign3A_9, %sign3A_12 : i32
    %ne3A = arith.cmpi ne, %sign3A_6, %sign3A_13 : i32
    %rem3A = arith.remsi %add3A, %jit3A : i32
    %ne3A_14 = arith.constant 0 : i32
    %ne3A_15 = arith.cmpi ne, %rem3A, %ne3A_14 : i32
    %and3A = arith.andi %ne3A, %ne3A_15 : i1
    %sub3A = arith.constant 1 : i32
    %sub3A_16 = arith.subi %div3A, %sub3A : i32
    %select_n3A = arith.select %and3A, %sub3A_16, %div3A : i32
    %jit3A_17 = arith.constant 8 : i32
    %eq3A = arith.constant 0 : i32
    %eq3A_18 = arith.cmpi eq, %jit3A_17, %eq3A : i32
    %jit3A_19 = arith.constant 1 : i32
    %select_n3A_20 = arith.select %eq3A_18, %jit3A_19, %jit3A_17 : i32
    %rem3A_21 = arith.remsi %add3A, %select_n3A_20 : i32
    %ne3A_22 = arith.constant 0 : i32
    %ne3A_23 = arith.cmpi ne, %rem3A_21, %ne3A_22 : i32
    %lt3A = arith.constant 0 : i32
    %lt3A_24 = arith.cmpi slt, %rem3A_21, %lt3A : i32
    %lt3A_25 = arith.constant 0 : i32
    %lt3A_26 = arith.cmpi slt, %select_n3A_20, %lt3A_25 : i32
    %ne3A_27 = arith.xori %lt3A_24, %lt3A_26 : i1
    %and3A_28 = arith.andi %ne3A_27, %ne3A_23 : i1
    %add3A_29 = arith.addi %rem3A_21, %select_n3A_20 : i32
    %select_n3A_30 = arith.select %and3A_28, %add3A_29, %rem3A_21 : i32
    %mul3A_31 = arith.constant 64 : i32
    %mul3A_32 = arith.muli %select_n3A_30, %mul3A_31 : i32
    %run_scoped3A = arith.constant 0 : i32
    "tpu.region"() ({
      %run_scoped3A_872 = tpu.sem_alloc : memref<!tpu.dma_semaphore, #tpu.memory_space<semaphore_mem>>
      %dma_start3A = arith.constant 0 : i32
      %dma_start3A_873 = tpu.memref_slice %arg2[%select_n3A, %run_scoped3A, %dma_start3A] : memref<4x2x512xf32, #tpu.memory_space<hbm>> -> memref<1x1x512xf32, #tpu.memory_space<hbm>>
      %dma_start3A_874 = tpu.memref_squeeze %dma_start3A_873 : memref<1x1x512xf32, #tpu.memory_space<hbm>> -> memref<512xf32, #tpu.memory_space<hbm>>
      %dma_start3A_875 = arith.constant 0 : i32
      %dma_start3A_876 = tpu.memref_slice %arg2[%select_n3A, %run_scoped3A, %dma_start3A_875] : memref<4x2x512xf32, #tpu.memory_space<hbm>> -> memref<1x1x512xf32, #tpu.memory_space<hbm>>
      %dma_start3A_877 = tpu.memref_squeeze %dma_start3A_876 : memref<1x1x512xf32, #tpu.memory_space<hbm>> -> memref<512xf32, #tpu.memory_space<hbm>>
      tpu.enqueue_dma source(%dma_start3A_877 : memref<512xf32, #tpu.memory_space<hbm>>) target(%arg4 : memref<512xf32, #tpu.memory_space<vmem>>) target_semaphore(%run_scoped3A_872 : memref<!tpu.dma_semaphore, #tpu.memory_space<semaphore_mem>>)
      %dma_wait3A = arith.constant 0 : i32
      %dma_wait3A_878 = tpu.memref_slice %arg2[%select_n3A, %run_scoped3A, %dma_wait3A] : memref<4x2x512xf32, #tpu.memory_space<hbm>> -> memref<1x1x512xf32, #tpu.memory_space<hbm>>
      %dma_wait3A_879 = tpu.memref_squeeze %dma_wait3A_878 : memref<1x1x512xf32, #tpu.memory_space<hbm>> -> memref<512xf32, #tpu.memory_space<hbm>>
      %dma_wait3A_880 = arith.constant 0 : i32
      %dma_wait3A_881 = tpu.memref_slice %arg2[%select_n3A, %run_scoped3A, %dma_wait3A_880] : memref<4x2x512xf32, #tpu.memory_space<hbm>> -> memref<1x1x512xf32, #tpu.memory_space<hbm>>
      %dma_wait3A_882 = tpu.memref_squeeze %dma_wait3A_881 : memref<1x1x512xf32, #tpu.memory_space<hbm>> -> memref<512xf32, #tpu.memory_space<hbm>>
      tpu.wait_dma2 semaphore(%run_scoped3A_872 : memref<!tpu.dma_semaphore, #tpu.memory_space<semaphore_mem>>) src(%dma_wait3A_882 : memref<512xf32, #tpu.memory_space<hbm>>) dst(%arg4 : memref<512xf32, #tpu.memory_space<vmem>>)
      tpu.yield
    }) : () -> ()
    %run_scoped3A_33 = arith.constant 1 : i32
    "tpu.region"() ({
      %run_scoped3A_872 = tpu.sem_alloc : memref<!tpu.dma_semaphore, #tpu.memory_space<semaphore_mem>>
      %dma_start3A = arith.constant 0 : i32
      %dma_start3A_873 = tpu.memref_slice %arg2[%select_n3A, %run_scoped3A_33, %dma_start3A] : memref<4x2x512xf32, #tpu.memory_space<hbm>> -> memref<1x1x512xf32, #tpu.memory_space<hbm>>
      %dma_start3A_874 = tpu.memref_squeeze %dma_start3A_873 : memref<1x1x512xf32, #tpu.memory_space<hbm>> -> memref<512xf32, #tpu.memory_space<hbm>>
      %dma_start3A_875 = arith.constant 0 : i32
      %dma_start3A_876 = tpu.memref_slice %arg2[%select_n3A, %run_scoped3A_33, %dma_start3A_875] : memref<4x2x512xf32, #tpu.memory_space<hbm>> -> memref<1x1x512xf32, #tpu.memory_space<hbm>>
      %dma_start3A_877 = tpu.memref_squeeze %dma_start3A_876 : memref<1x1x512xf32, #tpu.memory_space<hbm>> -> memref<512xf32, #tpu.memory_space<hbm>>
      tpu.enqueue_dma source(%dma_start3A_877 : memref<512xf32, #tpu.memory_space<hbm>>) target(%arg5 : memref<512xf32, #tpu.memory_space<vmem>>) target_semaphore(%run_scoped3A_872 : memref<!tpu.dma_semaphore, #tpu.memory_space<semaphore_mem>>)
      %dma_wait3A = arith.constant 0 : i32
      %dma_wait3A_878 = tpu.memref_slice %arg2[%select_n3A, %run_scoped3A_33, %dma_wait3A] : memref<4x2x512xf32, #tpu.memory_space<hbm>> -> memref<1x1x512xf32, #tpu.memory_space<hbm>>
      %dma_wait3A_879 = tpu.memref_squeeze %dma_wait3A_878 : memref<1x1x512xf32, #tpu.memory_space<hbm>> -> memref<512xf32, #tpu.memory_space<hbm>>
      %dma_wait3A_880 = arith.constant 0 : i32
      %dma_wait3A_881 = tpu.memref_slice %arg2[%select_n3A, %run_scoped3A_33, %dma_wait3A_880] : memref<4x2x512xf32, #tpu.memory_space<hbm>> -> memref<1x1x512xf32, #tpu.memory_space<hbm>>
      %dma_wait3A_882 = tpu.memref_squeeze %dma_wait3A_881 : memref<1x1x512xf32, #tpu.memory_space<hbm>> -> memref<512xf32, #tpu.memory_space<hbm>>
      tpu.wait_dma2 semaphore(%run_scoped3A_872 : memref<!tpu.dma_semaphore, #tpu.memory_space<semaphore_mem>>) src(%dma_wait3A_882 : memref<512xf32, #tpu.memory_space<hbm>>) dst(%arg5 : memref<512xf32, #tpu.memory_space<vmem>>)
      tpu.yield
    }) : () -> ()
    %broadcast_in_dim3A = arith.constant 0.000000e+00 : f32
    %broadcast_in_dim3A_34 = vector.broadcast %broadcast_in_dim3A : f32 to vector<16xf32>
    %scan3A = arith.constant 0 : i32
    %scan3A_35 = arith.constant 0 : i32
    %scan3A_36 = arith.constant 2048 : i32
    %scan3A_37 = arith.addi %scan3A_35, %scan3A_36 : i32
    %scan3A_38 = arith.constant 1 : i32
    %scan3A_39 = scf.for %scan3A_872 = %scan3A_35 to %scan3A_37 step %scan3A_38 iter_args(%scan3A_873 = %scan3A) -> (i32)  : i32 {
      %mul3A_874 = arith.constant 16 : i32
      %mul3A_875 = arith.muli %scan3A_872, %mul3A_874 : i32
      %swap3A = arith.index_cast %mul3A_875 : i32 to index
      %swap3A_876 = tpu.vector_load %arg7[%swap3A] {strides = array<i32>} : memref<32768xf32, #tpu.memory_space<vmem>>, vector<16xf32>,
      tpu.vector_store %arg7[%swap3A], %broadcast_in_dim3A_34 {strides = array<i32>} : memref<32768xf32, #tpu.memory_space<vmem>>, vector<16xf32>,
      %scan3A_877 = arith.constant 0 : i32
      scf.yield %scan3A_877 : i32
    }
    %scan3A_40 = arith.constant 2048 : i32
    %broadcast_in_dim3A_41 = arith.constant 0x7F800000 : f32
    %broadcast_in_dim3A_42 = vector.broadcast %broadcast_in_dim3A_41 : f32 to vector<16xf32>
    %broadcast_in_dim3A_43 = arith.constant 1.000000e+00 : f32
    %broadcast_in_dim3A_44 = vector.broadcast %broadcast_in_dim3A_43 : f32 to vector<16xf32>
    %add3A_45 = arith.constant 0 : i32
    %add3A_46 = arith.addi %mul3A_32, %add3A_45 : i32
    %get3A = arith.index_cast %add3A_46 : i32 to index
    %get3A_47 = tpu.vector_load %arg4[%get3A] {strides = array<i32>} : memref<512xf32, #tpu.memory_space<vmem>>, vector<16xf32>,
    %add3A_48 = arith.constant 0 : i32
    %add3A_49 = arith.addi %mul3A_32, %add3A_48 : i32
    %get3A_50 = arith.index_cast %add3A_49 : i32 to index
    %get3A_51 = tpu.vector_load %arg5[%get3A_50] {strides = array<i32>} : memref<512xf32, #tpu.memory_space<vmem>>, vector<16xf32>,
    %scan3A_52 = arith.constant 0 : i32
    %scan3A_53 = arith.constant 0 : i32
    %scan3A_54 = arith.constant 32 : i32
    %scan3A_55 = arith.addi %scan3A_53, %scan3A_54 : i32
    %scan3A_56 = arith.constant 1 : i32
    %scan3A_57 = scf.for %scan3A_872 = %scan3A_53 to %scan3A_55 step %scan3A_56 iter_args(%scan3A_873 = %scan3A_52) -> (i32)  : i32 {
      %mul3A_874 = arith.constant 16 : i32
      %mul3A_875 = arith.muli %scan3A_872, %mul3A_874 : i32
      %get3A_876 = arith.index_cast %mul3A_875 : i32 to index
      %get3A_877 = tpu.vector_load %arg4[%get3A_876] {strides = array<i32>} : memref<512xf32, #tpu.memory_space<vmem>>, vector<16xf32>,
      %mul3A_878 = arith.constant 16 : i32
      %mul3A_879 = arith.muli %scan3A_872, %mul3A_878 : i32
      %get3A_880 = arith.index_cast %mul3A_879 : i32 to index
      %get3A_881 = tpu.vector_load %arg5[%get3A_880] {strides = array<i32>} : memref<512xf32, #tpu.memory_space<vmem>>, vector<16xf32>,
      %slice3A = vector.extract_strided_slice %get3A_877 {offsets = [0], sizes = [1], strides = [1]} : vector<16xf32> to vector<1xf32>
      %squeeze3A = vector.extract %slice3A[0] : f32 from vector<1xf32>
      %sub3A_882 = vector.broadcast %squeeze3A : f32 to vector<16xf32>
      %sub3A_883 = arith.subf %get3A_47, %sub3A_882 : vector<16xf32>
      %slice3A_884 = vector.extract_strided_slice %get3A_881 {offsets = [0], sizes = [1], strides = [1]} : vector<16xf32> to vector<1xf32>
      %squeeze3A_885 = vector.extract %slice3A_884[0] : f32 from vector<1xf32>
      %sub3A_886 = vector.broadcast %squeeze3A_885 : f32 to vector<16xf32>
      %sub3A_887 = arith.subf %get3A_51, %sub3A_886 : vector<16xf32>
      %mul3A_888 = arith.mulf %sub3A_883, %sub3A_883 : vector<16xf32>
      %mul3A_889 = arith.mulf %sub3A_887, %sub3A_887 : vector<16xf32>
      %add3A_890 = arith.addf %mul3A_888, %mul3A_889 : vector<16xf32>
      %mul3A_891 = arith.constant 16 : i32
      %mul3A_892 = arith.muli %scan3A_872, %mul3A_891 : i32
      %add3A_893 = arith.constant 0 : i32
      %add3A_894 = arith.addi %add3A_893, %mul3A_892 : i32
      %add3A_895 = arith.constant 0 : i32
      %add3A_896 = arith.addi %add3A_894, %add3A_895 : i32
      %mul3A_897 = arith.constant 16 : i32
      %mul3A_898 = arith.muli %add3A_896, %mul3A_897 : i32
      %swap3A = arith.index_cast %mul3A_898 : i32 to index
      %swap3A_899 = tpu.vector_load %arg6[%swap3A] {strides = array<i32>} : memref<32768xf32, #tpu.memory_space<vmem>>, vector<16xf32>,
      tpu.vector_store %arg6[%swap3A], %add3A_890 {strides = array<i32>} : memref<32768xf32, #tpu.memory_space<vmem>>, vector<16xf32>,
      %slice3A_900 = vector.extract_strided_slice %get3A_877 {offsets = [1], sizes = [1], strides = [1]} : vector<16xf32> to vector<1xf32>
      %squeeze3A_901 = vector.extract %slice3A_900[0] : f32 from vector<1xf32>
      %sub3A_902 = vector.broadcast %squeeze3A_901 : f32 to vector<16xf32>
      %sub3A_903 = arith.subf %get3A_47, %sub3A_902 : vector<16xf32>
      %slice3A_904 = vector.extract_strided_slice %get3A_881 {offsets = [1], sizes = [1], strides = [1]} : vector<16xf32> to vector<1xf32>
      %squeeze3A_905 = vector.extract %slice3A_904[0] : f32 from vector<1xf32>
      %sub3A_906 = vector.broadcast %squeeze3A_905 : f32 to vector<16xf32>
      %sub3A_907 = arith.subf %get3A_51, %sub3A_906 : vector<16xf32>
      %mul3A_908 = arith.mulf %sub3A_903, %sub3A_903 : vector<16xf32>
      %mul3A_909 = arith.mulf %sub3A_907, %sub3A_907 : vector<16xf32>
      %add3A_910 = arith.addf %mul3A_908, %mul3A_909 : vector<16xf32>
      %mul3A_911 = arith.constant 16 : i32
      %mul3A_912 = arith.muli %scan3A_872, %mul3A_911 : i32
      %add3A_913 = arith.constant 0 : i32
      %add3A_914 = arith.addi %add3A_913, %mul3A_912 : i32
      %add3A_915 = arith.constant 1 : i32
      %add3A_916 = arith.addi %add3A_914, %add3A_915 : i32
      %mul3A_917 = arith.constant 16 : i32
      %mul3A_918 = arith.muli %add3A_916, %mul3A_917 : i32
      %swap3A_919 = arith.index_cast %mul3A_918 : i32 to index
      %swap3A_920 = tpu.vector_load %arg6[%swap3A_919] {strides = array<i32>} : memref<32768xf32, #tpu.memory_space<vmem>>, vector<16xf32>,
      tpu.vector_store %arg6[%swap3A_919], %add3A_910 {strides = array<i32>} : memref<32768xf32, #tpu.memory_space<vmem>>, vector<16xf32>,
      %slice3A_921 = vector.extract_strided_slice %get3A_877 {offsets = [2], sizes = [1], strides = [1]} : vector<16xf32> to vector<1xf32>
      %squeeze3A_922 = vector.extract %slice3A_921[0] : f32 from vector<1xf32>
      %sub3A_923 = vector.broadcast %squeeze3A_922 : f32 to vector<16xf32>
      %sub3A_924 = arith.subf %get3A_47, %sub3A_923 : vector<16xf32>
      %slice3A_925 = vector.extract_strided_slice %get3A_881 {offsets = [2], sizes = [1], strides = [1]} : vector<16xf32> to vector<1xf32>
      %squeeze3A_926 = vector.extract %slice3A_925[0] : f32 from vector<1xf32>
      %sub3A_927 = vector.broadcast %squeeze3A_926 : f32 to vector<16xf32>
      %sub3A_928 = arith.subf %get3A_51, %sub3A_927 : vector<16xf32>
      %mul3A_929 = arith.mulf %sub3A_924, %sub3A_924 : vector<16xf32>
      %mul3A_930 = arith.mulf %sub3A_928, %sub3A_928 : vector<16xf32>
      %add3A_931 = arith.addf %mul3A_929, %mul3A_930 : vector<16xf32>
      %mul3A_932 = arith.constant 16 : i32
      %mul3A_933 = arith.muli %scan3A_872, %mul3A_932 : i32
      %add3A_934 = arith.constant 0 : i32
      %add3A_935 = arith.addi %add3A_934, %mul3A_933 : i32
      %add3A_936 = arith.constant 2 : i32
      %add3A_937 = arith.addi %add3A_935, %add3A_936 : i32
      %mul3A_938 = arith.constant 16 : i32
      %mul3A_939 = arith.muli %add3A_937, %mul3A_938 : i32
      %swap3A_940 = arith.index_cast %mul3A_939 : i32 to index
      %swap3A_941 = tpu.vector_load %arg6[%swap3A_940] {strides = array<i32>} : memref<32768xf32, #tpu.memory_space<vmem>>, vector<16xf32>,
      tpu.vector_store %arg6[%swap3A_940], %add3A_931 {strides = array<i32>} : memref<32768xf32, #tpu.memory_space<vmem>>, vector<16xf32>,
      %slice3A_942 = vector.extract_strided_slice %get3A_877 {offsets = [3], sizes = [1], strides = [1]} : vector<16xf32> to vector<1xf32>
      %squeeze3A_943 = vector.extract %slice3A_942[0] : f32 from vector<1xf32>
      %sub3A_944 = vector.broadcast %squeeze3A_943 : f32 to vector<16xf32>
      %sub3A_945 = arith.subf %get3A_47, %sub3A_944 : vector<16xf32>
      %slice3A_946 = vector.extract_strided_slice %get3A_881 {offsets = [3], sizes = [1], strides = [1]} : vector<16xf32> to vector<1xf32>
      %squeeze3A_947 = vector.extract %slice3A_946[0] : f32 from vector<1xf32>
      %sub3A_948 = vector.broadcast %squeeze3A_947 : f32 to vector<16xf32>
      %sub3A_949 = arith.subf %get3A_51, %sub3A_948 : vector<16xf32>
      %mul3A_950 = arith.mulf %sub3A_945, %sub3A_945 : vector<16xf32>
      %mul3A_951 = arith.mulf %sub3A_949, %sub3A_949 : vector<16xf32>
      %add3A_952 = arith.addf %mul3A_950, %mul3A_951 : vector<16xf32>
      %mul3A_953 = arith.constant 16 : i32
      %mul3A_954 = arith.muli %scan3A_872, %mul3A_953 : i32
      %add3A_955 = arith.constant 0 : i32
      %add3A_956 = arith.addi %add3A_955, %mul3A_954 : i32
      %add3A_957 = arith.constant 3 : i32
      %add3A_958 = arith.addi %add3A_956, %add3A_957 : i32
      %mul3A_959 = arith.constant 16 : i32
      %mul3A_960 = arith.muli %add3A_958, %mul3A_959 : i32
      %swap3A_961 = arith.index_cast %mul3A_960 : i32 to index
      %swap3A_962 = tpu.vector_load %arg6[%swap3A_961] {strides = array<i32>} : memref<32768xf32, #tpu.memory_space<vmem>>, vector<16xf32>,
      tpu.vector_store %arg6[%swap3A_961], %add3A_952 {strides = array<i32>} : memref<32768xf32, #tpu.memory_space<vmem>>, vector<16xf32>,
      %slice3A_963 = vector.extract_strided_slice %get3A_877 {offsets = [4], sizes = [1], strides = [1]} : vector<16xf32> to vector<1xf32>
      %squeeze3A_964 = vector.extract %slice3A_963[0] : f32 from vector<1xf32>
      %sub3A_965 = vector.broadcast %squeeze3A_964 : f32 to vector<16xf32>
      %sub3A_966 = arith.subf %get3A_47, %sub3A_965 : vector<16xf32>
      %slice3A_967 = vector.extract_strided_slice %get3A_881 {offsets = [4], sizes = [1], strides = [1]} : vector<16xf32> to vector<1xf32>
      %squeeze3A_968 = vector.extract %slice3A_967[0] : f32 from vector<1xf32>
      %sub3A_969 = vector.broadcast %squeeze3A_968 : f32 to vector<16xf32>
      %sub3A_970 = arith.subf %get3A_51, %sub3A_969 : vector<16xf32>
      %mul3A_971 = arith.mulf %sub3A_966, %sub3A_966 : vector<16xf32>
      %mul3A_972 = arith.mulf %sub3A_970, %sub3A_970 : vector<16xf32>
      %add3A_973 = arith.addf %mul3A_971, %mul3A_972 : vector<16xf32>
      %mul3A_974 = arith.constant 16 : i32
      %mul3A_975 = arith.muli %scan3A_872, %mul3A_974 : i32
      %add3A_976 = arith.constant 0 : i32
      %add3A_977 = arith.addi %add3A_976, %mul3A_975 : i32
      %add3A_978 = arith.constant 4 : i32
      %add3A_979 = arith.addi %add3A_977, %add3A_978 : i32
      %mul3A_980 = arith.constant 16 : i32
      %mul3A_981 = arith.muli %add3A_979, %mul3A_980 : i32
      %swap3A_982 = arith.index_cast %mul3A_981 : i32 to index
      %swap3A_983 = tpu.vector_load %arg6[%swap3A_982] {strides = array<i32>} : memref<32768xf32, #tpu.memory_space<vmem>>, vector<16xf32>,
      tpu.vector_store %arg6[%swap3A_982], %add3A_973 {strides = array<i32>} : memref<32768xf32, #tpu.memory_space<vmem>>, vector<16xf32>,
      %slice3A_984 = vector.extract_strided_slice %get3A_877 {offsets = [5], sizes = [1], strides = [1]} : vector<16xf32> to vector<1xf32>
      %squeeze3A_985 = vector.extract %slice3A_984[0] : f32 from vector<1xf32>
      %sub3A_986 = vector.broadcast %squeeze3A_985 : f32 to vector<16xf32>
      %sub3A_987 = arith.subf %get3A_47, %sub3A_986 : vector<16xf32>
      %slice3A_988 = vector.extract_strided_slice %get3A_881 {offsets = [5], sizes = [1], strides = [1]} : vector<16xf32> to vector<1xf32>
      %squeeze3A_989 = vector.extract %slice3A_988[0] : f32 from vector<1xf32>
      %sub3A_990 = vector.broadcast %squeeze3A_989 : f32 to vector<16xf32>
      %sub3A_991 = arith.subf %get3A_51, %sub3A_990 : vector<16xf32>
      %mul3A_992 = arith.mulf %sub3A_987, %sub3A_987 : vector<16xf32>
      %mul3A_993 = arith.mulf %sub3A_991, %sub3A_991 : vector<16xf32>
      %add3A_994 = arith.addf %mul3A_992, %mul3A_993 : vector<16xf32>
      %mul3A_995 = arith.constant 16 : i32
      %mul3A_996 = arith.muli %scan3A_872, %mul3A_995 : i32
      %add3A_997 = arith.constant 0 : i32
      %add3A_998 = arith.addi %add3A_997, %mul3A_996 : i32
      %add3A_999 = arith.constant 5 : i32
      %add3A_1000 = arith.addi %add3A_998, %add3A_999 : i32
      %mul3A_1001 = arith.constant 16 : i32
      %mul3A_1002 = arith.muli %add3A_1000, %mul3A_1001 : i32
      %swap3A_1003 = arith.index_cast %mul3A_1002 : i32 to index
      %swap3A_1004 = tpu.vector_load %arg6[%swap3A_1003] {strides = array<i32>} : memref<32768xf32, #tpu.memory_space<vmem>>, vector<16xf32>,
      tpu.vector_store %arg6[%swap3A_1003], %add3A_994 {strides = array<i32>} : memref<32768xf32, #tpu.memory_space<vmem>>, vector<16xf32>,
      %slice3A_1005 = vector.extract_strided_slice %get3A_877 {offsets = [6], sizes = [1], strides = [1]} : vector<16xf32> to vector<1xf32>
      %squeeze3A_1006 = vector.extract %slice3A_1005[0] : f32 from vector<1xf32>
      %sub3A_1007 = vector.broadcast %squeeze3A_1006 : f32 to vector<16xf32>
      %sub3A_1008 = arith.subf %get3A_47, %sub3A_1007 : vector<16xf32>
      %slice3A_1009 = vector.extract_strided_slice %get3A_881 {offsets = [6], sizes = [1], strides = [1]} : vector<16xf32> to vector<1xf32>
      %squeeze3A_1010 = vector.extract %slice3A_1009[0] : f32 from vector<1xf32>
      %sub3A_1011 = vector.broadcast %squeeze3A_1010 : f32 to vector<16xf32>
      %sub3A_1012 = arith.subf %get3A_51, %sub3A_1011 : vector<16xf32>
      %mul3A_1013 = arith.mulf %sub3A_1008, %sub3A_1008 : vector<16xf32>
      %mul3A_1014 = arith.mulf %sub3A_1012, %sub3A_1012 : vector<16xf32>
      %add3A_1015 = arith.addf %mul3A_1013, %mul3A_1014 : vector<16xf32>
      %mul3A_1016 = arith.constant 16 : i32
      %mul3A_1017 = arith.muli %scan3A_872, %mul3A_1016 : i32
      %add3A_1018 = arith.constant 0 : i32
      %add3A_1019 = arith.addi %add3A_1018, %mul3A_1017 : i32
      %add3A_1020 = arith.constant 6 : i32
      %add3A_1021 = arith.addi %add3A_1019, %add3A_1020 : i32
      %mul3A_1022 = arith.constant 16 : i32
      %mul3A_1023 = arith.muli %add3A_1021, %mul3A_1022 : i32
      %swap3A_1024 = arith.index_cast %mul3A_1023 : i32 to index
      %swap3A_1025 = tpu.vector_load %arg6[%swap3A_1024] {strides = array<i32>} : memref<32768xf32, #tpu.memory_space<vmem>>, vector<16xf32>,
      tpu.vector_store %arg6[%swap3A_1024], %add3A_1015 {strides = array<i32>} : memref<32768xf32, #tpu.memory_space<vmem>>, vector<16xf32>,
      %slice3A_1026 = vector.extract_strided_slice %get3A_877 {offsets = [7], sizes = [1], strides = [1]} : vector<16xf32> to vector<1xf32>
      %squeeze3A_1027 = vector.extract %slice3A_1026[0] : f32 from vector<1xf32>
      %sub3A_1028 = vector.broadcast %squeeze3A_1027 : f32 to vector<16xf32>
      %sub3A_1029 = arith.subf %get3A_47, %sub3A_1028 : vector<16xf32>
      %slice3A_1030 = vector.extract_strided_slice %get3A_881 {offsets = [7], sizes = [1], strides = [1]} : vector<16xf32> to vector<1xf32>
      %squeeze3A_1031 = vector.extract %slice3A_1030[0] : f32 from vector<1xf32>
      %sub3A_1032 = vector.broadcast %squeeze3A_1031 : f32 to vector<16xf32>
      %sub3A_1033 = arith.subf %get3A_51, %sub3A_1032 : vector<16xf32>
      %mul3A_1034 = arith.mulf %sub3A_1029, %sub3A_1029 : vector<16xf32>
      %mul3A_1035 = arith.mulf %sub3A_1033, %sub3A_1033 : vector<16xf32>
      %add3A_1036 = arith.addf %mul3A_1034, %mul3A_1035 : vector<16xf32>
      %mul3A_1037 = arith.constant 16 : i32
      %mul3A_1038 = arith.muli %scan3A_872, %mul3A_1037 : i32
      %add3A_1039 = arith.constant 0 : i32
      %add3A_1040 = arith.addi %add3A_1039, %mul3A_1038 : i32
      %add3A_1041 = arith.constant 7 : i32
      %add3A_1042 = arith.addi %add3A_1040, %add3A_1041 : i32
      %mul3A_1043 = arith.constant 16 : i32
      %mul3A_1044 = arith.muli %add3A_1042, %mul3A_1043 : i32
      %swap3A_1045 = arith.index_cast %mul3A_1044 : i32 to index
      %swap3A_1046 = tpu.vector_load %arg6[%swap3A_1045] {strides = array<i32>} : memref<32768xf32, #tpu.memory_space<vmem>>, vector<16xf32>,
      tpu.vector_store %arg6[%swap3A_1045], %add3A_1036 {strides = array<i32>} : memref<32768xf32, #tpu.memory_space<vmem>>, vector<16xf32>,
      %slice3A_1047 = vector.extract_strided_slice %get3A_877 {offsets = [8], sizes = [1], strides = [1]} : vector<16xf32> to vector<1xf32>
      %squeeze3A_1048 = vector.extract %slice3A_1047[0] : f32 from vector<1xf32>
      %sub3A_1049 = vector.broadcast %squeeze3A_1048 : f32 to vector<16xf32>
      %sub3A_1050 = arith.subf %get3A_47, %sub3A_1049 : vector<16xf32>
      %slice3A_1051 = vector.extract_strided_slice %get3A_881 {offsets = [8], sizes = [1], strides = [1]} : vector<16xf32> to vector<1xf32>
      %squeeze3A_1052 = vector.extract %slice3A_1051[0] : f32 from vector<1xf32>
      %sub3A_1053 = vector.broadcast %squeeze3A_1052 : f32 to vector<16xf32>
      %sub3A_1054 = arith.subf %get3A_51, %sub3A_1053 : vector<16xf32>
      %mul3A_1055 = arith.mulf %sub3A_1050, %sub3A_1050 : vector<16xf32>
      %mul3A_1056 = arith.mulf %sub3A_1054, %sub3A_1054 : vector<16xf32>
      %add3A_1057 = arith.addf %mul3A_1055, %mul3A_1056 : vector<16xf32>
      %mul3A_1058 = arith.constant 16 : i32
      %mul3A_1059 = arith.muli %scan3A_872, %mul3A_1058 : i32
      %add3A_1060 = arith.constant 0 : i32
      %add3A_1061 = arith.addi %add3A_1060, %mul3A_1059 : i32
      %add3A_1062 = arith.constant 8 : i32
      %add3A_1063 = arith.addi %add3A_1061, %add3A_1062 : i32
      %mul3A_1064 = arith.constant 16 : i32
      %mul3A_1065 = arith.muli %add3A_1063, %mul3A_1064 : i32
      %swap3A_1066 = arith.index_cast %mul3A_1065 : i32 to index
      %swap3A_1067 = tpu.vector_load %arg6[%swap3A_1066] {strides = array<i32>} : memref<32768xf32, #tpu.memory_space<vmem>>, vector<16xf32>,
      tpu.vector_store %arg6[%swap3A_1066], %add3A_1057 {strides = array<i32>} : memref<32768xf32, #tpu.memory_space<vmem>>, vector<16xf32>,
      %slice3A_1068 = vector.extract_strided_slice %get3A_877 {offsets = [9], sizes = [1], strides = [1]} : vector<16xf32> to vector<1xf32>
      %squeeze3A_1069 = vector.extract %slice3A_1068[0] : f32 from vector<1xf32>
      %sub3A_1070 = vector.broadcast %squeeze3A_1069 : f32 to vector<16xf32>
      %sub3A_1071 = arith.subf %get3A_47, %sub3A_1070 : vector<16xf32>
      %slice3A_1072 = vector.extract_strided_slice %get3A_881 {offsets = [9], sizes = [1], strides = [1]} : vector<16xf32> to vector<1xf32>
      %squeeze3A_1073 = vector.extract %slice3A_1072[0] : f32 from vector<1xf32>
      %sub3A_1074 = vector.broadcast %squeeze3A_1073 : f32 to vector<16xf32>
      %sub3A_1075 = arith.subf %get3A_51, %sub3A_1074 : vector<16xf32>
      %mul3A_1076 = arith.mulf %sub3A_1071, %sub3A_1071 : vector<16xf32>
      %mul3A_1077 = arith.mulf %sub3A_1075, %sub3A_1075 : vector<16xf32>
      %add3A_1078 = arith.addf %mul3A_1076, %mul3A_1077 : vector<16xf32>
      %mul3A_1079 = arith.constant 16 : i32
      %mul3A_1080 = arith.muli %scan3A_872, %mul3A_1079 : i32
      %add3A_1081 = arith.constant 0 : i32
      %add3A_1082 = arith.addi %add3A_1081, %mul3A_1080 : i32
      %add3A_1083 = arith.constant 9 : i32
      %add3A_1084 = arith.addi %add3A_1082, %add3A_1083 : i32
      %mul3A_1085 = arith.constant 16 : i32
      %mul3A_1086 = arith.muli %add3A_1084, %mul3A_1085 : i32
      %swap3A_1087 = arith.index_cast %mul3A_1086 : i32 to index
      %swap3A_1088 = tpu.vector_load %arg6[%swap3A_1087] {strides = array<i32>} : memref<32768xf32, #tpu.memory_space<vmem>>, vector<16xf32>,
      tpu.vector_store %arg6[%swap3A_1087], %add3A_1078 {strides = array<i32>} : memref<32768xf32, #tpu.memory_space<vmem>>, vector<16xf32>,
      %slice3A_1089 = vector.extract_strided_slice %get3A_877 {offsets = [10], sizes = [1], strides = [1]} : vector<16xf32> to vector<1xf32>
      %squeeze3A_1090 = vector.extract %slice3A_1089[0] : f32 from vector<1xf32>
      %sub3A_1091 = vector.broadcast %squeeze3A_1090 : f32 to vector<16xf32>
      %sub3A_1092 = arith.subf %get3A_47, %sub3A_1091 : vector<16xf32>
      %slice3A_1093 = vector.extract_strided_slice %get3A_881 {offsets = [10], sizes = [1], strides = [1]} : vector<16xf32> to vector<1xf32>
      %squeeze3A_1094 = vector.extract %slice3A_1093[0] : f32 from vector<1xf32>
      %sub3A_1095 = vector.broadcast %squeeze3A_1094 : f32 to vector<16xf32>
      %sub3A_1096 = arith.subf %get3A_51, %sub3A_1095 : vector<16xf32>
      %mul3A_1097 = arith.mulf %sub3A_1092, %sub3A_1092 : vector<16xf32>
      %mul3A_1098 = arith.mulf %sub3A_1096, %sub3A_1096 : vector<16xf32>
      %add3A_1099 = arith.addf %mul3A_1097, %mul3A_1098 : vector<16xf32>
      %mul3A_1100 = arith.constant 16 : i32
      %mul3A_1101 = arith.muli %scan3A_872, %mul3A_1100 : i32
      %add3A_1102 = arith.constant 0 : i32
      %add3A_1103 = arith.addi %add3A_1102, %mul3A_1101 : i32
      %add3A_1104 = arith.constant 10 : i32
      %add3A_1105 = arith.addi %add3A_1103, %add3A_1104 : i32
      %mul3A_1106 = arith.constant 16 : i32
      %mul3A_1107 = arith.muli %add3A_1105, %mul3A_1106 : i32
      %swap3A_1108 = arith.index_cast %mul3A_1107 : i32 to index
      %swap3A_1109 = tpu.vector_load %arg6[%swap3A_1108] {strides = array<i32>} : memref<32768xf32, #tpu.memory_space<vmem>>, vector<16xf32>,
      tpu.vector_store %arg6[%swap3A_1108], %add3A_1099 {strides = array<i32>} : memref<32768xf32, #tpu.memory_space<vmem>>, vector<16xf32>,
      %slice3A_1110 = vector.extract_strided_slice %get3A_877 {offsets = [11], sizes = [1], strides = [1]} : vector<16xf32> to vector<1xf32>
      %squeeze3A_1111 = vector.extract %slice3A_1110[0] : f32 from vector<1xf32>
      %sub3A_1112 = vector.broadcast %squeeze3A_1111 : f32 to vector<16xf32>
      %sub3A_1113 = arith.subf %get3A_47, %sub3A_1112 : vector<16xf32>
      %slice3A_1114 = vector.extract_strided_slice %get3A_881 {offsets = [11], sizes = [1], strides = [1]} : vector<16xf32> to vector<1xf32>
      %squeeze3A_1115 = vector.extract %slice3A_1114[0] : f32 from vector<1xf32>
      %sub3A_1116 = vector.broadcast %squeeze3A_1115 : f32 to vector<16xf32>
      %sub3A_1117 = arith.subf %get3A_51, %sub3A_1116 : vector<16xf32>
      %mul3A_1118 = arith.mulf %sub3A_1113, %sub3A_1113 : vector<16xf32>
      %mul3A_1119 = arith.mulf %sub3A_1117, %sub3A_1117 : vector<16xf32>
      %add3A_1120 = arith.addf %mul3A_1118, %mul3A_1119 : vector<16xf32>
      %mul3A_1121 = arith.constant 16 : i32
      %mul3A_1122 = arith.muli %scan3A_872, %mul3A_1121 : i32
      %add3A_1123 = arith.constant 0 : i32
      %add3A_1124 = arith.addi %add3A_1123, %mul3A_1122 : i32
      %add3A_1125 = arith.constant 11 : i32
      %add3A_1126 = arith.addi %add3A_1124, %add3A_1125 : i32
      %mul3A_1127 = arith.constant 16 : i32
      %mul3A_1128 = arith.muli %add3A_1126, %mul3A_1127 : i32
      %swap3A_1129 = arith.index_cast %mul3A_1128 : i32 to index
      %swap3A_1130 = tpu.vector_load %arg6[%swap3A_1129] {strides = array<i32>} : memref<32768xf32, #tpu.memory_space<vmem>>, vector<16xf32>,
      tpu.vector_store %arg6[%swap3A_1129], %add3A_1120 {strides = array<i32>} : memref<32768xf32, #tpu.memory_space<vmem>>, vector<16xf32>,
      %slice3A_1131 = vector.extract_strided_slice %get3A_877 {offsets = [12], sizes = [1], strides = [1]} : vector<16xf32> to vector<1xf32>
      %squeeze3A_1132 = vector.extract %slice3A_1131[0] : f32 from vector<1xf32>
      %sub3A_1133 = vector.broadcast %squeeze3A_1132 : f32 to vector<16xf32>
      %sub3A_1134 = arith.subf %get3A_47, %sub3A_1133 : vector<16xf32>
      %slice3A_1135 = vector.extract_strided_slice %get3A_881 {offsets = [12], sizes = [1], strides = [1]} : vector<16xf32> to vector<1xf32>
      %squeeze3A_1136 = vector.extract %slice3A_1135[0] : f32 from vector<1xf32>
      %sub3A_1137 = vector.broadcast %squeeze3A_1136 : f32 to vector<16xf32>
      %sub3A_1138 = arith.subf %get3A_51, %sub3A_1137 : vector<16xf32>
      %mul3A_1139 = arith.mulf %sub3A_1134, %sub3A_1134 : vector<16xf32>
      %mul3A_1140 = arith.mulf %sub3A_1138, %sub3A_1138 : vector<16xf32>
      %add3A_1141 = arith.addf %mul3A_1139, %mul3A_1140 : vector<16xf32>
      %mul3A_1142 = arith.constant 16 : i32
      %mul3A_1143 = arith.muli %scan3A_872, %mul3A_1142 : i32
      %add3A_1144 = arith.constant 0 : i32
      %add3A_1145 = arith.addi %add3A_1144, %mul3A_1143 : i32
      %add3A_1146 = arith.constant 12 : i32
      %add3A_1147 = arith.addi %add3A_1145, %add3A_1146 : i32
      %mul3A_1148 = arith.constant 16 : i32
      %mul3A_1149 = arith.muli %add3A_1147, %mul3A_1148 : i32
      %swap3A_1150 = arith.index_cast %mul3A_1149 : i32 to index
      %swap3A_1151 = tpu.vector_load %arg6[%swap3A_1150] {strides = array<i32>} : memref<32768xf32, #tpu.memory_space<vmem>>, vector<16xf32>,
      tpu.vector_store %arg6[%swap3A_1150], %add3A_1141 {strides = array<i32>} : memref<32768xf32, #tpu.memory_space<vmem>>, vector<16xf32>,
      %slice3A_1152 = vector.extract_strided_slice %get3A_877 {offsets = [13], sizes = [1], strides = [1]} : vector<16xf32> to vector<1xf32>
      %squeeze3A_1153 = vector.extract %slice3A_1152[0] : f32 from vector<1xf32>
      %sub3A_1154 = vector.broadcast %squeeze3A_1153 : f32 to vector<16xf32>
      %sub3A_1155 = arith.subf %get3A_47, %sub3A_1154 : vector<16xf32>
      %slice3A_1156 = vector.extract_strided_slice %get3A_881 {offsets = [13], sizes = [1], strides = [1]} : vector<16xf32> to vector<1xf32>
      %squeeze3A_1157 = vector.extract %slice3A_1156[0] : f32 from vector<1xf32>
      %sub3A_1158 = vector.broadcast %squeeze3A_1157 : f32 to vector<16xf32>
      %sub3A_1159 = arith.subf %get3A_51, %sub3A_1158 : vector<16xf32>
      %mul3A_1160 = arith.mulf %sub3A_1155, %sub3A_1155 : vector<16xf32>
      %mul3A_1161 = arith.mulf %sub3A_1159, %sub3A_1159 : vector<16xf32>
      %add3A_1162 = arith.addf %mul3A_1160, %mul3A_1161 : vector<16xf32>
      %mul3A_1163 = arith.constant 16 : i32
      %mul3A_1164 = arith.muli %scan3A_872, %mul3A_1163 : i32
      %add3A_1165 = arith.constant 0 : i32
      %add3A_1166 = arith.addi %add3A_1165, %mul3A_1164 : i32
      %add3A_1167 = arith.constant 13 : i32
      %add3A_1168 = arith.addi %add3A_1166, %add3A_1167 : i32
      %mul3A_1169 = arith.constant 16 : i32
      %mul3A_1170 = arith.muli %add3A_1168, %mul3A_1169 : i32
      %swap3A_1171 = arith.index_cast %mul3A_1170 : i32 to index
      %swap3A_1172 = tpu.vector_load %arg6[%swap3A_1171] {strides = array<i32>} : memref<32768xf32, #tpu.memory_space<vmem>>, vector<16xf32>,
      tpu.vector_store %arg6[%swap3A_1171], %add3A_1162 {strides = array<i32>} : memref<32768xf32, #tpu.memory_space<vmem>>, vector<16xf32>,
      %slice3A_1173 = vector.extract_strided_slice %get3A_877 {offsets = [14], sizes = [1], strides = [1]} : vector<16xf32> to vector<1xf32>
      %squeeze3A_1174 = vector.extract %slice3A_1173[0] : f32 from vector<1xf32>
      %sub3A_1175 = vector.broadcast %squeeze3A_1174 : f32 to vector<16xf32>
      %sub3A_1176 = arith.subf %get3A_47, %sub3A_1175 : vector<16xf32>
      %slice3A_1177 = vector.extract_strided_slice %get3A_881 {offsets = [14], sizes = [1], strides = [1]} : vector<16xf32> to vector<1xf32>
      %squeeze3A_1178 = vector.extract %slice3A_1177[0] : f32 from vector<1xf32>
      %sub3A_1179 = vector.broadcast %squeeze3A_1178 : f32 to vector<16xf32>
      %sub3A_1180 = arith.subf %get3A_51, %sub3A_1179 : vector<16xf32>
      %mul3A_1181 = arith.mulf %sub3A_1176, %sub3A_1176 : vector<16xf32>
      %mul3A_1182 = arith.mulf %sub3A_1180, %sub3A_1180 : vector<16xf32>
      %add3A_1183 = arith.addf %mul3A_1181, %mul3A_1182 : vector<16xf32>
      %mul3A_1184 = arith.constant 16 : i32
      %mul3A_1185 = arith.muli %scan3A_872, %mul3A_1184 : i32
      %add3A_1186 = arith.constant 0 : i32
      %add3A_1187 = arith.addi %add3A_1186, %mul3A_1185 : i32
      %add3A_1188 = arith.constant 14 : i32
      %add3A_1189 = arith.addi %add3A_1187, %add3A_1188 : i32
      %mul3A_1190 = arith.constant 16 : i32
      %mul3A_1191 = arith.muli %add3A_1189, %mul3A_1190 : i32
      %swap3A_1192 = arith.index_cast %mul3A_1191 : i32 to index
      %swap3A_1193 = tpu.vector_load %arg6[%swap3A_1192] {strides = array<i32>} : memref<32768xf32, #tpu.memory_space<vmem>>, vector<16xf32>,
      tpu.vector_store %arg6[%swap3A_1192], %add3A_1183 {strides = array<i32>} : memref<32768xf32, #tpu.memory_space<vmem>>, vector<16xf32>,
      %slice3A_1194 = vector.extract_strided_slice %get3A_877 {offsets = [15], sizes = [1], strides = [1]} : vector<16xf32> to vector<1xf32>
      %squeeze3A_1195 = vector.extract %slice3A_1194[0] : f32 from vector<1xf32>
      %sub3A_1196 = vector.broadcast %squeeze3A_1195 : f32 to vector<16xf32>
      %sub3A_1197 = arith.subf %get3A_47, %sub3A_1196 : vector<16xf32>
      %slice3A_1198 = vector.extract_strided_slice %get3A_881 {offsets = [15], sizes = [1], strides = [1]} : vector<16xf32> to vector<1xf32>
      %squeeze3A_1199 = vector.extract %slice3A_1198[0] : f32 from vector<1xf32>
      %sub3A_1200 = vector.broadcast %squeeze3A_1199 : f32 to vector<16xf32>
      %sub3A_1201 = arith.subf %get3A_51, %sub3A_1200 : vector<16xf32>
      %mul3A_1202 = arith.mulf %sub3A_1197, %sub3A_1197 : vector<16xf32>
      %mul3A_1203 = arith.mulf %sub3A_1201, %sub3A_1201 : vector<16xf32>
      %add3A_1204 = arith.addf %mul3A_1202, %mul3A_1203 : vector<16xf32>
      %mul3A_1205 = arith.constant 16 : i32
      %mul3A_1206 = arith.muli %scan3A_872, %mul3A_1205 : i32
      %add3A_1207 = arith.constant 0 : i32
      %add3A_1208 = arith.addi %add3A_1207, %mul3A_1206 : i32
      %add3A_1209 = arith.constant 15 : i32
      %add3A_1210 = arith.addi %add3A_1208, %add3A_1209 : i32
      %mul3A_1211 = arith.constant 16 : i32
      %mul3A_1212 = arith.muli %add3A_1210, %mul3A_1211 : i32
      %swap3A_1213 = arith.index_cast %mul3A_1212 : i32 to index
      %swap3A_1214 = tpu.vector_load %arg6[%swap3A_1213] {strides = array<i32>} : memref<32768xf32, #tpu.memory_space<vmem>>, vector<16xf32>,
      tpu.vector_store %arg6[%swap3A_1213], %add3A_1204 {strides = array<i32>} : memref<32768xf32, #tpu.memory_space<vmem>>, vector<16xf32>,
      %scan3A_1215 = arith.constant 0 : i32
      scf.yield %scan3A_1215 : i32
    }
    %scan3A_58 = arith.constant 32 : i32
    %broadcast_in_dim3A_59 = arith.constant 0 : i32
    %broadcast_in_dim3A_60 = vector.broadcast %broadcast_in_dim3A_59 : i32 to vector<16xi32>
    %scan3A_61 = arith.constant 0 : i32
    %scan3A_62 = arith.constant 512 : i32
    %scan3A_63 = arith.addi %scan3A_61, %scan3A_62 : i32
    %scan3A_64 = arith.constant 1 : i32
    %scan3A_65:2 = scf.for %scan3A_872 = %scan3A_61 to %scan3A_63 step %scan3A_64 iter_args(%scan3A_873 = %broadcast_in_dim3A_42, %scan3A_874 = %broadcast_in_dim3A_60) -> (vector<16xf32>, vector<16xi32>)  : i32 {
      %add3A_875 = arith.constant 0 : i32
      %add3A_876 = arith.addi %add3A_875, %scan3A_872 : i32
      %mul3A_877 = arith.constant 16 : i32
      %mul3A_878 = arith.muli %add3A_876, %mul3A_877 : i32
      %get3A_879 = arith.index_cast %mul3A_878 : i32 to index
      %get3A_880 = tpu.vector_load %arg6[%get3A_879] {strides = array<i32>} : memref<32768xf32, #tpu.memory_space<vmem>>, vector<16xf32>,
      %lt3A_881 = arith.cmpf olt, %get3A_880, %scan3A_873 : vector<16xf32>
      %select_n3A_882 = arith.select %lt3A_881, %get3A_880, %scan3A_873 : vector<16xi1>, vector<16xf32>
      %broadcast_in_dim3A_883 = vector.broadcast %scan3A_872 : i32 to vector<16xi32>
      %select_n3A_884 = arith.select %lt3A_881, %broadcast_in_dim3A_883, %scan3A_874 : vector<16xi1>, vector<16xi32>
      scf.yield %select_n3A_882, %select_n3A_884 : vector<16xf32>, vector<16xi32>
    }
    %scan3A_66 = arith.constant 512 : i32
    %add3A_67 = arith.constant 0 : i32
    %add3A_68 = vector.broadcast %add3A_67 : i32 to vector<16xi32>
    %add3A_69 = arith.addi %add3A_68, %scan3A_65#1 : vector<16xi32>
    %mul3A_70 = arith.constant 16 : i32
    %mul3A_71 = vector.broadcast %mul3A_70 : i32 to vector<16xi32>
    %mul3A_72 = arith.muli %add3A_69, %mul3A_71 : vector<16xi32>
    %add3A_73 = arith.addi %mul3A_72, %iota3A : vector<16xi32>
    tpu.vector_store_idx %arg6[%add3A_73], %broadcast_in_dim3A_42 : memref<32768xf32, #tpu.memory_space<vmem>>[vector<16xi32>], vector<16xf32>,
    %broadcast_in_dim3A_74 = arith.constant 0 : i32
    %broadcast_in_dim3A_75 = vector.broadcast %broadcast_in_dim3A_74 : i32 to vector<16xi32>
    %scan3A_76 = arith.constant 0 : i32
    %scan3A_77 = arith.constant 512 : i32
    %scan3A_78 = arith.addi %scan3A_76, %scan3A_77 : i32
    %scan3A_79 = arith.constant 1 : i32
    %scan3A_80:2 = scf.for %scan3A_872 = %scan3A_76 to %scan3A_78 step %scan3A_79 iter_args(%scan3A_873 = %broadcast_in_dim3A_42, %scan3A_874 = %broadcast_in_dim3A_75) -> (vector<16xf32>, vector<16xi32>)  : i32 {
      %add3A_875 = arith.constant 0 : i32
      %add3A_876 = arith.addi %add3A_875, %scan3A_872 : i32
      %mul3A_877 = arith.constant 16 : i32
      %mul3A_878 = arith.muli %add3A_876, %mul3A_877 : i32
      %get3A_879 = arith.index_cast %mul3A_878 : i32 to index
      %get3A_880 = tpu.vector_load %arg6[%get3A_879] {strides = array<i32>} : memref<32768xf32, #tpu.memory_space<vmem>>, vector<16xf32>,
      %lt3A_881 = arith.cmpf olt, %get3A_880, %scan3A_873 : vector<16xf32>
      %select_n3A_882 = arith.select %lt3A_881, %get3A_880, %scan3A_873 : vector<16xi1>, vector<16xf32>
      %broadcast_in_dim3A_883 = vector.broadcast %scan3A_872 : i32 to vector<16xi32>
      %select_n3A_884 = arith.select %lt3A_881, %broadcast_in_dim3A_883, %scan3A_874 : vector<16xi1>, vector<16xi32>
      scf.yield %select_n3A_882, %select_n3A_884 : vector<16xf32>, vector<16xi32>
    }
    %scan3A_81 = arith.constant 512 : i32
    %add3A_82 = arith.constant 0 : i32
    %add3A_83 = vector.broadcast %add3A_82 : i32 to vector<16xi32>
    %add3A_84 = arith.addi %add3A_83, %scan3A_80#1 : vector<16xi32>
    %mul3A_85 = arith.constant 16 : i32
    %mul3A_86 = vector.broadcast %mul3A_85 : i32 to vector<16xi32>
    %mul3A_87 = arith.muli %add3A_84, %mul3A_86 : vector<16xi32>
    %add3A_88 = arith.addi %mul3A_87, %iota3A : vector<16xi32>
    tpu.vector_store_idx %arg6[%add3A_88], %broadcast_in_dim3A_42 : memref<32768xf32, #tpu.memory_space<vmem>>[vector<16xi32>], vector<16xf32>,
    %add3A_89 = arith.constant 0 : i32
    %add3A_90 = vector.broadcast %add3A_89 : i32 to vector<16xi32>
    %add3A_91 = arith.addi %add3A_90, %iota3A : vector<16xi32>
    %mul3A_92 = arith.constant 512 : i32
    %mul3A_93 = vector.broadcast %mul3A_92 : i32 to vector<16xi32>
    %mul3A_94 = arith.muli %add3A_91, %mul3A_93 : vector<16xi32>
    %add3A_95 = arith.addi %mul3A_94, %scan3A_80#1 : vector<16xi32>
    tpu.vector_store_idx %arg7[%add3A_95], %broadcast_in_dim3A_44 : memref<32768xf32, #tpu.memory_space<vmem>>[vector<16xi32>], vector<16xf32>,
    %broadcast_in_dim3A_96 = arith.constant 0 : i32
    %broadcast_in_dim3A_97 = vector.broadcast %broadcast_in_dim3A_96 : i32 to vector<16xi32>
    %scan3A_98 = arith.constant 0 : i32
    %scan3A_99 = arith.constant 512 : i32
    %scan3A_100 = arith.addi %scan3A_98, %scan3A_99 : i32
    %scan3A_101 = arith.constant 1 : i32
    %scan3A_102:2 = scf.for %scan3A_872 = %scan3A_98 to %scan3A_100 step %scan3A_101 iter_args(%scan3A_873 = %broadcast_in_dim3A_42, %scan3A_874 = %broadcast_in_dim3A_97) -> (vector<16xf32>, vector<16xi32>)  : i32 {
      %add3A_875 = arith.constant 0 : i32
      %add3A_876 = arith.addi %add3A_875, %scan3A_872 : i32
      %mul3A_877 = arith.constant 16 : i32
      %mul3A_878 = arith.muli %add3A_876, %mul3A_877 : i32
      %get3A_879 = arith.index_cast %mul3A_878 : i32 to index
      %get3A_880 = tpu.vector_load %arg6[%get3A_879] {strides = array<i32>} : memref<32768xf32, #tpu.memory_space<vmem>>, vector<16xf32>,
      %lt3A_881 = arith.cmpf olt, %get3A_880, %scan3A_873 : vector<16xf32>
      %select_n3A_882 = arith.select %lt3A_881, %get3A_880, %scan3A_873 : vector<16xi1>, vector<16xf32>
      %broadcast_in_dim3A_883 = vector.broadcast %scan3A_872 : i32 to vector<16xi32>
      %select_n3A_884 = arith.select %lt3A_881, %broadcast_in_dim3A_883, %scan3A_874 : vector<16xi1>, vector<16xi32>
      scf.yield %select_n3A_882, %select_n3A_884 : vector<16xf32>, vector<16xi32>
    }
    %scan3A_103 = arith.constant 512 : i32
    %add3A_104 = arith.constant 0 : i32
    %add3A_105 = vector.broadcast %add3A_104 : i32 to vector<16xi32>
    %add3A_106 = arith.addi %add3A_105, %scan3A_102#1 : vector<16xi32>
    %mul3A_107 = arith.constant 16 : i32
    %mul3A_108 = vector.broadcast %mul3A_107 : i32 to vector<16xi32>
    %mul3A_109 = arith.muli %add3A_106, %mul3A_108 : vector<16xi32>
    %add3A_110 = arith.addi %mul3A_109, %iota3A : vector<16xi32>
    tpu.vector_store_idx %arg6[%add3A_110], %broadcast_in_dim3A_42 : memref<32768xf32, #tpu.memory_space<vmem>>[vector<16xi32>], vector<16xf32>,
    %add3A_111 = arith.constant 0 : i32
    %add3A_112 = vector.broadcast %add3A_111 : i32 to vector<16xi32>
    %add3A_113 = arith.addi %add3A_112, %iota3A : vector<16xi32>
    %mul3A_114 = arith.constant 512 : i32
    %mul3A_115 = vector.broadcast %mul3A_114 : i32 to vector<16xi32>
    %mul3A_116 = arith.muli %add3A_113, %mul3A_115 : vector<16xi32>
    %add3A_117 = arith.addi %mul3A_116, %scan3A_102#1 : vector<16xi32>
    tpu.vector_store_idx %arg7[%add3A_117], %broadcast_in_dim3A_44 : memref<32768xf32, #tpu.memory_space<vmem>>[vector<16xi32>], vector<16xf32>,
    %broadcast_in_dim3A_118 = arith.constant 0 : i32
    %broadcast_in_dim3A_119 = vector.broadcast %broadcast_in_dim3A_118 : i32 to vector<16xi32>
    %scan3A_120 = arith.constant 0 : i32
    %scan3A_121 = arith.constant 512 : i32
    %scan3A_122 = arith.addi %scan3A_120, %scan3A_121 : i32
    %scan3A_123 = arith.constant 1 : i32
    %scan3A_124:2 = scf.for %scan3A_872 = %scan3A_120 to %scan3A_122 step %scan3A_123 iter_args(%scan3A_873 = %broadcast_in_dim3A_42, %scan3A_874 = %broadcast_in_dim3A_119) -> (vector<16xf32>, vector<16xi32>)  : i32 {
      %add3A_875 = arith.constant 0 : i32
      %add3A_876 = arith.addi %add3A_875, %scan3A_872 : i32
      %mul3A_877 = arith.constant 16 : i32
      %mul3A_878 = arith.muli %add3A_876, %mul3A_877 : i32
      %get3A_879 = arith.index_cast %mul3A_878 : i32 to index
      %get3A_880 = tpu.vector_load %arg6[%get3A_879] {strides = array<i32>} : memref<32768xf32, #tpu.memory_space<vmem>>, vector<16xf32>,
      %lt3A_881 = arith.cmpf olt, %get3A_880, %scan3A_873 : vector<16xf32>
      %select_n3A_882 = arith.select %lt3A_881, %get3A_880, %scan3A_873 : vector<16xi1>, vector<16xf32>
      %broadcast_in_dim3A_883 = vector.broadcast %scan3A_872 : i32 to vector<16xi32>
      %select_n3A_884 = arith.select %lt3A_881, %broadcast_in_dim3A_883, %scan3A_874 : vector<16xi1>, vector<16xi32>
      scf.yield %select_n3A_882, %select_n3A_884 : vector<16xf32>, vector<16xi32>
    }
    %scan3A_125 = arith.constant 512 : i32
    %add3A_126 = arith.constant 0 : i32
    %add3A_127 = vector.broadcast %add3A_126 : i32 to vector<16xi32>
    %add3A_128 = arith.addi %add3A_127, %scan3A_124#1 : vector<16xi32>
    %mul3A_129 = arith.constant 16 : i32
    %mul3A_130 = vector.broadcast %mul3A_129 : i32 to vector<16xi32>
    %mul3A_131 = arith.muli %add3A_128, %mul3A_130 : vector<16xi32>
    %add3A_132 = arith.addi %mul3A_131, %iota3A : vector<16xi32>
    tpu.vector_store_idx %arg6[%add3A_132], %broadcast_in_dim3A_42 : memref<32768xf32, #tpu.memory_space<vmem>>[vector<16xi32>], vector<16xf32>,
    %add3A_133 = arith.constant 0 : i32
    %add3A_134 = vector.broadcast %add3A_133 : i32 to vector<16xi32>
    %add3A_135 = arith.addi %add3A_134, %iota3A : vector<16xi32>
    %mul3A_136 = arith.constant 512 : i32
    %mul3A_137 = vector.broadcast %mul3A_136 : i32 to vector<16xi32>
    %mul3A_138 = arith.muli %add3A_135, %mul3A_137 : vector<16xi32>
    %add3A_139 = arith.addi %mul3A_138, %scan3A_124#1 : vector<16xi32>
    tpu.vector_store_idx %arg7[%add3A_139], %broadcast_in_dim3A_44 : memref<32768xf32, #tpu.memory_space<vmem>>[vector<16xi32>], vector<16xf32>,
    %broadcast_in_dim3A_140 = arith.constant 0 : i32
    %broadcast_in_dim3A_141 = vector.broadcast %broadcast_in_dim3A_140 : i32 to vector<16xi32>
    %scan3A_142 = arith.constant 0 : i32
    %scan3A_143 = arith.constant 512 : i32
    %scan3A_144 = arith.addi %scan3A_142, %scan3A_143 : i32
    %scan3A_145 = arith.constant 1 : i32
    %scan3A_146:2 = scf.for %scan3A_872 = %scan3A_142 to %scan3A_144 step %scan3A_145 iter_args(%scan3A_873 = %broadcast_in_dim3A_42, %scan3A_874 = %broadcast_in_dim3A_141) -> (vector<16xf32>, vector<16xi32>)  : i32 {
      %add3A_875 = arith.constant 0 : i32
      %add3A_876 = arith.addi %add3A_875, %scan3A_872 : i32
      %mul3A_877 = arith.constant 16 : i32
      %mul3A_878 = arith.muli %add3A_876, %mul3A_877 : i32
      %get3A_879 = arith.index_cast %mul3A_878 : i32 to index
      %get3A_880 = tpu.vector_load %arg6[%get3A_879] {strides = array<i32>} : memref<32768xf32, #tpu.memory_space<vmem>>, vector<16xf32>,
      %lt3A_881 = arith.cmpf olt, %get3A_880, %scan3A_873 : vector<16xf32>
      %select_n3A_882 = arith.select %lt3A_881, %get3A_880, %scan3A_873 : vector<16xi1>, vector<16xf32>
      %broadcast_in_dim3A_883 = vector.broadcast %scan3A_872 : i32 to vector<16xi32>
      %select_n3A_884 = arith.select %lt3A_881, %broadcast_in_dim3A_883, %scan3A_874 : vector<16xi1>, vector<16xi32>
      scf.yield %select_n3A_882, %select_n3A_884 : vector<16xf32>, vector<16xi32>
    }
    %scan3A_147 = arith.constant 512 : i32
    %add3A_148 = arith.constant 0 : i32
    %add3A_149 = vector.broadcast %add3A_148 : i32 to vector<16xi32>
    %add3A_150 = arith.addi %add3A_149, %scan3A_146#1 : vector<16xi32>
    %mul3A_151 = arith.constant 16 : i32
    %mul3A_152 = vector.broadcast %mul3A_151 : i32 to vector<16xi32>
    %mul3A_153 = arith.muli %add3A_150, %mul3A_152 : vector<16xi32>
    %add3A_154 = arith.addi %mul3A_153, %iota3A : vector<16xi32>
    tpu.vector_store_idx %arg6[%add3A_154], %broadcast_in_dim3A_42 : memref<32768xf32, #tpu.memory_space<vmem>>[vector<16xi32>], vector<16xf32>,
    %add3A_155 = arith.constant 0 : i32
    %add3A_156 = vector.broadcast %add3A_155 : i32 to vector<16xi32>
    %add3A_157 = arith.addi %add3A_156, %iota3A : vector<16xi32>
    %mul3A_158 = arith.constant 512 : i32
    %mul3A_159 = vector.broadcast %mul3A_158 : i32 to vector<16xi32>
    %mul3A_160 = arith.muli %add3A_157, %mul3A_159 : vector<16xi32>
    %add3A_161 = arith.addi %mul3A_160, %scan3A_146#1 : vector<16xi32>
    tpu.vector_store_idx %arg7[%add3A_161], %broadcast_in_dim3A_44 : memref<32768xf32, #tpu.memory_space<vmem>>[vector<16xi32>], vector<16xf32>,
    %broadcast_in_dim3A_162 = arith.constant 0 : i32
    %broadcast_in_dim3A_163 = vector.broadcast %broadcast_in_dim3A_162 : i32 to vector<16xi32>
    %scan3A_164 = arith.constant 0 : i32
    %scan3A_165 = arith.constant 512 : i32
    %scan3A_166 = arith.addi %scan3A_164, %scan3A_165 : i32
    %scan3A_167 = arith.constant 1 : i32
    %scan3A_168:2 = scf.for %scan3A_872 = %scan3A_164 to %scan3A_166 step %scan3A_167 iter_args(%scan3A_873 = %broadcast_in_dim3A_42, %scan3A_874 = %broadcast_in_dim3A_163) -> (vector<16xf32>, vector<16xi32>)  : i32 {
      %add3A_875 = arith.constant 0 : i32
      %add3A_876 = arith.addi %add3A_875, %scan3A_872 : i32
      %mul3A_877 = arith.constant 16 : i32
      %mul3A_878 = arith.muli %add3A_876, %mul3A_877 : i32
      %get3A_879 = arith.index_cast %mul3A_878 : i32 to index
      %get3A_880 = tpu.vector_load %arg6[%get3A_879] {strides = array<i32>} : memref<32768xf32, #tpu.memory_space<vmem>>, vector<16xf32>,
      %lt3A_881 = arith.cmpf olt, %get3A_880, %scan3A_873 : vector<16xf32>
      %select_n3A_882 = arith.select %lt3A_881, %get3A_880, %scan3A_873 : vector<16xi1>, vector<16xf32>
      %broadcast_in_dim3A_883 = vector.broadcast %scan3A_872 : i32 to vector<16xi32>
      %select_n3A_884 = arith.select %lt3A_881, %broadcast_in_dim3A_883, %scan3A_874 : vector<16xi1>, vector<16xi32>
      scf.yield %select_n3A_882, %select_n3A_884 : vector<16xf32>, vector<16xi32>
    }
    %scan3A_169 = arith.constant 512 : i32
    %add3A_170 = arith.constant 0 : i32
    %add3A_171 = vector.broadcast %add3A_170 : i32 to vector<16xi32>
    %add3A_172 = arith.addi %add3A_171, %scan3A_168#1 : vector<16xi32>
    %mul3A_173 = arith.constant 16 : i32
    %mul3A_174 = vector.broadcast %mul3A_173 : i32 to vector<16xi32>
    %mul3A_175 = arith.muli %add3A_172, %mul3A_174 : vector<16xi32>
    %add3A_176 = arith.addi %mul3A_175, %iota3A : vector<16xi32>
    tpu.vector_store_idx %arg6[%add3A_176], %broadcast_in_dim3A_42 : memref<32768xf32, #tpu.memory_space<vmem>>[vector<16xi32>], vector<16xf32>,
    %add3A_177 = arith.constant 0 : i32
    %add3A_178 = vector.broadcast %add3A_177 : i32 to vector<16xi32>
    %add3A_179 = arith.addi %add3A_178, %iota3A : vector<16xi32>
    %mul3A_180 = arith.constant 512 : i32
    %mul3A_181 = vector.broadcast %mul3A_180 : i32 to vector<16xi32>
    %mul3A_182 = arith.muli %add3A_179, %mul3A_181 : vector<16xi32>
    %add3A_183 = arith.addi %mul3A_182, %scan3A_168#1 : vector<16xi32>
    tpu.vector_store_idx %arg7[%add3A_183], %broadcast_in_dim3A_44 : memref<32768xf32, #tpu.memory_space<vmem>>[vector<16xi32>], vector<16xf32>,
    %broadcast_in_dim3A_184 = arith.constant 0 : i32
    %broadcast_in_dim3A_185 = vector.broadcast %broadcast_in_dim3A_184 : i32 to vector<16xi32>
    %scan3A_186 = arith.constant 0 : i32
    %scan3A_187 = arith.constant 512 : i32
    %scan3A_188 = arith.addi %scan3A_186, %scan3A_187 : i32
    %scan3A_189 = arith.constant 1 : i32
    %scan3A_190:2 = scf.for %scan3A_872 = %scan3A_186 to %scan3A_188 step %scan3A_189 iter_args(%scan3A_873 = %broadcast_in_dim3A_42, %scan3A_874 = %broadcast_in_dim3A_185) -> (vector<16xf32>, vector<16xi32>)  : i32 {
      %add3A_875 = arith.constant 0 : i32
      %add3A_876 = arith.addi %add3A_875, %scan3A_872 : i32
      %mul3A_877 = arith.constant 16 : i32
      %mul3A_878 = arith.muli %add3A_876, %mul3A_877 : i32
      %get3A_879 = arith.index_cast %mul3A_878 : i32 to index
      %get3A_880 = tpu.vector_load %arg6[%get3A_879] {strides = array<i32>} : memref<32768xf32, #tpu.memory_space<vmem>>, vector<16xf32>,
      %lt3A_881 = arith.cmpf olt, %get3A_880, %scan3A_873 : vector<16xf32>
      %select_n3A_882 = arith.select %lt3A_881, %get3A_880, %scan3A_873 : vector<16xi1>, vector<16xf32>
      %broadcast_in_dim3A_883 = vector.broadcast %scan3A_872 : i32 to vector<16xi32>
      %select_n3A_884 = arith.select %lt3A_881, %broadcast_in_dim3A_883, %scan3A_874 : vector<16xi1>, vector<16xi32>
      scf.yield %select_n3A_882, %select_n3A_884 : vector<16xf32>, vector<16xi32>
    }
    %scan3A_191 = arith.constant 512 : i32
    %add3A_192 = arith.constant 0 : i32
    %add3A_193 = vector.broadcast %add3A_192 : i32 to vector<16xi32>
    %add3A_194 = arith.addi %add3A_193, %scan3A_190#1 : vector<16xi32>
    %mul3A_195 = arith.constant 16 : i32
    %mul3A_196 = vector.broadcast %mul3A_195 : i32 to vector<16xi32>
    %mul3A_197 = arith.muli %add3A_194, %mul3A_196 : vector<16xi32>
    %add3A_198 = arith.addi %mul3A_197, %iota3A : vector<16xi32>
    tpu.vector_store_idx %arg6[%add3A_198], %broadcast_in_dim3A_42 : memref<32768xf32, #tpu.memory_space<vmem>>[vector<16xi32>], vector<16xf32>,
    %add3A_199 = arith.constant 0 : i32
    %add3A_200 = vector.broadcast %add3A_199 : i32 to vector<16xi32>
    %add3A_201 = arith.addi %add3A_200, %iota3A : vector<16xi32>
    %mul3A_202 = arith.constant 512 : i32
    %mul3A_203 = vector.broadcast %mul3A_202 : i32 to vector<16xi32>
    %mul3A_204 = arith.muli %add3A_201, %mul3A_203 : vector<16xi32>
    %add3A_205 = arith.addi %mul3A_204, %scan3A_190#1 : vector<16xi32>
    tpu.vector_store_idx %arg7[%add3A_205], %broadcast_in_dim3A_44 : memref<32768xf32, #tpu.memory_space<vmem>>[vector<16xi32>], vector<16xf32>,
    %broadcast_in_dim3A_206 = arith.constant 0 : i32
    %broadcast_in_dim3A_207 = vector.broadcast %broadcast_in_dim3A_206 : i32 to vector<16xi32>
    %scan3A_208 = arith.constant 0 : i32
    %scan3A_209 = arith.constant 512 : i32
    %scan3A_210 = arith.addi %scan3A_208, %scan3A_209 : i32
    %scan3A_211 = arith.constant 1 : i32
    %scan3A_212:2 = scf.for %scan3A_872 = %scan3A_208 to %scan3A_210 step %scan3A_211 iter_args(%scan3A_873 = %broadcast_in_dim3A_42, %scan3A_874 = %broadcast_in_dim3A_207) -> (vector<16xf32>, vector<16xi32>)  : i32 {
      %add3A_875 = arith.constant 0 : i32
      %add3A_876 = arith.addi %add3A_875, %scan3A_872 : i32
      %mul3A_877 = arith.constant 16 : i32
      %mul3A_878 = arith.muli %add3A_876, %mul3A_877 : i32
      %get3A_879 = arith.index_cast %mul3A_878 : i32 to index
      %get3A_880 = tpu.vector_load %arg6[%get3A_879] {strides = array<i32>} : memref<32768xf32, #tpu.memory_space<vmem>>, vector<16xf32>,
      %lt3A_881 = arith.cmpf olt, %get3A_880, %scan3A_873 : vector<16xf32>
      %select_n3A_882 = arith.select %lt3A_881, %get3A_880, %scan3A_873 : vector<16xi1>, vector<16xf32>
      %broadcast_in_dim3A_883 = vector.broadcast %scan3A_872 : i32 to vector<16xi32>
      %select_n3A_884 = arith.select %lt3A_881, %broadcast_in_dim3A_883, %scan3A_874 : vector<16xi1>, vector<16xi32>
      scf.yield %select_n3A_882, %select_n3A_884 : vector<16xf32>, vector<16xi32>
    }
    %scan3A_213 = arith.constant 512 : i32
    %add3A_214 = arith.constant 0 : i32
    %add3A_215 = vector.broadcast %add3A_214 : i32 to vector<16xi32>
    %add3A_216 = arith.addi %add3A_215, %scan3A_212#1 : vector<16xi32>
    %mul3A_217 = arith.constant 16 : i32
    %mul3A_218 = vector.broadcast %mul3A_217 : i32 to vector<16xi32>
    %mul3A_219 = arith.muli %add3A_216, %mul3A_218 : vector<16xi32>
    %add3A_220 = arith.addi %mul3A_219, %iota3A : vector<16xi32>
    tpu.vector_store_idx %arg6[%add3A_220], %broadcast_in_dim3A_42 : memref<32768xf32, #tpu.memory_space<vmem>>[vector<16xi32>], vector<16xf32>,
    %add3A_221 = arith.constant 0 : i32
    %add3A_222 = vector.broadcast %add3A_221 : i32 to vector<16xi32>
    %add3A_223 = arith.addi %add3A_222, %iota3A : vector<16xi32>
    %mul3A_224 = arith.constant 512 : i32
    %mul3A_225 = vector.broadcast %mul3A_224 : i32 to vector<16xi32>
    %mul3A_226 = arith.muli %add3A_223, %mul3A_225 : vector<16xi32>
    %add3A_227 = arith.addi %mul3A_226, %scan3A_212#1 : vector<16xi32>
    tpu.vector_store_idx %arg7[%add3A_227], %broadcast_in_dim3A_44 : memref<32768xf32, #tpu.memory_space<vmem>>[vector<16xi32>], vector<16xf32>,
    %broadcast_in_dim3A_228 = arith.constant 0 : i32
    %broadcast_in_dim3A_229 = vector.broadcast %broadcast_in_dim3A_228 : i32 to vector<16xi32>
    %scan3A_230 = arith.constant 0 : i32
    %scan3A_231 = arith.constant 512 : i32
    %scan3A_232 = arith.addi %scan3A_230, %scan3A_231 : i32
    %scan3A_233 = arith.constant 1 : i32
    %scan3A_234:2 = scf.for %scan3A_872 = %scan3A_230 to %scan3A_232 step %scan3A_233 iter_args(%scan3A_873 = %broadcast_in_dim3A_42, %scan3A_874 = %broadcast_in_dim3A_229) -> (vector<16xf32>, vector<16xi32>)  : i32 {
      %add3A_875 = arith.constant 0 : i32
      %add3A_876 = arith.addi %add3A_875, %scan3A_872 : i32
      %mul3A_877 = arith.constant 16 : i32
      %mul3A_878 = arith.muli %add3A_876, %mul3A_877 : i32
      %get3A_879 = arith.index_cast %mul3A_878 : i32 to index
      %get3A_880 = tpu.vector_load %arg6[%get3A_879] {strides = array<i32>} : memref<32768xf32, #tpu.memory_space<vmem>>, vector<16xf32>,
      %lt3A_881 = arith.cmpf olt, %get3A_880, %scan3A_873 : vector<16xf32>
      %select_n3A_882 = arith.select %lt3A_881, %get3A_880, %scan3A_873 : vector<16xi1>, vector<16xf32>
      %broadcast_in_dim3A_883 = vector.broadcast %scan3A_872 : i32 to vector<16xi32>
      %select_n3A_884 = arith.select %lt3A_881, %broadcast_in_dim3A_883, %scan3A_874 : vector<16xi1>, vector<16xi32>
      scf.yield %select_n3A_882, %select_n3A_884 : vector<16xf32>, vector<16xi32>
    }
    %scan3A_235 = arith.constant 512 : i32
    %add3A_236 = arith.constant 0 : i32
    %add3A_237 = vector.broadcast %add3A_236 : i32 to vector<16xi32>
    %add3A_238 = arith.addi %add3A_237, %scan3A_234#1 : vector<16xi32>
    %mul3A_239 = arith.constant 16 : i32
    %mul3A_240 = vector.broadcast %mul3A_239 : i32 to vector<16xi32>
    %mul3A_241 = arith.muli %add3A_238, %mul3A_240 : vector<16xi32>
    %add3A_242 = arith.addi %mul3A_241, %iota3A : vector<16xi32>
    tpu.vector_store_idx %arg6[%add3A_242], %broadcast_in_dim3A_42 : memref<32768xf32, #tpu.memory_space<vmem>>[vector<16xi32>], vector<16xf32>,
    %add3A_243 = arith.constant 0 : i32
    %add3A_244 = vector.broadcast %add3A_243 : i32 to vector<16xi32>
    %add3A_245 = arith.addi %add3A_244, %iota3A : vector<16xi32>
    %mul3A_246 = arith.constant 512 : i32
    %mul3A_247 = vector.broadcast %mul3A_246 : i32 to vector<16xi32>
    %mul3A_248 = arith.muli %add3A_245, %mul3A_247 : vector<16xi32>
    %add3A_249 = arith.addi %mul3A_248, %scan3A_234#1 : vector<16xi32>
    tpu.vector_store_idx %arg7[%add3A_249], %broadcast_in_dim3A_44 : memref<32768xf32, #tpu.memory_space<vmem>>[vector<16xi32>], vector<16xf32>,
    %add3A_250 = arith.constant 16 : i32
    %add3A_251 = arith.addi %mul3A_32, %add3A_250 : i32
    %get3A_252 = arith.index_cast %add3A_251 : i32 to index
    %get3A_253 = tpu.vector_load %arg4[%get3A_252] {strides = array<i32>} : memref<512xf32, #tpu.memory_space<vmem>>, vector<16xf32>,
    %add3A_254 = arith.constant 16 : i32
    %add3A_255 = arith.addi %mul3A_32, %add3A_254 : i32
    %get3A_256 = arith.index_cast %add3A_255 : i32 to index
    %get3A_257 = tpu.vector_load %arg5[%get3A_256] {strides = array<i32>} : memref<512xf32, #tpu.memory_space<vmem>>, vector<16xf32>,
    %scan3A_258 = arith.constant 0 : i32
    %scan3A_259 = arith.constant 0 : i32
    %scan3A_260 = arith.constant 32 : i32
    %scan3A_261 = arith.addi %scan3A_259, %scan3A_260 : i32
    %scan3A_262 = arith.constant 1 : i32
    %scan3A_263 = scf.for %scan3A_872 = %scan3A_259 to %scan3A_261 step %scan3A_262 iter_args(%scan3A_873 = %scan3A_258) -> (i32)  : i32 {
      %mul3A_874 = arith.constant 16 : i32
      %mul3A_875 = arith.muli %scan3A_872, %mul3A_874 : i32
      %get3A_876 = arith.index_cast %mul3A_875 : i32 to index
      %get3A_877 = tpu.vector_load %arg4[%get3A_876] {strides = array<i32>} : memref<512xf32, #tpu.memory_space<vmem>>, vector<16xf32>,
      %mul3A_878 = arith.constant 16 : i32
      %mul3A_879 = arith.muli %scan3A_872, %mul3A_878 : i32
      %get3A_880 = arith.index_cast %mul3A_879 : i32 to index
      %get3A_881 = tpu.vector_load %arg5[%get3A_880] {strides = array<i32>} : memref<512xf32, #tpu.memory_space<vmem>>, vector<16xf32>,
      %slice3A = vector.extract_strided_slice %get3A_877 {offsets = [0], sizes = [1], strides = [1]} : vector<16xf32> to vector<1xf32>
      %squeeze3A = vector.extract %slice3A[0] : f32 from vector<1xf32>
      %sub3A_882 = vector.broadcast %squeeze3A : f32 to vector<16xf32>
      %sub3A_883 = arith.subf %get3A_253, %sub3A_882 : vector<16xf32>
      %slice3A_884 = vector.extract_strided_slice %get3A_881 {offsets = [0], sizes = [1], strides = [1]} : vector<16xf32> to vector<1xf32>
      %squeeze3A_885 = vector.extract %slice3A_884[0] : f32 from vector<1xf32>
      %sub3A_886 = vector.broadcast %squeeze3A_885 : f32 to vector<16xf32>
      %sub3A_887 = arith.subf %get3A_257, %sub3A_886 : vector<16xf32>
      %mul3A_888 = arith.mulf %sub3A_883, %sub3A_883 : vector<16xf32>
      %mul3A_889 = arith.mulf %sub3A_887, %sub3A_887 : vector<16xf32>
      %add3A_890 = arith.addf %mul3A_888, %mul3A_889 : vector<16xf32>
      %mul3A_891 = arith.constant 16 : i32
      %mul3A_892 = arith.muli %scan3A_872, %mul3A_891 : i32
      %add3A_893 = arith.constant 512 : i32
      %add3A_894 = arith.addi %add3A_893, %mul3A_892 : i32
      %add3A_895 = arith.constant 0 : i32
      %add3A_896 = arith.addi %add3A_894, %add3A_895 : i32
      %mul3A_897 = arith.constant 16 : i32
      %mul3A_898 = arith.muli %add3A_896, %mul3A_897 : i32
      %swap3A = arith.index_cast %mul3A_898 : i32 to index
      %swap3A_899 = tpu.vector_load %arg6[%swap3A] {strides = array<i32>} : memref<32768xf32, #tpu.memory_space<vmem>>, vector<16xf32>,
      tpu.vector_store %arg6[%swap3A], %add3A_890 {strides = array<i32>} : memref<32768xf32, #tpu.memory_space<vmem>>, vector<16xf32>,
      %slice3A_900 = vector.extract_strided_slice %get3A_877 {offsets = [1], sizes = [1], strides = [1]} : vector<16xf32> to vector<1xf32>
      %squeeze3A_901 = vector.extract %slice3A_900[0] : f32 from vector<1xf32>
      %sub3A_902 = vector.broadcast %squeeze3A_901 : f32 to vector<16xf32>
      %sub3A_903 = arith.subf %get3A_253, %sub3A_902 : vector<16xf32>
      %slice3A_904 = vector.extract_strided_slice %get3A_881 {offsets = [1], sizes = [1], strides = [1]} : vector<16xf32> to vector<1xf32>
      %squeeze3A_905 = vector.extract %slice3A_904[0] : f32 from vector<1xf32>
      %sub3A_906 = vector.broadcast %squeeze3A_905 : f32 to vector<16xf32>
      %sub3A_907 = arith.subf %get3A_257, %sub3A_906 : vector<16xf32>
      %mul3A_908 = arith.mulf %sub3A_903, %sub3A_903 : vector<16xf32>
      %mul3A_909 = arith.mulf %sub3A_907, %sub3A_907 : vector<16xf32>
      %add3A_910 = arith.addf %mul3A_908, %mul3A_909 : vector<16xf32>
      %mul3A_911 = arith.constant 16 : i32
      %mul3A_912 = arith.muli %scan3A_872, %mul3A_911 : i32
      %add3A_913 = arith.constant 512 : i32
      %add3A_914 = arith.addi %add3A_913, %mul3A_912 : i32
      %add3A_915 = arith.constant 1 : i32
      %add3A_916 = arith.addi %add3A_914, %add3A_915 : i32
      %mul3A_917 = arith.constant 16 : i32
      %mul3A_918 = arith.muli %add3A_916, %mul3A_917 : i32
      %swap3A_919 = arith.index_cast %mul3A_918 : i32 to index
      %swap3A_920 = tpu.vector_load %arg6[%swap3A_919] {strides = array<i32>} : memref<32768xf32, #tpu.memory_space<vmem>>, vector<16xf32>,
      tpu.vector_store %arg6[%swap3A_919], %add3A_910 {strides = array<i32>} : memref<32768xf32, #tpu.memory_space<vmem>>, vector<16xf32>,
      %slice3A_921 = vector.extract_strided_slice %get3A_877 {offsets = [2], sizes = [1], strides = [1]} : vector<16xf32> to vector<1xf32>
      %squeeze3A_922 = vector.extract %slice3A_921[0] : f32 from vector<1xf32>
      %sub3A_923 = vector.broadcast %squeeze3A_922 : f32 to vector<16xf32>
      %sub3A_924 = arith.subf %get3A_253, %sub3A_923 : vector<16xf32>
      %slice3A_925 = vector.extract_strided_slice %get3A_881 {offsets = [2], sizes = [1], strides = [1]} : vector<16xf32> to vector<1xf32>
      %squeeze3A_926 = vector.extract %slice3A_925[0] : f32 from vector<1xf32>
      %sub3A_927 = vector.broadcast %squeeze3A_926 : f32 to vector<16xf32>
      %sub3A_928 = arith.subf %get3A_257, %sub3A_927 : vector<16xf32>
      %mul3A_929 = arith.mulf %sub3A_924, %sub3A_924 : vector<16xf32>
      %mul3A_930 = arith.mulf %sub3A_928, %sub3A_928 : vector<16xf32>
      %add3A_931 = arith.addf %mul3A_929, %mul3A_930 : vector<16xf32>
      %mul3A_932 = arith.constant 16 : i32
      %mul3A_933 = arith.muli %scan3A_872, %mul3A_932 : i32
      %add3A_934 = arith.constant 512 : i32
      %add3A_935 = arith.addi %add3A_934, %mul3A_933 : i32
      %add3A_936 = arith.constant 2 : i32
      %add3A_937 = arith.addi %add3A_935, %add3A_936 : i32
      %mul3A_938 = arith.constant 16 : i32
      %mul3A_939 = arith.muli %add3A_937, %mul3A_938 : i32
      %swap3A_940 = arith.index_cast %mul3A_939 : i32 to index
      %swap3A_941 = tpu.vector_load %arg6[%swap3A_940] {strides = array<i32>} : memref<32768xf32, #tpu.memory_space<vmem>>, vector<16xf32>,
      tpu.vector_store %arg6[%swap3A_940], %add3A_931 {strides = array<i32>} : memref<32768xf32, #tpu.memory_space<vmem>>, vector<16xf32>,
      %slice3A_942 = vector.extract_strided_slice %get3A_877 {offsets = [3], sizes = [1], strides = [1]} : vector<16xf32> to vector<1xf32>
      %squeeze3A_943 = vector.extract %slice3A_942[0] : f32 from vector<1xf32>
      %sub3A_944 = vector.broadcast %squeeze3A_943 : f32 to vector<16xf32>
      %sub3A_945 = arith.subf %get3A_253, %sub3A_944 : vector<16xf32>
      %slice3A_946 = vector.extract_strided_slice %get3A_881 {offsets = [3], sizes = [1], strides = [1]} : vector<16xf32> to vector<1xf32>
      %squeeze3A_947 = vector.extract %slice3A_946[0] : f32 from vector<1xf32>
      %sub3A_948 = vector.broadcast %squeeze3A_947 : f32 to vector<16xf32>
      %sub3A_949 = arith.subf %get3A_257, %sub3A_948 : vector<16xf32>
      %mul3A_950 = arith.mulf %sub3A_945, %sub3A_945 : vector<16xf32>
      %mul3A_951 = arith.mulf %sub3A_949, %sub3A_949 : vector<16xf32>
      %add3A_952 = arith.addf %mul3A_950, %mul3A_951 : vector<16xf32>
      %mul3A_953 = arith.constant 16 : i32
      %mul3A_954 = arith.muli %scan3A_872, %mul3A_953 : i32
      %add3A_955 = arith.constant 512 : i32
      %add3A_956 = arith.addi %add3A_955, %mul3A_954 : i32
      %add3A_957 = arith.constant 3 : i32
      %add3A_958 = arith.addi %add3A_956, %add3A_957 : i32
      %mul3A_959 = arith.constant 16 : i32
      %mul3A_960 = arith.muli %add3A_958, %mul3A_959 : i32
      %swap3A_961 = arith.index_cast %mul3A_960 : i32 to index
      %swap3A_962 = tpu.vector_load %arg6[%swap3A_961] {strides = array<i32>} : memref<32768xf32, #tpu.memory_space<vmem>>, vector<16xf32>,
      tpu.vector_store %arg6[%swap3A_961], %add3A_952 {strides = array<i32>} : memref<32768xf32, #tpu.memory_space<vmem>>, vector<16xf32>,
      %slice3A_963 = vector.extract_strided_slice %get3A_877 {offsets = [4], sizes = [1], strides = [1]} : vector<16xf32> to vector<1xf32>
      %squeeze3A_964 = vector.extract %slice3A_963[0] : f32 from vector<1xf32>
      %sub3A_965 = vector.broadcast %squeeze3A_964 : f32 to vector<16xf32>
      %sub3A_966 = arith.subf %get3A_253, %sub3A_965 : vector<16xf32>
      %slice3A_967 = vector.extract_strided_slice %get3A_881 {offsets = [4], sizes = [1], strides = [1]} : vector<16xf32> to vector<1xf32>
      %squeeze3A_968 = vector.extract %slice3A_967[0] : f32 from vector<1xf32>
      %sub3A_969 = vector.broadcast %squeeze3A_968 : f32 to vector<16xf32>
      %sub3A_970 = arith.subf %get3A_257, %sub3A_969 : vector<16xf32>
      %mul3A_971 = arith.mulf %sub3A_966, %sub3A_966 : vector<16xf32>
      %mul3A_972 = arith.mulf %sub3A_970, %sub3A_970 : vector<16xf32>
      %add3A_973 = arith.addf %mul3A_971, %mul3A_972 : vector<16xf32>
      %mul3A_974 = arith.constant 16 : i32
      %mul3A_975 = arith.muli %scan3A_872, %mul3A_974 : i32
      %add3A_976 = arith.constant 512 : i32
      %add3A_977 = arith.addi %add3A_976, %mul3A_975 : i32
      %add3A_978 = arith.constant 4 : i32
      %add3A_979 = arith.addi %add3A_977, %add3A_978 : i32
      %mul3A_980 = arith.constant 16 : i32
      %mul3A_981 = arith.muli %add3A_979, %mul3A_980 : i32
      %swap3A_982 = arith.index_cast %mul3A_981 : i32 to index
      %swap3A_983 = tpu.vector_load %arg6[%swap3A_982] {strides = array<i32>} : memref<32768xf32, #tpu.memory_space<vmem>>, vector<16xf32>,
      tpu.vector_store %arg6[%swap3A_982], %add3A_973 {strides = array<i32>} : memref<32768xf32, #tpu.memory_space<vmem>>, vector<16xf32>,
      %slice3A_984 = vector.extract_strided_slice %get3A_877 {offsets = [5], sizes = [1], strides = [1]} : vector<16xf32> to vector<1xf32>
      %squeeze3A_985 = vector.extract %slice3A_984[0] : f32 from vector<1xf32>
      %sub3A_986 = vector.broadcast %squeeze3A_985 : f32 to vector<16xf32>
      %sub3A_987 = arith.subf %get3A_253, %sub3A_986 : vector<16xf32>
      %slice3A_988 = vector.extract_strided_slice %get3A_881 {offsets = [5], sizes = [1], strides = [1]} : vector<16xf32> to vector<1xf32>
      %squeeze3A_989 = vector.extract %slice3A_988[0] : f32 from vector<1xf32>
      %sub3A_990 = vector.broadcast %squeeze3A_989 : f32 to vector<16xf32>
      %sub3A_991 = arith.subf %get3A_257, %sub3A_990 : vector<16xf32>
      %mul3A_992 = arith.mulf %sub3A_987, %sub3A_987 : vector<16xf32>
      %mul3A_993 = arith.mulf %sub3A_991, %sub3A_991 : vector<16xf32>
      %add3A_994 = arith.addf %mul3A_992, %mul3A_993 : vector<16xf32>
      %mul3A_995 = arith.constant 16 : i32
      %mul3A_996 = arith.muli %scan3A_872, %mul3A_995 : i32
      %add3A_997 = arith.constant 512 : i32
      %add3A_998 = arith.addi %add3A_997, %mul3A_996 : i32
      %add3A_999 = arith.constant 5 : i32
      %add3A_1000 = arith.addi %add3A_998, %add3A_999 : i32
      %mul3A_1001 = arith.constant 16 : i32
      %mul3A_1002 = arith.muli %add3A_1000, %mul3A_1001 : i32
      %swap3A_1003 = arith.index_cast %mul3A_1002 : i32 to index
      %swap3A_1004 = tpu.vector_load %arg6[%swap3A_1003] {strides = array<i32>} : memref<32768xf32, #tpu.memory_space<vmem>>, vector<16xf32>,
      tpu.vector_store %arg6[%swap3A_1003], %add3A_994 {strides = array<i32>} : memref<32768xf32, #tpu.memory_space<vmem>>, vector<16xf32>,
      %slice3A_1005 = vector.extract_strided_slice %get3A_877 {offsets = [6], sizes = [1], strides = [1]} : vector<16xf32> to vector<1xf32>
      %squeeze3A_1006 = vector.extract %slice3A_1005[0] : f32 from vector<1xf32>
      %sub3A_1007 = vector.broadcast %squeeze3A_1006 : f32 to vector<16xf32>
      %sub3A_1008 = arith.subf %get3A_253, %sub3A_1007 : vector<16xf32>
      %slice3A_1009 = vector.extract_strided_slice %get3A_881 {offsets = [6], sizes = [1], strides = [1]} : vector<16xf32> to vector<1xf32>
      %squeeze3A_1010 = vector.extract %slice3A_1009[0] : f32 from vector<1xf32>
      %sub3A_1011 = vector.broadcast %squeeze3A_1010 : f32 to vector<16xf32>
      %sub3A_1012 = arith.subf %get3A_257, %sub3A_1011 : vector<16xf32>
      %mul3A_1013 = arith.mulf %sub3A_1008, %sub3A_1008 : vector<16xf32>
      %mul3A_1014 = arith.mulf %sub3A_1012, %sub3A_1012 : vector<16xf32>
      %add3A_1015 = arith.addf %mul3A_1013, %mul3A_1014 : vector<16xf32>
      %mul3A_1016 = arith.constant 16 : i32
      %mul3A_1017 = arith.muli %scan3A_872, %mul3A_1016 : i32
      %add3A_1018 = arith.constant 512 : i32
      %add3A_1019 = arith.addi %add3A_1018, %mul3A_1017 : i32
      %add3A_1020 = arith.constant 6 : i32
      %add3A_1021 = arith.addi %add3A_1019, %add3A_1020 : i32
      %mul3A_1022 = arith.constant 16 : i32
      %mul3A_1023 = arith.muli %add3A_1021, %mul3A_1022 : i32
      %swap3A_1024 = arith.index_cast %mul3A_1023 : i32 to index
      %swap3A_1025 = tpu.vector_load %arg6[%swap3A_1024] {strides = array<i32>} : memref<32768xf32, #tpu.memory_space<vmem>>, vector<16xf32>,
      tpu.vector_store %arg6[%swap3A_1024], %add3A_1015 {strides = array<i32>} : memref<32768xf32, #tpu.memory_space<vmem>>, vector<16xf32>,
      %slice3A_1026 = vector.extract_strided_slice %get3A_877 {offsets = [7], sizes = [1], strides = [1]} : vector<16xf32> to vector<1xf32>
      %squeeze3A_1027 = vector.extract %slice3A_1026[0] : f32 from vector<1xf32>
      %sub3A_1028 = vector.broadcast %squeeze3A_1027 : f32 to vector<16xf32>
      %sub3A_1029 = arith.subf %get3A_253, %sub3A_1028 : vector<16xf32>
      %slice3A_1030 = vector.extract_strided_slice %get3A_881 {offsets = [7], sizes = [1], strides = [1]} : vector<16xf32> to vector<1xf32>
      %squeeze3A_1031 = vector.extract %slice3A_1030[0] : f32 from vector<1xf32>
      %sub3A_1032 = vector.broadcast %squeeze3A_1031 : f32 to vector<16xf32>
      %sub3A_1033 = arith.subf %get3A_257, %sub3A_1032 : vector<16xf32>
      %mul3A_1034 = arith.mulf %sub3A_1029, %sub3A_1029 : vector<16xf32>
      %mul3A_1035 = arith.mulf %sub3A_1033, %sub3A_1033 : vector<16xf32>
      %add3A_1036 = arith.addf %mul3A_1034, %mul3A_1035 : vector<16xf32>
      %mul3A_1037 = arith.constant 16 : i32
      %mul3A_1038 = arith.muli %scan3A_872, %mul3A_1037 : i32
      %add3A_1039 = arith.constant 512 : i32
      %add3A_1040 = arith.addi %add3A_1039, %mul3A_1038 : i32
      %add3A_1041 = arith.constant 7 : i32
      %add3A_1042 = arith.addi %add3A_1040, %add3A_1041 : i32
      %mul3A_1043 = arith.constant 16 : i32
      %mul3A_1044 = arith.muli %add3A_1042, %mul3A_1043 : i32
      %swap3A_1045 = arith.index_cast %mul3A_1044 : i32 to index
      %swap3A_1046 = tpu.vector_load %arg6[%swap3A_1045] {strides = array<i32>} : memref<32768xf32, #tpu.memory_space<vmem>>, vector<16xf32>,
      tpu.vector_store %arg6[%swap3A_1045], %add3A_1036 {strides = array<i32>} : memref<32768xf32, #tpu.memory_space<vmem>>, vector<16xf32>,
      %slice3A_1047 = vector.extract_strided_slice %get3A_877 {offsets = [8], sizes = [1], strides = [1]} : vector<16xf32> to vector<1xf32>
      %squeeze3A_1048 = vector.extract %slice3A_1047[0] : f32 from vector<1xf32>
      %sub3A_1049 = vector.broadcast %squeeze3A_1048 : f32 to vector<16xf32>
      %sub3A_1050 = arith.subf %get3A_253, %sub3A_1049 : vector<16xf32>
      %slice3A_1051 = vector.extract_strided_slice %get3A_881 {offsets = [8], sizes = [1], strides = [1]} : vector<16xf32> to vector<1xf32>
      %squeeze3A_1052 = vector.extract %slice3A_1051[0] : f32 from vector<1xf32>
      %sub3A_1053 = vector.broadcast %squeeze3A_1052 : f32 to vector<16xf32>
      %sub3A_1054 = arith.subf %get3A_257, %sub3A_1053 : vector<16xf32>
      %mul3A_1055 = arith.mulf %sub3A_1050, %sub3A_1050 : vector<16xf32>
      %mul3A_1056 = arith.mulf %sub3A_1054, %sub3A_1054 : vector<16xf32>
      %add3A_1057 = arith.addf %mul3A_1055, %mul3A_1056 : vector<16xf32>
      %mul3A_1058 = arith.constant 16 : i32
      %mul3A_1059 = arith.muli %scan3A_872, %mul3A_1058 : i32
      %add3A_1060 = arith.constant 512 : i32
      %add3A_1061 = arith.addi %add3A_1060, %mul3A_1059 : i32
      %add3A_1062 = arith.constant 8 : i32
      %add3A_1063 = arith.addi %add3A_1061, %add3A_1062 : i32
      %mul3A_1064 = arith.constant 16 : i32
      %mul3A_1065 = arith.muli %add3A_1063, %mul3A_1064 : i32
      %swap3A_1066 = arith.index_cast %mul3A_1065 : i32 to index
      %swap3A_1067 = tpu.vector_load %arg6[%swap3A_1066] {strides = array<i32>} : memref<32768xf32, #tpu.memory_space<vmem>>, vector<16xf32>,
      tpu.vector_store %arg6[%swap3A_1066], %add3A_1057 {strides = array<i32>} : memref<32768xf32, #tpu.memory_space<vmem>>, vector<16xf32>,
      %slice3A_1068 = vector.extract_strided_slice %get3A_877 {offsets = [9], sizes = [1], strides = [1]} : vector<16xf32> to vector<1xf32>
      %squeeze3A_1069 = vector.extract %slice3A_1068[0] : f32 from vector<1xf32>
      %sub3A_1070 = vector.broadcast %squeeze3A_1069 : f32 to vector<16xf32>
      %sub3A_1071 = arith.subf %get3A_253, %sub3A_1070 : vector<16xf32>
      %slice3A_1072 = vector.extract_strided_slice %get3A_881 {offsets = [9], sizes = [1], strides = [1]} : vector<16xf32> to vector<1xf32>
      %squeeze3A_1073 = vector.extract %slice3A_1072[0] : f32 from vector<1xf32>
      %sub3A_1074 = vector.broadcast %squeeze3A_1073 : f32 to vector<16xf32>
      %sub3A_1075 = arith.subf %get3A_257, %sub3A_1074 : vector<16xf32>
      %mul3A_1076 = arith.mulf %sub3A_1071, %sub3A_1071 : vector<16xf32>
      %mul3A_1077 = arith.mulf %sub3A_1075, %sub3A_1075 : vector<16xf32>
      %add3A_1078 = arith.addf %mul3A_1076, %mul3A_1077 : vector<16xf32>
      %mul3A_1079 = arith.constant 16 : i32
      %mul3A_1080 = arith.muli %scan3A_872, %mul3A_1079 : i32
      %add3A_1081 = arith.constant 512 : i32
      %add3A_1082 = arith.addi %add3A_1081, %mul3A_1080 : i32
      %add3A_1083 = arith.constant 9 : i32
      %add3A_1084 = arith.addi %add3A_1082, %add3A_1083 : i32
      %mul3A_1085 = arith.constant 16 : i32
      %mul3A_1086 = arith.muli %add3A_1084, %mul3A_1085 : i32
      %swap3A_1087 = arith.index_cast %mul3A_1086 : i32 to index
      %swap3A_1088 = tpu.vector_load %arg6[%swap3A_1087] {strides = array<i32>} : memref<32768xf32, #tpu.memory_space<vmem>>, vector<16xf32>,
      tpu.vector_store %arg6[%swap3A_1087], %add3A_1078 {strides = array<i32>} : memref<32768xf32, #tpu.memory_space<vmem>>, vector<16xf32>,
      %slice3A_1089 = vector.extract_strided_slice %get3A_877 {offsets = [10], sizes = [1], strides = [1]} : vector<16xf32> to vector<1xf32>
      %squeeze3A_1090 = vector.extract %slice3A_1089[0] : f32 from vector<1xf32>
      %sub3A_1091 = vector.broadcast %squeeze3A_1090 : f32 to vector<16xf32>
      %sub3A_1092 = arith.subf %get3A_253, %sub3A_1091 : vector<16xf32>
      %slice3A_1093 = vector.extract_strided_slice %get3A_881 {offsets = [10], sizes = [1], strides = [1]} : vector<16xf32> to vector<1xf32>
      %squeeze3A_1094 = vector.extract %slice3A_1093[0] : f32 from vector<1xf32>
      %sub3A_1095 = vector.broadcast %squeeze3A_1094 : f32 to vector<16xf32>
      %sub3A_1096 = arith.subf %get3A_257, %sub3A_1095 : vector<16xf32>
      %mul3A_1097 = arith.mulf %sub3A_1092, %sub3A_1092 : vector<16xf32>
      %mul3A_1098 = arith.mulf %sub3A_1096, %sub3A_1096 : vector<16xf32>
      %add3A_1099 = arith.addf %mul3A_1097, %mul3A_1098 : vector<16xf32>
      %mul3A_1100 = arith.constant 16 : i32
      %mul3A_1101 = arith.muli %scan3A_872, %mul3A_1100 : i32
      %add3A_1102 = arith.constant 512 : i32
      %add3A_1103 = arith.addi %add3A_1102, %mul3A_1101 : i32
      %add3A_1104 = arith.constant 10 : i32
      %add3A_1105 = arith.addi %add3A_1103, %add3A_1104 : i32
      %mul3A_1106 = arith.constant 16 : i32
      %mul3A_1107 = arith.muli %add3A_1105, %mul3A_1106 : i32
      %swap3A_1108 = arith.index_cast %mul3A_1107 : i32 to index
      %swap3A_1109 = tpu.vector_load %arg6[%swap3A_1108] {strides = array<i32>} : memref<32768xf32, #tpu.memory_space<vmem>>, vector<16xf32>,
      tpu.vector_store %arg6[%swap3A_1108], %add3A_1099 {strides = array<i32>} : memref<32768xf32, #tpu.memory_space<vmem>>, vector<16xf32>,
      %slice3A_1110 = vector.extract_strided_slice %get3A_877 {offsets = [11], sizes = [1], strides = [1]} : vector<16xf32> to vector<1xf32>
      %squeeze3A_1111 = vector.extract %slice3A_1110[0] : f32 from vector<1xf32>
      %sub3A_1112 = vector.broadcast %squeeze3A_1111 : f32 to vector<16xf32>
      %sub3A_1113 = arith.subf %get3A_253, %sub3A_1112 : vector<16xf32>
      %slice3A_1114 = vector.extract_strided_slice %get3A_881 {offsets = [11], sizes = [1], strides = [1]} : vector<16xf32> to vector<1xf32>
      %squeeze3A_1115 = vector.extract %slice3A_1114[0] : f32 from vector<1xf32>
      %sub3A_1116 = vector.broadcast %squeeze3A_1115 : f32 to vector<16xf32>
      %sub3A_1117 = arith.subf %get3A_257, %sub3A_1116 : vector<16xf32>
      %mul3A_1118 = arith.mulf %sub3A_1113, %sub3A_1113 : vector<16xf32>
      %mul3A_1119 = arith.mulf %sub3A_1117, %sub3A_1117 : vector<16xf32>
      %add3A_1120 = arith.addf %mul3A_1118, %mul3A_1119 : vector<16xf32>
      %mul3A_1121 = arith.constant 16 : i32
      %mul3A_1122 = arith.muli %scan3A_872, %mul3A_1121 : i32
      %add3A_1123 = arith.constant 512 : i32
      %add3A_1124 = arith.addi %add3A_1123, %mul3A_1122 : i32
      %add3A_1125 = arith.constant 11 : i32
      %add3A_1126 = arith.addi %add3A_1124, %add3A_1125 : i32
      %mul3A_1127 = arith.constant 16 : i32
      %mul3A_1128 = arith.muli %add3A_1126, %mul3A_1127 : i32
      %swap3A_1129 = arith.index_cast %mul3A_1128 : i32 to index
      %swap3A_1130 = tpu.vector_load %arg6[%swap3A_1129] {strides = array<i32>} : memref<32768xf32, #tpu.memory_space<vmem>>, vector<16xf32>,
      tpu.vector_store %arg6[%swap3A_1129], %add3A_1120 {strides = array<i32>} : memref<32768xf32, #tpu.memory_space<vmem>>, vector<16xf32>,
      %slice3A_1131 = vector.extract_strided_slice %get3A_877 {offsets = [12], sizes = [1], strides = [1]} : vector<16xf32> to vector<1xf32>
      %squeeze3A_1132 = vector.extract %slice3A_1131[0] : f32 from vector<1xf32>
      %sub3A_1133 = vector.broadcast %squeeze3A_1132 : f32 to vector<16xf32>
      %sub3A_1134 = arith.subf %get3A_253, %sub3A_1133 : vector<16xf32>
      %slice3A_1135 = vector.extract_strided_slice %get3A_881 {offsets = [12], sizes = [1], strides = [1]} : vector<16xf32> to vector<1xf32>
      %squeeze3A_1136 = vector.extract %slice3A_1135[0] : f32 from vector<1xf32>
      %sub3A_1137 = vector.broadcast %squeeze3A_1136 : f32 to vector<16xf32>
      %sub3A_1138 = arith.subf %get3A_257, %sub3A_1137 : vector<16xf32>
      %mul3A_1139 = arith.mulf %sub3A_1134, %sub3A_1134 : vector<16xf32>
      %mul3A_1140 = arith.mulf %sub3A_1138, %sub3A_1138 : vector<16xf32>
      %add3A_1141 = arith.addf %mul3A_1139, %mul3A_1140 : vector<16xf32>
      %mul3A_1142 = arith.constant 16 : i32
      %mul3A_1143 = arith.muli %scan3A_872, %mul3A_1142 : i32
      %add3A_1144 = arith.constant 512 : i32
      %add3A_1145 = arith.addi %add3A_1144, %mul3A_1143 : i32
      %add3A_1146 = arith.constant 12 : i32
      %add3A_1147 = arith.addi %add3A_1145, %add3A_1146 : i32
      %mul3A_1148 = arith.constant 16 : i32
      %mul3A_1149 = arith.muli %add3A_1147, %mul3A_1148 : i32
      %swap3A_1150 = arith.index_cast %mul3A_1149 : i32 to index
      %swap3A_1151 = tpu.vector_load %arg6[%swap3A_1150] {strides = array<i32>} : memref<32768xf32, #tpu.memory_space<vmem>>, vector<16xf32>,
      tpu.vector_store %arg6[%swap3A_1150], %add3A_1141 {strides = array<i32>} : memref<32768xf32, #tpu.memory_space<vmem>>, vector<16xf32>,
      %slice3A_1152 = vector.extract_strided_slice %get3A_877 {offsets = [13], sizes = [1], strides = [1]} : vector<16xf32> to vector<1xf32>
      %squeeze3A_1153 = vector.extract %slice3A_1152[0] : f32 from vector<1xf32>
      %sub3A_1154 = vector.broadcast %squeeze3A_1153 : f32 to vector<16xf32>
      %sub3A_1155 = arith.subf %get3A_253, %sub3A_1154 : vector<16xf32>
      %slice3A_1156 = vector.extract_strided_slice %get3A_881 {offsets = [13], sizes = [1], strides = [1]} : vector<16xf32> to vector<1xf32>
      %squeeze3A_1157 = vector.extract %slice3A_1156[0] : f32 from vector<1xf32>
      %sub3A_1158 = vector.broadcast %squeeze3A_1157 : f32 to vector<16xf32>
      %sub3A_1159 = arith.subf %get3A_257, %sub3A_1158 : vector<16xf32>
      %mul3A_1160 = arith.mulf %sub3A_1155, %sub3A_1155 : vector<16xf32>
      %mul3A_1161 = arith.mulf %sub3A_1159, %sub3A_1159 : vector<16xf32>
      %add3A_1162 = arith.addf %mul3A_1160, %mul3A_1161 : vector<16xf32>
      %mul3A_1163 = arith.constant 16 : i32
      %mul3A_1164 = arith.muli %scan3A_872, %mul3A_1163 : i32
      %add3A_1165 = arith.constant 512 : i32
      %add3A_1166 = arith.addi %add3A_1165, %mul3A_1164 : i32
      %add3A_1167 = arith.constant 13 : i32
      %add3A_1168 = arith.addi %add3A_1166, %add3A_1167 : i32
      %mul3A_1169 = arith.constant 16 : i32
      %mul3A_1170 = arith.muli %add3A_1168, %mul3A_1169 : i32
      %swap3A_1171 = arith.index_cast %mul3A_1170 : i32 to index
      %swap3A_1172 = tpu.vector_load %arg6[%swap3A_1171] {strides = array<i32>} : memref<32768xf32, #tpu.memory_space<vmem>>, vector<16xf32>,
      tpu.vector_store %arg6[%swap3A_1171], %add3A_1162 {strides = array<i32>} : memref<32768xf32, #tpu.memory_space<vmem>>, vector<16xf32>,
      %slice3A_1173 = vector.extract_strided_slice %get3A_877 {offsets = [14], sizes = [1], strides = [1]} : vector<16xf32> to vector<1xf32>
      %squeeze3A_1174 = vector.extract %slice3A_1173[0] : f32 from vector<1xf32>
      %sub3A_1175 = vector.broadcast %squeeze3A_1174 : f32 to vector<16xf32>
      %sub3A_1176 = arith.subf %get3A_253, %sub3A_1175 : vector<16xf32>
      %slice3A_1177 = vector.extract_strided_slice %get3A_881 {offsets = [14], sizes = [1], strides = [1]} : vector<16xf32> to vector<1xf32>
      %squeeze3A_1178 = vector.extract %slice3A_1177[0] : f32 from vector<1xf32>
      %sub3A_1179 = vector.broadcast %squeeze3A_1178 : f32 to vector<16xf32>
      %sub3A_1180 = arith.subf %get3A_257, %sub3A_1179 : vector<16xf32>
      %mul3A_1181 = arith.mulf %sub3A_1176, %sub3A_1176 : vector<16xf32>
      %mul3A_1182 = arith.mulf %sub3A_1180, %sub3A_1180 : vector<16xf32>
      %add3A_1183 = arith.addf %mul3A_1181, %mul3A_1182 : vector<16xf32>
      %mul3A_1184 = arith.constant 16 : i32
      %mul3A_1185 = arith.muli %scan3A_872, %mul3A_1184 : i32
      %add3A_1186 = arith.constant 512 : i32
      %add3A_1187 = arith.addi %add3A_1186, %mul3A_1185 : i32
      %add3A_1188 = arith.constant 14 : i32
      %add3A_1189 = arith.addi %add3A_1187, %add3A_1188 : i32
      %mul3A_1190 = arith.constant 16 : i32
      %mul3A_1191 = arith.muli %add3A_1189, %mul3A_1190 : i32
      %swap3A_1192 = arith.index_cast %mul3A_1191 : i32 to index
      %swap3A_1193 = tpu.vector_load %arg6[%swap3A_1192] {strides = array<i32>} : memref<32768xf32, #tpu.memory_space<vmem>>, vector<16xf32>,
      tpu.vector_store %arg6[%swap3A_1192], %add3A_1183 {strides = array<i32>} : memref<32768xf32, #tpu.memory_space<vmem>>, vector<16xf32>,
      %slice3A_1194 = vector.extract_strided_slice %get3A_877 {offsets = [15], sizes = [1], strides = [1]} : vector<16xf32> to vector<1xf32>
      %squeeze3A_1195 = vector.extract %slice3A_1194[0] : f32 from vector<1xf32>
      %sub3A_1196 = vector.broadcast %squeeze3A_1195 : f32 to vector<16xf32>
      %sub3A_1197 = arith.subf %get3A_253, %sub3A_1196 : vector<16xf32>
      %slice3A_1198 = vector.extract_strided_slice %get3A_881 {offsets = [15], sizes = [1], strides = [1]} : vector<16xf32> to vector<1xf32>
      %squeeze3A_1199 = vector.extract %slice3A_1198[0] : f32 from vector<1xf32>
      %sub3A_1200 = vector.broadcast %squeeze3A_1199 : f32 to vector<16xf32>
      %sub3A_1201 = arith.subf %get3A_257, %sub3A_1200 : vector<16xf32>
      %mul3A_1202 = arith.mulf %sub3A_1197, %sub3A_1197 : vector<16xf32>
      %mul3A_1203 = arith.mulf %sub3A_1201, %sub3A_1201 : vector<16xf32>
      %add3A_1204 = arith.addf %mul3A_1202, %mul3A_1203 : vector<16xf32>
      %mul3A_1205 = arith.constant 16 : i32
      %mul3A_1206 = arith.muli %scan3A_872, %mul3A_1205 : i32
      %add3A_1207 = arith.constant 512 : i32
      %add3A_1208 = arith.addi %add3A_1207, %mul3A_1206 : i32
      %add3A_1209 = arith.constant 15 : i32
      %add3A_1210 = arith.addi %add3A_1208, %add3A_1209 : i32
      %mul3A_1211 = arith.constant 16 : i32
      %mul3A_1212 = arith.muli %add3A_1210, %mul3A_1211 : i32
      %swap3A_1213 = arith.index_cast %mul3A_1212 : i32 to index
      %swap3A_1214 = tpu.vector_load %arg6[%swap3A_1213] {strides = array<i32>} : memref<32768xf32, #tpu.memory_space<vmem>>, vector<16xf32>,
      tpu.vector_store %arg6[%swap3A_1213], %add3A_1204 {strides = array<i32>} : memref<32768xf32, #tpu.memory_space<vmem>>, vector<16xf32>,
      %scan3A_1215 = arith.constant 0 : i32
      scf.yield %scan3A_1215 : i32
    }
    %scan3A_264 = arith.constant 32 : i32
    %broadcast_in_dim3A_265 = arith.constant 0 : i32
    %broadcast_in_dim3A_266 = vector.broadcast %broadcast_in_dim3A_265 : i32 to vector<16xi32>
    %scan3A_267 = arith.constant 0 : i32
    %scan3A_268 = arith.constant 512 : i32
    %scan3A_269 = arith.addi %scan3A_267, %scan3A_268 : i32
    %scan3A_270 = arith.constant 1 : i32
    %scan3A_271:2 = scf.for %scan3A_872 = %scan3A_267 to %scan3A_269 step %scan3A_270 iter_args(%scan3A_873 = %broadcast_in_dim3A_42, %scan3A_874 = %broadcast_in_dim3A_266) -> (vector<16xf32>, vector<16xi32>)  : i32 {
      %add3A_875 = arith.constant 512 : i32
      %add3A_876 = arith.addi %add3A_875, %scan3A_872 : i32
      %mul3A_877 = arith.constant 16 : i32
      %mul3A_878 = arith.muli %add3A_876, %mul3A_877 : i32
      %get3A_879 = arith.index_cast %mul3A_878 : i32 to index
      %get3A_880 = tpu.vector_load %arg6[%get3A_879] {strides = array<i32>} : memref<32768xf32, #tpu.memory_space<vmem>>, vector<16xf32>,
      %lt3A_881 = arith.cmpf olt, %get3A_880, %scan3A_873 : vector<16xf32>
      %select_n3A_882 = arith.select %lt3A_881, %get3A_880, %scan3A_873 : vector<16xi1>, vector<16xf32>
      %broadcast_in_dim3A_883 = vector.broadcast %scan3A_872 : i32 to vector<16xi32>
      %select_n3A_884 = arith.select %lt3A_881, %broadcast_in_dim3A_883, %scan3A_874 : vector<16xi1>, vector<16xi32>
      scf.yield %select_n3A_882, %select_n3A_884 : vector<16xf32>, vector<16xi32>
    }
    %scan3A_272 = arith.constant 512 : i32
    %add3A_273 = arith.constant 512 : i32
    %add3A_274 = vector.broadcast %add3A_273 : i32 to vector<16xi32>
    %add3A_275 = arith.addi %add3A_274, %scan3A_271#1 : vector<16xi32>
    %mul3A_276 = arith.constant 16 : i32
    %mul3A_277 = vector.broadcast %mul3A_276 : i32 to vector<16xi32>
    %mul3A_278 = arith.muli %add3A_275, %mul3A_277 : vector<16xi32>
    %add3A_279 = arith.addi %mul3A_278, %iota3A : vector<16xi32>
    tpu.vector_store_idx %arg6[%add3A_279], %broadcast_in_dim3A_42 : memref<32768xf32, #tpu.memory_space<vmem>>[vector<16xi32>], vector<16xf32>,
    %broadcast_in_dim3A_280 = arith.constant 0 : i32
    %broadcast_in_dim3A_281 = vector.broadcast %broadcast_in_dim3A_280 : i32 to vector<16xi32>
    %scan3A_282 = arith.constant 0 : i32
    %scan3A_283 = arith.constant 512 : i32
    %scan3A_284 = arith.addi %scan3A_282, %scan3A_283 : i32
    %scan3A_285 = arith.constant 1 : i32
    %scan3A_286:2 = scf.for %scan3A_872 = %scan3A_282 to %scan3A_284 step %scan3A_285 iter_args(%scan3A_873 = %broadcast_in_dim3A_42, %scan3A_874 = %broadcast_in_dim3A_281) -> (vector<16xf32>, vector<16xi32>)  : i32 {
      %add3A_875 = arith.constant 512 : i32
      %add3A_876 = arith.addi %add3A_875, %scan3A_872 : i32
      %mul3A_877 = arith.constant 16 : i32
      %mul3A_878 = arith.muli %add3A_876, %mul3A_877 : i32
      %get3A_879 = arith.index_cast %mul3A_878 : i32 to index
      %get3A_880 = tpu.vector_load %arg6[%get3A_879] {strides = array<i32>} : memref<32768xf32, #tpu.memory_space<vmem>>, vector<16xf32>,
      %lt3A_881 = arith.cmpf olt, %get3A_880, %scan3A_873 : vector<16xf32>
      %select_n3A_882 = arith.select %lt3A_881, %get3A_880, %scan3A_873 : vector<16xi1>, vector<16xf32>
      %broadcast_in_dim3A_883 = vector.broadcast %scan3A_872 : i32 to vector<16xi32>
      %select_n3A_884 = arith.select %lt3A_881, %broadcast_in_dim3A_883, %scan3A_874 : vector<16xi1>, vector<16xi32>
      scf.yield %select_n3A_882, %select_n3A_884 : vector<16xf32>, vector<16xi32>
    }
    %scan3A_287 = arith.constant 512 : i32
    %add3A_288 = arith.constant 512 : i32
    %add3A_289 = vector.broadcast %add3A_288 : i32 to vector<16xi32>
    %add3A_290 = arith.addi %add3A_289, %scan3A_286#1 : vector<16xi32>
    %mul3A_291 = arith.constant 16 : i32
    %mul3A_292 = vector.broadcast %mul3A_291 : i32 to vector<16xi32>
    %mul3A_293 = arith.muli %add3A_290, %mul3A_292 : vector<16xi32>
    %add3A_294 = arith.addi %mul3A_293, %iota3A : vector<16xi32>
    tpu.vector_store_idx %arg6[%add3A_294], %broadcast_in_dim3A_42 : memref<32768xf32, #tpu.memory_space<vmem>>[vector<16xi32>], vector<16xf32>,
    %add3A_295 = arith.constant 16 : i32
    %add3A_296 = vector.broadcast %add3A_295 : i32 to vector<16xi32>
    %add3A_297 = arith.addi %add3A_296, %iota3A : vector<16xi32>
    %mul3A_298 = arith.constant 512 : i32
    %mul3A_299 = vector.broadcast %mul3A_298 : i32 to vector<16xi32>
    %mul3A_300 = arith.muli %add3A_297, %mul3A_299 : vector<16xi32>
    %add3A_301 = arith.addi %mul3A_300, %scan3A_286#1 : vector<16xi32>
    tpu.vector_store_idx %arg7[%add3A_301], %broadcast_in_dim3A_44 : memref<32768xf32, #tpu.memory_space<vmem>>[vector<16xi32>], vector<16xf32>,
    %broadcast_in_dim3A_302 = arith.constant 0 : i32
    %broadcast_in_dim3A_303 = vector.broadcast %broadcast_in_dim3A_302 : i32 to vector<16xi32>
    %scan3A_304 = arith.constant 0 : i32
    %scan3A_305 = arith.constant 512 : i32
    %scan3A_306 = arith.addi %scan3A_304, %scan3A_305 : i32
    %scan3A_307 = arith.constant 1 : i32
    %scan3A_308:2 = scf.for %scan3A_872 = %scan3A_304 to %scan3A_306 step %scan3A_307 iter_args(%scan3A_873 = %broadcast_in_dim3A_42, %scan3A_874 = %broadcast_in_dim3A_303) -> (vector<16xf32>, vector<16xi32>)  : i32 {
      %add3A_875 = arith.constant 512 : i32
      %add3A_876 = arith.addi %add3A_875, %scan3A_872 : i32
      %mul3A_877 = arith.constant 16 : i32
      %mul3A_878 = arith.muli %add3A_876, %mul3A_877 : i32
      %get3A_879 = arith.index_cast %mul3A_878 : i32 to index
      %get3A_880 = tpu.vector_load %arg6[%get3A_879] {strides = array<i32>} : memref<32768xf32, #tpu.memory_space<vmem>>, vector<16xf32>,
      %lt3A_881 = arith.cmpf olt, %get3A_880, %scan3A_873 : vector<16xf32>
      %select_n3A_882 = arith.select %lt3A_881, %get3A_880, %scan3A_873 : vector<16xi1>, vector<16xf32>
      %broadcast_in_dim3A_883 = vector.broadcast %scan3A_872 : i32 to vector<16xi32>
      %select_n3A_884 = arith.select %lt3A_881, %broadcast_in_dim3A_883, %scan3A_874 : vector<16xi1>, vector<16xi32>
      scf.yield %select_n3A_882, %select_n3A_884 : vector<16xf32>, vector<16xi32>
    }
    %scan3A_309 = arith.constant 512 : i32
    %add3A_310 = arith.constant 512 : i32
    %add3A_311 = vector.broadcast %add3A_310 : i32 to vector<16xi32>
    %add3A_312 = arith.addi %add3A_311, %scan3A_308#1 : vector<16xi32>
    %mul3A_313 = arith.constant 16 : i32
    %mul3A_314 = vector.broadcast %mul3A_313 : i32 to vector<16xi32>
    %mul3A_315 = arith.muli %add3A_312, %mul3A_314 : vector<16xi32>
    %add3A_316 = arith.addi %mul3A_315, %iota3A : vector<16xi32>
    tpu.vector_store_idx %arg6[%add3A_316], %broadcast_in_dim3A_42 : memref<32768xf32, #tpu.memory_space<vmem>>[vector<16xi32>], vector<16xf32>,
    %add3A_317 = arith.constant 16 : i32
    %add3A_318 = vector.broadcast %add3A_317 : i32 to vector<16xi32>
    %add3A_319 = arith.addi %add3A_318, %iota3A : vector<16xi32>
    %mul3A_320 = arith.constant 512 : i32
    %mul3A_321 = vector.broadcast %mul3A_320 : i32 to vector<16xi32>
    %mul3A_322 = arith.muli %add3A_319, %mul3A_321 : vector<16xi32>
    %add3A_323 = arith.addi %mul3A_322, %scan3A_308#1 : vector<16xi32>
    tpu.vector_store_idx %arg7[%add3A_323], %broadcast_in_dim3A_44 : memref<32768xf32, #tpu.memory_space<vmem>>[vector<16xi32>], vector<16xf32>,
    %broadcast_in_dim3A_324 = arith.constant 0 : i32
    %broadcast_in_dim3A_325 = vector.broadcast %broadcast_in_dim3A_324 : i32 to vector<16xi32>
    %scan3A_326 = arith.constant 0 : i32
    %scan3A_327 = arith.constant 512 : i32
    %scan3A_328 = arith.addi %scan3A_326, %scan3A_327 : i32
    %scan3A_329 = arith.constant 1 : i32
    %scan3A_330:2 = scf.for %scan3A_872 = %scan3A_326 to %scan3A_328 step %scan3A_329 iter_args(%scan3A_873 = %broadcast_in_dim3A_42, %scan3A_874 = %broadcast_in_dim3A_325) -> (vector<16xf32>, vector<16xi32>)  : i32 {
      %add3A_875 = arith.constant 512 : i32
      %add3A_876 = arith.addi %add3A_875, %scan3A_872 : i32
      %mul3A_877 = arith.constant 16 : i32
      %mul3A_878 = arith.muli %add3A_876, %mul3A_877 : i32
      %get3A_879 = arith.index_cast %mul3A_878 : i32 to index
      %get3A_880 = tpu.vector_load %arg6[%get3A_879] {strides = array<i32>} : memref<32768xf32, #tpu.memory_space<vmem>>, vector<16xf32>,
      %lt3A_881 = arith.cmpf olt, %get3A_880, %scan3A_873 : vector<16xf32>
      %select_n3A_882 = arith.select %lt3A_881, %get3A_880, %scan3A_873 : vector<16xi1>, vector<16xf32>
      %broadcast_in_dim3A_883 = vector.broadcast %scan3A_872 : i32 to vector<16xi32>
      %select_n3A_884 = arith.select %lt3A_881, %broadcast_in_dim3A_883, %scan3A_874 : vector<16xi1>, vector<16xi32>
      scf.yield %select_n3A_882, %select_n3A_884 : vector<16xf32>, vector<16xi32>
    }
    %scan3A_331 = arith.constant 512 : i32
    %add3A_332 = arith.constant 512 : i32
    %add3A_333 = vector.broadcast %add3A_332 : i32 to vector<16xi32>
    %add3A_334 = arith.addi %add3A_333, %scan3A_330#1 : vector<16xi32>
    %mul3A_335 = arith.constant 16 : i32
    %mul3A_336 = vector.broadcast %mul3A_335 : i32 to vector<16xi32>
    %mul3A_337 = arith.muli %add3A_334, %mul3A_336 : vector<16xi32>
    %add3A_338 = arith.addi %mul3A_337, %iota3A : vector<16xi32>
    tpu.vector_store_idx %arg6[%add3A_338], %broadcast_in_dim3A_42 : memref<32768xf32, #tpu.memory_space<vmem>>[vector<16xi32>], vector<16xf32>,
    %add3A_339 = arith.constant 16 : i32
    %add3A_340 = vector.broadcast %add3A_339 : i32 to vector<16xi32>
    %add3A_341 = arith.addi %add3A_340, %iota3A : vector<16xi32>
    %mul3A_342 = arith.constant 512 : i32
    %mul3A_343 = vector.broadcast %mul3A_342 : i32 to vector<16xi32>
    %mul3A_344 = arith.muli %add3A_341, %mul3A_343 : vector<16xi32>
    %add3A_345 = arith.addi %mul3A_344, %scan3A_330#1 : vector<16xi32>
    tpu.vector_store_idx %arg7[%add3A_345], %broadcast_in_dim3A_44 : memref<32768xf32, #tpu.memory_space<vmem>>[vector<16xi32>], vector<16xf32>,
    %broadcast_in_dim3A_346 = arith.constant 0 : i32
    %broadcast_in_dim3A_347 = vector.broadcast %broadcast_in_dim3A_346 : i32 to vector<16xi32>
    %scan3A_348 = arith.constant 0 : i32
    %scan3A_349 = arith.constant 512 : i32
    %scan3A_350 = arith.addi %scan3A_348, %scan3A_349 : i32
    %scan3A_351 = arith.constant 1 : i32
    %scan3A_352:2 = scf.for %scan3A_872 = %scan3A_348 to %scan3A_350 step %scan3A_351 iter_args(%scan3A_873 = %broadcast_in_dim3A_42, %scan3A_874 = %broadcast_in_dim3A_347) -> (vector<16xf32>, vector<16xi32>)  : i32 {
      %add3A_875 = arith.constant 512 : i32
      %add3A_876 = arith.addi %add3A_875, %scan3A_872 : i32
      %mul3A_877 = arith.constant 16 : i32
      %mul3A_878 = arith.muli %add3A_876, %mul3A_877 : i32
      %get3A_879 = arith.index_cast %mul3A_878 : i32 to index
      %get3A_880 = tpu.vector_load %arg6[%get3A_879] {strides = array<i32>} : memref<32768xf32, #tpu.memory_space<vmem>>, vector<16xf32>,
      %lt3A_881 = arith.cmpf olt, %get3A_880, %scan3A_873 : vector<16xf32>
      %select_n3A_882 = arith.select %lt3A_881, %get3A_880, %scan3A_873 : vector<16xi1>, vector<16xf32>
      %broadcast_in_dim3A_883 = vector.broadcast %scan3A_872 : i32 to vector<16xi32>
      %select_n3A_884 = arith.select %lt3A_881, %broadcast_in_dim3A_883, %scan3A_874 : vector<16xi1>, vector<16xi32>
      scf.yield %select_n3A_882, %select_n3A_884 : vector<16xf32>, vector<16xi32>
    }
    %scan3A_353 = arith.constant 512 : i32
    %add3A_354 = arith.constant 512 : i32
    %add3A_355 = vector.broadcast %add3A_354 : i32 to vector<16xi32>
    %add3A_356 = arith.addi %add3A_355, %scan3A_352#1 : vector<16xi32>
    %mul3A_357 = arith.constant 16 : i32
    %mul3A_358 = vector.broadcast %mul3A_357 : i32 to vector<16xi32>
    %mul3A_359 = arith.muli %add3A_356, %mul3A_358 : vector<16xi32>
    %add3A_360 = arith.addi %mul3A_359, %iota3A : vector<16xi32>
    tpu.vector_store_idx %arg6[%add3A_360], %broadcast_in_dim3A_42 : memref<32768xf32, #tpu.memory_space<vmem>>[vector<16xi32>], vector<16xf32>,
    %add3A_361 = arith.constant 16 : i32
    %add3A_362 = vector.broadcast %add3A_361 : i32 to vector<16xi32>
    %add3A_363 = arith.addi %add3A_362, %iota3A : vector<16xi32>
    %mul3A_364 = arith.constant 512 : i32
    %mul3A_365 = vector.broadcast %mul3A_364 : i32 to vector<16xi32>
    %mul3A_366 = arith.muli %add3A_363, %mul3A_365 : vector<16xi32>
    %add3A_367 = arith.addi %mul3A_366, %scan3A_352#1 : vector<16xi32>
    tpu.vector_store_idx %arg7[%add3A_367], %broadcast_in_dim3A_44 : memref<32768xf32, #tpu.memory_space<vmem>>[vector<16xi32>], vector<16xf32>,
    %broadcast_in_dim3A_368 = arith.constant 0 : i32
    %broadcast_in_dim3A_369 = vector.broadcast %broadcast_in_dim3A_368 : i32 to vector<16xi32>
    %scan3A_370 = arith.constant 0 : i32
    %scan3A_371 = arith.constant 512 : i32
    %scan3A_372 = arith.addi %scan3A_370, %scan3A_371 : i32
    %scan3A_373 = arith.constant 1 : i32
    %scan3A_374:2 = scf.for %scan3A_872 = %scan3A_370 to %scan3A_372 step %scan3A_373 iter_args(%scan3A_873 = %broadcast_in_dim3A_42, %scan3A_874 = %broadcast_in_dim3A_369) -> (vector<16xf32>, vector<16xi32>)  : i32 {
      %add3A_875 = arith.constant 512 : i32
      %add3A_876 = arith.addi %add3A_875, %scan3A_872 : i32
      %mul3A_877 = arith.constant 16 : i32
      %mul3A_878 = arith.muli %add3A_876, %mul3A_877 : i32
      %get3A_879 = arith.index_cast %mul3A_878 : i32 to index
      %get3A_880 = tpu.vector_load %arg6[%get3A_879] {strides = array<i32>} : memref<32768xf32, #tpu.memory_space<vmem>>, vector<16xf32>,
      %lt3A_881 = arith.cmpf olt, %get3A_880, %scan3A_873 : vector<16xf32>
      %select_n3A_882 = arith.select %lt3A_881, %get3A_880, %scan3A_873 : vector<16xi1>, vector<16xf32>
      %broadcast_in_dim3A_883 = vector.broadcast %scan3A_872 : i32 to vector<16xi32>
      %select_n3A_884 = arith.select %lt3A_881, %broadcast_in_dim3A_883, %scan3A_874 : vector<16xi1>, vector<16xi32>
      scf.yield %select_n3A_882, %select_n3A_884 : vector<16xf32>, vector<16xi32>
    }
    %scan3A_375 = arith.constant 512 : i32
    %add3A_376 = arith.constant 512 : i32
    %add3A_377 = vector.broadcast %add3A_376 : i32 to vector<16xi32>
    %add3A_378 = arith.addi %add3A_377, %scan3A_374#1 : vector<16xi32>
    %mul3A_379 = arith.constant 16 : i32
    %mul3A_380 = vector.broadcast %mul3A_379 : i32 to vector<16xi32>
    %mul3A_381 = arith.muli %add3A_378, %mul3A_380 : vector<16xi32>
    %add3A_382 = arith.addi %mul3A_381, %iota3A : vector<16xi32>
    tpu.vector_store_idx %arg6[%add3A_382], %broadcast_in_dim3A_42 : memref<32768xf32, #tpu.memory_space<vmem>>[vector<16xi32>], vector<16xf32>,
    %add3A_383 = arith.constant 16 : i32
    %add3A_384 = vector.broadcast %add3A_383 : i32 to vector<16xi32>
    %add3A_385 = arith.addi %add3A_384, %iota3A : vector<16xi32>
    %mul3A_386 = arith.constant 512 : i32
    %mul3A_387 = vector.broadcast %mul3A_386 : i32 to vector<16xi32>
    %mul3A_388 = arith.muli %add3A_385, %mul3A_387 : vector<16xi32>
    %add3A_389 = arith.addi %mul3A_388, %scan3A_374#1 : vector<16xi32>
    tpu.vector_store_idx %arg7[%add3A_389], %broadcast_in_dim3A_44 : memref<32768xf32, #tpu.memory_space<vmem>>[vector<16xi32>], vector<16xf32>,
    %broadcast_in_dim3A_390 = arith.constant 0 : i32
    %broadcast_in_dim3A_391 = vector.broadcast %broadcast_in_dim3A_390 : i32 to vector<16xi32>
    %scan3A_392 = arith.constant 0 : i32
    %scan3A_393 = arith.constant 512 : i32
    %scan3A_394 = arith.addi %scan3A_392, %scan3A_393 : i32
    %scan3A_395 = arith.constant 1 : i32
    %scan3A_396:2 = scf.for %scan3A_872 = %scan3A_392 to %scan3A_394 step %scan3A_395 iter_args(%scan3A_873 = %broadcast_in_dim3A_42, %scan3A_874 = %broadcast_in_dim3A_391) -> (vector<16xf32>, vector<16xi32>)  : i32 {
      %add3A_875 = arith.constant 512 : i32
      %add3A_876 = arith.addi %add3A_875, %scan3A_872 : i32
      %mul3A_877 = arith.constant 16 : i32
      %mul3A_878 = arith.muli %add3A_876, %mul3A_877 : i32
      %get3A_879 = arith.index_cast %mul3A_878 : i32 to index
      %get3A_880 = tpu.vector_load %arg6[%get3A_879] {strides = array<i32>} : memref<32768xf32, #tpu.memory_space<vmem>>, vector<16xf32>,
      %lt3A_881 = arith.cmpf olt, %get3A_880, %scan3A_873 : vector<16xf32>
      %select_n3A_882 = arith.select %lt3A_881, %get3A_880, %scan3A_873 : vector<16xi1>, vector<16xf32>
      %broadcast_in_dim3A_883 = vector.broadcast %scan3A_872 : i32 to vector<16xi32>
      %select_n3A_884 = arith.select %lt3A_881, %broadcast_in_dim3A_883, %scan3A_874 : vector<16xi1>, vector<16xi32>
      scf.yield %select_n3A_882, %select_n3A_884 : vector<16xf32>, vector<16xi32>
    }
    %scan3A_397 = arith.constant 512 : i32
    %add3A_398 = arith.constant 512 : i32
    %add3A_399 = vector.broadcast %add3A_398 : i32 to vector<16xi32>
    %add3A_400 = arith.addi %add3A_399, %scan3A_396#1 : vector<16xi32>
    %mul3A_401 = arith.constant 16 : i32
    %mul3A_402 = vector.broadcast %mul3A_401 : i32 to vector<16xi32>
    %mul3A_403 = arith.muli %add3A_400, %mul3A_402 : vector<16xi32>
    %add3A_404 = arith.addi %mul3A_403, %iota3A : vector<16xi32>
    tpu.vector_store_idx %arg6[%add3A_404], %broadcast_in_dim3A_42 : memref<32768xf32, #tpu.memory_space<vmem>>[vector<16xi32>], vector<16xf32>,
    %add3A_405 = arith.constant 16 : i32
    %add3A_406 = vector.broadcast %add3A_405 : i32 to vector<16xi32>
    %add3A_407 = arith.addi %add3A_406, %iota3A : vector<16xi32>
    %mul3A_408 = arith.constant 512 : i32
    %mul3A_409 = vector.broadcast %mul3A_408 : i32 to vector<16xi32>
    %mul3A_410 = arith.muli %add3A_407, %mul3A_409 : vector<16xi32>
    %add3A_411 = arith.addi %mul3A_410, %scan3A_396#1 : vector<16xi32>
    tpu.vector_store_idx %arg7[%add3A_411], %broadcast_in_dim3A_44 : memref<32768xf32, #tpu.memory_space<vmem>>[vector<16xi32>], vector<16xf32>,
    %broadcast_in_dim3A_412 = arith.constant 0 : i32
    %broadcast_in_dim3A_413 = vector.broadcast %broadcast_in_dim3A_412 : i32 to vector<16xi32>
    %scan3A_414 = arith.constant 0 : i32
    %scan3A_415 = arith.constant 512 : i32
    %scan3A_416 = arith.addi %scan3A_414, %scan3A_415 : i32
    %scan3A_417 = arith.constant 1 : i32
    %scan3A_418:2 = scf.for %scan3A_872 = %scan3A_414 to %scan3A_416 step %scan3A_417 iter_args(%scan3A_873 = %broadcast_in_dim3A_42, %scan3A_874 = %broadcast_in_dim3A_413) -> (vector<16xf32>, vector<16xi32>)  : i32 {
      %add3A_875 = arith.constant 512 : i32
      %add3A_876 = arith.addi %add3A_875, %scan3A_872 : i32
      %mul3A_877 = arith.constant 16 : i32
      %mul3A_878 = arith.muli %add3A_876, %mul3A_877 : i32
      %get3A_879 = arith.index_cast %mul3A_878 : i32 to index
      %get3A_880 = tpu.vector_load %arg6[%get3A_879] {strides = array<i32>} : memref<32768xf32, #tpu.memory_space<vmem>>, vector<16xf32>,
      %lt3A_881 = arith.cmpf olt, %get3A_880, %scan3A_873 : vector<16xf32>
      %select_n3A_882 = arith.select %lt3A_881, %get3A_880, %scan3A_873 : vector<16xi1>, vector<16xf32>
      %broadcast_in_dim3A_883 = vector.broadcast %scan3A_872 : i32 to vector<16xi32>
      %select_n3A_884 = arith.select %lt3A_881, %broadcast_in_dim3A_883, %scan3A_874 : vector<16xi1>, vector<16xi32>
      scf.yield %select_n3A_882, %select_n3A_884 : vector<16xf32>, vector<16xi32>
    }
    %scan3A_419 = arith.constant 512 : i32
    %add3A_420 = arith.constant 512 : i32
    %add3A_421 = vector.broadcast %add3A_420 : i32 to vector<16xi32>
    %add3A_422 = arith.addi %add3A_421, %scan3A_418#1 : vector<16xi32>
    %mul3A_423 = arith.constant 16 : i32
    %mul3A_424 = vector.broadcast %mul3A_423 : i32 to vector<16xi32>
    %mul3A_425 = arith.muli %add3A_422, %mul3A_424 : vector<16xi32>
    %add3A_426 = arith.addi %mul3A_425, %iota3A : vector<16xi32>
    tpu.vector_store_idx %arg6[%add3A_426], %broadcast_in_dim3A_42 : memref<32768xf32, #tpu.memory_space<vmem>>[vector<16xi32>], vector<16xf32>,
    %add3A_427 = arith.constant 16 : i32
    %add3A_428 = vector.broadcast %add3A_427 : i32 to vector<16xi32>
    %add3A_429 = arith.addi %add3A_428, %iota3A : vector<16xi32>
    %mul3A_430 = arith.constant 512 : i32
    %mul3A_431 = vector.broadcast %mul3A_430 : i32 to vector<16xi32>
    %mul3A_432 = arith.muli %add3A_429, %mul3A_431 : vector<16xi32>
    %add3A_433 = arith.addi %mul3A_432, %scan3A_418#1 : vector<16xi32>
    tpu.vector_store_idx %arg7[%add3A_433], %broadcast_in_dim3A_44 : memref<32768xf32, #tpu.memory_space<vmem>>[vector<16xi32>], vector<16xf32>,
    %broadcast_in_dim3A_434 = arith.constant 0 : i32
    %broadcast_in_dim3A_435 = vector.broadcast %broadcast_in_dim3A_434 : i32 to vector<16xi32>
    %scan3A_436 = arith.constant 0 : i32
    %scan3A_437 = arith.constant 512 : i32
    %scan3A_438 = arith.addi %scan3A_436, %scan3A_437 : i32
    %scan3A_439 = arith.constant 1 : i32
    %scan3A_440:2 = scf.for %scan3A_872 = %scan3A_436 to %scan3A_438 step %scan3A_439 iter_args(%scan3A_873 = %broadcast_in_dim3A_42, %scan3A_874 = %broadcast_in_dim3A_435) -> (vector<16xf32>, vector<16xi32>)  : i32 {
      %add3A_875 = arith.constant 512 : i32
      %add3A_876 = arith.addi %add3A_875, %scan3A_872 : i32
      %mul3A_877 = arith.constant 16 : i32
      %mul3A_878 = arith.muli %add3A_876, %mul3A_877 : i32
      %get3A_879 = arith.index_cast %mul3A_878 : i32 to index
      %get3A_880 = tpu.vector_load %arg6[%get3A_879] {strides = array<i32>} : memref<32768xf32, #tpu.memory_space<vmem>>, vector<16xf32>,
      %lt3A_881 = arith.cmpf olt, %get3A_880, %scan3A_873 : vector<16xf32>
      %select_n3A_882 = arith.select %lt3A_881, %get3A_880, %scan3A_873 : vector<16xi1>, vector<16xf32>
      %broadcast_in_dim3A_883 = vector.broadcast %scan3A_872 : i32 to vector<16xi32>
      %select_n3A_884 = arith.select %lt3A_881, %broadcast_in_dim3A_883, %scan3A_874 : vector<16xi1>, vector<16xi32>
      scf.yield %select_n3A_882, %select_n3A_884 : vector<16xf32>, vector<16xi32>
    }
    %scan3A_441 = arith.constant 512 : i32
    %add3A_442 = arith.constant 512 : i32
    %add3A_443 = vector.broadcast %add3A_442 : i32 to vector<16xi32>
    %add3A_444 = arith.addi %add3A_443, %scan3A_440#1 : vector<16xi32>
    %mul3A_445 = arith.constant 16 : i32
    %mul3A_446 = vector.broadcast %mul3A_445 : i32 to vector<16xi32>
    %mul3A_447 = arith.muli %add3A_444, %mul3A_446 : vector<16xi32>
    %add3A_448 = arith.addi %mul3A_447, %iota3A : vector<16xi32>
    tpu.vector_store_idx %arg6[%add3A_448], %broadcast_in_dim3A_42 : memref<32768xf32, #tpu.memory_space<vmem>>[vector<16xi32>], vector<16xf32>,
    %add3A_449 = arith.constant 16 : i32
    %add3A_450 = vector.broadcast %add3A_449 : i32 to vector<16xi32>
    %add3A_451 = arith.addi %add3A_450, %iota3A : vector<16xi32>
    %mul3A_452 = arith.constant 512 : i32
    %mul3A_453 = vector.broadcast %mul3A_452 : i32 to vector<16xi32>
    %mul3A_454 = arith.muli %add3A_451, %mul3A_453 : vector<16xi32>
    %add3A_455 = arith.addi %mul3A_454, %scan3A_440#1 : vector<16xi32>
    tpu.vector_store_idx %arg7[%add3A_455], %broadcast_in_dim3A_44 : memref<32768xf32, #tpu.memory_space<vmem>>[vector<16xi32>], vector<16xf32>,
    %add3A_456 = arith.constant 32 : i32
    %add3A_457 = arith.addi %mul3A_32, %add3A_456 : i32
    %get3A_458 = arith.index_cast %add3A_457 : i32 to index
    %get3A_459 = tpu.vector_load %arg4[%get3A_458] {strides = array<i32>} : memref<512xf32, #tpu.memory_space<vmem>>, vector<16xf32>,
    %add3A_460 = arith.constant 32 : i32
    %add3A_461 = arith.addi %mul3A_32, %add3A_460 : i32
    %get3A_462 = arith.index_cast %add3A_461 : i32 to index
    %get3A_463 = tpu.vector_load %arg5[%get3A_462] {strides = array<i32>} : memref<512xf32, #tpu.memory_space<vmem>>, vector<16xf32>,
    %scan3A_464 = arith.constant 0 : i32
    %scan3A_465 = arith.constant 0 : i32
    %scan3A_466 = arith.constant 32 : i32
    %scan3A_467 = arith.addi %scan3A_465, %scan3A_466 : i32
    %scan3A_468 = arith.constant 1 : i32
    %scan3A_469 = scf.for %scan3A_872 = %scan3A_465 to %scan3A_467 step %scan3A_468 iter_args(%scan3A_873 = %scan3A_464) -> (i32)  : i32 {
      %mul3A_874 = arith.constant 16 : i32
      %mul3A_875 = arith.muli %scan3A_872, %mul3A_874 : i32
      %get3A_876 = arith.index_cast %mul3A_875 : i32 to index
      %get3A_877 = tpu.vector_load %arg4[%get3A_876] {strides = array<i32>} : memref<512xf32, #tpu.memory_space<vmem>>, vector<16xf32>,
      %mul3A_878 = arith.constant 16 : i32
      %mul3A_879 = arith.muli %scan3A_872, %mul3A_878 : i32
      %get3A_880 = arith.index_cast %mul3A_879 : i32 to index
      %get3A_881 = tpu.vector_load %arg5[%get3A_880] {strides = array<i32>} : memref<512xf32, #tpu.memory_space<vmem>>, vector<16xf32>,
      %slice3A = vector.extract_strided_slice %get3A_877 {offsets = [0], sizes = [1], strides = [1]} : vector<16xf32> to vector<1xf32>
      %squeeze3A = vector.extract %slice3A[0] : f32 from vector<1xf32>
      %sub3A_882 = vector.broadcast %squeeze3A : f32 to vector<16xf32>
      %sub3A_883 = arith.subf %get3A_459, %sub3A_882 : vector<16xf32>
      %slice3A_884 = vector.extract_strided_slice %get3A_881 {offsets = [0], sizes = [1], strides = [1]} : vector<16xf32> to vector<1xf32>
      %squeeze3A_885 = vector.extract %slice3A_884[0] : f32 from vector<1xf32>
      %sub3A_886 = vector.broadcast %squeeze3A_885 : f32 to vector<16xf32>
      %sub3A_887 = arith.subf %get3A_463, %sub3A_886 : vector<16xf32>
      %mul3A_888 = arith.mulf %sub3A_883, %sub3A_883 : vector<16xf32>
      %mul3A_889 = arith.mulf %sub3A_887, %sub3A_887 : vector<16xf32>
      %add3A_890 = arith.addf %mul3A_888, %mul3A_889 : vector<16xf32>
      %mul3A_891 = arith.constant 16 : i32
      %mul3A_892 = arith.muli %scan3A_872, %mul3A_891 : i32
      %add3A_893 = arith.constant 1024 : i32
      %add3A_894 = arith.addi %add3A_893, %mul3A_892 : i32
      %add3A_895 = arith.constant 0 : i32
      %add3A_896 = arith.addi %add3A_894, %add3A_895 : i32
      %mul3A_897 = arith.constant 16 : i32
      %mul3A_898 = arith.muli %add3A_896, %mul3A_897 : i32
      %swap3A = arith.index_cast %mul3A_898 : i32 to index
      %swap3A_899 = tpu.vector_load %arg6[%swap3A] {strides = array<i32>} : memref<32768xf32, #tpu.memory_space<vmem>>, vector<16xf32>,
      tpu.vector_store %arg6[%swap3A], %add3A_890 {strides = array<i32>} : memref<32768xf32, #tpu.memory_space<vmem>>, vector<16xf32>,
      %slice3A_900 = vector.extract_strided_slice %get3A_877 {offsets = [1], sizes = [1], strides = [1]} : vector<16xf32> to vector<1xf32>
      %squeeze3A_901 = vector.extract %slice3A_900[0] : f32 from vector<1xf32>
      %sub3A_902 = vector.broadcast %squeeze3A_901 : f32 to vector<16xf32>
      %sub3A_903 = arith.subf %get3A_459, %sub3A_902 : vector<16xf32>
      %slice3A_904 = vector.extract_strided_slice %get3A_881 {offsets = [1], sizes = [1], strides = [1]} : vector<16xf32> to vector<1xf32>
      %squeeze3A_905 = vector.extract %slice3A_904[0] : f32 from vector<1xf32>
      %sub3A_906 = vector.broadcast %squeeze3A_905 : f32 to vector<16xf32>
      %sub3A_907 = arith.subf %get3A_463, %sub3A_906 : vector<16xf32>
      %mul3A_908 = arith.mulf %sub3A_903, %sub3A_903 : vector<16xf32>
      %mul3A_909 = arith.mulf %sub3A_907, %sub3A_907 : vector<16xf32>
      %add3A_910 = arith.addf %mul3A_908, %mul3A_909 : vector<16xf32>
      %mul3A_911 = arith.constant 16 : i32
      %mul3A_912 = arith.muli %scan3A_872, %mul3A_911 : i32
      %add3A_913 = arith.constant 1024 : i32
      %add3A_914 = arith.addi %add3A_913, %mul3A_912 : i32
      %add3A_915 = arith.constant 1 : i32
      %add3A_916 = arith.addi %add3A_914, %add3A_915 : i32
      %mul3A_917 = arith.constant 16 : i32
      %mul3A_918 = arith.muli %add3A_916, %mul3A_917 : i32
      %swap3A_919 = arith.index_cast %mul3A_918 : i32 to index
      %swap3A_920 = tpu.vector_load %arg6[%swap3A_919] {strides = array<i32>} : memref<32768xf32, #tpu.memory_space<vmem>>, vector<16xf32>,
      tpu.vector_store %arg6[%swap3A_919], %add3A_910 {strides = array<i32>} : memref<32768xf32, #tpu.memory_space<vmem>>, vector<16xf32>,
      %slice3A_921 = vector.extract_strided_slice %get3A_877 {offsets = [2], sizes = [1], strides = [1]} : vector<16xf32> to vector<1xf32>
      %squeeze3A_922 = vector.extract %slice3A_921[0] : f32 from vector<1xf32>
      %sub3A_923 = vector.broadcast %squeeze3A_922 : f32 to vector<16xf32>
      %sub3A_924 = arith.subf %get3A_459, %sub3A_923 : vector<16xf32>
      %slice3A_925 = vector.extract_strided_slice %get3A_881 {offsets = [2], sizes = [1], strides = [1]} : vector<16xf32> to vector<1xf32>
      %squeeze3A_926 = vector.extract %slice3A_925[0] : f32 from vector<1xf32>
      %sub3A_927 = vector.broadcast %squeeze3A_926 : f32 to vector<16xf32>
      %sub3A_928 = arith.subf %get3A_463, %sub3A_927 : vector<16xf32>
      %mul3A_929 = arith.mulf %sub3A_924, %sub3A_924 : vector<16xf32>
      %mul3A_930 = arith.mulf %sub3A_928, %sub3A_928 : vector<16xf32>
      %add3A_931 = arith.addf %mul3A_929, %mul3A_930 : vector<16xf32>
      %mul3A_932 = arith.constant 16 : i32
      %mul3A_933 = arith.muli %scan3A_872, %mul3A_932 : i32
      %add3A_934 = arith.constant 1024 : i32
      %add3A_935 = arith.addi %add3A_934, %mul3A_933 : i32
      %add3A_936 = arith.constant 2 : i32
      %add3A_937 = arith.addi %add3A_935, %add3A_936 : i32
      %mul3A_938 = arith.constant 16 : i32
      %mul3A_939 = arith.muli %add3A_937, %mul3A_938 : i32
      %swap3A_940 = arith.index_cast %mul3A_939 : i32 to index
      %swap3A_941 = tpu.vector_load %arg6[%swap3A_940] {strides = array<i32>} : memref<32768xf32, #tpu.memory_space<vmem>>, vector<16xf32>,
      tpu.vector_store %arg6[%swap3A_940], %add3A_931 {strides = array<i32>} : memref<32768xf32, #tpu.memory_space<vmem>>, vector<16xf32>,
      %slice3A_942 = vector.extract_strided_slice %get3A_877 {offsets = [3], sizes = [1], strides = [1]} : vector<16xf32> to vector<1xf32>
      %squeeze3A_943 = vector.extract %slice3A_942[0] : f32 from vector<1xf32>
      %sub3A_944 = vector.broadcast %squeeze3A_943 : f32 to vector<16xf32>
      %sub3A_945 = arith.subf %get3A_459, %sub3A_944 : vector<16xf32>
      %slice3A_946 = vector.extract_strided_slice %get3A_881 {offsets = [3], sizes = [1], strides = [1]} : vector<16xf32> to vector<1xf32>
      %squeeze3A_947 = vector.extract %slice3A_946[0] : f32 from vector<1xf32>
      %sub3A_948 = vector.broadcast %squeeze3A_947 : f32 to vector<16xf32>
      %sub3A_949 = arith.subf %get3A_463, %sub3A_948 : vector<16xf32>
      %mul3A_950 = arith.mulf %sub3A_945, %sub3A_945 : vector<16xf32>
      %mul3A_951 = arith.mulf %sub3A_949, %sub3A_949 : vector<16xf32>
      %add3A_952 = arith.addf %mul3A_950, %mul3A_951 : vector<16xf32>
      %mul3A_953 = arith.constant 16 : i32
      %mul3A_954 = arith.muli %scan3A_872, %mul3A_953 : i32
      %add3A_955 = arith.constant 1024 : i32
      %add3A_956 = arith.addi %add3A_955, %mul3A_954 : i32
      %add3A_957 = arith.constant 3 : i32
      %add3A_958 = arith.addi %add3A_956, %add3A_957 : i32
      %mul3A_959 = arith.constant 16 : i32
      %mul3A_960 = arith.muli %add3A_958, %mul3A_959 : i32
      %swap3A_961 = arith.index_cast %mul3A_960 : i32 to index
      %swap3A_962 = tpu.vector_load %arg6[%swap3A_961] {strides = array<i32>} : memref<32768xf32, #tpu.memory_space<vmem>>, vector<16xf32>,
      tpu.vector_store %arg6[%swap3A_961], %add3A_952 {strides = array<i32>} : memref<32768xf32, #tpu.memory_space<vmem>>, vector<16xf32>,
      %slice3A_963 = vector.extract_strided_slice %get3A_877 {offsets = [4], sizes = [1], strides = [1]} : vector<16xf32> to vector<1xf32>
      %squeeze3A_964 = vector.extract %slice3A_963[0] : f32 from vector<1xf32>
      %sub3A_965 = vector.broadcast %squeeze3A_964 : f32 to vector<16xf32>
      %sub3A_966 = arith.subf %get3A_459, %sub3A_965 : vector<16xf32>
      %slice3A_967 = vector.extract_strided_slice %get3A_881 {offsets = [4], sizes = [1], strides = [1]} : vector<16xf32> to vector<1xf32>
      %squeeze3A_968 = vector.extract %slice3A_967[0] : f32 from vector<1xf32>
      %sub3A_969 = vector.broadcast %squeeze3A_968 : f32 to vector<16xf32>
      %sub3A_970 = arith.subf %get3A_463, %sub3A_969 : vector<16xf32>
      %mul3A_971 = arith.mulf %sub3A_966, %sub3A_966 : vector<16xf32>
      %mul3A_972 = arith.mulf %sub3A_970, %sub3A_970 : vector<16xf32>
      %add3A_973 = arith.addf %mul3A_971, %mul3A_972 : vector<16xf32>
      %mul3A_974 = arith.constant 16 : i32
      %mul3A_975 = arith.muli %scan3A_872, %mul3A_974 : i32
      %add3A_976 = arith.constant 1024 : i32
      %add3A_977 = arith.addi %add3A_976, %mul3A_975 : i32
      %add3A_978 = arith.constant 4 : i32
      %add3A_979 = arith.addi %add3A_977, %add3A_978 : i32
      %mul3A_980 = arith.constant 16 : i32
      %mul3A_981 = arith.muli %add3A_979, %mul3A_980 : i32
      %swap3A_982 = arith.index_cast %mul3A_981 : i32 to index
      %swap3A_983 = tpu.vector_load %arg6[%swap3A_982] {strides = array<i32>} : memref<32768xf32, #tpu.memory_space<vmem>>, vector<16xf32>,
      tpu.vector_store %arg6[%swap3A_982], %add3A_973 {strides = array<i32>} : memref<32768xf32, #tpu.memory_space<vmem>>, vector<16xf32>,
      %slice3A_984 = vector.extract_strided_slice %get3A_877 {offsets = [5], sizes = [1], strides = [1]} : vector<16xf32> to vector<1xf32>
      %squeeze3A_985 = vector.extract %slice3A_984[0] : f32 from vector<1xf32>
      %sub3A_986 = vector.broadcast %squeeze3A_985 : f32 to vector<16xf32>
      %sub3A_987 = arith.subf %get3A_459, %sub3A_986 : vector<16xf32>
      %slice3A_988 = vector.extract_strided_slice %get3A_881 {offsets = [5], sizes = [1], strides = [1]} : vector<16xf32> to vector<1xf32>
      %squeeze3A_989 = vector.extract %slice3A_988[0] : f32 from vector<1xf32>
      %sub3A_990 = vector.broadcast %squeeze3A_989 : f32 to vector<16xf32>
      %sub3A_991 = arith.subf %get3A_463, %sub3A_990 : vector<16xf32>
      %mul3A_992 = arith.mulf %sub3A_987, %sub3A_987 : vector<16xf32>
      %mul3A_993 = arith.mulf %sub3A_991, %sub3A_991 : vector<16xf32>
      %add3A_994 = arith.addf %mul3A_992, %mul3A_993 : vector<16xf32>
      %mul3A_995 = arith.constant 16 : i32
      %mul3A_996 = arith.muli %scan3A_872, %mul3A_995 : i32
      %add3A_997 = arith.constant 1024 : i32
      %add3A_998 = arith.addi %add3A_997, %mul3A_996 : i32
      %add3A_999 = arith.constant 5 : i32
      %add3A_1000 = arith.addi %add3A_998, %add3A_999 : i32
      %mul3A_1001 = arith.constant 16 : i32
      %mul3A_1002 = arith.muli %add3A_1000, %mul3A_1001 : i32
      %swap3A_1003 = arith.index_cast %mul3A_1002 : i32 to index
      %swap3A_1004 = tpu.vector_load %arg6[%swap3A_1003] {strides = array<i32>} : memref<32768xf32, #tpu.memory_space<vmem>>, vector<16xf32>,
      tpu.vector_store %arg6[%swap3A_1003], %add3A_994 {strides = array<i32>} : memref<32768xf32, #tpu.memory_space<vmem>>, vector<16xf32>,
      %slice3A_1005 = vector.extract_strided_slice %get3A_877 {offsets = [6], sizes = [1], strides = [1]} : vector<16xf32> to vector<1xf32>
      %squeeze3A_1006 = vector.extract %slice3A_1005[0] : f32 from vector<1xf32>
      %sub3A_1007 = vector.broadcast %squeeze3A_1006 : f32 to vector<16xf32>
      %sub3A_1008 = arith.subf %get3A_459, %sub3A_1007 : vector<16xf32>
      %slice3A_1009 = vector.extract_strided_slice %get3A_881 {offsets = [6], sizes = [1], strides = [1]} : vector<16xf32> to vector<1xf32>
      %squeeze3A_1010 = vector.extract %slice3A_1009[0] : f32 from vector<1xf32>
      %sub3A_1011 = vector.broadcast %squeeze3A_1010 : f32 to vector<16xf32>
      %sub3A_1012 = arith.subf %get3A_463, %sub3A_1011 : vector<16xf32>
      %mul3A_1013 = arith.mulf %sub3A_1008, %sub3A_1008 : vector<16xf32>
      %mul3A_1014 = arith.mulf %sub3A_1012, %sub3A_1012 : vector<16xf32>
      %add3A_1015 = arith.addf %mul3A_1013, %mul3A_1014 : vector<16xf32>
      %mul3A_1016 = arith.constant 16 : i32
      %mul3A_1017 = arith.muli %scan3A_872, %mul3A_1016 : i32
      %add3A_1018 = arith.constant 1024 : i32
      %add3A_1019 = arith.addi %add3A_1018, %mul3A_1017 : i32
      %add3A_1020 = arith.constant 6 : i32
      %add3A_1021 = arith.addi %add3A_1019, %add3A_1020 : i32
      %mul3A_1022 = arith.constant 16 : i32
      %mul3A_1023 = arith.muli %add3A_1021, %mul3A_1022 : i32
      %swap3A_1024 = arith.index_cast %mul3A_1023 : i32 to index
      %swap3A_1025 = tpu.vector_load %arg6[%swap3A_1024] {strides = array<i32>} : memref<32768xf32, #tpu.memory_space<vmem>>, vector<16xf32>,
      tpu.vector_store %arg6[%swap3A_1024], %add3A_1015 {strides = array<i32>} : memref<32768xf32, #tpu.memory_space<vmem>>, vector<16xf32>,
      %slice3A_1026 = vector.extract_strided_slice %get3A_877 {offsets = [7], sizes = [1], strides = [1]} : vector<16xf32> to vector<1xf32>
      %squeeze3A_1027 = vector.extract %slice3A_1026[0] : f32 from vector<1xf32>
      %sub3A_1028 = vector.broadcast %squeeze3A_1027 : f32 to vector<16xf32>
      %sub3A_1029 = arith.subf %get3A_459, %sub3A_1028 : vector<16xf32>
      %slice3A_1030 = vector.extract_strided_slice %get3A_881 {offsets = [7], sizes = [1], strides = [1]} : vector<16xf32> to vector<1xf32>
      %squeeze3A_1031 = vector.extract %slice3A_1030[0] : f32 from vector<1xf32>
      %sub3A_1032 = vector.broadcast %squeeze3A_1031 : f32 to vector<16xf32>
      %sub3A_1033 = arith.subf %get3A_463, %sub3A_1032 : vector<16xf32>
      %mul3A_1034 = arith.mulf %sub3A_1029, %sub3A_1029 : vector<16xf32>
      %mul3A_1035 = arith.mulf %sub3A_1033, %sub3A_1033 : vector<16xf32>
      %add3A_1036 = arith.addf %mul3A_1034, %mul3A_1035 : vector<16xf32>
      %mul3A_1037 = arith.constant 16 : i32
      %mul3A_1038 = arith.muli %scan3A_872, %mul3A_1037 : i32
      %add3A_1039 = arith.constant 1024 : i32
      %add3A_1040 = arith.addi %add3A_1039, %mul3A_1038 : i32
      %add3A_1041 = arith.constant 7 : i32
      %add3A_1042 = arith.addi %add3A_1040, %add3A_1041 : i32
      %mul3A_1043 = arith.constant 16 : i32
      %mul3A_1044 = arith.muli %add3A_1042, %mul3A_1043 : i32
      %swap3A_1045 = arith.index_cast %mul3A_1044 : i32 to index
      %swap3A_1046 = tpu.vector_load %arg6[%swap3A_1045] {strides = array<i32>} : memref<32768xf32, #tpu.memory_space<vmem>>, vector<16xf32>,
      tpu.vector_store %arg6[%swap3A_1045], %add3A_1036 {strides = array<i32>} : memref<32768xf32, #tpu.memory_space<vmem>>, vector<16xf32>,
      %slice3A_1047 = vector.extract_strided_slice %get3A_877 {offsets = [8], sizes = [1], strides = [1]} : vector<16xf32> to vector<1xf32>
      %squeeze3A_1048 = vector.extract %slice3A_1047[0] : f32 from vector<1xf32>
      %sub3A_1049 = vector.broadcast %squeeze3A_1048 : f32 to vector<16xf32>
      %sub3A_1050 = arith.subf %get3A_459, %sub3A_1049 : vector<16xf32>
      %slice3A_1051 = vector.extract_strided_slice %get3A_881 {offsets = [8], sizes = [1], strides = [1]} : vector<16xf32> to vector<1xf32>
      %squeeze3A_1052 = vector.extract %slice3A_1051[0] : f32 from vector<1xf32>
      %sub3A_1053 = vector.broadcast %squeeze3A_1052 : f32 to vector<16xf32>
      %sub3A_1054 = arith.subf %get3A_463, %sub3A_1053 : vector<16xf32>
      %mul3A_1055 = arith.mulf %sub3A_1050, %sub3A_1050 : vector<16xf32>
      %mul3A_1056 = arith.mulf %sub3A_1054, %sub3A_1054 : vector<16xf32>
      %add3A_1057 = arith.addf %mul3A_1055, %mul3A_1056 : vector<16xf32>
      %mul3A_1058 = arith.constant 16 : i32
      %mul3A_1059 = arith.muli %scan3A_872, %mul3A_1058 : i32
      %add3A_1060 = arith.constant 1024 : i32
      %add3A_1061 = arith.addi %add3A_1060, %mul3A_1059 : i32
      %add3A_1062 = arith.constant 8 : i32
      %add3A_1063 = arith.addi %add3A_1061, %add3A_1062 : i32
      %mul3A_1064 = arith.constant 16 : i32
      %mul3A_1065 = arith.muli %add3A_1063, %mul3A_1064 : i32
      %swap3A_1066 = arith.index_cast %mul3A_1065 : i32 to index
      %swap3A_1067 = tpu.vector_load %arg6[%swap3A_1066] {strides = array<i32>} : memref<32768xf32, #tpu.memory_space<vmem>>, vector<16xf32>,
      tpu.vector_store %arg6[%swap3A_1066], %add3A_1057 {strides = array<i32>} : memref<32768xf32, #tpu.memory_space<vmem>>, vector<16xf32>,
      %slice3A_1068 = vector.extract_strided_slice %get3A_877 {offsets = [9], sizes = [1], strides = [1]} : vector<16xf32> to vector<1xf32>
      %squeeze3A_1069 = vector.extract %slice3A_1068[0] : f32 from vector<1xf32>
      %sub3A_1070 = vector.broadcast %squeeze3A_1069 : f32 to vector<16xf32>
      %sub3A_1071 = arith.subf %get3A_459, %sub3A_1070 : vector<16xf32>
      %slice3A_1072 = vector.extract_strided_slice %get3A_881 {offsets = [9], sizes = [1], strides = [1]} : vector<16xf32> to vector<1xf32>
      %squeeze3A_1073 = vector.extract %slice3A_1072[0] : f32 from vector<1xf32>
      %sub3A_1074 = vector.broadcast %squeeze3A_1073 : f32 to vector<16xf32>
      %sub3A_1075 = arith.subf %get3A_463, %sub3A_1074 : vector<16xf32>
      %mul3A_1076 = arith.mulf %sub3A_1071, %sub3A_1071 : vector<16xf32>
      %mul3A_1077 = arith.mulf %sub3A_1075, %sub3A_1075 : vector<16xf32>
      %add3A_1078 = arith.addf %mul3A_1076, %mul3A_1077 : vector<16xf32>
      %mul3A_1079 = arith.constant 16 : i32
      %mul3A_1080 = arith.muli %scan3A_872, %mul3A_1079 : i32
      %add3A_1081 = arith.constant 1024 : i32
      %add3A_1082 = arith.addi %add3A_1081, %mul3A_1080 : i32
      %add3A_1083 = arith.constant 9 : i32
      %add3A_1084 = arith.addi %add3A_1082, %add3A_1083 : i32
      %mul3A_1085 = arith.constant 16 : i32
      %mul3A_1086 = arith.muli %add3A_1084, %mul3A_1085 : i32
      %swap3A_1087 = arith.index_cast %mul3A_1086 : i32 to index
      %swap3A_1088 = tpu.vector_load %arg6[%swap3A_1087] {strides = array<i32>} : memref<32768xf32, #tpu.memory_space<vmem>>, vector<16xf32>,
      tpu.vector_store %arg6[%swap3A_1087], %add3A_1078 {strides = array<i32>} : memref<32768xf32, #tpu.memory_space<vmem>>, vector<16xf32>,
      %slice3A_1089 = vector.extract_strided_slice %get3A_877 {offsets = [10], sizes = [1], strides = [1]} : vector<16xf32> to vector<1xf32>
      %squeeze3A_1090 = vector.extract %slice3A_1089[0] : f32 from vector<1xf32>
      %sub3A_1091 = vector.broadcast %squeeze3A_1090 : f32 to vector<16xf32>
      %sub3A_1092 = arith.subf %get3A_459, %sub3A_1091 : vector<16xf32>
      %slice3A_1093 = vector.extract_strided_slice %get3A_881 {offsets = [10], sizes = [1], strides = [1]} : vector<16xf32> to vector<1xf32>
      %squeeze3A_1094 = vector.extract %slice3A_1093[0] : f32 from vector<1xf32>
      %sub3A_1095 = vector.broadcast %squeeze3A_1094 : f32 to vector<16xf32>
      %sub3A_1096 = arith.subf %get3A_463, %sub3A_1095 : vector<16xf32>
      %mul3A_1097 = arith.mulf %sub3A_1092, %sub3A_1092 : vector<16xf32>
      %mul3A_1098 = arith.mulf %sub3A_1096, %sub3A_1096 : vector<16xf32>
      %add3A_1099 = arith.addf %mul3A_1097, %mul3A_1098 : vector<16xf32>
      %mul3A_1100 = arith.constant 16 : i32
      %mul3A_1101 = arith.muli %scan3A_872, %mul3A_1100 : i32
      %add3A_1102 = arith.constant 1024 : i32
      %add3A_1103 = arith.addi %add3A_1102, %mul3A_1101 : i32
      %add3A_1104 = arith.constant 10 : i32
      %add3A_1105 = arith.addi %add3A_1103, %add3A_1104 : i32
      %mul3A_1106 = arith.constant 16 : i32
      %mul3A_1107 = arith.muli %add3A_1105, %mul3A_1106 : i32
      %swap3A_1108 = arith.index_cast %mul3A_1107 : i32 to index
      %swap3A_1109 = tpu.vector_load %arg6[%swap3A_1108] {strides = array<i32>} : memref<32768xf32, #tpu.memory_space<vmem>>, vector<16xf32>,
      tpu.vector_store %arg6[%swap3A_1108], %add3A_1099 {strides = array<i32>} : memref<32768xf32, #tpu.memory_space<vmem>>, vector<16xf32>,
      %slice3A_1110 = vector.extract_strided_slice %get3A_877 {offsets = [11], sizes = [1], strides = [1]} : vector<16xf32> to vector<1xf32>
      %squeeze3A_1111 = vector.extract %slice3A_1110[0] : f32 from vector<1xf32>
      %sub3A_1112 = vector.broadcast %squeeze3A_1111 : f32 to vector<16xf32>
      %sub3A_1113 = arith.subf %get3A_459, %sub3A_1112 : vector<16xf32>
      %slice3A_1114 = vector.extract_strided_slice %get3A_881 {offsets = [11], sizes = [1], strides = [1]} : vector<16xf32> to vector<1xf32>
      %squeeze3A_1115 = vector.extract %slice3A_1114[0] : f32 from vector<1xf32>
      %sub3A_1116 = vector.broadcast %squeeze3A_1115 : f32 to vector<16xf32>
      %sub3A_1117 = arith.subf %get3A_463, %sub3A_1116 : vector<16xf32>
      %mul3A_1118 = arith.mulf %sub3A_1113, %sub3A_1113 : vector<16xf32>
      %mul3A_1119 = arith.mulf %sub3A_1117, %sub3A_1117 : vector<16xf32>
      %add3A_1120 = arith.addf %mul3A_1118, %mul3A_1119 : vector<16xf32>
      %mul3A_1121 = arith.constant 16 : i32
      %mul3A_1122 = arith.muli %scan3A_872, %mul3A_1121 : i32
      %add3A_1123 = arith.constant 1024 : i32
      %add3A_1124 = arith.addi %add3A_1123, %mul3A_1122 : i32
      %add3A_1125 = arith.constant 11 : i32
      %add3A_1126 = arith.addi %add3A_1124, %add3A_1125 : i32
      %mul3A_1127 = arith.constant 16 : i32
      %mul3A_1128 = arith.muli %add3A_1126, %mul3A_1127 : i32
      %swap3A_1129 = arith.index_cast %mul3A_1128 : i32 to index
      %swap3A_1130 = tpu.vector_load %arg6[%swap3A_1129] {strides = array<i32>} : memref<32768xf32, #tpu.memory_space<vmem>>, vector<16xf32>,
      tpu.vector_store %arg6[%swap3A_1129], %add3A_1120 {strides = array<i32>} : memref<32768xf32, #tpu.memory_space<vmem>>, vector<16xf32>,
      %slice3A_1131 = vector.extract_strided_slice %get3A_877 {offsets = [12], sizes = [1], strides = [1]} : vector<16xf32> to vector<1xf32>
      %squeeze3A_1132 = vector.extract %slice3A_1131[0] : f32 from vector<1xf32>
      %sub3A_1133 = vector.broadcast %squeeze3A_1132 : f32 to vector<16xf32>
      %sub3A_1134 = arith.subf %get3A_459, %sub3A_1133 : vector<16xf32>
      %slice3A_1135 = vector.extract_strided_slice %get3A_881 {offsets = [12], sizes = [1], strides = [1]} : vector<16xf32> to vector<1xf32>
      %squeeze3A_1136 = vector.extract %slice3A_1135[0] : f32 from vector<1xf32>
      %sub3A_1137 = vector.broadcast %squeeze3A_1136 : f32 to vector<16xf32>
      %sub3A_1138 = arith.subf %get3A_463, %sub3A_1137 : vector<16xf32>
      %mul3A_1139 = arith.mulf %sub3A_1134, %sub3A_1134 : vector<16xf32>
      %mul3A_1140 = arith.mulf %sub3A_1138, %sub3A_1138 : vector<16xf32>
      %add3A_1141 = arith.addf %mul3A_1139, %mul3A_1140 : vector<16xf32>
      %mul3A_1142 = arith.constant 16 : i32
      %mul3A_1143 = arith.muli %scan3A_872, %mul3A_1142 : i32
      %add3A_1144 = arith.constant 1024 : i32
      %add3A_1145 = arith.addi %add3A_1144, %mul3A_1143 : i32
      %add3A_1146 = arith.constant 12 : i32
      %add3A_1147 = arith.addi %add3A_1145, %add3A_1146 : i32
      %mul3A_1148 = arith.constant 16 : i32
      %mul3A_1149 = arith.muli %add3A_1147, %mul3A_1148 : i32
      %swap3A_1150 = arith.index_cast %mul3A_1149 : i32 to index
      %swap3A_1151 = tpu.vector_load %arg6[%swap3A_1150] {strides = array<i32>} : memref<32768xf32, #tpu.memory_space<vmem>>, vector<16xf32>,
      tpu.vector_store %arg6[%swap3A_1150], %add3A_1141 {strides = array<i32>} : memref<32768xf32, #tpu.memory_space<vmem>>, vector<16xf32>,
      %slice3A_1152 = vector.extract_strided_slice %get3A_877 {offsets = [13], sizes = [1], strides = [1]} : vector<16xf32> to vector<1xf32>
      %squeeze3A_1153 = vector.extract %slice3A_1152[0] : f32 from vector<1xf32>
      %sub3A_1154 = vector.broadcast %squeeze3A_1153 : f32 to vector<16xf32>
      %sub3A_1155 = arith.subf %get3A_459, %sub3A_1154 : vector<16xf32>
      %slice3A_1156 = vector.extract_strided_slice %get3A_881 {offsets = [13], sizes = [1], strides = [1]} : vector<16xf32> to vector<1xf32>
      %squeeze3A_1157 = vector.extract %slice3A_1156[0] : f32 from vector<1xf32>
      %sub3A_1158 = vector.broadcast %squeeze3A_1157 : f32 to vector<16xf32>
      %sub3A_1159 = arith.subf %get3A_463, %sub3A_1158 : vector<16xf32>
      %mul3A_1160 = arith.mulf %sub3A_1155, %sub3A_1155 : vector<16xf32>
      %mul3A_1161 = arith.mulf %sub3A_1159, %sub3A_1159 : vector<16xf32>
      %add3A_1162 = arith.addf %mul3A_1160, %mul3A_1161 : vector<16xf32>
      %mul3A_1163 = arith.constant 16 : i32
      %mul3A_1164 = arith.muli %scan3A_872, %mul3A_1163 : i32
      %add3A_1165 = arith.constant 1024 : i32
      %add3A_1166 = arith.addi %add3A_1165, %mul3A_1164 : i32
      %add3A_1167 = arith.constant 13 : i32
      %add3A_1168 = arith.addi %add3A_1166, %add3A_1167 : i32
      %mul3A_1169 = arith.constant 16 : i32
      %mul3A_1170 = arith.muli %add3A_1168, %mul3A_1169 : i32
      %swap3A_1171 = arith.index_cast %mul3A_1170 : i32 to index
      %swap3A_1172 = tpu.vector_load %arg6[%swap3A_1171] {strides = array<i32>} : memref<32768xf32, #tpu.memory_space<vmem>>, vector<16xf32>,
      tpu.vector_store %arg6[%swap3A_1171], %add3A_1162 {strides = array<i32>} : memref<32768xf32, #tpu.memory_space<vmem>>, vector<16xf32>,
      %slice3A_1173 = vector.extract_strided_slice %get3A_877 {offsets = [14], sizes = [1], strides = [1]} : vector<16xf32> to vector<1xf32>
      %squeeze3A_1174 = vector.extract %slice3A_1173[0] : f32 from vector<1xf32>
      %sub3A_1175 = vector.broadcast %squeeze3A_1174 : f32 to vector<16xf32>
      %sub3A_1176 = arith.subf %get3A_459, %sub3A_1175 : vector<16xf32>
      %slice3A_1177 = vector.extract_strided_slice %get3A_881 {offsets = [14], sizes = [1], strides = [1]} : vector<16xf32> to vector<1xf32>
      %squeeze3A_1178 = vector.extract %slice3A_1177[0] : f32 from vector<1xf32>
      %sub3A_1179 = vector.broadcast %squeeze3A_1178 : f32 to vector<16xf32>
      %sub3A_1180 = arith.subf %get3A_463, %sub3A_1179 : vector<16xf32>
      %mul3A_1181 = arith.mulf %sub3A_1176, %sub3A_1176 : vector<16xf32>
      %mul3A_1182 = arith.mulf %sub3A_1180, %sub3A_1180 : vector<16xf32>
      %add3A_1183 = arith.addf %mul3A_1181, %mul3A_1182 : vector<16xf32>
      %mul3A_1184 = arith.constant 16 : i32
      %mul3A_1185 = arith.muli %scan3A_872, %mul3A_1184 : i32
      %add3A_1186 = arith.constant 1024 : i32
      %add3A_1187 = arith.addi %add3A_1186, %mul3A_1185 : i32
      %add3A_1188 = arith.constant 14 : i32
      %add3A_1189 = arith.addi %add3A_1187, %add3A_1188 : i32
      %mul3A_1190 = arith.constant 16 : i32
      %mul3A_1191 = arith.muli %add3A_1189, %mul3A_1190 : i32
      %swap3A_1192 = arith.index_cast %mul3A_1191 : i32 to index
      %swap3A_1193 = tpu.vector_load %arg6[%swap3A_1192] {strides = array<i32>} : memref<32768xf32, #tpu.memory_space<vmem>>, vector<16xf32>,
      tpu.vector_store %arg6[%swap3A_1192], %add3A_1183 {strides = array<i32>} : memref<32768xf32, #tpu.memory_space<vmem>>, vector<16xf32>,
      %slice3A_1194 = vector.extract_strided_slice %get3A_877 {offsets = [15], sizes = [1], strides = [1]} : vector<16xf32> to vector<1xf32>
      %squeeze3A_1195 = vector.extract %slice3A_1194[0] : f32 from vector<1xf32>
      %sub3A_1196 = vector.broadcast %squeeze3A_1195 : f32 to vector<16xf32>
      %sub3A_1197 = arith.subf %get3A_459, %sub3A_1196 : vector<16xf32>
      %slice3A_1198 = vector.extract_strided_slice %get3A_881 {offsets = [15], sizes = [1], strides = [1]} : vector<16xf32> to vector<1xf32>
      %squeeze3A_1199 = vector.extract %slice3A_1198[0] : f32 from vector<1xf32>
      %sub3A_1200 = vector.broadcast %squeeze3A_1199 : f32 to vector<16xf32>
      %sub3A_1201 = arith.subf %get3A_463, %sub3A_1200 : vector<16xf32>
      %mul3A_1202 = arith.mulf %sub3A_1197, %sub3A_1197 : vector<16xf32>
      %mul3A_1203 = arith.mulf %sub3A_1201, %sub3A_1201 : vector<16xf32>
      %add3A_1204 = arith.addf %mul3A_1202, %mul3A_1203 : vector<16xf32>
      %mul3A_1205 = arith.constant 16 : i32
      %mul3A_1206 = arith.muli %scan3A_872, %mul3A_1205 : i32
      %add3A_1207 = arith.constant 1024 : i32
      %add3A_1208 = arith.addi %add3A_1207, %mul3A_1206 : i32
      %add3A_1209 = arith.constant 15 : i32
      %add3A_1210 = arith.addi %add3A_1208, %add3A_1209 : i32
      %mul3A_1211 = arith.constant 16 : i32
      %mul3A_1212 = arith.muli %add3A_1210, %mul3A_1211 : i32
      %swap3A_1213 = arith.index_cast %mul3A_1212 : i32 to index
      %swap3A_1214 = tpu.vector_load %arg6[%swap3A_1213] {strides = array<i32>} : memref<32768xf32, #tpu.memory_space<vmem>>, vector<16xf32>,
      tpu.vector_store %arg6[%swap3A_1213], %add3A_1204 {strides = array<i32>} : memref<32768xf32, #tpu.memory_space<vmem>>, vector<16xf32>,
      %scan3A_1215 = arith.constant 0 : i32
      scf.yield %scan3A_1215 : i32
    }
    %scan3A_470 = arith.constant 32 : i32
    %broadcast_in_dim3A_471 = arith.constant 0 : i32
    %broadcast_in_dim3A_472 = vector.broadcast %broadcast_in_dim3A_471 : i32 to vector<16xi32>
    %scan3A_473 = arith.constant 0 : i32
    %scan3A_474 = arith.constant 512 : i32
    %scan3A_475 = arith.addi %scan3A_473, %scan3A_474 : i32
    %scan3A_476 = arith.constant 1 : i32
    %scan3A_477:2 = scf.for %scan3A_872 = %scan3A_473 to %scan3A_475 step %scan3A_476 iter_args(%scan3A_873 = %broadcast_in_dim3A_42, %scan3A_874 = %broadcast_in_dim3A_472) -> (vector<16xf32>, vector<16xi32>)  : i32 {
      %add3A_875 = arith.constant 1024 : i32
      %add3A_876 = arith.addi %add3A_875, %scan3A_872 : i32
      %mul3A_877 = arith.constant 16 : i32
      %mul3A_878 = arith.muli %add3A_876, %mul3A_877 : i32
      %get3A_879 = arith.index_cast %mul3A_878 : i32 to index
      %get3A_880 = tpu.vector_load %arg6[%get3A_879] {strides = array<i32>} : memref<32768xf32, #tpu.memory_space<vmem>>, vector<16xf32>,
      %lt3A_881 = arith.cmpf olt, %get3A_880, %scan3A_873 : vector<16xf32>
      %select_n3A_882 = arith.select %lt3A_881, %get3A_880, %scan3A_873 : vector<16xi1>, vector<16xf32>
      %broadcast_in_dim3A_883 = vector.broadcast %scan3A_872 : i32 to vector<16xi32>
      %select_n3A_884 = arith.select %lt3A_881, %broadcast_in_dim3A_883, %scan3A_874 : vector<16xi1>, vector<16xi32>
      scf.yield %select_n3A_882, %select_n3A_884 : vector<16xf32>, vector<16xi32>
    }
    %scan3A_478 = arith.constant 512 : i32
    %add3A_479 = arith.constant 1024 : i32
    %add3A_480 = vector.broadcast %add3A_479 : i32 to vector<16xi32>
    %add3A_481 = arith.addi %add3A_480, %scan3A_477#1 : vector<16xi32>
    %mul3A_482 = arith.constant 16 : i32
    %mul3A_483 = vector.broadcast %mul3A_482 : i32 to vector<16xi32>
    %mul3A_484 = arith.muli %add3A_481, %mul3A_483 : vector<16xi32>
    %add3A_485 = arith.addi %mul3A_484, %iota3A : vector<16xi32>
    tpu.vector_store_idx %arg6[%add3A_485], %broadcast_in_dim3A_42 : memref<32768xf32, #tpu.memory_space<vmem>>[vector<16xi32>], vector<16xf32>,
    %broadcast_in_dim3A_486 = arith.constant 0 : i32
    %broadcast_in_dim3A_487 = vector.broadcast %broadcast_in_dim3A_486 : i32 to vector<16xi32>
    %scan3A_488 = arith.constant 0 : i32
    %scan3A_489 = arith.constant 512 : i32
    %scan3A_490 = arith.addi %scan3A_488, %scan3A_489 : i32
    %scan3A_491 = arith.constant 1 : i32
    %scan3A_492:2 = scf.for %scan3A_872 = %scan3A_488 to %scan3A_490 step %scan3A_491 iter_args(%scan3A_873 = %broadcast_in_dim3A_42, %scan3A_874 = %broadcast_in_dim3A_487) -> (vector<16xf32>, vector<16xi32>)  : i32 {
      %add3A_875 = arith.constant 1024 : i32
      %add3A_876 = arith.addi %add3A_875, %scan3A_872 : i32
      %mul3A_877 = arith.constant 16 : i32
      %mul3A_878 = arith.muli %add3A_876, %mul3A_877 : i32
      %get3A_879 = arith.index_cast %mul3A_878 : i32 to index
      %get3A_880 = tpu.vector_load %arg6[%get3A_879] {strides = array<i32>} : memref<32768xf32, #tpu.memory_space<vmem>>, vector<16xf32>,
      %lt3A_881 = arith.cmpf olt, %get3A_880, %scan3A_873 : vector<16xf32>
      %select_n3A_882 = arith.select %lt3A_881, %get3A_880, %scan3A_873 : vector<16xi1>, vector<16xf32>
      %broadcast_in_dim3A_883 = vector.broadcast %scan3A_872 : i32 to vector<16xi32>
      %select_n3A_884 = arith.select %lt3A_881, %broadcast_in_dim3A_883, %scan3A_874 : vector<16xi1>, vector<16xi32>
      scf.yield %select_n3A_882, %select_n3A_884 : vector<16xf32>, vector<16xi32>
    }
    %scan3A_493 = arith.constant 512 : i32
    %add3A_494 = arith.constant 1024 : i32
    %add3A_495 = vector.broadcast %add3A_494 : i32 to vector<16xi32>
    %add3A_496 = arith.addi %add3A_495, %scan3A_492#1 : vector<16xi32>
    %mul3A_497 = arith.constant 16 : i32
    %mul3A_498 = vector.broadcast %mul3A_497 : i32 to vector<16xi32>
    %mul3A_499 = arith.muli %add3A_496, %mul3A_498 : vector<16xi32>
    %add3A_500 = arith.addi %mul3A_499, %iota3A : vector<16xi32>
    tpu.vector_store_idx %arg6[%add3A_500], %broadcast_in_dim3A_42 : memref<32768xf32, #tpu.memory_space<vmem>>[vector<16xi32>], vector<16xf32>,
    %add3A_501 = arith.constant 32 : i32
    %add3A_502 = vector.broadcast %add3A_501 : i32 to vector<16xi32>
    %add3A_503 = arith.addi %add3A_502, %iota3A : vector<16xi32>
    %mul3A_504 = arith.constant 512 : i32
    %mul3A_505 = vector.broadcast %mul3A_504 : i32 to vector<16xi32>
    %mul3A_506 = arith.muli %add3A_503, %mul3A_505 : vector<16xi32>
    %add3A_507 = arith.addi %mul3A_506, %scan3A_492#1 : vector<16xi32>
    tpu.vector_store_idx %arg7[%add3A_507], %broadcast_in_dim3A_44 : memref<32768xf32, #tpu.memory_space<vmem>>[vector<16xi32>], vector<16xf32>,
    %broadcast_in_dim3A_508 = arith.constant 0 : i32
    %broadcast_in_dim3A_509 = vector.broadcast %broadcast_in_dim3A_508 : i32 to vector<16xi32>
    %scan3A_510 = arith.constant 0 : i32
    %scan3A_511 = arith.constant 512 : i32
    %scan3A_512 = arith.addi %scan3A_510, %scan3A_511 : i32
    %scan3A_513 = arith.constant 1 : i32
    %scan3A_514:2 = scf.for %scan3A_872 = %scan3A_510 to %scan3A_512 step %scan3A_513 iter_args(%scan3A_873 = %broadcast_in_dim3A_42, %scan3A_874 = %broadcast_in_dim3A_509) -> (vector<16xf32>, vector<16xi32>)  : i32 {
      %add3A_875 = arith.constant 1024 : i32
      %add3A_876 = arith.addi %add3A_875, %scan3A_872 : i32
      %mul3A_877 = arith.constant 16 : i32
      %mul3A_878 = arith.muli %add3A_876, %mul3A_877 : i32
      %get3A_879 = arith.index_cast %mul3A_878 : i32 to index
      %get3A_880 = tpu.vector_load %arg6[%get3A_879] {strides = array<i32>} : memref<32768xf32, #tpu.memory_space<vmem>>, vector<16xf32>,
      %lt3A_881 = arith.cmpf olt, %get3A_880, %scan3A_873 : vector<16xf32>
      %select_n3A_882 = arith.select %lt3A_881, %get3A_880, %scan3A_873 : vector<16xi1>, vector<16xf32>
      %broadcast_in_dim3A_883 = vector.broadcast %scan3A_872 : i32 to vector<16xi32>
      %select_n3A_884 = arith.select %lt3A_881, %broadcast_in_dim3A_883, %scan3A_874 : vector<16xi1>, vector<16xi32>
      scf.yield %select_n3A_882, %select_n3A_884 : vector<16xf32>, vector<16xi32>
    }
    %scan3A_515 = arith.constant 512 : i32
    %add3A_516 = arith.constant 1024 : i32
    %add3A_517 = vector.broadcast %add3A_516 : i32 to vector<16xi32>
    %add3A_518 = arith.addi %add3A_517, %scan3A_514#1 : vector<16xi32>
    %mul3A_519 = arith.constant 16 : i32
    %mul3A_520 = vector.broadcast %mul3A_519 : i32 to vector<16xi32>
    %mul3A_521 = arith.muli %add3A_518, %mul3A_520 : vector<16xi32>
    %add3A_522 = arith.addi %mul3A_521, %iota3A : vector<16xi32>
    tpu.vector_store_idx %arg6[%add3A_522], %broadcast_in_dim3A_42 : memref<32768xf32, #tpu.memory_space<vmem>>[vector<16xi32>], vector<16xf32>,
    %add3A_523 = arith.constant 32 : i32
    %add3A_524 = vector.broadcast %add3A_523 : i32 to vector<16xi32>
    %add3A_525 = arith.addi %add3A_524, %iota3A : vector<16xi32>
    %mul3A_526 = arith.constant 512 : i32
    %mul3A_527 = vector.broadcast %mul3A_526 : i32 to vector<16xi32>
    %mul3A_528 = arith.muli %add3A_525, %mul3A_527 : vector<16xi32>
    %add3A_529 = arith.addi %mul3A_528, %scan3A_514#1 : vector<16xi32>
    tpu.vector_store_idx %arg7[%add3A_529], %broadcast_in_dim3A_44 : memref<32768xf32, #tpu.memory_space<vmem>>[vector<16xi32>], vector<16xf32>,
    %broadcast_in_dim3A_530 = arith.constant 0 : i32
    %broadcast_in_dim3A_531 = vector.broadcast %broadcast_in_dim3A_530 : i32 to vector<16xi32>
    %scan3A_532 = arith.constant 0 : i32
    %scan3A_533 = arith.constant 512 : i32
    %scan3A_534 = arith.addi %scan3A_532, %scan3A_533 : i32
    %scan3A_535 = arith.constant 1 : i32
    %scan3A_536:2 = scf.for %scan3A_872 = %scan3A_532 to %scan3A_534 step %scan3A_535 iter_args(%scan3A_873 = %broadcast_in_dim3A_42, %scan3A_874 = %broadcast_in_dim3A_531) -> (vector<16xf32>, vector<16xi32>)  : i32 {
      %add3A_875 = arith.constant 1024 : i32
      %add3A_876 = arith.addi %add3A_875, %scan3A_872 : i32
      %mul3A_877 = arith.constant 16 : i32
      %mul3A_878 = arith.muli %add3A_876, %mul3A_877 : i32
      %get3A_879 = arith.index_cast %mul3A_878 : i32 to index
      %get3A_880 = tpu.vector_load %arg6[%get3A_879] {strides = array<i32>} : memref<32768xf32, #tpu.memory_space<vmem>>, vector<16xf32>,
      %lt3A_881 = arith.cmpf olt, %get3A_880, %scan3A_873 : vector<16xf32>
      %select_n3A_882 = arith.select %lt3A_881, %get3A_880, %scan3A_873 : vector<16xi1>, vector<16xf32>
      %broadcast_in_dim3A_883 = vector.broadcast %scan3A_872 : i32 to vector<16xi32>
      %select_n3A_884 = arith.select %lt3A_881, %broadcast_in_dim3A_883, %scan3A_874 : vector<16xi1>, vector<16xi32>
      scf.yield %select_n3A_882, %select_n3A_884 : vector<16xf32>, vector<16xi32>
    }
    %scan3A_537 = arith.constant 512 : i32
    %add3A_538 = arith.constant 1024 : i32
    %add3A_539 = vector.broadcast %add3A_538 : i32 to vector<16xi32>
    %add3A_540 = arith.addi %add3A_539, %scan3A_536#1 : vector<16xi32>
    %mul3A_541 = arith.constant 16 : i32
    %mul3A_542 = vector.broadcast %mul3A_541 : i32 to vector<16xi32>
    %mul3A_543 = arith.muli %add3A_540, %mul3A_542 : vector<16xi32>
    %add3A_544 = arith.addi %mul3A_543, %iota3A : vector<16xi32>
    tpu.vector_store_idx %arg6[%add3A_544], %broadcast_in_dim3A_42 : memref<32768xf32, #tpu.memory_space<vmem>>[vector<16xi32>], vector<16xf32>,
    %add3A_545 = arith.constant 32 : i32
    %add3A_546 = vector.broadcast %add3A_545 : i32 to vector<16xi32>
    %add3A_547 = arith.addi %add3A_546, %iota3A : vector<16xi32>
    %mul3A_548 = arith.constant 512 : i32
    %mul3A_549 = vector.broadcast %mul3A_548 : i32 to vector<16xi32>
    %mul3A_550 = arith.muli %add3A_547, %mul3A_549 : vector<16xi32>
    %add3A_551 = arith.addi %mul3A_550, %scan3A_536#1 : vector<16xi32>
    tpu.vector_store_idx %arg7[%add3A_551], %broadcast_in_dim3A_44 : memref<32768xf32, #tpu.memory_space<vmem>>[vector<16xi32>], vector<16xf32>,
    %broadcast_in_dim3A_552 = arith.constant 0 : i32
    %broadcast_in_dim3A_553 = vector.broadcast %broadcast_in_dim3A_552 : i32 to vector<16xi32>
    %scan3A_554 = arith.constant 0 : i32
    %scan3A_555 = arith.constant 512 : i32
    %scan3A_556 = arith.addi %scan3A_554, %scan3A_555 : i32
    %scan3A_557 = arith.constant 1 : i32
    %scan3A_558:2 = scf.for %scan3A_872 = %scan3A_554 to %scan3A_556 step %scan3A_557 iter_args(%scan3A_873 = %broadcast_in_dim3A_42, %scan3A_874 = %broadcast_in_dim3A_553) -> (vector<16xf32>, vector<16xi32>)  : i32 {
      %add3A_875 = arith.constant 1024 : i32
      %add3A_876 = arith.addi %add3A_875, %scan3A_872 : i32
      %mul3A_877 = arith.constant 16 : i32
      %mul3A_878 = arith.muli %add3A_876, %mul3A_877 : i32
      %get3A_879 = arith.index_cast %mul3A_878 : i32 to index
      %get3A_880 = tpu.vector_load %arg6[%get3A_879] {strides = array<i32>} : memref<32768xf32, #tpu.memory_space<vmem>>, vector<16xf32>,
      %lt3A_881 = arith.cmpf olt, %get3A_880, %scan3A_873 : vector<16xf32>
      %select_n3A_882 = arith.select %lt3A_881, %get3A_880, %scan3A_873 : vector<16xi1>, vector<16xf32>
      %broadcast_in_dim3A_883 = vector.broadcast %scan3A_872 : i32 to vector<16xi32>
      %select_n3A_884 = arith.select %lt3A_881, %broadcast_in_dim3A_883, %scan3A_874 : vector<16xi1>, vector<16xi32>
      scf.yield %select_n3A_882, %select_n3A_884 : vector<16xf32>, vector<16xi32>
    }
    %scan3A_559 = arith.constant 512 : i32
    %add3A_560 = arith.constant 1024 : i32
    %add3A_561 = vector.broadcast %add3A_560 : i32 to vector<16xi32>
    %add3A_562 = arith.addi %add3A_561, %scan3A_558#1 : vector<16xi32>
    %mul3A_563 = arith.constant 16 : i32
    %mul3A_564 = vector.broadcast %mul3A_563 : i32 to vector<16xi32>
    %mul3A_565 = arith.muli %add3A_562, %mul3A_564 : vector<16xi32>
    %add3A_566 = arith.addi %mul3A_565, %iota3A : vector<16xi32>
    tpu.vector_store_idx %arg6[%add3A_566], %broadcast_in_dim3A_42 : memref<32768xf32, #tpu.memory_space<vmem>>[vector<16xi32>], vector<16xf32>,
    %add3A_567 = arith.constant 32 : i32
    %add3A_568 = vector.broadcast %add3A_567 : i32 to vector<16xi32>
    %add3A_569 = arith.addi %add3A_568, %iota3A : vector<16xi32>
    %mul3A_570 = arith.constant 512 : i32
    %mul3A_571 = vector.broadcast %mul3A_570 : i32 to vector<16xi32>
    %mul3A_572 = arith.muli %add3A_569, %mul3A_571 : vector<16xi32>
    %add3A_573 = arith.addi %mul3A_572, %scan3A_558#1 : vector<16xi32>
    tpu.vector_store_idx %arg7[%add3A_573], %broadcast_in_dim3A_44 : memref<32768xf32, #tpu.memory_space<vmem>>[vector<16xi32>], vector<16xf32>,
    %broadcast_in_dim3A_574 = arith.constant 0 : i32
    %broadcast_in_dim3A_575 = vector.broadcast %broadcast_in_dim3A_574 : i32 to vector<16xi32>
    %scan3A_576 = arith.constant 0 : i32
    %scan3A_577 = arith.constant 512 : i32
    %scan3A_578 = arith.addi %scan3A_576, %scan3A_577 : i32
    %scan3A_579 = arith.constant 1 : i32
    %scan3A_580:2 = scf.for %scan3A_872 = %scan3A_576 to %scan3A_578 step %scan3A_579 iter_args(%scan3A_873 = %broadcast_in_dim3A_42, %scan3A_874 = %broadcast_in_dim3A_575) -> (vector<16xf32>, vector<16xi32>)  : i32 {
      %add3A_875 = arith.constant 1024 : i32
      %add3A_876 = arith.addi %add3A_875, %scan3A_872 : i32
      %mul3A_877 = arith.constant 16 : i32
      %mul3A_878 = arith.muli %add3A_876, %mul3A_877 : i32
      %get3A_879 = arith.index_cast %mul3A_878 : i32 to index
      %get3A_880 = tpu.vector_load %arg6[%get3A_879] {strides = array<i32>} : memref<32768xf32, #tpu.memory_space<vmem>>, vector<16xf32>,
      %lt3A_881 = arith.cmpf olt, %get3A_880, %scan3A_873 : vector<16xf32>
      %select_n3A_882 = arith.select %lt3A_881, %get3A_880, %scan3A_873 : vector<16xi1>, vector<16xf32>
      %broadcast_in_dim3A_883 = vector.broadcast %scan3A_872 : i32 to vector<16xi32>
      %select_n3A_884 = arith.select %lt3A_881, %broadcast_in_dim3A_883, %scan3A_874 : vector<16xi1>, vector<16xi32>
      scf.yield %select_n3A_882, %select_n3A_884 : vector<16xf32>, vector<16xi32>
    }
    %scan3A_581 = arith.constant 512 : i32
    %add3A_582 = arith.constant 1024 : i32
    %add3A_583 = vector.broadcast %add3A_582 : i32 to vector<16xi32>
    %add3A_584 = arith.addi %add3A_583, %scan3A_580#1 : vector<16xi32>
    %mul3A_585 = arith.constant 16 : i32
    %mul3A_586 = vector.broadcast %mul3A_585 : i32 to vector<16xi32>
    %mul3A_587 = arith.muli %add3A_584, %mul3A_586 : vector<16xi32>
    %add3A_588 = arith.addi %mul3A_587, %iota3A : vector<16xi32>
    tpu.vector_store_idx %arg6[%add3A_588], %broadcast_in_dim3A_42 : memref<32768xf32, #tpu.memory_space<vmem>>[vector<16xi32>], vector<16xf32>,
    %add3A_589 = arith.constant 32 : i32
    %add3A_590 = vector.broadcast %add3A_589 : i32 to vector<16xi32>
    %add3A_591 = arith.addi %add3A_590, %iota3A : vector<16xi32>
    %mul3A_592 = arith.constant 512 : i32
    %mul3A_593 = vector.broadcast %mul3A_592 : i32 to vector<16xi32>
    %mul3A_594 = arith.muli %add3A_591, %mul3A_593 : vector<16xi32>
    %add3A_595 = arith.addi %mul3A_594, %scan3A_580#1 : vector<16xi32>
    tpu.vector_store_idx %arg7[%add3A_595], %broadcast_in_dim3A_44 : memref<32768xf32, #tpu.memory_space<vmem>>[vector<16xi32>], vector<16xf32>,
    %broadcast_in_dim3A_596 = arith.constant 0 : i32
    %broadcast_in_dim3A_597 = vector.broadcast %broadcast_in_dim3A_596 : i32 to vector<16xi32>
    %scan3A_598 = arith.constant 0 : i32
    %scan3A_599 = arith.constant 512 : i32
    %scan3A_600 = arith.addi %scan3A_598, %scan3A_599 : i32
    %scan3A_601 = arith.constant 1 : i32
    %scan3A_602:2 = scf.for %scan3A_872 = %scan3A_598 to %scan3A_600 step %scan3A_601 iter_args(%scan3A_873 = %broadcast_in_dim3A_42, %scan3A_874 = %broadcast_in_dim3A_597) -> (vector<16xf32>, vector<16xi32>)  : i32 {
      %add3A_875 = arith.constant 1024 : i32
      %add3A_876 = arith.addi %add3A_875, %scan3A_872 : i32
      %mul3A_877 = arith.constant 16 : i32
      %mul3A_878 = arith.muli %add3A_876, %mul3A_877 : i32
      %get3A_879 = arith.index_cast %mul3A_878 : i32 to index
      %get3A_880 = tpu.vector_load %arg6[%get3A_879] {strides = array<i32>} : memref<32768xf32, #tpu.memory_space<vmem>>, vector<16xf32>,
      %lt3A_881 = arith.cmpf olt, %get3A_880, %scan3A_873 : vector<16xf32>
      %select_n3A_882 = arith.select %lt3A_881, %get3A_880, %scan3A_873 : vector<16xi1>, vector<16xf32>
      %broadcast_in_dim3A_883 = vector.broadcast %scan3A_872 : i32 to vector<16xi32>
      %select_n3A_884 = arith.select %lt3A_881, %broadcast_in_dim3A_883, %scan3A_874 : vector<16xi1>, vector<16xi32>
      scf.yield %select_n3A_882, %select_n3A_884 : vector<16xf32>, vector<16xi32>
    }
    %scan3A_603 = arith.constant 512 : i32
    %add3A_604 = arith.constant 1024 : i32
    %add3A_605 = vector.broadcast %add3A_604 : i32 to vector<16xi32>
    %add3A_606 = arith.addi %add3A_605, %scan3A_602#1 : vector<16xi32>
    %mul3A_607 = arith.constant 16 : i32
    %mul3A_608 = vector.broadcast %mul3A_607 : i32 to vector<16xi32>
    %mul3A_609 = arith.muli %add3A_606, %mul3A_608 : vector<16xi32>
    %add3A_610 = arith.addi %mul3A_609, %iota3A : vector<16xi32>
    tpu.vector_store_idx %arg6[%add3A_610], %broadcast_in_dim3A_42 : memref<32768xf32, #tpu.memory_space<vmem>>[vector<16xi32>], vector<16xf32>,
    %add3A_611 = arith.constant 32 : i32
    %add3A_612 = vector.broadcast %add3A_611 : i32 to vector<16xi32>
    %add3A_613 = arith.addi %add3A_612, %iota3A : vector<16xi32>
    %mul3A_614 = arith.constant 512 : i32
    %mul3A_615 = vector.broadcast %mul3A_614 : i32 to vector<16xi32>
    %mul3A_616 = arith.muli %add3A_613, %mul3A_615 : vector<16xi32>
    %add3A_617 = arith.addi %mul3A_616, %scan3A_602#1 : vector<16xi32>
    tpu.vector_store_idx %arg7[%add3A_617], %broadcast_in_dim3A_44 : memref<32768xf32, #tpu.memory_space<vmem>>[vector<16xi32>], vector<16xf32>,
    %broadcast_in_dim3A_618 = arith.constant 0 : i32
    %broadcast_in_dim3A_619 = vector.broadcast %broadcast_in_dim3A_618 : i32 to vector<16xi32>
    %scan3A_620 = arith.constant 0 : i32
    %scan3A_621 = arith.constant 512 : i32
    %scan3A_622 = arith.addi %scan3A_620, %scan3A_621 : i32
    %scan3A_623 = arith.constant 1 : i32
    %scan3A_624:2 = scf.for %scan3A_872 = %scan3A_620 to %scan3A_622 step %scan3A_623 iter_args(%scan3A_873 = %broadcast_in_dim3A_42, %scan3A_874 = %broadcast_in_dim3A_619) -> (vector<16xf32>, vector<16xi32>)  : i32 {
      %add3A_875 = arith.constant 1024 : i32
      %add3A_876 = arith.addi %add3A_875, %scan3A_872 : i32
      %mul3A_877 = arith.constant 16 : i32
      %mul3A_878 = arith.muli %add3A_876, %mul3A_877 : i32
      %get3A_879 = arith.index_cast %mul3A_878 : i32 to index
      %get3A_880 = tpu.vector_load %arg6[%get3A_879] {strides = array<i32>} : memref<32768xf32, #tpu.memory_space<vmem>>, vector<16xf32>,
      %lt3A_881 = arith.cmpf olt, %get3A_880, %scan3A_873 : vector<16xf32>
      %select_n3A_882 = arith.select %lt3A_881, %get3A_880, %scan3A_873 : vector<16xi1>, vector<16xf32>
      %broadcast_in_dim3A_883 = vector.broadcast %scan3A_872 : i32 to vector<16xi32>
      %select_n3A_884 = arith.select %lt3A_881, %broadcast_in_dim3A_883, %scan3A_874 : vector<16xi1>, vector<16xi32>
      scf.yield %select_n3A_882, %select_n3A_884 : vector<16xf32>, vector<16xi32>
    }
    %scan3A_625 = arith.constant 512 : i32
    %add3A_626 = arith.constant 1024 : i32
    %add3A_627 = vector.broadcast %add3A_626 : i32 to vector<16xi32>
    %add3A_628 = arith.addi %add3A_627, %scan3A_624#1 : vector<16xi32>
    %mul3A_629 = arith.constant 16 : i32
    %mul3A_630 = vector.broadcast %mul3A_629 : i32 to vector<16xi32>
    %mul3A_631 = arith.muli %add3A_628, %mul3A_630 : vector<16xi32>
    %add3A_632 = arith.addi %mul3A_631, %iota3A : vector<16xi32>
    tpu.vector_store_idx %arg6[%add3A_632], %broadcast_in_dim3A_42 : memref<32768xf32, #tpu.memory_space<vmem>>[vector<16xi32>], vector<16xf32>,
    %add3A_633 = arith.constant 32 : i32
    %add3A_634 = vector.broadcast %add3A_633 : i32 to vector<16xi32>
    %add3A_635 = arith.addi %add3A_634, %iota3A : vector<16xi32>
    %mul3A_636 = arith.constant 512 : i32
    %mul3A_637 = vector.broadcast %mul3A_636 : i32 to vector<16xi32>
    %mul3A_638 = arith.muli %add3A_635, %mul3A_637 : vector<16xi32>
    %add3A_639 = arith.addi %mul3A_638, %scan3A_624#1 : vector<16xi32>
    tpu.vector_store_idx %arg7[%add3A_639], %broadcast_in_dim3A_44 : memref<32768xf32, #tpu.memory_space<vmem>>[vector<16xi32>], vector<16xf32>,
    %broadcast_in_dim3A_640 = arith.constant 0 : i32
    %broadcast_in_dim3A_641 = vector.broadcast %broadcast_in_dim3A_640 : i32 to vector<16xi32>
    %scan3A_642 = arith.constant 0 : i32
    %scan3A_643 = arith.constant 512 : i32
    %scan3A_644 = arith.addi %scan3A_642, %scan3A_643 : i32
    %scan3A_645 = arith.constant 1 : i32
    %scan3A_646:2 = scf.for %scan3A_872 = %scan3A_642 to %scan3A_644 step %scan3A_645 iter_args(%scan3A_873 = %broadcast_in_dim3A_42, %scan3A_874 = %broadcast_in_dim3A_641) -> (vector<16xf32>, vector<16xi32>)  : i32 {
      %add3A_875 = arith.constant 1024 : i32
      %add3A_876 = arith.addi %add3A_875, %scan3A_872 : i32
      %mul3A_877 = arith.constant 16 : i32
      %mul3A_878 = arith.muli %add3A_876, %mul3A_877 : i32
      %get3A_879 = arith.index_cast %mul3A_878 : i32 to index
      %get3A_880 = tpu.vector_load %arg6[%get3A_879] {strides = array<i32>} : memref<32768xf32, #tpu.memory_space<vmem>>, vector<16xf32>,
      %lt3A_881 = arith.cmpf olt, %get3A_880, %scan3A_873 : vector<16xf32>
      %select_n3A_882 = arith.select %lt3A_881, %get3A_880, %scan3A_873 : vector<16xi1>, vector<16xf32>
      %broadcast_in_dim3A_883 = vector.broadcast %scan3A_872 : i32 to vector<16xi32>
      %select_n3A_884 = arith.select %lt3A_881, %broadcast_in_dim3A_883, %scan3A_874 : vector<16xi1>, vector<16xi32>
      scf.yield %select_n3A_882, %select_n3A_884 : vector<16xf32>, vector<16xi32>
    }
    %scan3A_647 = arith.constant 512 : i32
    %add3A_648 = arith.constant 1024 : i32
    %add3A_649 = vector.broadcast %add3A_648 : i32 to vector<16xi32>
    %add3A_650 = arith.addi %add3A_649, %scan3A_646#1 : vector<16xi32>
    %mul3A_651 = arith.constant 16 : i32
    %mul3A_652 = vector.broadcast %mul3A_651 : i32 to vector<16xi32>
    %mul3A_653 = arith.muli %add3A_650, %mul3A_652 : vector<16xi32>
    %add3A_654 = arith.addi %mul3A_653, %iota3A : vector<16xi32>
    tpu.vector_store_idx %arg6[%add3A_654], %broadcast_in_dim3A_42 : memref<32768xf32, #tpu.memory_space<vmem>>[vector<16xi32>], vector<16xf32>,
    %add3A_655 = arith.constant 32 : i32
    %add3A_656 = vector.broadcast %add3A_655 : i32 to vector<16xi32>
    %add3A_657 = arith.addi %add3A_656, %iota3A : vector<16xi32>
    %mul3A_658 = arith.constant 512 : i32
    %mul3A_659 = vector.broadcast %mul3A_658 : i32 to vector<16xi32>
    %mul3A_660 = arith.muli %add3A_657, %mul3A_659 : vector<16xi32>
    %add3A_661 = arith.addi %mul3A_660, %scan3A_646#1 : vector<16xi32>
    tpu.vector_store_idx %arg7[%add3A_661], %broadcast_in_dim3A_44 : memref<32768xf32, #tpu.memory_space<vmem>>[vector<16xi32>], vector<16xf32>,
    %add3A_662 = arith.constant 48 : i32
    %add3A_663 = arith.addi %mul3A_32, %add3A_662 : i32
    %get3A_664 = arith.index_cast %add3A_663 : i32 to index
    %get3A_665 = tpu.vector_load %arg4[%get3A_664] {strides = array<i32>} : memref<512xf32, #tpu.memory_space<vmem>>, vector<16xf32>,
    %add3A_666 = arith.constant 48 : i32
    %add3A_667 = arith.addi %mul3A_32, %add3A_666 : i32
    %get3A_668 = arith.index_cast %add3A_667 : i32 to index
    %get3A_669 = tpu.vector_load %arg5[%get3A_668] {strides = array<i32>} : memref<512xf32, #tpu.memory_space<vmem>>, vector<16xf32>,
    %scan3A_670 = arith.constant 0 : i32
    %scan3A_671 = arith.constant 0 : i32
    %scan3A_672 = arith.constant 32 : i32
    %scan3A_673 = arith.addi %scan3A_671, %scan3A_672 : i32
    %scan3A_674 = arith.constant 1 : i32
    %scan3A_675 = scf.for %scan3A_872 = %scan3A_671 to %scan3A_673 step %scan3A_674 iter_args(%scan3A_873 = %scan3A_670) -> (i32)  : i32 {
      %mul3A_874 = arith.constant 16 : i32
      %mul3A_875 = arith.muli %scan3A_872, %mul3A_874 : i32
      %get3A_876 = arith.index_cast %mul3A_875 : i32 to index
      %get3A_877 = tpu.vector_load %arg4[%get3A_876] {strides = array<i32>} : memref<512xf32, #tpu.memory_space<vmem>>, vector<16xf32>,
      %mul3A_878 = arith.constant 16 : i32
      %mul3A_879 = arith.muli %scan3A_872, %mul3A_878 : i32
      %get3A_880 = arith.index_cast %mul3A_879 : i32 to index
      %get3A_881 = tpu.vector_load %arg5[%get3A_880] {strides = array<i32>} : memref<512xf32, #tpu.memory_space<vmem>>, vector<16xf32>,
      %slice3A = vector.extract_strided_slice %get3A_877 {offsets = [0], sizes = [1], strides = [1]} : vector<16xf32> to vector<1xf32>
      %squeeze3A = vector.extract %slice3A[0] : f32 from vector<1xf32>
      %sub3A_882 = vector.broadcast %squeeze3A : f32 to vector<16xf32>
      %sub3A_883 = arith.subf %get3A_665, %sub3A_882 : vector<16xf32>
      %slice3A_884 = vector.extract_strided_slice %get3A_881 {offsets = [0], sizes = [1], strides = [1]} : vector<16xf32> to vector<1xf32>
      %squeeze3A_885 = vector.extract %slice3A_884[0] : f32 from vector<1xf32>
      %sub3A_886 = vector.broadcast %squeeze3A_885 : f32 to vector<16xf32>
      %sub3A_887 = arith.subf %get3A_669, %sub3A_886 : vector<16xf32>
      %mul3A_888 = arith.mulf %sub3A_883, %sub3A_883 : vector<16xf32>
      %mul3A_889 = arith.mulf %sub3A_887, %sub3A_887 : vector<16xf32>
      %add3A_890 = arith.addf %mul3A_888, %mul3A_889 : vector<16xf32>
      %mul3A_891 = arith.constant 16 : i32
      %mul3A_892 = arith.muli %scan3A_872, %mul3A_891 : i32
      %add3A_893 = arith.constant 1536 : i32
      %add3A_894 = arith.addi %add3A_893, %mul3A_892 : i32
      %add3A_895 = arith.constant 0 : i32
      %add3A_896 = arith.addi %add3A_894, %add3A_895 : i32
      %mul3A_897 = arith.constant 16 : i32
      %mul3A_898 = arith.muli %add3A_896, %mul3A_897 : i32
      %swap3A = arith.index_cast %mul3A_898 : i32 to index
      %swap3A_899 = tpu.vector_load %arg6[%swap3A] {strides = array<i32>} : memref<32768xf32, #tpu.memory_space<vmem>>, vector<16xf32>,
      tpu.vector_store %arg6[%swap3A], %add3A_890 {strides = array<i32>} : memref<32768xf32, #tpu.memory_space<vmem>>, vector<16xf32>,
      %slice3A_900 = vector.extract_strided_slice %get3A_877 {offsets = [1], sizes = [1], strides = [1]} : vector<16xf32> to vector<1xf32>
      %squeeze3A_901 = vector.extract %slice3A_900[0] : f32 from vector<1xf32>
      %sub3A_902 = vector.broadcast %squeeze3A_901 : f32 to vector<16xf32>
      %sub3A_903 = arith.subf %get3A_665, %sub3A_902 : vector<16xf32>
      %slice3A_904 = vector.extract_strided_slice %get3A_881 {offsets = [1], sizes = [1], strides = [1]} : vector<16xf32> to vector<1xf32>
      %squeeze3A_905 = vector.extract %slice3A_904[0] : f32 from vector<1xf32>
      %sub3A_906 = vector.broadcast %squeeze3A_905 : f32 to vector<16xf32>
      %sub3A_907 = arith.subf %get3A_669, %sub3A_906 : vector<16xf32>
      %mul3A_908 = arith.mulf %sub3A_903, %sub3A_903 : vector<16xf32>
      %mul3A_909 = arith.mulf %sub3A_907, %sub3A_907 : vector<16xf32>
      %add3A_910 = arith.addf %mul3A_908, %mul3A_909 : vector<16xf32>
      %mul3A_911 = arith.constant 16 : i32
      %mul3A_912 = arith.muli %scan3A_872, %mul3A_911 : i32
      %add3A_913 = arith.constant 1536 : i32
      %add3A_914 = arith.addi %add3A_913, %mul3A_912 : i32
      %add3A_915 = arith.constant 1 : i32
      %add3A_916 = arith.addi %add3A_914, %add3A_915 : i32
      %mul3A_917 = arith.constant 16 : i32
      %mul3A_918 = arith.muli %add3A_916, %mul3A_917 : i32
      %swap3A_919 = arith.index_cast %mul3A_918 : i32 to index
      %swap3A_920 = tpu.vector_load %arg6[%swap3A_919] {strides = array<i32>} : memref<32768xf32, #tpu.memory_space<vmem>>, vector<16xf32>,
      tpu.vector_store %arg6[%swap3A_919], %add3A_910 {strides = array<i32>} : memref<32768xf32, #tpu.memory_space<vmem>>, vector<16xf32>,
      %slice3A_921 = vector.extract_strided_slice %get3A_877 {offsets = [2], sizes = [1], strides = [1]} : vector<16xf32> to vector<1xf32>
      %squeeze3A_922 = vector.extract %slice3A_921[0] : f32 from vector<1xf32>
      %sub3A_923 = vector.broadcast %squeeze3A_922 : f32 to vector<16xf32>
      %sub3A_924 = arith.subf %get3A_665, %sub3A_923 : vector<16xf32>
      %slice3A_925 = vector.extract_strided_slice %get3A_881 {offsets = [2], sizes = [1], strides = [1]} : vector<16xf32> to vector<1xf32>
      %squeeze3A_926 = vector.extract %slice3A_925[0] : f32 from vector<1xf32>
      %sub3A_927 = vector.broadcast %squeeze3A_926 : f32 to vector<16xf32>
      %sub3A_928 = arith.subf %get3A_669, %sub3A_927 : vector<16xf32>
      %mul3A_929 = arith.mulf %sub3A_924, %sub3A_924 : vector<16xf32>
      %mul3A_930 = arith.mulf %sub3A_928, %sub3A_928 : vector<16xf32>
      %add3A_931 = arith.addf %mul3A_929, %mul3A_930 : vector<16xf32>
      %mul3A_932 = arith.constant 16 : i32
      %mul3A_933 = arith.muli %scan3A_872, %mul3A_932 : i32
      %add3A_934 = arith.constant 1536 : i32
      %add3A_935 = arith.addi %add3A_934, %mul3A_933 : i32
      %add3A_936 = arith.constant 2 : i32
      %add3A_937 = arith.addi %add3A_935, %add3A_936 : i32
      %mul3A_938 = arith.constant 16 : i32
      %mul3A_939 = arith.muli %add3A_937, %mul3A_938 : i32
      %swap3A_940 = arith.index_cast %mul3A_939 : i32 to index
      %swap3A_941 = tpu.vector_load %arg6[%swap3A_940] {strides = array<i32>} : memref<32768xf32, #tpu.memory_space<vmem>>, vector<16xf32>,
      tpu.vector_store %arg6[%swap3A_940], %add3A_931 {strides = array<i32>} : memref<32768xf32, #tpu.memory_space<vmem>>, vector<16xf32>,
      %slice3A_942 = vector.extract_strided_slice %get3A_877 {offsets = [3], sizes = [1], strides = [1]} : vector<16xf32> to vector<1xf32>
      %squeeze3A_943 = vector.extract %slice3A_942[0] : f32 from vector<1xf32>
      %sub3A_944 = vector.broadcast %squeeze3A_943 : f32 to vector<16xf32>
      %sub3A_945 = arith.subf %get3A_665, %sub3A_944 : vector<16xf32>
      %slice3A_946 = vector.extract_strided_slice %get3A_881 {offsets = [3], sizes = [1], strides = [1]} : vector<16xf32> to vector<1xf32>
      %squeeze3A_947 = vector.extract %slice3A_946[0] : f32 from vector<1xf32>
      %sub3A_948 = vector.broadcast %squeeze3A_947 : f32 to vector<16xf32>
      %sub3A_949 = arith.subf %get3A_669, %sub3A_948 : vector<16xf32>
      %mul3A_950 = arith.mulf %sub3A_945, %sub3A_945 : vector<16xf32>
      %mul3A_951 = arith.mulf %sub3A_949, %sub3A_949 : vector<16xf32>
      %add3A_952 = arith.addf %mul3A_950, %mul3A_951 : vector<16xf32>
      %mul3A_953 = arith.constant 16 : i32
      %mul3A_954 = arith.muli %scan3A_872, %mul3A_953 : i32
      %add3A_955 = arith.constant 1536 : i32
      %add3A_956 = arith.addi %add3A_955, %mul3A_954 : i32
      %add3A_957 = arith.constant 3 : i32
      %add3A_958 = arith.addi %add3A_956, %add3A_957 : i32
      %mul3A_959 = arith.constant 16 : i32
      %mul3A_960 = arith.muli %add3A_958, %mul3A_959 : i32
      %swap3A_961 = arith.index_cast %mul3A_960 : i32 to index
      %swap3A_962 = tpu.vector_load %arg6[%swap3A_961] {strides = array<i32>} : memref<32768xf32, #tpu.memory_space<vmem>>, vector<16xf32>,
      tpu.vector_store %arg6[%swap3A_961], %add3A_952 {strides = array<i32>} : memref<32768xf32, #tpu.memory_space<vmem>>, vector<16xf32>,
      %slice3A_963 = vector.extract_strided_slice %get3A_877 {offsets = [4], sizes = [1], strides = [1]} : vector<16xf32> to vector<1xf32>
      %squeeze3A_964 = vector.extract %slice3A_963[0] : f32 from vector<1xf32>
      %sub3A_965 = vector.broadcast %squeeze3A_964 : f32 to vector<16xf32>
      %sub3A_966 = arith.subf %get3A_665, %sub3A_965 : vector<16xf32>
      %slice3A_967 = vector.extract_strided_slice %get3A_881 {offsets = [4], sizes = [1], strides = [1]} : vector<16xf32> to vector<1xf32>
      %squeeze3A_968 = vector.extract %slice3A_967[0] : f32 from vector<1xf32>
      %sub3A_969 = vector.broadcast %squeeze3A_968 : f32 to vector<16xf32>
      %sub3A_970 = arith.subf %get3A_669, %sub3A_969 : vector<16xf32>
      %mul3A_971 = arith.mulf %sub3A_966, %sub3A_966 : vector<16xf32>
      %mul3A_972 = arith.mulf %sub3A_970, %sub3A_970 : vector<16xf32>
      %add3A_973 = arith.addf %mul3A_971, %mul3A_972 : vector<16xf32>
      %mul3A_974 = arith.constant 16 : i32
      %mul3A_975 = arith.muli %scan3A_872, %mul3A_974 : i32
      %add3A_976 = arith.constant 1536 : i32
      %add3A_977 = arith.addi %add3A_976, %mul3A_975 : i32
      %add3A_978 = arith.constant 4 : i32
      %add3A_979 = arith.addi %add3A_977, %add3A_978 : i32
      %mul3A_980 = arith.constant 16 : i32
      %mul3A_981 = arith.muli %add3A_979, %mul3A_980 : i32
      %swap3A_982 = arith.index_cast %mul3A_981 : i32 to index
      %swap3A_983 = tpu.vector_load %arg6[%swap3A_982] {strides = array<i32>} : memref<32768xf32, #tpu.memory_space<vmem>>, vector<16xf32>,
      tpu.vector_store %arg6[%swap3A_982], %add3A_973 {strides = array<i32>} : memref<32768xf32, #tpu.memory_space<vmem>>, vector<16xf32>,
      %slice3A_984 = vector.extract_strided_slice %get3A_877 {offsets = [5], sizes = [1], strides = [1]} : vector<16xf32> to vector<1xf32>
      %squeeze3A_985 = vector.extract %slice3A_984[0] : f32 from vector<1xf32>
      %sub3A_986 = vector.broadcast %squeeze3A_985 : f32 to vector<16xf32>
      %sub3A_987 = arith.subf %get3A_665, %sub3A_986 : vector<16xf32>
      %slice3A_988 = vector.extract_strided_slice %get3A_881 {offsets = [5], sizes = [1], strides = [1]} : vector<16xf32> to vector<1xf32>
      %squeeze3A_989 = vector.extract %slice3A_988[0] : f32 from vector<1xf32>
      %sub3A_990 = vector.broadcast %squeeze3A_989 : f32 to vector<16xf32>
      %sub3A_991 = arith.subf %get3A_669, %sub3A_990 : vector<16xf32>
      %mul3A_992 = arith.mulf %sub3A_987, %sub3A_987 : vector<16xf32>
      %mul3A_993 = arith.mulf %sub3A_991, %sub3A_991 : vector<16xf32>
      %add3A_994 = arith.addf %mul3A_992, %mul3A_993 : vector<16xf32>
      %mul3A_995 = arith.constant 16 : i32
      %mul3A_996 = arith.muli %scan3A_872, %mul3A_995 : i32
      %add3A_997 = arith.constant 1536 : i32
      %add3A_998 = arith.addi %add3A_997, %mul3A_996 : i32
      %add3A_999 = arith.constant 5 : i32
      %add3A_1000 = arith.addi %add3A_998, %add3A_999 : i32
      %mul3A_1001 = arith.constant 16 : i32
      %mul3A_1002 = arith.muli %add3A_1000, %mul3A_1001 : i32
      %swap3A_1003 = arith.index_cast %mul3A_1002 : i32 to index
      %swap3A_1004 = tpu.vector_load %arg6[%swap3A_1003] {strides = array<i32>} : memref<32768xf32, #tpu.memory_space<vmem>>, vector<16xf32>,
      tpu.vector_store %arg6[%swap3A_1003], %add3A_994 {strides = array<i32>} : memref<32768xf32, #tpu.memory_space<vmem>>, vector<16xf32>,
      %slice3A_1005 = vector.extract_strided_slice %get3A_877 {offsets = [6], sizes = [1], strides = [1]} : vector<16xf32> to vector<1xf32>
      %squeeze3A_1006 = vector.extract %slice3A_1005[0] : f32 from vector<1xf32>
      %sub3A_1007 = vector.broadcast %squeeze3A_1006 : f32 to vector<16xf32>
      %sub3A_1008 = arith.subf %get3A_665, %sub3A_1007 : vector<16xf32>
      %slice3A_1009 = vector.extract_strided_slice %get3A_881 {offsets = [6], sizes = [1], strides = [1]} : vector<16xf32> to vector<1xf32>
      %squeeze3A_1010 = vector.extract %slice3A_1009[0] : f32 from vector<1xf32>
      %sub3A_1011 = vector.broadcast %squeeze3A_1010 : f32 to vector<16xf32>
      %sub3A_1012 = arith.subf %get3A_669, %sub3A_1011 : vector<16xf32>
      %mul3A_1013 = arith.mulf %sub3A_1008, %sub3A_1008 : vector<16xf32>
      %mul3A_1014 = arith.mulf %sub3A_1012, %sub3A_1012 : vector<16xf32>
      %add3A_1015 = arith.addf %mul3A_1013, %mul3A_1014 : vector<16xf32>
      %mul3A_1016 = arith.constant 16 : i32
      %mul3A_1017 = arith.muli %scan3A_872, %mul3A_1016 : i32
      %add3A_1018 = arith.constant 1536 : i32
      %add3A_1019 = arith.addi %add3A_1018, %mul3A_1017 : i32
      %add3A_1020 = arith.constant 6 : i32
      %add3A_1021 = arith.addi %add3A_1019, %add3A_1020 : i32
      %mul3A_1022 = arith.constant 16 : i32
      %mul3A_1023 = arith.muli %add3A_1021, %mul3A_1022 : i32
      %swap3A_1024 = arith.index_cast %mul3A_1023 : i32 to index
      %swap3A_1025 = tpu.vector_load %arg6[%swap3A_1024] {strides = array<i32>} : memref<32768xf32, #tpu.memory_space<vmem>>, vector<16xf32>,
      tpu.vector_store %arg6[%swap3A_1024], %add3A_1015 {strides = array<i32>} : memref<32768xf32, #tpu.memory_space<vmem>>, vector<16xf32>,
      %slice3A_1026 = vector.extract_strided_slice %get3A_877 {offsets = [7], sizes = [1], strides = [1]} : vector<16xf32> to vector<1xf32>
      %squeeze3A_1027 = vector.extract %slice3A_1026[0] : f32 from vector<1xf32>
      %sub3A_1028 = vector.broadcast %squeeze3A_1027 : f32 to vector<16xf32>
      %sub3A_1029 = arith.subf %get3A_665, %sub3A_1028 : vector<16xf32>
      %slice3A_1030 = vector.extract_strided_slice %get3A_881 {offsets = [7], sizes = [1], strides = [1]} : vector<16xf32> to vector<1xf32>
      %squeeze3A_1031 = vector.extract %slice3A_1030[0] : f32 from vector<1xf32>
      %sub3A_1032 = vector.broadcast %squeeze3A_1031 : f32 to vector<16xf32>
      %sub3A_1033 = arith.subf %get3A_669, %sub3A_1032 : vector<16xf32>
      %mul3A_1034 = arith.mulf %sub3A_1029, %sub3A_1029 : vector<16xf32>
      %mul3A_1035 = arith.mulf %sub3A_1033, %sub3A_1033 : vector<16xf32>
      %add3A_1036 = arith.addf %mul3A_1034, %mul3A_1035 : vector<16xf32>
      %mul3A_1037 = arith.constant 16 : i32
      %mul3A_1038 = arith.muli %scan3A_872, %mul3A_1037 : i32
      %add3A_1039 = arith.constant 1536 : i32
      %add3A_1040 = arith.addi %add3A_1039, %mul3A_1038 : i32
      %add3A_1041 = arith.constant 7 : i32
      %add3A_1042 = arith.addi %add3A_1040, %add3A_1041 : i32
      %mul3A_1043 = arith.constant 16 : i32
      %mul3A_1044 = arith.muli %add3A_1042, %mul3A_1043 : i32
      %swap3A_1045 = arith.index_cast %mul3A_1044 : i32 to index
      %swap3A_1046 = tpu.vector_load %arg6[%swap3A_1045] {strides = array<i32>} : memref<32768xf32, #tpu.memory_space<vmem>>, vector<16xf32>,
      tpu.vector_store %arg6[%swap3A_1045], %add3A_1036 {strides = array<i32>} : memref<32768xf32, #tpu.memory_space<vmem>>, vector<16xf32>,
      %slice3A_1047 = vector.extract_strided_slice %get3A_877 {offsets = [8], sizes = [1], strides = [1]} : vector<16xf32> to vector<1xf32>
      %squeeze3A_1048 = vector.extract %slice3A_1047[0] : f32 from vector<1xf32>
      %sub3A_1049 = vector.broadcast %squeeze3A_1048 : f32 to vector<16xf32>
      %sub3A_1050 = arith.subf %get3A_665, %sub3A_1049 : vector<16xf32>
      %slice3A_1051 = vector.extract_strided_slice %get3A_881 {offsets = [8], sizes = [1], strides = [1]} : vector<16xf32> to vector<1xf32>
      %squeeze3A_1052 = vector.extract %slice3A_1051[0] : f32 from vector<1xf32>
      %sub3A_1053 = vector.broadcast %squeeze3A_1052 : f32 to vector<16xf32>
      %sub3A_1054 = arith.subf %get3A_669, %sub3A_1053 : vector<16xf32>
      %mul3A_1055 = arith.mulf %sub3A_1050, %sub3A_1050 : vector<16xf32>
      %mul3A_1056 = arith.mulf %sub3A_1054, %sub3A_1054 : vector<16xf32>
      %add3A_1057 = arith.addf %mul3A_1055, %mul3A_1056 : vector<16xf32>
      %mul3A_1058 = arith.constant 16 : i32
      %mul3A_1059 = arith.muli %scan3A_872, %mul3A_1058 : i32
      %add3A_1060 = arith.constant 1536 : i32
      %add3A_1061 = arith.addi %add3A_1060, %mul3A_1059 : i32
      %add3A_1062 = arith.constant 8 : i32
      %add3A_1063 = arith.addi %add3A_1061, %add3A_1062 : i32
      %mul3A_1064 = arith.constant 16 : i32
      %mul3A_1065 = arith.muli %add3A_1063, %mul3A_1064 : i32
      %swap3A_1066 = arith.index_cast %mul3A_1065 : i32 to index
      %swap3A_1067 = tpu.vector_load %arg6[%swap3A_1066] {strides = array<i32>} : memref<32768xf32, #tpu.memory_space<vmem>>, vector<16xf32>,
      tpu.vector_store %arg6[%swap3A_1066], %add3A_1057 {strides = array<i32>} : memref<32768xf32, #tpu.memory_space<vmem>>, vector<16xf32>,
      %slice3A_1068 = vector.extract_strided_slice %get3A_877 {offsets = [9], sizes = [1], strides = [1]} : vector<16xf32> to vector<1xf32>
      %squeeze3A_1069 = vector.extract %slice3A_1068[0] : f32 from vector<1xf32>
      %sub3A_1070 = vector.broadcast %squeeze3A_1069 : f32 to vector<16xf32>
      %sub3A_1071 = arith.subf %get3A_665, %sub3A_1070 : vector<16xf32>
      %slice3A_1072 = vector.extract_strided_slice %get3A_881 {offsets = [9], sizes = [1], strides = [1]} : vector<16xf32> to vector<1xf32>
      %squeeze3A_1073 = vector.extract %slice3A_1072[0] : f32 from vector<1xf32>
      %sub3A_1074 = vector.broadcast %squeeze3A_1073 : f32 to vector<16xf32>
      %sub3A_1075 = arith.subf %get3A_669, %sub3A_1074 : vector<16xf32>
      %mul3A_1076 = arith.mulf %sub3A_1071, %sub3A_1071 : vector<16xf32>
      %mul3A_1077 = arith.mulf %sub3A_1075, %sub3A_1075 : vector<16xf32>
      %add3A_1078 = arith.addf %mul3A_1076, %mul3A_1077 : vector<16xf32>
      %mul3A_1079 = arith.constant 16 : i32
      %mul3A_1080 = arith.muli %scan3A_872, %mul3A_1079 : i32
      %add3A_1081 = arith.constant 1536 : i32
      %add3A_1082 = arith.addi %add3A_1081, %mul3A_1080 : i32
      %add3A_1083 = arith.constant 9 : i32
      %add3A_1084 = arith.addi %add3A_1082, %add3A_1083 : i32
      %mul3A_1085 = arith.constant 16 : i32
      %mul3A_1086 = arith.muli %add3A_1084, %mul3A_1085 : i32
      %swap3A_1087 = arith.index_cast %mul3A_1086 : i32 to index
      %swap3A_1088 = tpu.vector_load %arg6[%swap3A_1087] {strides = array<i32>} : memref<32768xf32, #tpu.memory_space<vmem>>, vector<16xf32>,
      tpu.vector_store %arg6[%swap3A_1087], %add3A_1078 {strides = array<i32>} : memref<32768xf32, #tpu.memory_space<vmem>>, vector<16xf32>,
      %slice3A_1089 = vector.extract_strided_slice %get3A_877 {offsets = [10], sizes = [1], strides = [1]} : vector<16xf32> to vector<1xf32>
      %squeeze3A_1090 = vector.extract %slice3A_1089[0] : f32 from vector<1xf32>
      %sub3A_1091 = vector.broadcast %squeeze3A_1090 : f32 to vector<16xf32>
      %sub3A_1092 = arith.subf %get3A_665, %sub3A_1091 : vector<16xf32>
      %slice3A_1093 = vector.extract_strided_slice %get3A_881 {offsets = [10], sizes = [1], strides = [1]} : vector<16xf32> to vector<1xf32>
      %squeeze3A_1094 = vector.extract %slice3A_1093[0] : f32 from vector<1xf32>
      %sub3A_1095 = vector.broadcast %squeeze3A_1094 : f32 to vector<16xf32>
      %sub3A_1096 = arith.subf %get3A_669, %sub3A_1095 : vector<16xf32>
      %mul3A_1097 = arith.mulf %sub3A_1092, %sub3A_1092 : vector<16xf32>
      %mul3A_1098 = arith.mulf %sub3A_1096, %sub3A_1096 : vector<16xf32>
      %add3A_1099 = arith.addf %mul3A_1097, %mul3A_1098 : vector<16xf32>
      %mul3A_1100 = arith.constant 16 : i32
      %mul3A_1101 = arith.muli %scan3A_872, %mul3A_1100 : i32
      %add3A_1102 = arith.constant 1536 : i32
      %add3A_1103 = arith.addi %add3A_1102, %mul3A_1101 : i32
      %add3A_1104 = arith.constant 10 : i32
      %add3A_1105 = arith.addi %add3A_1103, %add3A_1104 : i32
      %mul3A_1106 = arith.constant 16 : i32
      %mul3A_1107 = arith.muli %add3A_1105, %mul3A_1106 : i32
      %swap3A_1108 = arith.index_cast %mul3A_1107 : i32 to index
      %swap3A_1109 = tpu.vector_load %arg6[%swap3A_1108] {strides = array<i32>} : memref<32768xf32, #tpu.memory_space<vmem>>, vector<16xf32>,
      tpu.vector_store %arg6[%swap3A_1108], %add3A_1099 {strides = array<i32>} : memref<32768xf32, #tpu.memory_space<vmem>>, vector<16xf32>,
      %slice3A_1110 = vector.extract_strided_slice %get3A_877 {offsets = [11], sizes = [1], strides = [1]} : vector<16xf32> to vector<1xf32>
      %squeeze3A_1111 = vector.extract %slice3A_1110[0] : f32 from vector<1xf32>
      %sub3A_1112 = vector.broadcast %squeeze3A_1111 : f32 to vector<16xf32>
      %sub3A_1113 = arith.subf %get3A_665, %sub3A_1112 : vector<16xf32>
      %slice3A_1114 = vector.extract_strided_slice %get3A_881 {offsets = [11], sizes = [1], strides = [1]} : vector<16xf32> to vector<1xf32>
      %squeeze3A_1115 = vector.extract %slice3A_1114[0] : f32 from vector<1xf32>
      %sub3A_1116 = vector.broadcast %squeeze3A_1115 : f32 to vector<16xf32>
      %sub3A_1117 = arith.subf %get3A_669, %sub3A_1116 : vector<16xf32>
      %mul3A_1118 = arith.mulf %sub3A_1113, %sub3A_1113 : vector<16xf32>
      %mul3A_1119 = arith.mulf %sub3A_1117, %sub3A_1117 : vector<16xf32>
      %add3A_1120 = arith.addf %mul3A_1118, %mul3A_1119 : vector<16xf32>
      %mul3A_1121 = arith.constant 16 : i32
      %mul3A_1122 = arith.muli %scan3A_872, %mul3A_1121 : i32
      %add3A_1123 = arith.constant 1536 : i32
      %add3A_1124 = arith.addi %add3A_1123, %mul3A_1122 : i32
      %add3A_1125 = arith.constant 11 : i32
      %add3A_1126 = arith.addi %add3A_1124, %add3A_1125 : i32
      %mul3A_1127 = arith.constant 16 : i32
      %mul3A_1128 = arith.muli %add3A_1126, %mul3A_1127 : i32
      %swap3A_1129 = arith.index_cast %mul3A_1128 : i32 to index
      %swap3A_1130 = tpu.vector_load %arg6[%swap3A_1129] {strides = array<i32>} : memref<32768xf32, #tpu.memory_space<vmem>>, vector<16xf32>,
      tpu.vector_store %arg6[%swap3A_1129], %add3A_1120 {strides = array<i32>} : memref<32768xf32, #tpu.memory_space<vmem>>, vector<16xf32>,
      %slice3A_1131 = vector.extract_strided_slice %get3A_877 {offsets = [12], sizes = [1], strides = [1]} : vector<16xf32> to vector<1xf32>
      %squeeze3A_1132 = vector.extract %slice3A_1131[0] : f32 from vector<1xf32>
      %sub3A_1133 = vector.broadcast %squeeze3A_1132 : f32 to vector<16xf32>
      %sub3A_1134 = arith.subf %get3A_665, %sub3A_1133 : vector<16xf32>
      %slice3A_1135 = vector.extract_strided_slice %get3A_881 {offsets = [12], sizes = [1], strides = [1]} : vector<16xf32> to vector<1xf32>
      %squeeze3A_1136 = vector.extract %slice3A_1135[0] : f32 from vector<1xf32>
      %sub3A_1137 = vector.broadcast %squeeze3A_1136 : f32 to vector<16xf32>
      %sub3A_1138 = arith.subf %get3A_669, %sub3A_1137 : vector<16xf32>
      %mul3A_1139 = arith.mulf %sub3A_1134, %sub3A_1134 : vector<16xf32>
      %mul3A_1140 = arith.mulf %sub3A_1138, %sub3A_1138 : vector<16xf32>
      %add3A_1141 = arith.addf %mul3A_1139, %mul3A_1140 : vector<16xf32>
      %mul3A_1142 = arith.constant 16 : i32
      %mul3A_1143 = arith.muli %scan3A_872, %mul3A_1142 : i32
      %add3A_1144 = arith.constant 1536 : i32
      %add3A_1145 = arith.addi %add3A_1144, %mul3A_1143 : i32
      %add3A_1146 = arith.constant 12 : i32
      %add3A_1147 = arith.addi %add3A_1145, %add3A_1146 : i32
      %mul3A_1148 = arith.constant 16 : i32
      %mul3A_1149 = arith.muli %add3A_1147, %mul3A_1148 : i32
      %swap3A_1150 = arith.index_cast %mul3A_1149 : i32 to index
      %swap3A_1151 = tpu.vector_load %arg6[%swap3A_1150] {strides = array<i32>} : memref<32768xf32, #tpu.memory_space<vmem>>, vector<16xf32>,
      tpu.vector_store %arg6[%swap3A_1150], %add3A_1141 {strides = array<i32>} : memref<32768xf32, #tpu.memory_space<vmem>>, vector<16xf32>,
      %slice3A_1152 = vector.extract_strided_slice %get3A_877 {offsets = [13], sizes = [1], strides = [1]} : vector<16xf32> to vector<1xf32>
      %squeeze3A_1153 = vector.extract %slice3A_1152[0] : f32 from vector<1xf32>
      %sub3A_1154 = vector.broadcast %squeeze3A_1153 : f32 to vector<16xf32>
      %sub3A_1155 = arith.subf %get3A_665, %sub3A_1154 : vector<16xf32>
      %slice3A_1156 = vector.extract_strided_slice %get3A_881 {offsets = [13], sizes = [1], strides = [1]} : vector<16xf32> to vector<1xf32>
      %squeeze3A_1157 = vector.extract %slice3A_1156[0] : f32 from vector<1xf32>
      %sub3A_1158 = vector.broadcast %squeeze3A_1157 : f32 to vector<16xf32>
      %sub3A_1159 = arith.subf %get3A_669, %sub3A_1158 : vector<16xf32>
      %mul3A_1160 = arith.mulf %sub3A_1155, %sub3A_1155 : vector<16xf32>
      %mul3A_1161 = arith.mulf %sub3A_1159, %sub3A_1159 : vector<16xf32>
      %add3A_1162 = arith.addf %mul3A_1160, %mul3A_1161 : vector<16xf32>
      %mul3A_1163 = arith.constant 16 : i32
      %mul3A_1164 = arith.muli %scan3A_872, %mul3A_1163 : i32
      %add3A_1165 = arith.constant 1536 : i32
      %add3A_1166 = arith.addi %add3A_1165, %mul3A_1164 : i32
      %add3A_1167 = arith.constant 13 : i32
      %add3A_1168 = arith.addi %add3A_1166, %add3A_1167 : i32
      %mul3A_1169 = arith.constant 16 : i32
      %mul3A_1170 = arith.muli %add3A_1168, %mul3A_1169 : i32
      %swap3A_1171 = arith.index_cast %mul3A_1170 : i32 to index
      %swap3A_1172 = tpu.vector_load %arg6[%swap3A_1171] {strides = array<i32>} : memref<32768xf32, #tpu.memory_space<vmem>>, vector<16xf32>,
      tpu.vector_store %arg6[%swap3A_1171], %add3A_1162 {strides = array<i32>} : memref<32768xf32, #tpu.memory_space<vmem>>, vector<16xf32>,
      %slice3A_1173 = vector.extract_strided_slice %get3A_877 {offsets = [14], sizes = [1], strides = [1]} : vector<16xf32> to vector<1xf32>
      %squeeze3A_1174 = vector.extract %slice3A_1173[0] : f32 from vector<1xf32>
      %sub3A_1175 = vector.broadcast %squeeze3A_1174 : f32 to vector<16xf32>
      %sub3A_1176 = arith.subf %get3A_665, %sub3A_1175 : vector<16xf32>
      %slice3A_1177 = vector.extract_strided_slice %get3A_881 {offsets = [14], sizes = [1], strides = [1]} : vector<16xf32> to vector<1xf32>
      %squeeze3A_1178 = vector.extract %slice3A_1177[0] : f32 from vector<1xf32>
      %sub3A_1179 = vector.broadcast %squeeze3A_1178 : f32 to vector<16xf32>
      %sub3A_1180 = arith.subf %get3A_669, %sub3A_1179 : vector<16xf32>
      %mul3A_1181 = arith.mulf %sub3A_1176, %sub3A_1176 : vector<16xf32>
      %mul3A_1182 = arith.mulf %sub3A_1180, %sub3A_1180 : vector<16xf32>
      %add3A_1183 = arith.addf %mul3A_1181, %mul3A_1182 : vector<16xf32>
      %mul3A_1184 = arith.constant 16 : i32
      %mul3A_1185 = arith.muli %scan3A_872, %mul3A_1184 : i32
      %add3A_1186 = arith.constant 1536 : i32
      %add3A_1187 = arith.addi %add3A_1186, %mul3A_1185 : i32
      %add3A_1188 = arith.constant 14 : i32
      %add3A_1189 = arith.addi %add3A_1187, %add3A_1188 : i32
      %mul3A_1190 = arith.constant 16 : i32
      %mul3A_1191 = arith.muli %add3A_1189, %mul3A_1190 : i32
      %swap3A_1192 = arith.index_cast %mul3A_1191 : i32 to index
      %swap3A_1193 = tpu.vector_load %arg6[%swap3A_1192] {strides = array<i32>} : memref<32768xf32, #tpu.memory_space<vmem>>, vector<16xf32>,
      tpu.vector_store %arg6[%swap3A_1192], %add3A_1183 {strides = array<i32>} : memref<32768xf32, #tpu.memory_space<vmem>>, vector<16xf32>,
      %slice3A_1194 = vector.extract_strided_slice %get3A_877 {offsets = [15], sizes = [1], strides = [1]} : vector<16xf32> to vector<1xf32>
      %squeeze3A_1195 = vector.extract %slice3A_1194[0] : f32 from vector<1xf32>
      %sub3A_1196 = vector.broadcast %squeeze3A_1195 : f32 to vector<16xf32>
      %sub3A_1197 = arith.subf %get3A_665, %sub3A_1196 : vector<16xf32>
      %slice3A_1198 = vector.extract_strided_slice %get3A_881 {offsets = [15], sizes = [1], strides = [1]} : vector<16xf32> to vector<1xf32>
      %squeeze3A_1199 = vector.extract %slice3A_1198[0] : f32 from vector<1xf32>
      %sub3A_1200 = vector.broadcast %squeeze3A_1199 : f32 to vector<16xf32>
      %sub3A_1201 = arith.subf %get3A_669, %sub3A_1200 : vector<16xf32>
      %mul3A_1202 = arith.mulf %sub3A_1197, %sub3A_1197 : vector<16xf32>
      %mul3A_1203 = arith.mulf %sub3A_1201, %sub3A_1201 : vector<16xf32>
      %add3A_1204 = arith.addf %mul3A_1202, %mul3A_1203 : vector<16xf32>
      %mul3A_1205 = arith.constant 16 : i32
      %mul3A_1206 = arith.muli %scan3A_872, %mul3A_1205 : i32
      %add3A_1207 = arith.constant 1536 : i32
      %add3A_1208 = arith.addi %add3A_1207, %mul3A_1206 : i32
      %add3A_1209 = arith.constant 15 : i32
      %add3A_1210 = arith.addi %add3A_1208, %add3A_1209 : i32
      %mul3A_1211 = arith.constant 16 : i32
      %mul3A_1212 = arith.muli %add3A_1210, %mul3A_1211 : i32
      %swap3A_1213 = arith.index_cast %mul3A_1212 : i32 to index
      %swap3A_1214 = tpu.vector_load %arg6[%swap3A_1213] {strides = array<i32>} : memref<32768xf32, #tpu.memory_space<vmem>>, vector<16xf32>,
      tpu.vector_store %arg6[%swap3A_1213], %add3A_1204 {strides = array<i32>} : memref<32768xf32, #tpu.memory_space<vmem>>, vector<16xf32>,
      %scan3A_1215 = arith.constant 0 : i32
      scf.yield %scan3A_1215 : i32
    }
    %scan3A_676 = arith.constant 32 : i32
    %broadcast_in_dim3A_677 = arith.constant 0 : i32
    %broadcast_in_dim3A_678 = vector.broadcast %broadcast_in_dim3A_677 : i32 to vector<16xi32>
    %scan3A_679 = arith.constant 0 : i32
    %scan3A_680 = arith.constant 512 : i32
    %scan3A_681 = arith.addi %scan3A_679, %scan3A_680 : i32
    %scan3A_682 = arith.constant 1 : i32
    %scan3A_683:2 = scf.for %scan3A_872 = %scan3A_679 to %scan3A_681 step %scan3A_682 iter_args(%scan3A_873 = %broadcast_in_dim3A_42, %scan3A_874 = %broadcast_in_dim3A_678) -> (vector<16xf32>, vector<16xi32>)  : i32 {
      %add3A_875 = arith.constant 1536 : i32
      %add3A_876 = arith.addi %add3A_875, %scan3A_872 : i32
      %mul3A_877 = arith.constant 16 : i32
      %mul3A_878 = arith.muli %add3A_876, %mul3A_877 : i32
      %get3A_879 = arith.index_cast %mul3A_878 : i32 to index
      %get3A_880 = tpu.vector_load %arg6[%get3A_879] {strides = array<i32>} : memref<32768xf32, #tpu.memory_space<vmem>>, vector<16xf32>,
      %lt3A_881 = arith.cmpf olt, %get3A_880, %scan3A_873 : vector<16xf32>
      %select_n3A_882 = arith.select %lt3A_881, %get3A_880, %scan3A_873 : vector<16xi1>, vector<16xf32>
      %broadcast_in_dim3A_883 = vector.broadcast %scan3A_872 : i32 to vector<16xi32>
      %select_n3A_884 = arith.select %lt3A_881, %broadcast_in_dim3A_883, %scan3A_874 : vector<16xi1>, vector<16xi32>
      scf.yield %select_n3A_882, %select_n3A_884 : vector<16xf32>, vector<16xi32>
    }
    %scan3A_684 = arith.constant 512 : i32
    %add3A_685 = arith.constant 1536 : i32
    %add3A_686 = vector.broadcast %add3A_685 : i32 to vector<16xi32>
    %add3A_687 = arith.addi %add3A_686, %scan3A_683#1 : vector<16xi32>
    %mul3A_688 = arith.constant 16 : i32
    %mul3A_689 = vector.broadcast %mul3A_688 : i32 to vector<16xi32>
    %mul3A_690 = arith.muli %add3A_687, %mul3A_689 : vector<16xi32>
    %add3A_691 = arith.addi %mul3A_690, %iota3A : vector<16xi32>
    tpu.vector_store_idx %arg6[%add3A_691], %broadcast_in_dim3A_42 : memref<32768xf32, #tpu.memory_space<vmem>>[vector<16xi32>], vector<16xf32>,
    %broadcast_in_dim3A_692 = arith.constant 0 : i32
    %broadcast_in_dim3A_693 = vector.broadcast %broadcast_in_dim3A_692 : i32 to vector<16xi32>
    %scan3A_694 = arith.constant 0 : i32
    %scan3A_695 = arith.constant 512 : i32
    %scan3A_696 = arith.addi %scan3A_694, %scan3A_695 : i32
    %scan3A_697 = arith.constant 1 : i32
    %scan3A_698:2 = scf.for %scan3A_872 = %scan3A_694 to %scan3A_696 step %scan3A_697 iter_args(%scan3A_873 = %broadcast_in_dim3A_42, %scan3A_874 = %broadcast_in_dim3A_693) -> (vector<16xf32>, vector<16xi32>)  : i32 {
      %add3A_875 = arith.constant 1536 : i32
      %add3A_876 = arith.addi %add3A_875, %scan3A_872 : i32
      %mul3A_877 = arith.constant 16 : i32
      %mul3A_878 = arith.muli %add3A_876, %mul3A_877 : i32
      %get3A_879 = arith.index_cast %mul3A_878 : i32 to index
      %get3A_880 = tpu.vector_load %arg6[%get3A_879] {strides = array<i32>} : memref<32768xf32, #tpu.memory_space<vmem>>, vector<16xf32>,
      %lt3A_881 = arith.cmpf olt, %get3A_880, %scan3A_873 : vector<16xf32>
      %select_n3A_882 = arith.select %lt3A_881, %get3A_880, %scan3A_873 : vector<16xi1>, vector<16xf32>
      %broadcast_in_dim3A_883 = vector.broadcast %scan3A_872 : i32 to vector<16xi32>
      %select_n3A_884 = arith.select %lt3A_881, %broadcast_in_dim3A_883, %scan3A_874 : vector<16xi1>, vector<16xi32>
      scf.yield %select_n3A_882, %select_n3A_884 : vector<16xf32>, vector<16xi32>
    }
    %scan3A_699 = arith.constant 512 : i32
    %add3A_700 = arith.constant 1536 : i32
    %add3A_701 = vector.broadcast %add3A_700 : i32 to vector<16xi32>
    %add3A_702 = arith.addi %add3A_701, %scan3A_698#1 : vector<16xi32>
    %mul3A_703 = arith.constant 16 : i32
    %mul3A_704 = vector.broadcast %mul3A_703 : i32 to vector<16xi32>
    %mul3A_705 = arith.muli %add3A_702, %mul3A_704 : vector<16xi32>
    %add3A_706 = arith.addi %mul3A_705, %iota3A : vector<16xi32>
    tpu.vector_store_idx %arg6[%add3A_706], %broadcast_in_dim3A_42 : memref<32768xf32, #tpu.memory_space<vmem>>[vector<16xi32>], vector<16xf32>,
    %add3A_707 = arith.constant 48 : i32
    %add3A_708 = vector.broadcast %add3A_707 : i32 to vector<16xi32>
    %add3A_709 = arith.addi %add3A_708, %iota3A : vector<16xi32>
    %mul3A_710 = arith.constant 512 : i32
    %mul3A_711 = vector.broadcast %mul3A_710 : i32 to vector<16xi32>
    %mul3A_712 = arith.muli %add3A_709, %mul3A_711 : vector<16xi32>
    %add3A_713 = arith.addi %mul3A_712, %scan3A_698#1 : vector<16xi32>
    tpu.vector_store_idx %arg7[%add3A_713], %broadcast_in_dim3A_44 : memref<32768xf32, #tpu.memory_space<vmem>>[vector<16xi32>], vector<16xf32>,
    %broadcast_in_dim3A_714 = arith.constant 0 : i32
    %broadcast_in_dim3A_715 = vector.broadcast %broadcast_in_dim3A_714 : i32 to vector<16xi32>
    %scan3A_716 = arith.constant 0 : i32
    %scan3A_717 = arith.constant 512 : i32
    %scan3A_718 = arith.addi %scan3A_716, %scan3A_717 : i32
    %scan3A_719 = arith.constant 1 : i32
    %scan3A_720:2 = scf.for %scan3A_872 = %scan3A_716 to %scan3A_718 step %scan3A_719 iter_args(%scan3A_873 = %broadcast_in_dim3A_42, %scan3A_874 = %broadcast_in_dim3A_715) -> (vector<16xf32>, vector<16xi32>)  : i32 {
      %add3A_875 = arith.constant 1536 : i32
      %add3A_876 = arith.addi %add3A_875, %scan3A_872 : i32
      %mul3A_877 = arith.constant 16 : i32
      %mul3A_878 = arith.muli %add3A_876, %mul3A_877 : i32
      %get3A_879 = arith.index_cast %mul3A_878 : i32 to index
      %get3A_880 = tpu.vector_load %arg6[%get3A_879] {strides = array<i32>} : memref<32768xf32, #tpu.memory_space<vmem>>, vector<16xf32>,
      %lt3A_881 = arith.cmpf olt, %get3A_880, %scan3A_873 : vector<16xf32>
      %select_n3A_882 = arith.select %lt3A_881, %get3A_880, %scan3A_873 : vector<16xi1>, vector<16xf32>
      %broadcast_in_dim3A_883 = vector.broadcast %scan3A_872 : i32 to vector<16xi32>
      %select_n3A_884 = arith.select %lt3A_881, %broadcast_in_dim3A_883, %scan3A_874 : vector<16xi1>, vector<16xi32>
      scf.yield %select_n3A_882, %select_n3A_884 : vector<16xf32>, vector<16xi32>
    }
    %scan3A_721 = arith.constant 512 : i32
    %add3A_722 = arith.constant 1536 : i32
    %add3A_723 = vector.broadcast %add3A_722 : i32 to vector<16xi32>
    %add3A_724 = arith.addi %add3A_723, %scan3A_720#1 : vector<16xi32>
    %mul3A_725 = arith.constant 16 : i32
    %mul3A_726 = vector.broadcast %mul3A_725 : i32 to vector<16xi32>
    %mul3A_727 = arith.muli %add3A_724, %mul3A_726 : vector<16xi32>
    %add3A_728 = arith.addi %mul3A_727, %iota3A : vector<16xi32>
    tpu.vector_store_idx %arg6[%add3A_728], %broadcast_in_dim3A_42 : memref<32768xf32, #tpu.memory_space<vmem>>[vector<16xi32>], vector<16xf32>,
    %add3A_729 = arith.constant 48 : i32
    %add3A_730 = vector.broadcast %add3A_729 : i32 to vector<16xi32>
    %add3A_731 = arith.addi %add3A_730, %iota3A : vector<16xi32>
    %mul3A_732 = arith.constant 512 : i32
    %mul3A_733 = vector.broadcast %mul3A_732 : i32 to vector<16xi32>
    %mul3A_734 = arith.muli %add3A_731, %mul3A_733 : vector<16xi32>
    %add3A_735 = arith.addi %mul3A_734, %scan3A_720#1 : vector<16xi32>
    tpu.vector_store_idx %arg7[%add3A_735], %broadcast_in_dim3A_44 : memref<32768xf32, #tpu.memory_space<vmem>>[vector<16xi32>], vector<16xf32>,
    %broadcast_in_dim3A_736 = arith.constant 0 : i32
    %broadcast_in_dim3A_737 = vector.broadcast %broadcast_in_dim3A_736 : i32 to vector<16xi32>
    %scan3A_738 = arith.constant 0 : i32
    %scan3A_739 = arith.constant 512 : i32
    %scan3A_740 = arith.addi %scan3A_738, %scan3A_739 : i32
    %scan3A_741 = arith.constant 1 : i32
    %scan3A_742:2 = scf.for %scan3A_872 = %scan3A_738 to %scan3A_740 step %scan3A_741 iter_args(%scan3A_873 = %broadcast_in_dim3A_42, %scan3A_874 = %broadcast_in_dim3A_737) -> (vector<16xf32>, vector<16xi32>)  : i32 {
      %add3A_875 = arith.constant 1536 : i32
      %add3A_876 = arith.addi %add3A_875, %scan3A_872 : i32
      %mul3A_877 = arith.constant 16 : i32
      %mul3A_878 = arith.muli %add3A_876, %mul3A_877 : i32
      %get3A_879 = arith.index_cast %mul3A_878 : i32 to index
      %get3A_880 = tpu.vector_load %arg6[%get3A_879] {strides = array<i32>} : memref<32768xf32, #tpu.memory_space<vmem>>, vector<16xf32>,
      %lt3A_881 = arith.cmpf olt, %get3A_880, %scan3A_873 : vector<16xf32>
      %select_n3A_882 = arith.select %lt3A_881, %get3A_880, %scan3A_873 : vector<16xi1>, vector<16xf32>
      %broadcast_in_dim3A_883 = vector.broadcast %scan3A_872 : i32 to vector<16xi32>
      %select_n3A_884 = arith.select %lt3A_881, %broadcast_in_dim3A_883, %scan3A_874 : vector<16xi1>, vector<16xi32>
      scf.yield %select_n3A_882, %select_n3A_884 : vector<16xf32>, vector<16xi32>
    }
    %scan3A_743 = arith.constant 512 : i32
    %add3A_744 = arith.constant 1536 : i32
    %add3A_745 = vector.broadcast %add3A_744 : i32 to vector<16xi32>
    %add3A_746 = arith.addi %add3A_745, %scan3A_742#1 : vector<16xi32>
    %mul3A_747 = arith.constant 16 : i32
    %mul3A_748 = vector.broadcast %mul3A_747 : i32 to vector<16xi32>
    %mul3A_749 = arith.muli %add3A_746, %mul3A_748 : vector<16xi32>
    %add3A_750 = arith.addi %mul3A_749, %iota3A : vector<16xi32>
    tpu.vector_store_idx %arg6[%add3A_750], %broadcast_in_dim3A_42 : memref<32768xf32, #tpu.memory_space<vmem>>[vector<16xi32>], vector<16xf32>,
    %add3A_751 = arith.constant 48 : i32
    %add3A_752 = vector.broadcast %add3A_751 : i32 to vector<16xi32>
    %add3A_753 = arith.addi %add3A_752, %iota3A : vector<16xi32>
    %mul3A_754 = arith.constant 512 : i32
    %mul3A_755 = vector.broadcast %mul3A_754 : i32 to vector<16xi32>
    %mul3A_756 = arith.muli %add3A_753, %mul3A_755 : vector<16xi32>
    %add3A_757 = arith.addi %mul3A_756, %scan3A_742#1 : vector<16xi32>
    tpu.vector_store_idx %arg7[%add3A_757], %broadcast_in_dim3A_44 : memref<32768xf32, #tpu.memory_space<vmem>>[vector<16xi32>], vector<16xf32>,
    %broadcast_in_dim3A_758 = arith.constant 0 : i32
    %broadcast_in_dim3A_759 = vector.broadcast %broadcast_in_dim3A_758 : i32 to vector<16xi32>
    %scan3A_760 = arith.constant 0 : i32
    %scan3A_761 = arith.constant 512 : i32
    %scan3A_762 = arith.addi %scan3A_760, %scan3A_761 : i32
    %scan3A_763 = arith.constant 1 : i32
    %scan3A_764:2 = scf.for %scan3A_872 = %scan3A_760 to %scan3A_762 step %scan3A_763 iter_args(%scan3A_873 = %broadcast_in_dim3A_42, %scan3A_874 = %broadcast_in_dim3A_759) -> (vector<16xf32>, vector<16xi32>)  : i32 {
      %add3A_875 = arith.constant 1536 : i32
      %add3A_876 = arith.addi %add3A_875, %scan3A_872 : i32
      %mul3A_877 = arith.constant 16 : i32
      %mul3A_878 = arith.muli %add3A_876, %mul3A_877 : i32
      %get3A_879 = arith.index_cast %mul3A_878 : i32 to index
      %get3A_880 = tpu.vector_load %arg6[%get3A_879] {strides = array<i32>} : memref<32768xf32, #tpu.memory_space<vmem>>, vector<16xf32>,
      %lt3A_881 = arith.cmpf olt, %get3A_880, %scan3A_873 : vector<16xf32>
      %select_n3A_882 = arith.select %lt3A_881, %get3A_880, %scan3A_873 : vector<16xi1>, vector<16xf32>
      %broadcast_in_dim3A_883 = vector.broadcast %scan3A_872 : i32 to vector<16xi32>
      %select_n3A_884 = arith.select %lt3A_881, %broadcast_in_dim3A_883, %scan3A_874 : vector<16xi1>, vector<16xi32>
      scf.yield %select_n3A_882, %select_n3A_884 : vector<16xf32>, vector<16xi32>
    }
    %scan3A_765 = arith.constant 512 : i32
    %add3A_766 = arith.constant 1536 : i32
    %add3A_767 = vector.broadcast %add3A_766 : i32 to vector<16xi32>
    %add3A_768 = arith.addi %add3A_767, %scan3A_764#1 : vector<16xi32>
    %mul3A_769 = arith.constant 16 : i32
    %mul3A_770 = vector.broadcast %mul3A_769 : i32 to vector<16xi32>
    %mul3A_771 = arith.muli %add3A_768, %mul3A_770 : vector<16xi32>
    %add3A_772 = arith.addi %mul3A_771, %iota3A : vector<16xi32>
    tpu.vector_store_idx %arg6[%add3A_772], %broadcast_in_dim3A_42 : memref<32768xf32, #tpu.memory_space<vmem>>[vector<16xi32>], vector<16xf32>,
    %add3A_773 = arith.constant 48 : i32
    %add3A_774 = vector.broadcast %add3A_773 : i32 to vector<16xi32>
    %add3A_775 = arith.addi %add3A_774, %iota3A : vector<16xi32>
    %mul3A_776 = arith.constant 512 : i32
    %mul3A_777 = vector.broadcast %mul3A_776 : i32 to vector<16xi32>
    %mul3A_778 = arith.muli %add3A_775, %mul3A_777 : vector<16xi32>
    %add3A_779 = arith.addi %mul3A_778, %scan3A_764#1 : vector<16xi32>
    tpu.vector_store_idx %arg7[%add3A_779], %broadcast_in_dim3A_44 : memref<32768xf32, #tpu.memory_space<vmem>>[vector<16xi32>], vector<16xf32>,
    %broadcast_in_dim3A_780 = arith.constant 0 : i32
    %broadcast_in_dim3A_781 = vector.broadcast %broadcast_in_dim3A_780 : i32 to vector<16xi32>
    %scan3A_782 = arith.constant 0 : i32
    %scan3A_783 = arith.constant 512 : i32
    %scan3A_784 = arith.addi %scan3A_782, %scan3A_783 : i32
    %scan3A_785 = arith.constant 1 : i32
    %scan3A_786:2 = scf.for %scan3A_872 = %scan3A_782 to %scan3A_784 step %scan3A_785 iter_args(%scan3A_873 = %broadcast_in_dim3A_42, %scan3A_874 = %broadcast_in_dim3A_781) -> (vector<16xf32>, vector<16xi32>)  : i32 {
      %add3A_875 = arith.constant 1536 : i32
      %add3A_876 = arith.addi %add3A_875, %scan3A_872 : i32
      %mul3A_877 = arith.constant 16 : i32
      %mul3A_878 = arith.muli %add3A_876, %mul3A_877 : i32
      %get3A_879 = arith.index_cast %mul3A_878 : i32 to index
      %get3A_880 = tpu.vector_load %arg6[%get3A_879] {strides = array<i32>} : memref<32768xf32, #tpu.memory_space<vmem>>, vector<16xf32>,
      %lt3A_881 = arith.cmpf olt, %get3A_880, %scan3A_873 : vector<16xf32>
      %select_n3A_882 = arith.select %lt3A_881, %get3A_880, %scan3A_873 : vector<16xi1>, vector<16xf32>
      %broadcast_in_dim3A_883 = vector.broadcast %scan3A_872 : i32 to vector<16xi32>
      %select_n3A_884 = arith.select %lt3A_881, %broadcast_in_dim3A_883, %scan3A_874 : vector<16xi1>, vector<16xi32>
      scf.yield %select_n3A_882, %select_n3A_884 : vector<16xf32>, vector<16xi32>
    }
    %scan3A_787 = arith.constant 512 : i32
    %add3A_788 = arith.constant 1536 : i32
    %add3A_789 = vector.broadcast %add3A_788 : i32 to vector<16xi32>
    %add3A_790 = arith.addi %add3A_789, %scan3A_786#1 : vector<16xi32>
    %mul3A_791 = arith.constant 16 : i32
    %mul3A_792 = vector.broadcast %mul3A_791 : i32 to vector<16xi32>
    %mul3A_793 = arith.muli %add3A_790, %mul3A_792 : vector<16xi32>
    %add3A_794 = arith.addi %mul3A_793, %iota3A : vector<16xi32>
    tpu.vector_store_idx %arg6[%add3A_794], %broadcast_in_dim3A_42 : memref<32768xf32, #tpu.memory_space<vmem>>[vector<16xi32>], vector<16xf32>,
    %add3A_795 = arith.constant 48 : i32
    %add3A_796 = vector.broadcast %add3A_795 : i32 to vector<16xi32>
    %add3A_797 = arith.addi %add3A_796, %iota3A : vector<16xi32>
    %mul3A_798 = arith.constant 512 : i32
    %mul3A_799 = vector.broadcast %mul3A_798 : i32 to vector<16xi32>
    %mul3A_800 = arith.muli %add3A_797, %mul3A_799 : vector<16xi32>
    %add3A_801 = arith.addi %mul3A_800, %scan3A_786#1 : vector<16xi32>
    tpu.vector_store_idx %arg7[%add3A_801], %broadcast_in_dim3A_44 : memref<32768xf32, #tpu.memory_space<vmem>>[vector<16xi32>], vector<16xf32>,
    %broadcast_in_dim3A_802 = arith.constant 0 : i32
    %broadcast_in_dim3A_803 = vector.broadcast %broadcast_in_dim3A_802 : i32 to vector<16xi32>
    %scan3A_804 = arith.constant 0 : i32
    %scan3A_805 = arith.constant 512 : i32
    %scan3A_806 = arith.addi %scan3A_804, %scan3A_805 : i32
    %scan3A_807 = arith.constant 1 : i32
    %scan3A_808:2 = scf.for %scan3A_872 = %scan3A_804 to %scan3A_806 step %scan3A_807 iter_args(%scan3A_873 = %broadcast_in_dim3A_42, %scan3A_874 = %broadcast_in_dim3A_803) -> (vector<16xf32>, vector<16xi32>)  : i32 {
      %add3A_875 = arith.constant 1536 : i32
      %add3A_876 = arith.addi %add3A_875, %scan3A_872 : i32
      %mul3A_877 = arith.constant 16 : i32
      %mul3A_878 = arith.muli %add3A_876, %mul3A_877 : i32
      %get3A_879 = arith.index_cast %mul3A_878 : i32 to index
      %get3A_880 = tpu.vector_load %arg6[%get3A_879] {strides = array<i32>} : memref<32768xf32, #tpu.memory_space<vmem>>, vector<16xf32>,
      %lt3A_881 = arith.cmpf olt, %get3A_880, %scan3A_873 : vector<16xf32>
      %select_n3A_882 = arith.select %lt3A_881, %get3A_880, %scan3A_873 : vector<16xi1>, vector<16xf32>
      %broadcast_in_dim3A_883 = vector.broadcast %scan3A_872 : i32 to vector<16xi32>
      %select_n3A_884 = arith.select %lt3A_881, %broadcast_in_dim3A_883, %scan3A_874 : vector<16xi1>, vector<16xi32>
      scf.yield %select_n3A_882, %select_n3A_884 : vector<16xf32>, vector<16xi32>
    }
    %scan3A_809 = arith.constant 512 : i32
    %add3A_810 = arith.constant 1536 : i32
    %add3A_811 = vector.broadcast %add3A_810 : i32 to vector<16xi32>
    %add3A_812 = arith.addi %add3A_811, %scan3A_808#1 : vector<16xi32>
    %mul3A_813 = arith.constant 16 : i32
    %mul3A_814 = vector.broadcast %mul3A_813 : i32 to vector<16xi32>
    %mul3A_815 = arith.muli %add3A_812, %mul3A_814 : vector<16xi32>
    %add3A_816 = arith.addi %mul3A_815, %iota3A : vector<16xi32>
    tpu.vector_store_idx %arg6[%add3A_816], %broadcast_in_dim3A_42 : memref<32768xf32, #tpu.memory_space<vmem>>[vector<16xi32>], vector<16xf32>,
    %add3A_817 = arith.constant 48 : i32
    %add3A_818 = vector.broadcast %add3A_817 : i32 to vector<16xi32>
    %add3A_819 = arith.addi %add3A_818, %iota3A : vector<16xi32>
    %mul3A_820 = arith.constant 512 : i32
    %mul3A_821 = vector.broadcast %mul3A_820 : i32 to vector<16xi32>
    %mul3A_822 = arith.muli %add3A_819, %mul3A_821 : vector<16xi32>
    %add3A_823 = arith.addi %mul3A_822, %scan3A_808#1 : vector<16xi32>
    tpu.vector_store_idx %arg7[%add3A_823], %broadcast_in_dim3A_44 : memref<32768xf32, #tpu.memory_space<vmem>>[vector<16xi32>], vector<16xf32>,
    %broadcast_in_dim3A_824 = arith.constant 0 : i32
    %broadcast_in_dim3A_825 = vector.broadcast %broadcast_in_dim3A_824 : i32 to vector<16xi32>
    %scan3A_826 = arith.constant 0 : i32
    %scan3A_827 = arith.constant 512 : i32
    %scan3A_828 = arith.addi %scan3A_826, %scan3A_827 : i32
    %scan3A_829 = arith.constant 1 : i32
    %scan3A_830:2 = scf.for %scan3A_872 = %scan3A_826 to %scan3A_828 step %scan3A_829 iter_args(%scan3A_873 = %broadcast_in_dim3A_42, %scan3A_874 = %broadcast_in_dim3A_825) -> (vector<16xf32>, vector<16xi32>)  : i32 {
      %add3A_875 = arith.constant 1536 : i32
      %add3A_876 = arith.addi %add3A_875, %scan3A_872 : i32
      %mul3A_877 = arith.constant 16 : i32
      %mul3A_878 = arith.muli %add3A_876, %mul3A_877 : i32
      %get3A_879 = arith.index_cast %mul3A_878 : i32 to index
      %get3A_880 = tpu.vector_load %arg6[%get3A_879] {strides = array<i32>} : memref<32768xf32, #tpu.memory_space<vmem>>, vector<16xf32>,
      %lt3A_881 = arith.cmpf olt, %get3A_880, %scan3A_873 : vector<16xf32>
      %select_n3A_882 = arith.select %lt3A_881, %get3A_880, %scan3A_873 : vector<16xi1>, vector<16xf32>
      %broadcast_in_dim3A_883 = vector.broadcast %scan3A_872 : i32 to vector<16xi32>
      %select_n3A_884 = arith.select %lt3A_881, %broadcast_in_dim3A_883, %scan3A_874 : vector<16xi1>, vector<16xi32>
      scf.yield %select_n3A_882, %select_n3A_884 : vector<16xf32>, vector<16xi32>
    }
    %scan3A_831 = arith.constant 512 : i32
    %add3A_832 = arith.constant 1536 : i32
    %add3A_833 = vector.broadcast %add3A_832 : i32 to vector<16xi32>
    %add3A_834 = arith.addi %add3A_833, %scan3A_830#1 : vector<16xi32>
    %mul3A_835 = arith.constant 16 : i32
    %mul3A_836 = vector.broadcast %mul3A_835 : i32 to vector<16xi32>
    %mul3A_837 = arith.muli %add3A_834, %mul3A_836 : vector<16xi32>
    %add3A_838 = arith.addi %mul3A_837, %iota3A : vector<16xi32>
    tpu.vector_store_idx %arg6[%add3A_838], %broadcast_in_dim3A_42 : memref<32768xf32, #tpu.memory_space<vmem>>[vector<16xi32>], vector<16xf32>,
    %add3A_839 = arith.constant 48 : i32
    %add3A_840 = vector.broadcast %add3A_839 : i32 to vector<16xi32>
    %add3A_841 = arith.addi %add3A_840, %iota3A : vector<16xi32>
    %mul3A_842 = arith.constant 512 : i32
    %mul3A_843 = vector.broadcast %mul3A_842 : i32 to vector<16xi32>
    %mul3A_844 = arith.muli %add3A_841, %mul3A_843 : vector<16xi32>
    %add3A_845 = arith.addi %mul3A_844, %scan3A_830#1 : vector<16xi32>
    tpu.vector_store_idx %arg7[%add3A_845], %broadcast_in_dim3A_44 : memref<32768xf32, #tpu.memory_space<vmem>>[vector<16xi32>], vector<16xf32>,
    %broadcast_in_dim3A_846 = arith.constant 0 : i32
    %broadcast_in_dim3A_847 = vector.broadcast %broadcast_in_dim3A_846 : i32 to vector<16xi32>
    %scan3A_848 = arith.constant 0 : i32
    %scan3A_849 = arith.constant 512 : i32
    %scan3A_850 = arith.addi %scan3A_848, %scan3A_849 : i32
    %scan3A_851 = arith.constant 1 : i32
    %scan3A_852:2 = scf.for %scan3A_872 = %scan3A_848 to %scan3A_850 step %scan3A_851 iter_args(%scan3A_873 = %broadcast_in_dim3A_42, %scan3A_874 = %broadcast_in_dim3A_847) -> (vector<16xf32>, vector<16xi32>)  : i32 {
      %add3A_875 = arith.constant 1536 : i32
      %add3A_876 = arith.addi %add3A_875, %scan3A_872 : i32
      %mul3A_877 = arith.constant 16 : i32
      %mul3A_878 = arith.muli %add3A_876, %mul3A_877 : i32
      %get3A_879 = arith.index_cast %mul3A_878 : i32 to index
      %get3A_880 = tpu.vector_load %arg6[%get3A_879] {strides = array<i32>} : memref<32768xf32, #tpu.memory_space<vmem>>, vector<16xf32>,
      %lt3A_881 = arith.cmpf olt, %get3A_880, %scan3A_873 : vector<16xf32>
      %select_n3A_882 = arith.select %lt3A_881, %get3A_880, %scan3A_873 : vector<16xi1>, vector<16xf32>
      %broadcast_in_dim3A_883 = vector.broadcast %scan3A_872 : i32 to vector<16xi32>
      %select_n3A_884 = arith.select %lt3A_881, %broadcast_in_dim3A_883, %scan3A_874 : vector<16xi1>, vector<16xi32>
      scf.yield %select_n3A_882, %select_n3A_884 : vector<16xf32>, vector<16xi32>
    }
    %scan3A_853 = arith.constant 512 : i32
    %add3A_854 = arith.constant 1536 : i32
    %add3A_855 = vector.broadcast %add3A_854 : i32 to vector<16xi32>
    %add3A_856 = arith.addi %add3A_855, %scan3A_852#1 : vector<16xi32>
    %mul3A_857 = arith.constant 16 : i32
    %mul3A_858 = vector.broadcast %mul3A_857 : i32 to vector<16xi32>
    %mul3A_859 = arith.muli %add3A_856, %mul3A_858 : vector<16xi32>
    %add3A_860 = arith.addi %mul3A_859, %iota3A : vector<16xi32>
    tpu.vector_store_idx %arg6[%add3A_860], %broadcast_in_dim3A_42 : memref<32768xf32, #tpu.memory_space<vmem>>[vector<16xi32>], vector<16xf32>,
    %add3A_861 = arith.constant 48 : i32
    %add3A_862 = vector.broadcast %add3A_861 : i32 to vector<16xi32>
    %add3A_863 = arith.addi %add3A_862, %iota3A : vector<16xi32>
    %mul3A_864 = arith.constant 512 : i32
    %mul3A_865 = vector.broadcast %mul3A_864 : i32 to vector<16xi32>
    %mul3A_866 = arith.muli %add3A_863, %mul3A_865 : vector<16xi32>
    %add3A_867 = arith.addi %mul3A_866, %scan3A_852#1 : vector<16xi32>
    tpu.vector_store_idx %arg7[%add3A_867], %broadcast_in_dim3A_44 : memref<32768xf32, #tpu.memory_space<vmem>>[vector<16xi32>], vector<16xf32>,
    %mul3A_868 = arith.constant 64 : i32
    %mul3A_869 = arith.muli %add3A, %mul3A_868 : i32
    %mul3A_870 = arith.constant 512 : i32
    %mul3A_871 = arith.muli %mul3A_869, %mul3A_870 : i32
    "tpu.region"() ({
      %run_scoped3A_872 = tpu.sem_alloc : memref<!tpu.dma_semaphore, #tpu.memory_space<semaphore_mem>>
      %dma_start3A = tpu.memref_slice %arg3[%mul3A_871] : memref<1048576xf32, #tpu.memory_space<hbm>> -> memref<32768xf32, #tpu.memory_space<hbm>>
      %dma_start3A_873 = tpu.memref_slice %arg3[%mul3A_871] : memref<1048576xf32, #tpu.memory_space<hbm>> -> memref<32768xf32, #tpu.memory_space<hbm>>
      tpu.enqueue_dma source(%arg7 : memref<32768xf32, #tpu.memory_space<vmem>>) target(%dma_start3A_873 : memref<32768xf32, #tpu.memory_space<hbm>>) target_semaphore(%run_scoped3A_872 : memref<!tpu.dma_semaphore, #tpu.memory_space<semaphore_mem>>)
      %dma_wait3A = tpu.memref_slice %arg3[%mul3A_871] : memref<1048576xf32, #tpu.memory_space<hbm>> -> memref<32768xf32, #tpu.memory_space<hbm>>
      %dma_wait3A_874 = tpu.memref_slice %arg3[%mul3A_871] : memref<1048576xf32, #tpu.memory_space<hbm>> -> memref<32768xf32, #tpu.memory_space<hbm>>
      tpu.wait_dma2 semaphore(%run_scoped3A_872 : memref<!tpu.dma_semaphore, #tpu.memory_space<semaphore_mem>>) src(%arg7 : memref<32768xf32, #tpu.memory_space<vmem>>) dst(%dma_wait3A_874 : memref<32768xf32, #tpu.memory_space<hbm>>)
      tpu.yield
    }) : () -> ()
    return
  }
}

module attributes {stable_mosaic.version = 14 : i64} {
  func.func @_body(%arg0: i32, %arg1: memref<1x512x2xf32, #tpu.memory_space<vmem>>, %arg2: memref<1x512x512xf32, #tpu.memory_space<vmem>>, %arg3: memref<2x64xf32, #tpu.memory_space<vmem>>, %arg4: memref<1x64xf32, #tpu.memory_space<vmem>>, %arg5: memref<64x64xf32, #tpu.memory_space<vmem>>, %arg6: memref<1x64xf32, #tpu.memory_space<vmem>>, %arg7: memref<64x64xf32, #tpu.memory_space<vmem>>, %arg8: memref<1x64xf32, #tpu.memory_space<vmem>>, %arg9: memref<64x64xf32, #tpu.memory_space<vmem>>, %arg10: memref<64x64xf32, #tpu.memory_space<vmem>>, %arg11: memref<1x64xf32, #tpu.memory_space<vmem>>, %arg12: memref<64x1xf32, #tpu.memory_space<vmem>>, %arg13: memref<1x1xf32, #tpu.memory_space<vmem>>, %arg14: memref<1x512x512xf32, #tpu.memory_space<vmem>>) attributes {dimension_semantics = [#tpu.dimension_semantics<arbitrary>], iteration_bounds = array<i64: 4>, scalar_prefetch = 0 : i64, scratch_operands = 0 : i64, tpu.core_type = #tpu.core_type<tc>, window_params = [{transform_indices = @transform_0, window_bounds = array<i64: 1, 512, 2>}, {transform_indices = @transform_1, window_bounds = array<i64: 1, 512, 512>}, {pipeline_mode = #tpu.pipeline_mode<synchronous>, transform_indices = @transform_2, window_bounds = array<i64: 2, 64>}, {pipeline_mode = #tpu.pipeline_mode<synchronous>, transform_indices = @transform_3, window_bounds = array<i64: 1, 64>}, {pipeline_mode = #tpu.pipeline_mode<synchronous>, transform_indices = @transform_4, window_bounds = array<i64: 64, 64>}, {pipeline_mode = #tpu.pipeline_mode<synchronous>, transform_indices = @transform_5, window_bounds = array<i64: 1, 64>}, {pipeline_mode = #tpu.pipeline_mode<synchronous>, transform_indices = @transform_6, window_bounds = array<i64: 64, 64>}, {pipeline_mode = #tpu.pipeline_mode<synchronous>, transform_indices = @transform_7, window_bounds = array<i64: 1, 64>}, {pipeline_mode = #tpu.pipeline_mode<synchronous>, transform_indices = @transform_8, window_bounds = array<i64: 64, 64>}, {pipeline_mode = #tpu.pipeline_mode<synchronous>, transform_indices = @transform_9, window_bounds = array<i64: 64, 64>}, {pipeline_mode = #tpu.pipeline_mode<synchronous>, transform_indices = @transform_10, window_bounds = array<i64: 1, 64>}, {pipeline_mode = #tpu.pipeline_mode<synchronous>, transform_indices = @transform_11, window_bounds = array<i64: 64, 1>}, {pipeline_mode = #tpu.pipeline_mode<synchronous>, transform_indices = @transform_12, window_bounds = array<i64: 1, 1>}, {transform_indices = @transform_13, window_bounds = array<i64: 1, 512, 512>}]} {
    %get3A = arith.constant 0 : index
    %get3A_0 = arith.constant 0 : index
    %get3A_1 = arith.constant 0 : index
    %get3A_2 = vector.load %arg1[%get3A, %get3A_0, %get3A_1] : memref<1x512x2xf32, #tpu.memory_space<vmem>>, vector<1x512x1xf32>
    %get3A_3 = vector.shape_cast %get3A_2 : vector<1x512x1xf32> to vector<512x1xf32>
    %get3A_4 = arith.constant 0 : index
    %get3A_5 = arith.constant 0 : index
    %get3A_6 = arith.constant 1 : index
    %get3A_7 = vector.load %arg1[%get3A_4, %get3A_5, %get3A_6] : memref<1x512x2xf32, #tpu.memory_space<vmem>>, vector<1x512x1xf32>
    %get3A_8 = vector.shape_cast %get3A_7 : vector<1x512x1xf32> to vector<512x1xf32>
    %get3A_9 = arith.constant 0 : index
    %get3A_10 = arith.constant 0 : index
    %get3A_11 = arith.constant 0 : index
    %get3A_12 = vector.load %arg2[%get3A_9, %get3A_10, %get3A_11] : memref<1x512x512xf32, #tpu.memory_space<vmem>>, vector<1x512x512xf32>
    %get3A_13 = vector.shape_cast %get3A_12 : vector<1x512x512xf32> to vector<512x512xf32>
    %iota3A = tpu.iota {dimensions = array<i32: 0>} : vector<512x512xi32>
    %iota3A_14 = tpu.iota {dimensions = array<i32: 1>} : vector<512x512xi32>
    %eq3A = arith.cmpi eq, %iota3A, %iota3A_14 : vector<512x512xi32>
    %convert_element_type3A = arith.extui %eq3A : vector<512x512xi1> to vector<512x512xi32>
    %convert_element_type3A_15 = arith.sitofp %convert_element_type3A : vector<512x512xi32> to vector<512x512xf32>
    %dot_general3A = arith.constant dense<0.000000e+00> : vector<512x512xf32>
    %dot_general3A_16 = tpu.matmul %convert_element_type3A_15, %get3A_13, %dot_general3A {dimension_numbers = #tpu.dot_dimension_numbers<[1], [1], [0], [0], [0, 0, 1, 0], [], []>, transpose_lhs_hint = false} : vector<512x512xf32>, vector<512x512xf32>, vector<512x512xf32> -> vector<512x512xf32>
    %reduce_sum3A = arith.constant dense<0.000000e+00> : vector<512xf32>
    %reduce_sum3A_17 = vector.multi_reduction <add>, %dot_general3A_16, %reduce_sum3A [1] : vector<512x512xf32> to vector<512xf32>
    %broadcast_in_dim3A = vector.shape_cast %reduce_sum3A_17 : vector<512xf32> to vector<512x1xf32>
    %add3A = arith.constant 9.000000e+00 : f32
    %add3A_18 = vector.broadcast %add3A : f32 to vector<512x1xf32>
    %add3A_19 = arith.addf %broadcast_in_dim3A, %add3A_18 : vector<512x1xf32>
    %rsqrt3A = math.rsqrt %add3A_19 : vector<512x1xf32>
    %add3A_20 = arith.addf %get3A_13, %dot_general3A_16 : vector<512x512xf32>
    %get3A_21 = arith.constant 0 : index
    %get3A_22 = arith.constant 0 : index
    %get3A_23 = vector.load %arg3[%get3A_21, %get3A_22] : memref<2x64xf32, #tpu.memory_space<vmem>>, vector<1x64xf32>
    %mul3A = vector.broadcast %get3A_3 : vector<512x1xf32> to vector<512x64xf32>
    %mul3A_24 = vector.broadcast %get3A_23 : vector<1x64xf32> to vector<512x64xf32>
    %mul3A_25 = arith.mulf %mul3A, %mul3A_24 : vector<512x64xf32>
    %get3A_26 = arith.constant 1 : index
    %get3A_27 = arith.constant 0 : index
    %get3A_28 = vector.load %arg3[%get3A_26, %get3A_27] : memref<2x64xf32, #tpu.memory_space<vmem>>, vector<1x64xf32>
    %mul3A_29 = vector.broadcast %get3A_8 : vector<512x1xf32> to vector<512x64xf32>
    %mul3A_30 = vector.broadcast %get3A_28 : vector<1x64xf32> to vector<512x64xf32>
    %mul3A_31 = arith.mulf %mul3A_29, %mul3A_30 : vector<512x64xf32>
    %add3A_32 = arith.addf %mul3A_25, %mul3A_31 : vector<512x64xf32>
    %mul3A_33 = vector.broadcast %rsqrt3A : vector<512x1xf32> to vector<512x64xf32>
    %mul3A_34 = arith.mulf %mul3A_33, %add3A_32 : vector<512x64xf32>
    %dot_general3A_35 = arith.constant dense<0.000000e+00> : vector<512x64xf32>
    %dot_general3A_36 = tpu.matmul %add3A_20, %mul3A_34, %dot_general3A_35 {dimension_numbers = #tpu.dot_dimension_numbers<[1], [0], [0], [1], [0, 0, 1, 1], [], []>, transpose_lhs_hint = false} : vector<512x512xf32>, vector<512x64xf32>, vector<512x64xf32> -> vector<512x64xf32>
    %mul3A_37 = vector.broadcast %rsqrt3A : vector<512x1xf32> to vector<512x64xf32>
    %mul3A_38 = arith.mulf %mul3A_37, %dot_general3A_36 : vector<512x64xf32>
    %mul3A_39 = arith.mulf %rsqrt3A, %rsqrt3A : vector<512x1xf32>
    %mul3A_40 = vector.broadcast %mul3A_39 : vector<512x1xf32> to vector<512x64xf32>
    %mul3A_41 = arith.mulf %mul3A_40, %add3A_32 : vector<512x64xf32>
    %add3A_42 = arith.addf %mul3A_38, %mul3A_41 : vector<512x64xf32>
    %get3A_43 = arith.constant 0 : index
    %get3A_44 = arith.constant 0 : index
    %get3A_45 = vector.load %arg4[%get3A_43, %get3A_44] : memref<1x64xf32, #tpu.memory_space<vmem>>, vector<1x64xf32>
    %add3A_46 = vector.broadcast %get3A_45 : vector<1x64xf32> to vector<512x64xf32>
    %add3A_47 = arith.addf %add3A_42, %add3A_46 : vector<512x64xf32>
    %max3A = arith.constant 0.000000e+00 : f32
    %max3A_48 = vector.broadcast %max3A : f32 to vector<512x64xf32>
    %max3A_49 = arith.maximumf %add3A_47, %max3A_48 : vector<512x64xf32>
    %get3A_50 = arith.constant 0 : index
    %get3A_51 = arith.constant 0 : index
    %get3A_52 = vector.load %arg5[%get3A_50, %get3A_51] : memref<64x64xf32, #tpu.memory_space<vmem>>, vector<64x64xf32>
    %dot_general3A_53 = arith.constant dense<0.000000e+00> : vector<512x64xf32>
    %dot_general3A_54 = tpu.matmul %max3A_49, %get3A_52, %dot_general3A_53 {dimension_numbers = #tpu.dot_dimension_numbers<[1], [0], [0], [1], [0, 0, 1, 1], [], []>, transpose_lhs_hint = false} : vector<512x64xf32>, vector<64x64xf32>, vector<512x64xf32> -> vector<512x64xf32>
    %mul3A_55 = vector.broadcast %rsqrt3A : vector<512x1xf32> to vector<512x64xf32>
    %mul3A_56 = arith.mulf %mul3A_55, %dot_general3A_54 : vector<512x64xf32>
    %dot_general3A_57 = arith.constant dense<0.000000e+00> : vector<512x64xf32>
    %dot_general3A_58 = tpu.matmul %add3A_20, %mul3A_56, %dot_general3A_57 {dimension_numbers = #tpu.dot_dimension_numbers<[1], [0], [0], [1], [0, 0, 1, 1], [], []>, transpose_lhs_hint = false} : vector<512x512xf32>, vector<512x64xf32>, vector<512x64xf32> -> vector<512x64xf32>
    %mul3A_59 = vector.broadcast %rsqrt3A : vector<512x1xf32> to vector<512x64xf32>
    %mul3A_60 = arith.mulf %mul3A_59, %dot_general3A_58 : vector<512x64xf32>
    %mul3A_61 = arith.mulf %rsqrt3A, %rsqrt3A : vector<512x1xf32>
    %mul3A_62 = vector.broadcast %mul3A_61 : vector<512x1xf32> to vector<512x64xf32>
    %mul3A_63 = arith.mulf %mul3A_62, %dot_general3A_54 : vector<512x64xf32>
    %add3A_64 = arith.addf %mul3A_60, %mul3A_63 : vector<512x64xf32>
    %get3A_65 = arith.constant 0 : index
    %get3A_66 = arith.constant 0 : index
    %get3A_67 = vector.load %arg6[%get3A_65, %get3A_66] : memref<1x64xf32, #tpu.memory_space<vmem>>, vector<1x64xf32>
    %add3A_68 = vector.broadcast %get3A_67 : vector<1x64xf32> to vector<512x64xf32>
    %add3A_69 = arith.addf %add3A_64, %add3A_68 : vector<512x64xf32>
    %max3A_70 = arith.constant 0.000000e+00 : f32
    %max3A_71 = vector.broadcast %max3A_70 : f32 to vector<512x64xf32>
    %max3A_72 = arith.maximumf %add3A_69, %max3A_71 : vector<512x64xf32>
    %get3A_73 = arith.constant 0 : index
    %get3A_74 = arith.constant 0 : index
    %get3A_75 = vector.load %arg7[%get3A_73, %get3A_74] : memref<64x64xf32, #tpu.memory_space<vmem>>, vector<64x64xf32>
    %dot_general3A_76 = arith.constant dense<0.000000e+00> : vector<512x64xf32>
    %dot_general3A_77 = tpu.matmul %max3A_72, %get3A_75, %dot_general3A_76 {dimension_numbers = #tpu.dot_dimension_numbers<[1], [0], [0], [1], [0, 0, 1, 1], [], []>, transpose_lhs_hint = false} : vector<512x64xf32>, vector<64x64xf32>, vector<512x64xf32> -> vector<512x64xf32>
    %mul3A_78 = vector.broadcast %rsqrt3A : vector<512x1xf32> to vector<512x64xf32>
    %mul3A_79 = arith.mulf %mul3A_78, %dot_general3A_77 : vector<512x64xf32>
    %dot_general3A_80 = arith.constant dense<0.000000e+00> : vector<512x64xf32>
    %dot_general3A_81 = tpu.matmul %add3A_20, %mul3A_79, %dot_general3A_80 {dimension_numbers = #tpu.dot_dimension_numbers<[1], [0], [0], [1], [0, 0, 1, 1], [], []>, transpose_lhs_hint = false} : vector<512x512xf32>, vector<512x64xf32>, vector<512x64xf32> -> vector<512x64xf32>
    %mul3A_82 = vector.broadcast %rsqrt3A : vector<512x1xf32> to vector<512x64xf32>
    %mul3A_83 = arith.mulf %mul3A_82, %dot_general3A_81 : vector<512x64xf32>
    %mul3A_84 = arith.mulf %rsqrt3A, %rsqrt3A : vector<512x1xf32>
    %mul3A_85 = vector.broadcast %mul3A_84 : vector<512x1xf32> to vector<512x64xf32>
    %mul3A_86 = arith.mulf %mul3A_85, %dot_general3A_77 : vector<512x64xf32>
    %add3A_87 = arith.addf %mul3A_83, %mul3A_86 : vector<512x64xf32>
    %get3A_88 = arith.constant 0 : index
    %get3A_89 = arith.constant 0 : index
    %get3A_90 = vector.load %arg8[%get3A_88, %get3A_89] : memref<1x64xf32, #tpu.memory_space<vmem>>, vector<1x64xf32>
    %add3A_91 = vector.broadcast %get3A_90 : vector<1x64xf32> to vector<512x64xf32>
    %add3A_92 = arith.addf %add3A_87, %add3A_91 : vector<512x64xf32>
    %max3A_93 = arith.constant 0.000000e+00 : f32
    %max3A_94 = vector.broadcast %max3A_93 : f32 to vector<512x64xf32>
    %max3A_95 = arith.maximumf %add3A_92, %max3A_94 : vector<512x64xf32>
    %get3A_96 = arith.constant 0 : index
    %get3A_97 = arith.constant 0 : index
    %get3A_98 = vector.load %arg9[%get3A_96, %get3A_97] : memref<64x64xf32, #tpu.memory_space<vmem>>, vector<64x64xf32>
    %dot_general3A_99 = arith.constant dense<0.000000e+00> : vector<512x64xf32>
    %dot_general3A_100 = tpu.matmul %max3A_95, %get3A_98, %dot_general3A_99 {dimension_numbers = #tpu.dot_dimension_numbers<[1], [0], [0], [1], [0, 0, 1, 1], [], []>, transpose_lhs_hint = false} : vector<512x64xf32>, vector<64x64xf32>, vector<512x64xf32> -> vector<512x64xf32>
    %get3A_101 = arith.constant 0 : index
    %get3A_102 = arith.constant 0 : index
    %get3A_103 = vector.load %arg11[%get3A_101, %get3A_102] : memref<1x64xf32, #tpu.memory_space<vmem>>, vector<1x64xf32>
    %add3A_104 = vector.broadcast %get3A_103 : vector<1x64xf32> to vector<512x64xf32>
    %add3A_105 = arith.addf %dot_general3A_100, %add3A_104 : vector<512x64xf32>
    %iota3A_106 = tpu.iota {dimensions = array<i32: 0>} : vector<64x64xi32>
    %iota3A_107 = tpu.iota {dimensions = array<i32: 1>} : vector<64x64xi32>
    %eq3A_108 = arith.cmpi eq, %iota3A_106, %iota3A_107 : vector<64x64xi32>
    %convert_element_type3A_109 = arith.extui %eq3A_108 : vector<64x64xi1> to vector<64x64xi32>
    %convert_element_type3A_110 = arith.sitofp %convert_element_type3A_109 : vector<64x64xi32> to vector<64x64xf32>
    %dot_general3A_111 = arith.constant dense<0.000000e+00> : vector<64x512xf32>
    %dot_general3A_112 = tpu.matmul %convert_element_type3A_110, %add3A_105, %dot_general3A_111 {dimension_numbers = #tpu.dot_dimension_numbers<[1], [1], [0], [0], [0, 0, 1, 0], [], []>, transpose_lhs_hint = false} : vector<64x64xf32>, vector<512x64xf32>, vector<64x512xf32> -> vector<64x512xf32>
    %get3A_113 = arith.constant 0 : index
    %get3A_114 = arith.constant 0 : index
    %get3A_115 = vector.load %arg10[%get3A_113, %get3A_114] : memref<64x64xf32, #tpu.memory_space<vmem>>, vector<64x64xf32>
    %dot_general3A_116 = arith.constant dense<0.000000e+00> : vector<512x64xf32>
    %dot_general3A_117 = tpu.matmul %max3A_95, %get3A_115, %dot_general3A_116 {dimension_numbers = #tpu.dot_dimension_numbers<[1], [0], [0], [1], [0, 0, 1, 1], [], []>, transpose_lhs_hint = false} : vector<512x64xf32>, vector<64x64xf32>, vector<512x64xf32> -> vector<512x64xf32>
    %iota3A_118 = tpu.iota {dimensions = array<i32: 0>} : vector<64x64xi32>
    %iota3A_119 = tpu.iota {dimensions = array<i32: 1>} : vector<64x64xi32>
    %eq3A_120 = arith.cmpi eq, %iota3A_118, %iota3A_119 : vector<64x64xi32>
    %convert_element_type3A_121 = arith.extui %eq3A_120 : vector<64x64xi1> to vector<64x64xi32>
    %convert_element_type3A_122 = arith.sitofp %convert_element_type3A_121 : vector<64x64xi32> to vector<64x64xf32>
    %dot_general3A_123 = arith.constant dense<0.000000e+00> : vector<64x512xf32>
    %dot_general3A_124 = tpu.matmul %convert_element_type3A_122, %dot_general3A_117, %dot_general3A_123 {dimension_numbers = #tpu.dot_dimension_numbers<[1], [1], [0], [0], [0, 0, 1, 0], [], []>, transpose_lhs_hint = false} : vector<64x64xf32>, vector<512x64xf32>, vector<64x512xf32> -> vector<64x512xf32>
    %get3A_125 = arith.constant 0 : index
    %get3A_126 = arith.constant 0 : index
    %get3A_127 = vector.load %arg12[%get3A_125, %get3A_126] : memref<64x1xf32, #tpu.memory_space<vmem>>, vector<64x1xf32>
    %broadcast_in_dim3A_128 = arith.constant 0.000000e+00 : f32
    %broadcast_in_dim3A_129 = vector.broadcast %broadcast_in_dim3A_128 : f32 to vector<512x512xf32>
    %slice3A = vector.extract_strided_slice %dot_general3A_112 {offsets = [0, 0], sizes = [8, 512], strides = [1, 1]} : vector<64x512xf32> to vector<8x512xf32>
    %reshape3A = vector.shape_cast %slice3A : vector<8x512xf32> to vector<8x512x1xf32>
    %slice3A_130 = vector.extract_strided_slice %dot_general3A_124 {offsets = [0, 0], sizes = [8, 512], strides = [1, 1]} : vector<64x512xf32> to vector<8x512xf32>
    %reshape3A_131 = vector.shape_cast %slice3A_130 : vector<8x512xf32> to vector<8x1x512xf32>
    %slice3A_132 = vector.extract_strided_slice %get3A_127 {offsets = [0, 0], sizes = [8, 1], strides = [1, 1]} : vector<64x1xf32> to vector<8x1xf32>
    %reshape3A_133 = vector.shape_cast %slice3A_132 : vector<8x1xf32> to vector<8x1x1xf32>
    %add3A_134 = vector.broadcast %reshape3A : vector<8x512x1xf32> to vector<8x512x512xf32>
    %add3A_135 = vector.broadcast %reshape3A_131 : vector<8x1x512xf32> to vector<8x512x512xf32>
    %add3A_136 = arith.addf %add3A_134, %add3A_135 : vector<8x512x512xf32>
    %max3A_137 = arith.constant 0.000000e+00 : f32
    %max3A_138 = vector.broadcast %max3A_137 : f32 to vector<8x512x512xf32>
    %max3A_139 = arith.maximumf %add3A_136, %max3A_138 : vector<8x512x512xf32>
    %mul3A_140 = vector.broadcast %reshape3A_133 : vector<8x1x1xf32> to vector<8x512x512xf32>
    %mul3A_141 = arith.mulf %max3A_139, %mul3A_140 : vector<8x512x512xf32>
    %reduce_sum3A_142 = arith.constant dense<0.000000e+00> : vector<512x512xf32>
    %reduce_sum3A_143 = vector.multi_reduction <add>, %mul3A_141, %reduce_sum3A_142 [0] : vector<8x512x512xf32> to vector<512x512xf32>
    %add3A_144 = arith.addf %broadcast_in_dim3A_129, %reduce_sum3A_143 : vector<512x512xf32>
    %slice3A_145 = vector.extract_strided_slice %dot_general3A_112 {offsets = [8, 0], sizes = [8, 512], strides = [1, 1]} : vector<64x512xf32> to vector<8x512xf32>
    %reshape3A_146 = vector.shape_cast %slice3A_145 : vector<8x512xf32> to vector<8x512x1xf32>
    %slice3A_147 = vector.extract_strided_slice %dot_general3A_124 {offsets = [8, 0], sizes = [8, 512], strides = [1, 1]} : vector<64x512xf32> to vector<8x512xf32>
    %reshape3A_148 = vector.shape_cast %slice3A_147 : vector<8x512xf32> to vector<8x1x512xf32>
    %slice3A_149 = vector.extract_strided_slice %get3A_127 {offsets = [8, 0], sizes = [8, 1], strides = [1, 1]} : vector<64x1xf32> to vector<8x1xf32>
    %reshape3A_150 = vector.shape_cast %slice3A_149 : vector<8x1xf32> to vector<8x1x1xf32>
    %add3A_151 = vector.broadcast %reshape3A_146 : vector<8x512x1xf32> to vector<8x512x512xf32>
    %add3A_152 = vector.broadcast %reshape3A_148 : vector<8x1x512xf32> to vector<8x512x512xf32>
    %add3A_153 = arith.addf %add3A_151, %add3A_152 : vector<8x512x512xf32>
    %max3A_154 = arith.constant 0.000000e+00 : f32
    %max3A_155 = vector.broadcast %max3A_154 : f32 to vector<8x512x512xf32>
    %max3A_156 = arith.maximumf %add3A_153, %max3A_155 : vector<8x512x512xf32>
    %mul3A_157 = vector.broadcast %reshape3A_150 : vector<8x1x1xf32> to vector<8x512x512xf32>
    %mul3A_158 = arith.mulf %max3A_156, %mul3A_157 : vector<8x512x512xf32>
    %reduce_sum3A_159 = arith.constant dense<0.000000e+00> : vector<512x512xf32>
    %reduce_sum3A_160 = vector.multi_reduction <add>, %mul3A_158, %reduce_sum3A_159 [0] : vector<8x512x512xf32> to vector<512x512xf32>
    %add3A_161 = arith.addf %add3A_144, %reduce_sum3A_160 : vector<512x512xf32>
    %slice3A_162 = vector.extract_strided_slice %dot_general3A_112 {offsets = [16, 0], sizes = [8, 512], strides = [1, 1]} : vector<64x512xf32> to vector<8x512xf32>
    %reshape3A_163 = vector.shape_cast %slice3A_162 : vector<8x512xf32> to vector<8x512x1xf32>
    %slice3A_164 = vector.extract_strided_slice %dot_general3A_124 {offsets = [16, 0], sizes = [8, 512], strides = [1, 1]} : vector<64x512xf32> to vector<8x512xf32>
    %reshape3A_165 = vector.shape_cast %slice3A_164 : vector<8x512xf32> to vector<8x1x512xf32>
    %slice3A_166 = vector.extract_strided_slice %get3A_127 {offsets = [16, 0], sizes = [8, 1], strides = [1, 1]} : vector<64x1xf32> to vector<8x1xf32>
    %reshape3A_167 = vector.shape_cast %slice3A_166 : vector<8x1xf32> to vector<8x1x1xf32>
    %add3A_168 = vector.broadcast %reshape3A_163 : vector<8x512x1xf32> to vector<8x512x512xf32>
    %add3A_169 = vector.broadcast %reshape3A_165 : vector<8x1x512xf32> to vector<8x512x512xf32>
    %add3A_170 = arith.addf %add3A_168, %add3A_169 : vector<8x512x512xf32>
    %max3A_171 = arith.constant 0.000000e+00 : f32
    %max3A_172 = vector.broadcast %max3A_171 : f32 to vector<8x512x512xf32>
    %max3A_173 = arith.maximumf %add3A_170, %max3A_172 : vector<8x512x512xf32>
    %mul3A_174 = vector.broadcast %reshape3A_167 : vector<8x1x1xf32> to vector<8x512x512xf32>
    %mul3A_175 = arith.mulf %max3A_173, %mul3A_174 : vector<8x512x512xf32>
    %reduce_sum3A_176 = arith.constant dense<0.000000e+00> : vector<512x512xf32>
    %reduce_sum3A_177 = vector.multi_reduction <add>, %mul3A_175, %reduce_sum3A_176 [0] : vector<8x512x512xf32> to vector<512x512xf32>
    %add3A_178 = arith.addf %add3A_161, %reduce_sum3A_177 : vector<512x512xf32>
    %slice3A_179 = vector.extract_strided_slice %dot_general3A_112 {offsets = [24, 0], sizes = [8, 512], strides = [1, 1]} : vector<64x512xf32> to vector<8x512xf32>
    %reshape3A_180 = vector.shape_cast %slice3A_179 : vector<8x512xf32> to vector<8x512x1xf32>
    %slice3A_181 = vector.extract_strided_slice %dot_general3A_124 {offsets = [24, 0], sizes = [8, 512], strides = [1, 1]} : vector<64x512xf32> to vector<8x512xf32>
    %reshape3A_182 = vector.shape_cast %slice3A_181 : vector<8x512xf32> to vector<8x1x512xf32>
    %slice3A_183 = vector.extract_strided_slice %get3A_127 {offsets = [24, 0], sizes = [8, 1], strides = [1, 1]} : vector<64x1xf32> to vector<8x1xf32>
    %reshape3A_184 = vector.shape_cast %slice3A_183 : vector<8x1xf32> to vector<8x1x1xf32>
    %add3A_185 = vector.broadcast %reshape3A_180 : vector<8x512x1xf32> to vector<8x512x512xf32>
    %add3A_186 = vector.broadcast %reshape3A_182 : vector<8x1x512xf32> to vector<8x512x512xf32>
    %add3A_187 = arith.addf %add3A_185, %add3A_186 : vector<8x512x512xf32>
    %max3A_188 = arith.constant 0.000000e+00 : f32
    %max3A_189 = vector.broadcast %max3A_188 : f32 to vector<8x512x512xf32>
    %max3A_190 = arith.maximumf %add3A_187, %max3A_189 : vector<8x512x512xf32>
    %mul3A_191 = vector.broadcast %reshape3A_184 : vector<8x1x1xf32> to vector<8x512x512xf32>
    %mul3A_192 = arith.mulf %max3A_190, %mul3A_191 : vector<8x512x512xf32>
    %reduce_sum3A_193 = arith.constant dense<0.000000e+00> : vector<512x512xf32>
    %reduce_sum3A_194 = vector.multi_reduction <add>, %mul3A_192, %reduce_sum3A_193 [0] : vector<8x512x512xf32> to vector<512x512xf32>
    %add3A_195 = arith.addf %add3A_178, %reduce_sum3A_194 : vector<512x512xf32>
    %slice3A_196 = vector.extract_strided_slice %dot_general3A_112 {offsets = [32, 0], sizes = [8, 512], strides = [1, 1]} : vector<64x512xf32> to vector<8x512xf32>
    %reshape3A_197 = vector.shape_cast %slice3A_196 : vector<8x512xf32> to vector<8x512x1xf32>
    %slice3A_198 = vector.extract_strided_slice %dot_general3A_124 {offsets = [32, 0], sizes = [8, 512], strides = [1, 1]} : vector<64x512xf32> to vector<8x512xf32>
    %reshape3A_199 = vector.shape_cast %slice3A_198 : vector<8x512xf32> to vector<8x1x512xf32>
    %slice3A_200 = vector.extract_strided_slice %get3A_127 {offsets = [32, 0], sizes = [8, 1], strides = [1, 1]} : vector<64x1xf32> to vector<8x1xf32>
    %reshape3A_201 = vector.shape_cast %slice3A_200 : vector<8x1xf32> to vector<8x1x1xf32>
    %add3A_202 = vector.broadcast %reshape3A_197 : vector<8x512x1xf32> to vector<8x512x512xf32>
    %add3A_203 = vector.broadcast %reshape3A_199 : vector<8x1x512xf32> to vector<8x512x512xf32>
    %add3A_204 = arith.addf %add3A_202, %add3A_203 : vector<8x512x512xf32>
    %max3A_205 = arith.constant 0.000000e+00 : f32
    %max3A_206 = vector.broadcast %max3A_205 : f32 to vector<8x512x512xf32>
    %max3A_207 = arith.maximumf %add3A_204, %max3A_206 : vector<8x512x512xf32>
    %mul3A_208 = vector.broadcast %reshape3A_201 : vector<8x1x1xf32> to vector<8x512x512xf32>
    %mul3A_209 = arith.mulf %max3A_207, %mul3A_208 : vector<8x512x512xf32>
    %reduce_sum3A_210 = arith.constant dense<0.000000e+00> : vector<512x512xf32>
    %reduce_sum3A_211 = vector.multi_reduction <add>, %mul3A_209, %reduce_sum3A_210 [0] : vector<8x512x512xf32> to vector<512x512xf32>
    %add3A_212 = arith.addf %add3A_195, %reduce_sum3A_211 : vector<512x512xf32>
    %slice3A_213 = vector.extract_strided_slice %dot_general3A_112 {offsets = [40, 0], sizes = [8, 512], strides = [1, 1]} : vector<64x512xf32> to vector<8x512xf32>
    %reshape3A_214 = vector.shape_cast %slice3A_213 : vector<8x512xf32> to vector<8x512x1xf32>
    %slice3A_215 = vector.extract_strided_slice %dot_general3A_124 {offsets = [40, 0], sizes = [8, 512], strides = [1, 1]} : vector<64x512xf32> to vector<8x512xf32>
    %reshape3A_216 = vector.shape_cast %slice3A_215 : vector<8x512xf32> to vector<8x1x512xf32>
    %slice3A_217 = vector.extract_strided_slice %get3A_127 {offsets = [40, 0], sizes = [8, 1], strides = [1, 1]} : vector<64x1xf32> to vector<8x1xf32>
    %reshape3A_218 = vector.shape_cast %slice3A_217 : vector<8x1xf32> to vector<8x1x1xf32>
    %add3A_219 = vector.broadcast %reshape3A_214 : vector<8x512x1xf32> to vector<8x512x512xf32>
    %add3A_220 = vector.broadcast %reshape3A_216 : vector<8x1x512xf32> to vector<8x512x512xf32>
    %add3A_221 = arith.addf %add3A_219, %add3A_220 : vector<8x512x512xf32>
    %max3A_222 = arith.constant 0.000000e+00 : f32
    %max3A_223 = vector.broadcast %max3A_222 : f32 to vector<8x512x512xf32>
    %max3A_224 = arith.maximumf %add3A_221, %max3A_223 : vector<8x512x512xf32>
    %mul3A_225 = vector.broadcast %reshape3A_218 : vector<8x1x1xf32> to vector<8x512x512xf32>
    %mul3A_226 = arith.mulf %max3A_224, %mul3A_225 : vector<8x512x512xf32>
    %reduce_sum3A_227 = arith.constant dense<0.000000e+00> : vector<512x512xf32>
    %reduce_sum3A_228 = vector.multi_reduction <add>, %mul3A_226, %reduce_sum3A_227 [0] : vector<8x512x512xf32> to vector<512x512xf32>
    %add3A_229 = arith.addf %add3A_212, %reduce_sum3A_228 : vector<512x512xf32>
    %slice3A_230 = vector.extract_strided_slice %dot_general3A_112 {offsets = [48, 0], sizes = [8, 512], strides = [1, 1]} : vector<64x512xf32> to vector<8x512xf32>
    %reshape3A_231 = vector.shape_cast %slice3A_230 : vector<8x512xf32> to vector<8x512x1xf32>
    %slice3A_232 = vector.extract_strided_slice %dot_general3A_124 {offsets = [48, 0], sizes = [8, 512], strides = [1, 1]} : vector<64x512xf32> to vector<8x512xf32>
    %reshape3A_233 = vector.shape_cast %slice3A_232 : vector<8x512xf32> to vector<8x1x512xf32>
    %slice3A_234 = vector.extract_strided_slice %get3A_127 {offsets = [48, 0], sizes = [8, 1], strides = [1, 1]} : vector<64x1xf32> to vector<8x1xf32>
    %reshape3A_235 = vector.shape_cast %slice3A_234 : vector<8x1xf32> to vector<8x1x1xf32>
    %add3A_236 = vector.broadcast %reshape3A_231 : vector<8x512x1xf32> to vector<8x512x512xf32>
    %add3A_237 = vector.broadcast %reshape3A_233 : vector<8x1x512xf32> to vector<8x512x512xf32>
    %add3A_238 = arith.addf %add3A_236, %add3A_237 : vector<8x512x512xf32>
    %max3A_239 = arith.constant 0.000000e+00 : f32
    %max3A_240 = vector.broadcast %max3A_239 : f32 to vector<8x512x512xf32>
    %max3A_241 = arith.maximumf %add3A_238, %max3A_240 : vector<8x512x512xf32>
    %mul3A_242 = vector.broadcast %reshape3A_235 : vector<8x1x1xf32> to vector<8x512x512xf32>
    %mul3A_243 = arith.mulf %max3A_241, %mul3A_242 : vector<8x512x512xf32>
    %reduce_sum3A_244 = arith.constant dense<0.000000e+00> : vector<512x512xf32>
    %reduce_sum3A_245 = vector.multi_reduction <add>, %mul3A_243, %reduce_sum3A_244 [0] : vector<8x512x512xf32> to vector<512x512xf32>
    %add3A_246 = arith.addf %add3A_229, %reduce_sum3A_245 : vector<512x512xf32>
    %slice3A_247 = vector.extract_strided_slice %dot_general3A_112 {offsets = [56, 0], sizes = [8, 512], strides = [1, 1]} : vector<64x512xf32> to vector<8x512xf32>
    %reshape3A_248 = vector.shape_cast %slice3A_247 : vector<8x512xf32> to vector<8x512x1xf32>
    %slice3A_249 = vector.extract_strided_slice %dot_general3A_124 {offsets = [56, 0], sizes = [8, 512], strides = [1, 1]} : vector<64x512xf32> to vector<8x512xf32>
    %reshape3A_250 = vector.shape_cast %slice3A_249 : vector<8x512xf32> to vector<8x1x512xf32>
    %slice3A_251 = vector.extract_strided_slice %get3A_127 {offsets = [56, 0], sizes = [8, 1], strides = [1, 1]} : vector<64x1xf32> to vector<8x1xf32>
    %reshape3A_252 = vector.shape_cast %slice3A_251 : vector<8x1xf32> to vector<8x1x1xf32>
    %add3A_253 = vector.broadcast %reshape3A_248 : vector<8x512x1xf32> to vector<8x512x512xf32>
    %add3A_254 = vector.broadcast %reshape3A_250 : vector<8x1x512xf32> to vector<8x512x512xf32>
    %add3A_255 = arith.addf %add3A_253, %add3A_254 : vector<8x512x512xf32>
    %max3A_256 = arith.constant 0.000000e+00 : f32
    %max3A_257 = vector.broadcast %max3A_256 : f32 to vector<8x512x512xf32>
    %max3A_258 = arith.maximumf %add3A_255, %max3A_257 : vector<8x512x512xf32>
    %mul3A_259 = vector.broadcast %reshape3A_252 : vector<8x1x1xf32> to vector<8x512x512xf32>
    %mul3A_260 = arith.mulf %max3A_258, %mul3A_259 : vector<8x512x512xf32>
    %reduce_sum3A_261 = arith.constant dense<0.000000e+00> : vector<512x512xf32>
    %reduce_sum3A_262 = vector.multi_reduction <add>, %mul3A_260, %reduce_sum3A_261 [0] : vector<8x512x512xf32> to vector<512x512xf32>
    %add3A_263 = arith.addf %add3A_246, %reduce_sum3A_262 : vector<512x512xf32>
    %get3A_264 = arith.constant 0 : index
    %get3A_265 = arith.constant 0 : index
    %get3A_266 = vector.load %arg13[%get3A_264, %get3A_265] : memref<1x1xf32, #tpu.memory_space<vmem>>, vector<1x1xf32>
    %add3A_267 = vector.broadcast %get3A_266 : vector<1x1xf32> to vector<512x512xf32>
    %add3A_268 = arith.addf %add3A_263, %add3A_267 : vector<512x512xf32>
    %neg3A = arith.constant 0.000000e+00 : f32
    %neg3A_269 = vector.broadcast %neg3A : f32 to vector<512x512xf32>
    %neg3A_270 = arith.subf %neg3A_269, %add3A_268 : vector<512x512xf32>
    %exp3A = math.exp %neg3A_270 : vector<512x512xf32>
    %add3A_271 = arith.constant 1.000000e+00 : f32
    %add3A_272 = vector.broadcast %add3A_271 : f32 to vector<512x512xf32>
    %add3A_273 = arith.addf %add3A_272, %exp3A : vector<512x512xf32>
    %div3A = arith.constant 1.000000e+00 : f32
    %div3A_274 = vector.broadcast %div3A : f32 to vector<512x512xf32>
    %div3A_275 = arith.divf %div3A_274, %add3A_273 : vector<512x512xf32>
    %iota3A_276 = tpu.iota {dimensions = array<i32: 0>} : vector<512x512xi32>
    %iota3A_277 = tpu.iota {dimensions = array<i32: 1>} : vector<512x512xi32>
    %gt3A = arith.cmpi sgt, %iota3A_277, %iota3A_276 : vector<512x512xi32>
    %jit3A = arith.constant 0.000000e+00 : f32
    %broadcast_in_dim3A_278 = vector.broadcast %jit3A : f32 to vector<512x512xf32>
    %select_n3A = arith.select %gt3A, %div3A_275, %broadcast_in_dim3A_278 : vector<512x512xi1>, vector<512x512xf32>
    %iota3A_279 = tpu.iota {dimensions = array<i32: 0>} : vector<512x512xi32>
    %iota3A_280 = tpu.iota {dimensions = array<i32: 1>} : vector<512x512xi32>
    %eq3A_281 = arith.cmpi eq, %iota3A_279, %iota3A_280 : vector<512x512xi32>
    %convert_element_type3A_282 = arith.extui %eq3A_281 : vector<512x512xi1> to vector<512x512xi32>
    %convert_element_type3A_283 = arith.sitofp %convert_element_type3A_282 : vector<512x512xi32> to vector<512x512xf32>
    %dot_general3A_284 = arith.constant dense<0.000000e+00> : vector<512x512xf32>
    %dot_general3A_285 = tpu.matmul %convert_element_type3A_283, %select_n3A, %dot_general3A_284 {dimension_numbers = #tpu.dot_dimension_numbers<[1], [1], [0], [0], [0, 0, 1, 0], [], []>, transpose_lhs_hint = false} : vector<512x512xf32>, vector<512x512xf32>, vector<512x512xf32> -> vector<512x512xf32>
    %add3A_286 = arith.addf %select_n3A, %dot_general3A_285 : vector<512x512xf32>
    %swap3A = arith.constant 0 : index
    %swap3A_287 = arith.constant 0 : index
    %swap3A_288 = arith.constant 0 : index
    %swap3A_289 = vector.load %arg14[%swap3A, %swap3A_287, %swap3A_288] : memref<1x512x512xf32, #tpu.memory_space<vmem>>, vector<1x512x512xf32>
    %swap3A_290 = vector.shape_cast %swap3A_289 : vector<1x512x512xf32> to vector<512x512xf32>
    %swap3A_291 = vector.shape_cast %add3A_286 : vector<512x512xf32> to vector<1x512x512xf32>
    tpu.vector_store %arg14[%swap3A, %swap3A_287, %swap3A_288], %swap3A_291 {strides = array<i32>} : memref<1x512x512xf32, #tpu.memory_space<vmem>>, vector<1x512x512xf32>,
    return
  }
  func.func @transform_0(%arg0: i32) -> (i32, i32, i32) {
    %c0_i32 = arith.constant 0 : i32
    %c0_i32_0 = arith.constant 0 : i32
    %c0_i32_1 = arith.constant 0 : i32
    return %arg0, %c0_i32, %c0_i32_0 : i32, i32, i32
  }
  func.func @transform_1(%arg0: i32) -> (i32, i32, i32) {
    %c0_i32 = arith.constant 0 : i32
    %c0_i32_0 = arith.constant 0 : i32
    %c0_i32_1 = arith.constant 0 : i32
    return %arg0, %c0_i32, %c0_i32_0 : i32, i32, i32
  }
  func.func @transform_2(%arg0: i32) -> (i32, i32) {
    %c0_i32 = arith.constant 0 : i32
    %c0_i32_0 = arith.constant 0 : i32
    %c0_i32_1 = arith.constant 0 : i32
    return %c0_i32, %c0_i32_0 : i32, i32
  }
  func.func @transform_3(%arg0: i32) -> (i32, i32) {
    %c0_i32 = arith.constant 0 : i32
    %c0_i32_0 = arith.constant 0 : i32
    %c0_i32_1 = arith.constant 0 : i32
    return %c0_i32, %c0_i32_0 : i32, i32
  }
  func.func @transform_4(%arg0: i32) -> (i32, i32) {
    %c0_i32 = arith.constant 0 : i32
    %c0_i32_0 = arith.constant 0 : i32
    %c0_i32_1 = arith.constant 0 : i32
    return %c0_i32, %c0_i32_0 : i32, i32
  }
  func.func @transform_5(%arg0: i32) -> (i32, i32) {
    %c0_i32 = arith.constant 0 : i32
    %c0_i32_0 = arith.constant 0 : i32
    %c0_i32_1 = arith.constant 0 : i32
    return %c0_i32, %c0_i32_0 : i32, i32
  }
  func.func @transform_6(%arg0: i32) -> (i32, i32) {
    %c0_i32 = arith.constant 0 : i32
    %c0_i32_0 = arith.constant 0 : i32
    %c0_i32_1 = arith.constant 0 : i32
    return %c0_i32, %c0_i32_0 : i32, i32
  }
  func.func @transform_7(%arg0: i32) -> (i32, i32) {
    %c0_i32 = arith.constant 0 : i32
    %c0_i32_0 = arith.constant 0 : i32
    %c0_i32_1 = arith.constant 0 : i32
    return %c0_i32, %c0_i32_0 : i32, i32
  }
  func.func @transform_8(%arg0: i32) -> (i32, i32) {
    %c0_i32 = arith.constant 0 : i32
    %c0_i32_0 = arith.constant 0 : i32
    %c0_i32_1 = arith.constant 0 : i32
    return %c0_i32, %c0_i32_0 : i32, i32
  }
  func.func @transform_9(%arg0: i32) -> (i32, i32) {
    %c0_i32 = arith.constant 0 : i32
    %c0_i32_0 = arith.constant 0 : i32
    %c0_i32_1 = arith.constant 0 : i32
    return %c0_i32, %c0_i32_0 : i32, i32
  }
  func.func @transform_10(%arg0: i32) -> (i32, i32) {
    %c0_i32 = arith.constant 0 : i32
    %c0_i32_0 = arith.constant 0 : i32
    %c0_i32_1 = arith.constant 0 : i32
    return %c0_i32, %c0_i32_0 : i32, i32
  }
  func.func @transform_11(%arg0: i32) -> (i32, i32) {
    %c0_i32 = arith.constant 0 : i32
    %c0_i32_0 = arith.constant 0 : i32
    %c0_i32_1 = arith.constant 0 : i32
    return %c0_i32, %c0_i32_0 : i32, i32
  }
  func.func @transform_12(%arg0: i32) -> (i32, i32) {
    %c0_i32 = arith.constant 0 : i32
    %c0_i32_0 = arith.constant 0 : i32
    %c0_i32_1 = arith.constant 0 : i32
    return %c0_i32, %c0_i32_0 : i32, i32
  }
  func.func @transform_13(%arg0: i32) -> (i32, i32, i32) {
    %c0_i32 = arith.constant 0 : i32
    %c0_i32_0 = arith.constant 0 : i32
    %c0_i32_1 = arith.constant 0 : i32
    return %arg0, %c0_i32, %c0_i32_0 : i32, i32, i32
  }
}

</mosaic_0001>

<sc_bundles>
// kernel: kernel.4.cloned.1.call-start
scs
__scs_entry_jumppad:
0x0: {  	(pc) =	sbr.rel $0x88, $3  }
0x1: {  	(tag) =	ssettag $0x0;
	lr =	simm.s32 $0x1  }
0x2: {  	[smem:$0x3F96] =	sst lr;
	_ =	strace $0xD0000000  }
0x3: {  	_ = 	snop  }
0x4: {  	_ = 	snop  }
0x5: {  	_ = 	snop  }
0x6: {  	_ = 	snop  }
0x7: {  	_ = 	snop  }
__scs_overlays_trampoline_lowered:
0x8: {  	[smem:$0x3FA5] =	sst s0  }
0x9: {  	[smem:$0x3FA6] =	sst s1  }
0xa: {  	[smem:$0x3FA7] =	sst s2  }
0xb: {  	[smem:$0x3FA8] =	sst s3  }
0xc: {  	[smem:$0x3FA9] =	sst s4  }
0xd: {  	[smem:$0x3FAA] =	sst s5  }
0xe: {  	[smem:$0x3FAB] =	sst s6  }
0xf: {  	[smem:$0x3FAC] =	sst s7  }
0x10: {  	[smem:$0x3FAD] =	sst s8  }
0x11: {  	[smem:$0x3FAE] =	sst s9;
	s0 =	simm.s32 @!p0 $0x0  }
0x12: {  	s1 =	sld [smem:$0x3F94];
	s0 =	simm.s32 @p0 $0x1  }
0x13: {  	[smem:$0x3FAF] =	sst s0;
	s0 =	simm.s32 @!p1 $0x0  }
0x14: {  	s2 =	sld [smem:$0x3F93];
	s0 =	simm.s32 @p1 $0x1  }
0x15: {  	[smem:$0x3FB0] =	sst s0;
	s0 =	simm.s32 @!p2 $0x0  }
0x16: {  	s3 =	sld [smem:$0x3FDB];
	s0 =	simm.s32 @p2 $0x1  }
0x17: {  	s4 =	simm.s32 $0x1BF5;
	[smem:$0x3FB2] =	sst s0  }
0x18: {  	s0 =	sld [smem:$0x3F95];
	_ =	swait.ge [sflag:s4], $0x0  }
0x19: {  	s7 =	sld [smem:$0x3F96]  }
0x1a: {  	s8 =	sadd.s32 $0xFFFFE003, lr  }
0x1b: {  	s9 =	sadd.s32 $0xFFFFFEF7, lr;
	s5 =	simm.s32 $0xFFFFFFFF;
	p2 =	slt.u32 s8, $0xFFFFF086  }
0x1c: {  	p1 =	slt.u32 s9, $0xF7A;
	s5 =	simm.s32 @!p2 $0x0  }
0x1d: {  	s5 =	simm.s32 @p1 $0x1;
	p0 =	seq.s32 s7, s2  }
0x1e: {  	s7 =	smul.u32 @!p0 $0xF7A, s2;
	p2 =	seq.s32 @!p0 s5, $0x0  }
0x1f: {  	s9 =	smul.u32 $0xF7A, s1;
	s8 =	simm.s32 @!p0 $0x1BF5;
	p2 =	por !p2, p0  }
0x20: {  	[sflag:s8] =	ssyncset.s32 @!p0 $0xFFFFF086;
	s6 =	sadd.s32 @!p0 s3, s7;
	s7 =	simm.s32 @!p0 $0x108  }
0x21: {  	s3 =	sadd.s32 s3, s9;
	s6 =	sadd.s32 @!p0 $0x88, s6;
	s7 =	simm.s32 @p2 $0x1082  }
0x22: {  	[simem:s7], [sflag:s8] =	dma.local @!p0 [hbm:s6], $0xF7A  }
0x23: {  	s9 =	sor.u32 $0xD0000000, s2;
	s6 =	simm.s32 $0x108;
	_ =	swait.ge @!p0 [sflag:s8], $0x0  }
0x24: {  	s3 =	sadd.s32 $0x88, s3;
	s6 =	simm.s32 @!p1 $0x1082;
	[sflag:s4] =	ssyncset.s32 $0xFFFFF086  }
0x25: {  	[simem:s6], [sflag:s4] =	dma.local [hbm:s3], $0xF7A  }
0x26: {  	[smem:$0x3F96] =	sst s1;
	(tag) =	ssettag s2;
	_ =	strace s9  }
0x27: {  	s1 =	sld [smem:$0x3FA6]  }
0x28: {  	s2 =	sld [smem:$0x3FA7]  }
0x29: {  	s4 =	sld [smem:$0x3FA9]  }
0x2a: {  	p0 =	seq.s32 s5, $0x0;
	s5 =	sld [smem:$0x3FAA]  }
0x2b: {  	s6 =	sld [smem:$0x3FAB]  }
0x2c: {  	s7 =	sld [smem:$0x3FAC]  }
0x2d: {  	s3 =	simm.s32 $0x108;
	s8 =	sld [smem:$0x3FAD]  }
0x2e: {  	s3 =	simm.s32 @!p0 $0x1082;
	s9 =	sld [smem:$0x3FAE]  }
0x2f: {  	lr =	sadd.s32 s0, s3;
	s0 =	sld [smem:$0x3FA5]  }
0x30: {  	s3 =	sld [smem:$0x3FA8]  }
0x31: {  	[smem:$0x3FB1] =	sst s10  }
0x32: {  	s10 =	sld [smem:$0x3FAF];
	_ =	sdelay $0x3  }
0x33: {  	p0 =	seq.s32 s10, $0x1;
	s10 =	sld [smem:$0x3FB1];
	_ =	sdelay $0x3  }
0x34: {  	[smem:$0x3FB1] =	sst s10  }
0x35: {  	s10 =	sld [smem:$0x3FB0];
	_ =	sdelay $0x3  }
0x36: {  	p1 =	seq.s32 s10, $0x1;
	s10 =	sld [smem:$0x3FB1];
	_ =	sdelay $0x3  }
0x37: {  	[smem:$0x3FB1] =	sst s10  }
0x38: {  	s10 =	sld [smem:$0x3FB2]  }
0x39: {  	_ = 	snop;
	(pc) =	sbr.ind lr, $3  }
0x3a: {  	_ = 	snop  }
0x3b: {  	_ = 	snop  }
0x3c: {  	p2 =	seq.s32 s10, $0x1;
	s10 =	sld [smem:$0x3FB1]  }
0x3d: {  	_ =	shalt  }
0x3e: {  	_ =	shalt  }
0x3f: {  	_ =	shalt  }
0x40: {  	_ =	shalt  }
0x41: {  	_ =	shalt  }
0x42: {  	_ =	shalt  }
0x43: {  	_ =	shalt  }
0x44: {  	_ =	shalt  }
0x45: {  	_ =	shalt  }
0x46: {  	_ =	shalt  }
0x47: {  	_ =	shalt  }
0x48: {  	_ =	shalt  }
0x49: {  	_ =	shalt  }
0x4a: {  	_ =	shalt  }
0x4b: {  	_ =	shalt  }
0x4c: {  	_ =	shalt  }
0x4d: {  	_ =	shalt  }
0x4e: {  	_ =	shalt  }
0x4f: {  	_ =	shalt  }
0x50: {  	_ =	shalt  }
0x51: {  	_ =	shalt  }
0x52: {  	_ =	shalt  }
0x53: {  	_ =	shalt  }
0x54: {  	_ =	shalt  }
0x55: {  	_ =	shalt  }
0x56: {  	_ =	shalt  }
0x57: {  	_ =	shalt  }
0x58: {  	_ =	shalt  }
0x59: {  	_ =	shalt  }
0x5a: {  	_ =	shalt  }
0x5b: {  	_ =	shalt  }
0x5c: {  	_ =	shalt  }
0x5d: {  	_ =	shalt  }
0x5e: {  	_ =	shalt  }
0x5f: {  	_ =	shalt  }
0x60: {  	_ =	shalt  }
0x61: {  	_ =	shalt  }
0x62: {  	_ =	shalt  }
0x63: {  	_ =	shalt  }
0x64: {  	_ =	shalt  }
0x65: {  	_ =	shalt  }
0x66: {  	_ =	shalt  }
0x67: {  	_ =	shalt  }
0x68: {  	_ =	shalt  }
0x69: {  	_ =	shalt  }
0x6a: {  	_ =	shalt  }
0x6b: {  	_ =	shalt  }
0x6c: {  	_ =	shalt  }
0x6d: {  	_ =	shalt  }
0x6e: {  	_ =	shalt  }
0x6f: {  	_ =	shalt  }
0x70: {  	_ =	shalt  }
0x71: {  	_ =	shalt  }
0x72: {  	_ =	shalt  }
0x73: {  	_ =	shalt  }
0x74: {  	_ =	shalt  }
0x75: {  	_ =	shalt  }
0x76: {  	_ =	shalt  }
0x77: {  	_ =	shalt  }
0x78: {  	_ =	shalt  }
0x79: {  	_ =	shalt  }
0x7a: {  	_ =	shalt  }
0x7b: {  	_ =	shalt  }
0x7c: {  	_ =	shalt  }
0x7d: {  	_ =	shalt  }
0x7e: {  	_ =	shalt  }
0x7f: {  	_ =	shalt  }
0x80: {  	_ =	shalt  }
0x81: {  	_ =	shalt  }
0x82: {  	_ =	shalt  }
0x83: {  	_ =	shalt  }
0x84: {  	_ =	shalt  }
0x85: {  	_ =	shalt  }
0x86: {  	_ =	shalt  }
0x87: {  	_ =	shalt  }
.Lfunc_end0:
.L_simem_size_0:
called_computation_lowered:
.L_overlay_start_0:
0x88: {  	s2 =	sld [smem:$0x3FD9]  }
0x89: {  	s3 =	sld [smem:$0x3FFE];
	_ =	sdelay $0x1  }
0x8a: {  	s1 =	srdreg.scid  }
0x8b: {  	s0 =	sand.u32 $0x1, s1  }
0x8c: {  	s18 =	sshll.u32 s0, $0xA;
	s2 =	sadd.s32 s3, s2  }
0x8d: {  	s2 =	sadd.s32 s2, s18  }
0x8e: {  	[smem:$0x3FBD] =	sst s2  }
0x8f: {  	_ = 	snop  }
0x90: {  	s2 =	sld [smem:$0x3FC9]  }
0x91: {  	s19 =	sld [smem:$0x3FD0];
	(tm) =	ssettm $0x1  }
0x92: {  	s4 =	sld [smem:$0x3FFB];
	_ =	sdelay $0x3  }
0x93: {  	_ =	strace s4  }
0x94: {  	s4 =	sld [smem:$0x3FFC];
	_ =	sdelay $0x3  }
0x95: {  	_ =	strace s4  }
0x96: {  	s4 =	sld [smem:$0x3FFD];
	_ =	sdelay $0x3  }
0x97: {  	_ =	strace s4  }
0x98: {  	_ =	strace $0x8FFFFFFF  }
0x99: {  	s20 =	sld [smem:$0x3FDB];
	_ =	sdelay $0x1  }
0x9a: {  	s5 =	simm.s32 $_scs_section_size  }
0x9b: {  	s6 =	simm.s32 $_size__tile_overlayer_lowered;
	s7 =	simm.s32 $_tile_overlayer_lowered  }
0x9c: {  	s23 =	simm.s32 $0x1BFF;
	s22 =	sshll.u32 s7, $0x1;
	s4 =	sadd.s32 s5, s20  }
0x9d: {  	s8 =	simm.s32 $0x0;
	s21 =	sshll.u32 s6, $0x1;
	s6 =	sadd.s32 s22, s4  }
0x9e: {  	[timem:s8], [sflag:s23] =	dma.local [hbm:s6], s21  }
0x9f: {  	_ =	swait.ge [sflag:s23], s21  }
0xa0: {  	s5 =	ssub.s32 $0x0, s21;
	[sflag:s23] =	ssyncset.done $0x0  }
0xa1: {  	[sflag:s23] =	ssyncadd.s32 s5;
	_ =	sdelay $0x1  }
0xa2: {  	s24 =	simm.s32 $0x1B8B  }
0xa3: {  	_ =	swait.ge [sflag:s24], $0x1  }
0xa4: {  	[sflag:s24] =	ssyncset.done $0x0  }
0xa5: {  	s25 =	simm.s32 $0x1B8E;
	[sflag:s24] =	ssyncadd.s32 $0xFFFFFFFF  }
0xa6: {  	s26 =	simm.s32 $execute0_lowered;
	[smem:$0x3FD2] =	sst s25  }
0xa7: {  	s5 =	sshll.u32 s26, $0x1;
	_ =	strace $0x80000046;
	[dreg:$0x1] =	wrdreg $0xFFFFFFFF  }
0xa8: {  	s28 =	simm.s32 $_size_execute0_lowered;
	s4 =	sadd.s32 s4, s5;
	[dreg:$0x0] =	wrdreg $0x0  }
0xa9: {  	s5 =	sshll.u32 s28, $0x1;
	[dreg:$0x2] =	wrdreg s4  }
0xaa: {  	[dreg:$0x3] =	wrdreg s5  }
0xab: {  	[dreg:$0x4] =	wrdreg $0xC0  }
0xac: {  	_ =	task [dreg:s8], $0x5FFFF  }
0xad: {  	[dreg:$0x1] =	wrdreg $0xFFFFFFFF  }
0xae: {  	[dreg:$0x0] =	wrdreg $0x60  }
0xaf: {  	[dreg:$0x2] =	wrdreg s2  }
0xb0: {  	[dreg:$0x3] =	wrdreg s19  }
0xb1: {  	[dreg:$0x4] =	wrdreg $0x9  }
0xb2: {  	_ =	task.clear_ibuf [dreg:s8], $0x5FFFF;
	_ =	strace $0x90000046  }
0xb3: {  	s29 =	simm.s32 $0x9;
	_ =	strace $0x80000048  }
0xb4: {  	_ =	swait.ge [sflag:s29], $0x1  }
0xb5: {  	[sflag:s29] =	ssyncadd.s32 $0xFFFFFFFF  }
0xb6: {  	_ =	strace $0x90000048  }
0xb7: {  	_ =	sfence  }
0xb8: {  	s30 =	sld [smem:$0x0];
	_ =	sdelay $0x2  }
0xb9: {  	s31 =	sshll.u32 s1, $0xD;
	s1 =	sshrl.u32 s1, $0x2  }
0xba: {  	s3 =	sand.u32 $0x4000, s31;
	s1 =	sadd.s32 s1, s30  }
0xbb: {  	s0 =	sor.u32 s3, s0;
	s1 =	sshll.u32 s1, $0x11  }
0xbc: {  	s0 =	sor.u32 s1, s0  }
0xbd: {  	s0 =	sadd.s32 $0x8F2B, s0  }
0xbe: {  	[sflag:s0] =	ssyncadd.remote.s32 $0x1  }
0xbf: {  	_ =	sfence.sel $0xFFFF  }
0xc0: {  	[dreg:$0x0] =	wrdreg $0xFFFFFFFF;
	(pc) =	sbr.abs _section_cstart, $3  }
0xc1: {  	[dreg:$0x1] =	wrdreg $0xFFFFFFFF  }
0xc2: {  	_ =	task.clear_ibuf [dreg:s8], $0x2FFFF;
	_ =	strace $0x9FFFFFFF  }
0xc3: {  	(tm) =	ssettm $0x7FFFFFFF  }
tec
execute0_lowered:
.L_overlay_start_1:
0x0: {  	(tag) =	ssettag $0x1  }
0x1: {  	s4 =	rddreg [dreg:$0x0]  }
0x2: {  	s9 =	rddreg [dreg:$0x1]  }
0x3: {  	s0 =	rddreg [dreg:$0x2]  }
0x4: {  	s2 =	simm.s32 $0x0;
	s3 =	srdreg.scid;
	s1 =	stileid.u32  }
0x5: {  	s12 =	simm.s32 $0x100;
	s13 =	simm.s32 $0x1;
	s14 =	simm.s32 $0x200  }
0x6: {  	s15 =	simm.s32 $0x8400;
	s16 =	simm.s32 $0x400;
	s17 =	simm.s32 $0x0  }
0x7: {  	[smem:$0x7FF] =	sst s2;
	s3 =	sand.u32 $0x1, s3;
	s5 =	sshll.u32 s1, $0x1  }
0x8: {  	s30 =	sshll.u32 s1, $0x5;
	_ =	strace $0x80000047;
	s10 =	sor.u32 s3, s5  }
0x9: {  	s6 =	ssub.s32 $0x2, s3;
	s5 =	sand.u32 $0x180, s30;
	s31 =	sshll.u32 s10, $0x6  }
0xa: {  	s7 =	sshrl.u32 s6, $0x1;
	s4 =	sadd.s32 s4, s5;
	s10 =	sshll.u32 s10, $0xC  }
0xb: {  	s3 =	sand.u32 $0x1C0, s31;
	s11 =	ssub.s32 s6, s7;
	s5 =	sadd.s32 $0x10, s4  }
0xc: {  	v0 =	vimm.f32 $0.0e+00;
	v1 =	vlaneseq.u32;
	s9 =	sadd.s32 s9, s10;
	s6 =	sor.u32 $0x10, s3;
	s7 =	sor.u32 $0x20, s3  }
0xd: {  	v3 =	vimm.f32 $1.000000000e+00;
	v4 =	vimm.f32 $+Inf;
	v2 =	vmul.u32 $0x200, v1;
	s8 =	sor.u32 $0x30, s3;
	s10 =	smax.u32 s11, $0x1;
	s11 =	simm.s32 $0x80  }
.LBB2_1:
0xe: {  	[tilespmem:s2], [sflag:$0x1] =	stream.strided.gather [hbm4b:s4+s11], $0x200, s12, s11, $0x38;
	[tilespmem:$0x10400] =	vst v63  }
0xf: {  	_ =	swait.ge [sflag:s13], $0x200  }
0x10: {  	[sflag:s13] =	ssyncset.done $0x0  }
0x11: {  	[sflag:s13] =	ssyncadd.s32 $0xFFFFFE00  }
0x12: {  	[tilespmem:s14], [sflag:$0x1] =	stream.strided.gather [hbm4b:s5+s11], $0x200, s12, s11, $0x38;
	[tilespmem:$0x10400] =	vst v63  }
0x13: {  	_ =	swait.ge [sflag:s13], $0x200  }
0x14: {  	[sflag:s13] =	ssyncset.done $0x0  }
0x15: {  	s18 =	simm.s32 $0x40;
	s19 =	simm.s32 $0x0;
	[sflag:s13] =	ssyncadd.s32 $0xFFFFFE00  }
.LBB2_2:
0x16: {  	p0 =	sne.s32 s18, $0x1FFC0;
	[tilespmem:s19+$0x8400] =	vst v0;
	s19 =	smov.u32 s18;
	s18 =	sadd.s32 $0x40, s18  }
.Ltmp0:
0x17: {  	(pc) =	sbr.rel @p0 .LBB2_2-.Ltmp0, $2  }
0x18: {  	_ =	sdelay $0x2  }
0x19: {  	s19 =	sshra.s32 s19, $0x2  }
0x1a: {  	[tilespmem:s19+$0x8400] =	vst v0;
	s18 =	simm.s32 $0x0  }
0x1b: {  	v12 =	vld [tilespmem:s18+$0x0]  }
0x1c: {  	v7 =	vld [tilespmem:s18+$0x200];
	_ =	sdelay $0x1  }
0x1d: {  	v6 =	vld [tilespmem:s3+$0x0];
	_ =	sdelay $0x1  }
0x1e: {  	v8 =	vbroadcast v12, $0x0  }
0x1f: {  	v5 =	vld [tilespmem:s3+$0x200];
	v9 =	vbroadcast v12, $0x9;
	v14 =	vbroadcast v7, $0x0  }
0x20: {  	v10 =	vbroadcast v12, $0x5;
	v19 =	vbroadcast v7, $0x2  }
0x21: {  	v13 =	vbroadcast v12, $0x8;
	v16 =	vbroadcast v12, $0x1;
	v8 =	vsub.f32 v6, v8  }
0x22: {  	v17 =	vbroadcast v12, $0xD;
	v11 =	vsub.f32 v6, v9;
	v9 =	vsub.f32 v6, v10  }
0x23: {  	v18 =	vbroadcast v12, $0xF;
	v15 =	vsub.f32 v6, v13;
	v13 =	vsub.f32 v6, v16  }
0x24: {  	s20 =	simm.s32 $0x480;
	v16 =	vbroadcast v12, $0xA;
	v10 =	vsub.f32 v5, v19;
	v19 =	vbroadcast v7, $0x3  }
0x25: {  	s21 =	simm.s32 $0x40;
	s19 =	simm.s32 $0x480;
	s18 =	simm.s32 $0x0;
	v8 =	vmul.f32 v8, v8;
	v9 =	vmul.f32 v9, v9  }
.LBB2_4:
0x26: {  	p0 =	sne.s32 s21, $0x7C0  }
0x27: {  	v20 =	vbroadcast v12, $0x6;
	v17 =	vsub.f32 v6, v17;
	v21 =	vbroadcast v7, $0xE;
	s20 =	sadd.s32 $0x100, s20;
	s22 =	smov.u32 s21;
	s21 =	sadd.s32 $0x40, s21  }
0x28: {  	v22 =	vbroadcast v12, $0x7;
	v23 =	vbroadcast v12, $0xC;
	v18 =	vsub.f32 v6, v18  }
0x29: {  	v24 =	vbroadcast v12, $0x4;
	v25 =	vbroadcast v7, $0xB;
	v19 =	vsub.f32 v5, v19  }
0x2a: {  	v16 =	vsub.f32 v6, v16;
	v22 =	vsub.f32 v6, v22;
	v18 =	vmul.f32 v18, v18  }
0x2b: {  	v26 =	vbroadcast v7, $0x1;
	v23 =	vsub.f32 v6, v23;
	v17 =	vmul.f32 v17, v17  }
0x2c: {  	v27 =	vbroadcast v7, $0x4;
	v28 =	vbroadcast v7, $0x9;
	v24 =	vsub.f32 v6, v24  }
0x2d: {  	v14 =	vsub.f32 v5, v14;
	v29 =	vbroadcast v7, $0xC;
	v23 =	vmul.f32 v23, v23  }
0x2e: {  	v30 =	vbroadcast v12, $0x3;
	v15 =	vmul.f32 v15, v15;
	v27 =	vsub.f32 v5, v27  }
0x2f: {  	v31 =	vbroadcast v12, $0x2;
	v32 =	vbroadcast v7, $0x6;
	v21 =	vsub.f32 v5, v21  }
0x30: {  	v33 =	vbroadcast v7, $0xD;
	v26 =	vsub.f32 v5, v26;
	v29 =	vsub.f32 v5, v29  }
0x31: {  	v34 =	vbroadcast v7, $0x8;
	v35 =	vbroadcast v12, $0xE;
	v20 =	vsub.f32 v6, v20  }
0x32: {  	v12 =	vbroadcast v12, $0xB;
	v32 =	vsub.f32 v5, v32;
	v26 =	vmul.f32 v26, v26  }
0x33: {  	v13 =	vmul.f32 v13, v13;
	v30 =	vsub.f32 v6, v30;
	v29 =	vmul.f32 v29, v29  }
0x34: {  	v34 =	vsub.f32 v5, v34;
	v28 =	vsub.f32 v5, v28;
	v32 =	vmul.f32 v32, v32  }
0x35: {  	v20 =	vmul.f32 v20, v20;
	v13 =	vadd.f32 v26, v13;
	v26 =	vbroadcast v7, $0x5  }
0x36: {  	v36 =	vbroadcast v7, $0xF;
	v35 =	vsub.f32 v6, v35;
	v24 =	vmul.f32 v24, v24  }
0x37: {  	[tilespmem:s19+$0xFFFFFF90] =	vst v13;
	v13 =	vmul.f32 v19, v19;
	v19 =	vadd.f32 v32, v20;
	v20 =	vmul.f32 v28, v28  }
0x38: {  	v11 =	vmul.f32 v11, v11;
	v28 =	vmul.f32 v30, v30;
	v30 =	vsub.f32 v5, v36  }
0x39: {  	v12 =	vsub.f32 v6, v12;
	v21 =	vmul.f32 v21, v21;
	[tilespmem:s19+$0xFFFFFFE0] =	vst v19;
	v19 =	vsub.f32 v5, v25  }
0x3a: {  	v13 =	vadd.f32 v13, v28;
	v25 =	vmul.f32 v27, v27;
	v27 =	vmul.f32 v35, v35  }
0x3b: {  	v12 =	vmul.f32 v12, v12;
	v11 =	vadd.f32 v20, v11;
	v19 =	vmul.f32 v19, v19  }
0x3c: {  	v20 =	vsub.f32 v6, v31;
	[tilespmem:s19+$0xFFFFFFB0] =	vst v13;
	v13 =	vadd.f32 v21, v27;
	v21 =	vmul.f32 v30, v30  }
0x3d: {  	v14 =	vmul.f32 v14, v14;
	v24 =	vadd.f32 v25, v24;
	[tilespmem:s19+$0x10] =	vst v11;
	v11 =	vadd.f32 v19, v12  }
0x3e: {  	v10 =	vmul.f32 v10, v10;
	v12 =	vmul.f32 v20, v20;
	[tilespmem:s19+$0x60] =	vst v13;
	v13 =	vadd.f32 v21, v18  }
0x3f: {  	v19 =	vbroadcast v7, $0x7;
	v18 =	vsub.f32 v5, v26;
	[tilespmem:s19+$0x30] =	vst v11;
	v11 =	vsub.f32 v5, v33  }
0x40: {  	v7 =	vbroadcast v7, $0xA;
	v10 =	vadd.f32 v10, v12;
	v12 =	vadd.f32 v29, v23;
	[tilespmem:s19+$0x70] =	vst v13  }
0x41: {  	v8 =	vadd.f32 v14, v8;
	v13 =	vmul.f32 v18, v18;
	[tilespmem:s19+$0xFFFFFFC0] =	vst v24;
	v11 =	vmul.f32 v11, v11  }
0x42: {  	v14 =	vmul.f32 v34, v34;
	v7 =	vsub.f32 v5, v7;
	[tilespmem:s19+$0xFFFFFFA0] =	vst v10;
	v10 =	vsub.f32 v5, v19  }
0x43: {  	v9 =	vadd.f32 v13, v9;
	v13 =	vmul.f32 v22, v22;
	[tilespmem:s19+$0x40] =	vst v12;
	v11 =	vadd.f32 v11, v17  }
0x44: {  	v7 =	vmul.f32 v7, v7;
	[tilespmem:s19+$0xFFFFFF80] =	vst v8;
	v8 =	vmul.f32 v10, v10;
	v10 =	vadd.f32 v14, v15  }
0x45: {  	v12 =	vmul.f32 v16, v16;
	[tilespmem:s19+$0x50] =	vst v11  }
0x46: {  	[tilespmem:s19+$0xFFFFFFD0] =	vst v9;
	v8 =	vadd.f32 v8, v13  }
0x47: {  	v7 =	vadd.f32 v7, v12;
	[tilespmem:s19+$0x0] =	vst v10  }
0x48: {  	s22 =	sshra.s32 s22, $0x2;
	[tilespmem:s19+$0xFFFFFFF0] =	vst v8  }
0x49: {  	[tilespmem:s19+$0x20] =	vst v7;
	s19 =	smov.u32 s20  }
0x4a: {  	v12 =	vld [tilespmem:s22+$0x0]  }
0x4b: {  	v7 =	vld [tilespmem:s22+$0x200];
	_ =	sdelay $0x3  }
0x4c: {  	v8 =	vbroadcast v12, $0x0;
	v9 =	vbroadcast v12, $0x9  }
0x4d: {  	v10 =	vbroadcast v12, $0x5;
	v14 =	vbroadcast v7, $0x0  }
.Ltmp1:
0x4e: {  	v13 =	vbroadcast v12, $0x8;
	v19 =	vbroadcast v7, $0x2;
	v8 =	vsub.f32 v6, v8;
	(pc) =	sbr.rel @p0 .LBB2_4-.Ltmp1, $4  }
0x4f: {  	v16 =	vbroadcast v12, $0x1;
	v17 =	vbroadcast v12, $0xD;
	v11 =	vsub.f32 v6, v9  }
0x50: {  	v9 =	vsub.f32 v6, v10;
	v15 =	vsub.f32 v6, v13;
	v8 =	vmul.f32 v8, v8  }
0x51: {  	v18 =	vbroadcast v12, $0xF;
	v13 =	vsub.f32 v6, v16;
	v16 =	vbroadcast v12, $0xA  }
0x52: {  	v10 =	vsub.f32 v5, v19;
	v19 =	vbroadcast v7, $0x3;
	v9 =	vmul.f32 v9, v9  }
0x53: {  	v20 =	vbroadcast v12, $0x6  }
0x54: {  	v21 =	vbroadcast v7, $0xE;
	v22 =	vbroadcast v12, $0x7  }
0x55: {  	v23 =	vbroadcast v12, $0xC;
	v24 =	vbroadcast v12, $0x4  }
0x56: {  	v25 =	vbroadcast v7, $0xB;
	v26 =	vbroadcast v7, $0x1  }
0x57: {  	v27 =	vbroadcast v7, $0x4;
	v28 =	vbroadcast v7, $0x9  }
0x58: {  	v29 =	vbroadcast v7, $0xC;
	v30 =	vbroadcast v12, $0x3  }
0x59: {  	v15 =	vmul.f32 v15, v15;
	v31 =	vbroadcast v12, $0x2  }
0x5a: {  	v17 =	vsub.f32 v6, v17;
	v32 =	vbroadcast v7, $0x6;
	v33 =	vbroadcast v7, $0xD  }
0x5b: {  	v18 =	vsub.f32 v6, v18;
	v34 =	vbroadcast v7, $0x8;
	v35 =	vbroadcast v12, $0xE  }
0x5c: {  	v16 =	vsub.f32 v6, v16;
	v43 =	vbroadcast v12, $0xB;
	v13 =	vmul.f32 v13, v13  }
0x5d: {  	v14 =	vsub.f32 v5, v14;
	v44 =	vbroadcast v7, $0x5;
	v36 =	vbroadcast v7, $0xF  }
0x5e: {  	v11 =	vmul.f32 v11, v11;
	v19 =	vsub.f32 v5, v19;
	v22 =	vsub.f32 v6, v22  }
0x5f: {  	v58 =	vbroadcast v7, $0x7;
	v23 =	vsub.f32 v6, v23;
	v24 =	vsub.f32 v6, v24  }
0x60: {  	v7 =	vbroadcast v7, $0xA;
	v27 =	vsub.f32 v5, v27;
	v21 =	vsub.f32 v5, v21  }
0x61: {  	v10 =	vmul.f32 v10, v10;
	v26 =	vsub.f32 v5, v26;
	v29 =	vsub.f32 v5, v29  }
0x62: {  	v18 =	vmul.f32 v18, v18;
	v32 =	vsub.f32 v5, v32;
	v20 =	vsub.f32 v6, v20  }
0x63: {  	v17 =	vmul.f32 v17, v17;
	v30 =	vsub.f32 v6, v30;
	v34 =	vsub.f32 v5, v34  }
0x64: {  	v28 =	vsub.f32 v5, v28;
	v35 =	vsub.f32 v6, v35;
	v54 =	vmul.f32 v14, v14  }
0x65: {  	v12 =	vsub.f32 v6, v43;
	v25 =	vsub.f32 v5, v25;
	v26 =	vmul.f32 v26, v26  }
0x66: {  	v32 =	vmul.f32 v32, v32;
	v20 =	vmul.f32 v20, v20;
	v8 =	vadd.f32 v54, v8  }
0x67: {  	v19 =	vmul.f32 v19, v19;
	v30 =	vmul.f32 v30, v30;
	v13 =	vadd.f32 v26, v13  }
0x68: {  	v45 =	vsub.f32 v5, v36;
	v28 =	vmul.f32 v28, v28;
	v20 =	vadd.f32 v32, v20;
	[tilespmem:s19+$0xFFFFFF80] =	vst v8  }
0x69: {  	v12 =	vmul.f32 v12, v12;
	v48 =	vmul.f32 v25, v25;
	v19 =	vadd.f32 v19, v30;
	[tilespmem:s19+$0xFFFFFF90] =	vst v13  }
0x6a: {  	v6 =	vsub.f32 v6, v31;
	v49 =	vmul.f32 v45, v45;
	v11 =	vadd.f32 v28, v11;
	[tilespmem:s19+$0xFFFFFFE0] =	vst v20  }
0x6b: {  	v50 =	vmul.f32 v24, v24;
	v51 =	vmul.f32 v27, v27;
	v52 =	vadd.f32 v48, v12;
	[tilespmem:s19+$0xFFFFFFB0] =	vst v19  }
0x6c: {  	v57 =	vsub.f32 v5, v44;
	v6 =	vmul.f32 v6, v6;
	v53 =	vadd.f32 v49, v18;
	[tilespmem:s19+$0x10] =	vst v11  }
0x6d: {  	v23 =	vmul.f32 v23, v23;
	v29 =	vmul.f32 v29, v29;
	v55 =	vadd.f32 v51, v50;
	[tilespmem:s19+$0x30] =	vst v52  }
0x6e: {  	v56 =	vsub.f32 v5, v33;
	v60 =	vmul.f32 v57, v57;
	v6 =	vadd.f32 v10, v6;
	[tilespmem:s19+$0x70] =	vst v53  }
0x6f: {  	v46 =	vmul.f32 v21, v21;
	v61 =	vmul.f32 v34, v34;
	v59 =	vadd.f32 v29, v23;
	[tilespmem:s19+$0xFFFFFFC0] =	vst v55  }
0x70: {  	v47 =	vmul.f32 v35, v35;
	v9 =	vadd.f32 v60, v9;
	[tilespmem:s19+$0xFFFFFFA0] =	vst v6;
	v6 =	vsub.f32 v5, v58  }
0x71: {  	v8 =	vadd.f32 v61, v15;
	v11 =	vmul.f32 v56, v56;
	v5 =	vsub.f32 v5, v7;
	[tilespmem:s19+$0x40] =	vst v59  }
0x72: {  	v62 =	vmul.f32 v22, v22;
	v13 =	vadd.f32 v46, v47;
	[tilespmem:s19+$0xFFFFFFD0] =	vst v9;
	v6 =	vmul.f32 v6, v6  }
0x73: {  	v63 =	vmul.f32 v16, v16;
	[tilespmem:s19+$0x0] =	vst v8;
	v7 =	vadd.f32 v11, v17;
	v5 =	vmul.f32 v5, v5  }
0x74: {  	[tilespmem:s19+$0x60] =	vst v13;
	v6 =	vadd.f32 v6, v62  }
0x75: {  	[tilespmem:s19+$0x50] =	vst v7;
	v5 =	vadd.f32 v5, v63  }
0x76: {  	[tilespmem:s19+$0xFFFFFFF0] =	vst v6  }
0x77: {  	s31 =	simm.s32 $0x400;
	[tilespmem:s19+$0x20] =	vst v5  }
0x78: {  	v6 =	vld [tilespmem:s31+$0x0];
	_ =	sdelay $0x3  }
0x79: {  	v7 =	vimm.f32 $+Inf  }
0x7a: {  	s20 =	simm.s32 $0x410;
	v5 =	vimm.s32 $0x0;
	s19 =	simm.s32 $0x1;
	vm0 =	vlt.f32 v6, v7  }
.LBB2_6:
0x7b: {  	p0 =	sne.s32 s19, $0x1FF;
	v7 =	vsel vm0, v6, v7;
	v6 =	vld [tilespmem:s20+$0x0];
	v5 =	vsel vm0, s18, v5;
	s18 =	smov.u32 s19;
	s19 =	sadd.s32 $0x1, s19  }
.Ltmp2:
0x7c: {  	(pc) =	sbr.rel @p0 .LBB2_6-.Ltmp2, $2  }
0x7d: {  	_ =	sdelay $0x2  }
0x7e: {  	s20 =	sadd.s32 $0x10, s20;
	vm0 =	vlt.f32 v6, v7  }
0x7f: {  	v5 =	vsel vm0, s18, v5  }
0x80: {  	v5 =	vshll.u32 v5, $0x4  }
0x81: {  	v6 =	vor.u32 v1, v5;
	_ =	sdelay $0x3  }
0x82: {  	s31 =	simm.s32 $0x400;
	v5 =	vimm.f32 $+Inf  }
0x83: {  	[tilespmem:v6+s31+$0x0] =	vst.idx.msk $0xffff, v5  }
0x84: {  	v7 =	vld [tilespmem:s31+$0x0];
	_ =	sdelay $0x4  }
0x85: {  	s18 =	simm.s32 $0x0;
	s19 =	simm.s32 $0x1;
	s20 =	simm.s32 $0x410;
	v6 =	vimm.s32 $0x0;
	vm0 =	vlt.f32 v7, v5  }
.LBB2_8:
0x86: {  	p0 =	sne.s32 s19, $0x1FF;
	v5 =	vsel vm0, v7, v5;
	v7 =	vld [tilespmem:s20+$0x0];
	v6 =	vsel vm0, s18, v6;
	s18 =	smov.u32 s19;
	s19 =	sadd.s32 $0x1, s19  }
.Ltmp3:
0x87: {  	(pc) =	sbr.rel @p0 .LBB2_8-.Ltmp3, $2  }
0x88: {  	_ =	sdelay $0x2  }
0x89: {  	s20 =	sadd.s32 $0x10, s20;
	vm0 =	vlt.f32 v7, v5  }
0x8a: {  	v5 =	vsel vm0, s18, v6  }
0x8b: {  	v6 =	vshll.u32 v5, $0x4  }
0x8c: {  	v6 =	vor.u32 v1, v6  }
0x8d: {  	v7 =	vadd.s32 v2, v5;
	_ =	sdelay $0x2  }
0x8e: {  	s31 =	simm.s32 $0x400;
	v5 =	vimm.f32 $+Inf  }
0x8f: {  	[tilespmem:v6+s31+$0x0] =	vst.idx.msk $0xffff, v5  }
0x90: {  	[tilespmem:v7+s15+$0x0] =	vst.idx.msk $0xffff, v3  }
0x91: {  	v7 =	vld [tilespmem:s31+$0x0];
	_ =	sdelay $0x4  }
0x92: {  	s18 =	simm.s32 $0x0;
	s19 =	simm.s32 $0x1;
	s20 =	simm.s32 $0x410;
	v6 =	vimm.s32 $0x0;
	vm0 =	vlt.f32 v7, v5  }
.LBB2_10:
0x93: {  	p0 =	sne.s32 s19, $0x1FF;
	v5 =	vsel vm0, v7, v5;
	v7 =	vld [tilespmem:s20+$0x0];
	v6 =	vsel vm0, s18, v6;
	s18 =	smov.u32 s19;
	s19 =	sadd.s32 $0x1, s19  }
.Ltmp4:
0x94: {  	(pc) =	sbr.rel @p0 .LBB2_10-.Ltmp4, $2  }
0x95: {  	_ =	sdelay $0x2  }
0x96: {  	s20 =	sadd.s32 $0x10, s20;
	vm0 =	vlt.f32 v7, v5  }
0x97: {  	v5 =	vsel vm0, s18, v6  }
0x98: {  	v6 =	vshll.u32 v5, $0x4  }
0x99: {  	v6 =	vor.u32 v1, v6  }
0x9a: {  	v7 =	vadd.s32 v2, v5;
	_ =	sdelay $0x2  }
0x9b: {  	s31 =	simm.s32 $0x400;
	v5 =	vimm.f32 $+Inf  }
0x9c: {  	[tilespmem:v6+s31+$0x0] =	vst.idx.msk $0xffff, v5  }
0x9d: {  	[tilespmem:v7+s15+$0x0] =	vst.idx.msk $0xffff, v3  }
0x9e: {  	v7 =	vld [tilespmem:s31+$0x0];
	_ =	sdelay $0x4  }
0x9f: {  	s18 =	simm.s32 $0x0;
	s19 =	simm.s32 $0x1;
	s20 =	simm.s32 $0x410;
	v6 =	vimm.s32 $0x0;
	vm0 =	vlt.f32 v7, v5  }
.LBB2_12:
0xa0: {  	p0 =	sne.s32 s19, $0x1FF;
	v5 =	vsel vm0, v7, v5;
	v7 =	vld [tilespmem:s20+$0x0];
	v6 =	vsel vm0, s18, v6;
	s18 =	smov.u32 s19;
	s19 =	sadd.s32 $0x1, s19  }
.Ltmp5:
0xa1: {  	(pc) =	sbr.rel @p0 .LBB2_12-.Ltmp5, $2  }
0xa2: {  	_ =	sdelay $0x2  }
0xa3: {  	s20 =	sadd.s32 $0x10, s20;
	vm0 =	vlt.f32 v7, v5  }
0xa4: {  	v5 =	vsel vm0, s18, v6  }
0xa5: {  	v6 =	vshll.u32 v5, $0x4  }
0xa6: {  	v6 =	vor.u32 v1, v6  }
0xa7: {  	v7 =	vadd.s32 v2, v5;
	_ =	sdelay $0x2  }
0xa8: {  	s31 =	simm.s32 $0x400;
	v5 =	vimm.f32 $+Inf  }
0xa9: {  	[tilespmem:v6+s31+$0x0] =	vst.idx.msk $0xffff, v5  }
0xaa: {  	[tilespmem:v7+s15+$0x0] =	vst.idx.msk $0xffff, v3  }
0xab: {  	v7 =	vld [tilespmem:s31+$0x0];
	_ =	sdelay $0x4  }
0xac: {  	s18 =	simm.s32 $0x0;
	s19 =	simm.s32 $0x1;
	s20 =	simm.s32 $0x410;
	v6 =	vimm.s32 $0x0;
	vm0 =	vlt.f32 v7, v5  }
.LBB2_14:
0xad: {  	p0 =	sne.s32 s19, $0x1FF;
	v5 =	vsel vm0, v7, v5;
	v7 =	vld [tilespmem:s20+$0x0];
	v6 =	vsel vm0, s18, v6;
	s18 =	smov.u32 s19;
	s19 =	sadd.s32 $0x1, s19  }
.Ltmp6:
0xae: {  	(pc) =	sbr.rel @p0 .LBB2_14-.Ltmp6, $2  }
0xaf: {  	_ =	sdelay $0x2  }
0xb0: {  	s20 =	sadd.s32 $0x10, s20;
	vm0 =	vlt.f32 v7, v5  }
0xb1: {  	v5 =	vsel vm0, s18, v6  }
0xb2: {  	v6 =	vshll.u32 v5, $0x4  }
0xb3: {  	v6 =	vor.u32 v1, v6  }
0xb4: {  	v7 =	vadd.s32 v2, v5;
	_ =	sdelay $0x2  }
0xb5: {  	s31 =	simm.s32 $0x400;
	v5 =	vimm.f32 $+Inf  }
0xb6: {  	[tilespmem:v6+s31+$0x0] =	vst.idx.msk $0xffff, v5  }
0xb7: {  	[tilespmem:v7+s15+$0x0] =	vst.idx.msk $0xffff, v3  }
0xb8: {  	v7 =	vld [tilespmem:s31+$0x0];
	_ =	sdelay $0x4  }
0xb9: {  	s18 =	simm.s32 $0x0;
	s19 =	simm.s32 $0x1;
	s20 =	simm.s32 $0x410;
	v6 =	vimm.s32 $0x0;
	vm0 =	vlt.f32 v7, v5  }
.LBB2_16:
0xba: {  	p0 =	sne.s32 s19, $0x1FF;
	v5 =	vsel vm0, v7, v5;
	v7 =	vld [tilespmem:s20+$0x0];
	v6 =	vsel vm0, s18, v6;
	s18 =	smov.u32 s19;
	s19 =	sadd.s32 $0x1, s19  }
.Ltmp7:
0xbb: {  	(pc) =	sbr.rel @p0 .LBB2_16-.Ltmp7, $2  }
0xbc: {  	_ =	sdelay $0x2  }
0xbd: {  	s20 =	sadd.s32 $0x10, s20;
	vm0 =	vlt.f32 v7, v5  }
0xbe: {  	v5 =	vsel vm0, s18, v6  }
0xbf: {  	v6 =	vshll.u32 v5, $0x4  }
0xc0: {  	v6 =	vor.u32 v1, v6  }
0xc1: {  	v7 =	vadd.s32 v2, v5;
	_ =	sdelay $0x2  }
0xc2: {  	s31 =	simm.s32 $0x400;
	v5 =	vimm.f32 $+Inf  }
0xc3: {  	[tilespmem:v6+s31+$0x0] =	vst.idx.msk $0xffff, v5  }
0xc4: {  	[tilespmem:v7+s15+$0x0] =	vst.idx.msk $0xffff, v3  }
0xc5: {  	v7 =	vld [tilespmem:s31+$0x0];
	_ =	sdelay $0x4  }
0xc6: {  	s18 =	simm.s32 $0x0;
	s19 =	simm.s32 $0x1;
	s20 =	simm.s32 $0x410;
	v6 =	vimm.s32 $0x0;
	vm0 =	vlt.f32 v7, v5  }
.LBB2_18:
0xc7: {  	p0 =	sne.s32 s19, $0x1FF;
	v5 =	vsel vm0, v7, v5;
	v7 =	vld [tilespmem:s20+$0x0];
	v6 =	vsel vm0, s18, v6;
	s18 =	smov.u32 s19;
	s19 =	sadd.s32 $0x1, s19  }
.Ltmp8:
0xc8: {  	(pc) =	sbr.rel @p0 .LBB2_18-.Ltmp8, $2  }
0xc9: {  	_ =	sdelay $0x2  }
0xca: {  	s20 =	sadd.s32 $0x10, s20;
	vm0 =	vlt.f32 v7, v5  }
0xcb: {  	v5 =	vsel vm0, s18, v6  }
0xcc: {  	v6 =	vshll.u32 v5, $0x4  }
0xcd: {  	v6 =	vor.u32 v1, v6  }
0xce: {  	v7 =	vadd.s32 v2, v5;
	_ =	sdelay $0x2  }
0xcf: {  	s31 =	simm.s32 $0x400;
	v5 =	vimm.f32 $+Inf  }
0xd0: {  	[tilespmem:v6+s31+$0x0] =	vst.idx.msk $0xffff, v5  }
0xd1: {  	[tilespmem:v7+s15+$0x0] =	vst.idx.msk $0xffff, v3  }
0xd2: {  	v7 =	vld [tilespmem:s31+$0x0];
	_ =	sdelay $0x4  }
0xd3: {  	s18 =	simm.s32 $0x0;
	s19 =	simm.s32 $0x1;
	s20 =	simm.s32 $0x410;
	v6 =	vimm.s32 $0x0;
	vm0 =	vlt.f32 v7, v5  }
.LBB2_20:
0xd4: {  	p0 =	sne.s32 s19, $0x1FF;
	v5 =	vsel vm0, v7, v5;
	v7 =	vld [tilespmem:s20+$0x0];
	v6 =	vsel vm0, s18, v6;
	s18 =	smov.u32 s19;
	s19 =	sadd.s32 $0x1, s19  }
.Ltmp9:
0xd5: {  	(pc) =	sbr.rel @p0 .LBB2_20-.Ltmp9, $2  }
0xd6: {  	_ =	sdelay $0x2  }
0xd7: {  	s20 =	sadd.s32 $0x10, s20;
	vm0 =	vlt.f32 v7, v5  }
0xd8: {  	v5 =	vsel vm0, s18, v6  }
0xd9: {  	v6 =	vshll.u32 v5, $0x4  }
0xda: {  	v6 =	vor.u32 v1, v6  }
0xdb: {  	v7 =	vadd.s32 v2, v5;
	_ =	sdelay $0x2  }
0xdc: {  	s31 =	simm.s32 $0x400;
	v5 =	vimm.f32 $+Inf  }
0xdd: {  	[tilespmem:v6+s31+$0x0] =	vst.idx.msk $0xffff, v5  }
0xde: {  	[tilespmem:v7+s15+$0x0] =	vst.idx.msk $0xffff, v3  }
0xdf: {  	v7 =	vld [tilespmem:s31+$0x0];
	_ =	sdelay $0x4  }
0xe0: {  	s18 =	simm.s32 $0x0;
	s19 =	simm.s32 $0x1;
	s20 =	simm.s32 $0x410;
	v6 =	vimm.s32 $0x0;
	vm0 =	vlt.f32 v7, v5  }
.LBB2_22:
0xe1: {  	p0 =	sne.s32 s19, $0x1FF;
	v5 =	vsel vm0, v7, v5;
	v7 =	vld [tilespmem:s20+$0x0];
	v6 =	vsel vm0, s18, v6;
	s18 =	smov.u32 s19;
	s19 =	sadd.s32 $0x1, s19  }
.Ltmp10:
0xe2: {  	(pc) =	sbr.rel @p0 .LBB2_22-.Ltmp10, $2  }
0xe3: {  	_ =	sdelay $0x2  }
0xe4: {  	s20 =	sadd.s32 $0x10, s20;
	vm0 =	vlt.f32 v7, v5  }
0xe5: {  	v5 =	vsel vm0, s18, v6  }
0xe6: {  	v6 =	vshll.u32 v5, $0x4  }
0xe7: {  	v6 =	vor.u32 v1, v6  }
0xe8: {  	v5 =	vadd.s32 v2, v5;
	_ =	sdelay $0x3  }
0xe9: {  	[tilespmem:v6+s16+$0x0] =	vst.idx.msk $0xffff, v4  }
0xea: {  	s31 =	simm.s32 $0x0;
	[tilespmem:v5+s15+$0x0] =	vst.idx.msk $0xffff, v3  }
0xeb: {  	v12 =	vld [tilespmem:s31+$0x0]  }
0xec: {  	v7 =	vld [tilespmem:s31+$0x200];
	_ =	sdelay $0x1  }
0xed: {  	v6 =	vld [tilespmem:s6+$0x0];
	_ =	sdelay $0x1  }
0xee: {  	v8 =	vbroadcast v12, $0x0  }
0xef: {  	v5 =	vld [tilespmem:s6+$0x200];
	v9 =	vbroadcast v12, $0x9;
	v14 =	vbroadcast v7, $0x0  }
0xf0: {  	v10 =	vbroadcast v12, $0x5;
	v19 =	vbroadcast v7, $0x2  }
0xf1: {  	v13 =	vbroadcast v12, $0x8;
	v16 =	vbroadcast v12, $0x1;
	v8 =	vsub.f32 v6, v8  }
0xf2: {  	v17 =	vbroadcast v12, $0xD;
	v11 =	vsub.f32 v6, v9;
	v9 =	vsub.f32 v6, v10  }
0xf3: {  	v18 =	vbroadcast v12, $0xF;
	v15 =	vsub.f32 v6, v13;
	v13 =	vsub.f32 v6, v16  }
0xf4: {  	s18 =	simm.s32 $0x0;
	v16 =	vbroadcast v12, $0xA;
	v10 =	vsub.f32 v5, v19;
	v19 =	vbroadcast v7, $0x3  }
0xf5: {  	s20 =	simm.s32 $0x24F0;
	s21 =	simm.s32 $0x40;
	s19 =	simm.s32 $0x24F0;
	v8 =	vmul.f32 v8, v8;
	v9 =	vmul.f32 v9, v9  }
.LBB2_24:
0xf6: {  	p0 =	sne.s32 s21, $0x7C0  }
0xf7: {  	v20 =	vbroadcast v12, $0x6;
	v17 =	vsub.f32 v6, v17;
	v21 =	vbroadcast v7, $0xE;
	s20 =	sadd.s32 $0x100, s20;
	s22 =	smov.u32 s21;
	s21 =	sadd.s32 $0x40, s21  }
0xf8: {  	v22 =	vbroadcast v12, $0x7;
	v23 =	vbroadcast v12, $0xC;
	v18 =	vsub.f32 v6, v18  }
0xf9: {  	v24 =	vbroadcast v12, $0x4;
	v25 =	vbroadcast v7, $0xB;
	v19 =	vsub.f32 v5, v19  }
0xfa: {  	v16 =	vsub.f32 v6, v16;
	v22 =	vsub.f32 v6, v22;
	v18 =	vmul.f32 v18, v18  }
0xfb: {  	v26 =	vbroadcast v7, $0x1;
	v23 =	vsub.f32 v6, v23;
	v17 =	vmul.f32 v17, v17  }
0xfc: {  	v27 =	vbroadcast v7, $0x4;
	v28 =	vbroadcast v7, $0x9;
	v24 =	vsub.f32 v6, v24  }
0xfd: {  	v14 =	vsub.f32 v5, v14;
	v29 =	vbroadcast v7, $0xC;
	v23 =	vmul.f32 v23, v23  }
0xfe: {  	v30 =	vbroadcast v12, $0x3;
	v15 =	vmul.f32 v15, v15;
	v27 =	vsub.f32 v5, v27  }
0xff: {  	v31 =	vbroadcast v12, $0x2;
	v32 =	vbroadcast v7, $0x6;
	v21 =	vsub.f32 v5, v21  }
0x100: {  	v33 =	vbroadcast v7, $0xD;
	v26 =	vsub.f32 v5, v26;
	v29 =	vsub.f32 v5, v29  }
0x101: {  	v34 =	vbroadcast v7, $0x8;
	v35 =	vbroadcast v12, $0xE;
	v20 =	vsub.f32 v6, v20  }
0x102: {  	v12 =	vbroadcast v12, $0xB;
	v32 =	vsub.f32 v5, v32;
	v26 =	vmul.f32 v26, v26  }
0x103: {  	v13 =	vmul.f32 v13, v13;
	v30 =	vsub.f32 v6, v30;
	v29 =	vmul.f32 v29, v29  }
0x104: {  	v34 =	vsub.f32 v5, v34;
	v28 =	vsub.f32 v5, v28;
	v32 =	vmul.f32 v32, v32  }
0x105: {  	v20 =	vmul.f32 v20, v20;
	v13 =	vadd.f32 v26, v13;
	v26 =	vbroadcast v7, $0x5  }
0x106: {  	v36 =	vbroadcast v7, $0xF;
	v35 =	vsub.f32 v6, v35;
	v24 =	vmul.f32 v24, v24  }
0x107: {  	[tilespmem:s19+$0xFFFFFF20] =	vst v13;
	v13 =	vmul.f32 v19, v19;
	v19 =	vadd.f32 v32, v20;
	v20 =	vmul.f32 v28, v28  }
0x108: {  	v11 =	vmul.f32 v11, v11;
	v28 =	vmul.f32 v30, v30;
	v30 =	vsub.f32 v5, v36  }
0x109: {  	v12 =	vsub.f32 v6, v12;
	v21 =	vmul.f32 v21, v21;
	[tilespmem:s19+$0xFFFFFF70] =	vst v19;
	v19 =	vsub.f32 v5, v25  }
0x10a: {  	v13 =	vadd.f32 v13, v28;
	v25 =	vmul.f32 v27, v27;
	v27 =	vmul.f32 v35, v35  }
0x10b: {  	v12 =	vmul.f32 v12, v12;
	v11 =	vadd.f32 v20, v11;
	v19 =	vmul.f32 v19, v19  }
0x10c: {  	v20 =	vsub.f32 v6, v31;
	[tilespmem:s19+$0xFFFFFF40] =	vst v13;
	v13 =	vadd.f32 v21, v27;
	v21 =	vmul.f32 v30, v30  }
0x10d: {  	v14 =	vmul.f32 v14, v14;
	v24 =	vadd.f32 v25, v24;
	[tilespmem:s19+$0xFFFFFFA0] =	vst v11;
	v11 =	vadd.f32 v19, v12  }
0x10e: {  	v10 =	vmul.f32 v10, v10;
	v12 =	vmul.f32 v20, v20;
	[tilespmem:s19+$0xFFFFFFF0] =	vst v13;
	v13 =	vadd.f32 v21, v18  }
0x10f: {  	v19 =	vbroadcast v7, $0x7;
	v18 =	vsub.f32 v5, v26;
	[tilespmem:s19+$0xFFFFFFC0] =	vst v11;
	v11 =	vsub.f32 v5, v33  }
0x110: {  	v7 =	vbroadcast v7, $0xA;
	v10 =	vadd.f32 v10, v12;
	v12 =	vadd.f32 v29, v23;
	[tilespmem:s19+$0x0] =	vst v13  }
0x111: {  	v8 =	vadd.f32 v14, v8;
	v13 =	vmul.f32 v18, v18;
	[tilespmem:s19+$0xFFFFFF50] =	vst v24;
	v11 =	vmul.f32 v11, v11  }
0x112: {  	v14 =	vmul.f32 v34, v34;
	v7 =	vsub.f32 v5, v7;
	[tilespmem:s19+$0xFFFFFF30] =	vst v10;
	v10 =	vsub.f32 v5, v19  }
0x113: {  	v9 =	vadd.f32 v13, v9;
	v13 =	vmul.f32 v22, v22;
	[tilespmem:s19+$0xFFFFFFD0] =	vst v12;
	v11 =	vadd.f32 v11, v17  }
0x114: {  	v7 =	vmul.f32 v7, v7;
	[tilespmem:s19+$0xFFFFFF10] =	vst v8;
	v8 =	vmul.f32 v10, v10;
	v10 =	vadd.f32 v14, v15  }
0x115: {  	v12 =	vmul.f32 v16, v16;
	[tilespmem:s19+$0xFFFFFFE0] =	vst v11  }
0x116: {  	[tilespmem:s19+$0xFFFFFF60] =	vst v9;
	v8 =	vadd.f32 v8, v13  }
0x117: {  	v7 =	vadd.f32 v7, v12;
	[tilespmem:s19+$0xFFFFFF90] =	vst v10  }
0x118: {  	s22 =	sshra.s32 s22, $0x2;
	[tilespmem:s19+$0xFFFFFF80] =	vst v8  }
0x119: {  	[tilespmem:s19+$0xFFFFFFB0] =	vst v7;
	s19 =	smov.u32 s20  }
0x11a: {  	v12 =	vld [tilespmem:s22+$0x0]  }
0x11b: {  	v7 =	vld [tilespmem:s22+$0x200];
	_ =	sdelay $0x3  }
0x11c: {  	v8 =	vbroadcast v12, $0x0;
	v9 =	vbroadcast v12, $0x9  }
0x11d: {  	v10 =	vbroadcast v12, $0x5;
	v14 =	vbroadcast v7, $0x0  }
.Ltmp11:
0x11e: {  	v13 =	vbroadcast v12, $0x8;
	v19 =	vbroadcast v7, $0x2;
	v8 =	vsub.f32 v6, v8;
	(pc) =	sbr.rel @p0 .LBB2_24-.Ltmp11, $4  }
0x11f: {  	v16 =	vbroadcast v12, $0x1;
	v17 =	vbroadcast v12, $0xD;
	v11 =	vsub.f32 v6, v9  }
0x120: {  	v9 =	vsub.f32 v6, v10;
	v15 =	vsub.f32 v6, v13;
	v8 =	vmul.f32 v8, v8  }
0x121: {  	v18 =	vbroadcast v12, $0xF;
	v13 =	vsub.f32 v6, v16;
	v16 =	vbroadcast v12, $0xA  }
0x122: {  	v10 =	vsub.f32 v5, v19;
	v19 =	vbroadcast v7, $0x3;
	v9 =	vmul.f32 v9, v9  }
0x123: {  	v20 =	vbroadcast v12, $0x6  }
0x124: {  	v21 =	vbroadcast v7, $0xE;
	v22 =	vbroadcast v12, $0x7  }
0x125: {  	v23 =	vbroadcast v12, $0xC;
	v24 =	vbroadcast v12, $0x4  }
0x126: {  	v25 =	vbroadcast v7, $0xB;
	v26 =	vbroadcast v7, $0x1  }
0x127: {  	v27 =	vbroadcast v7, $0x4;
	v28 =	vbroadcast v7, $0x9  }
0x128: {  	v29 =	vbroadcast v7, $0xC;
	v30 =	vbroadcast v12, $0x3  }
0x129: {  	v15 =	vmul.f32 v15, v15;
	v31 =	vbroadcast v12, $0x2  }
0x12a: {  	v17 =	vsub.f32 v6, v17;
	v32 =	vbroadcast v7, $0x6;
	v33 =	vbroadcast v7, $0xD  }
0x12b: {  	v18 =	vsub.f32 v6, v18;
	v34 =	vbroadcast v7, $0x8;
	v35 =	vbroadcast v12, $0xE  }
0x12c: {  	v16 =	vsub.f32 v6, v16;
	v43 =	vbroadcast v12, $0xB;
	v13 =	vmul.f32 v13, v13  }
0x12d: {  	v14 =	vsub.f32 v5, v14;
	v44 =	vbroadcast v7, $0x5;
	v36 =	vbroadcast v7, $0xF  }
0x12e: {  	v11 =	vmul.f32 v11, v11;
	v19 =	vsub.f32 v5, v19;
	v22 =	vsub.f32 v6, v22  }
0x12f: {  	v58 =	vbroadcast v7, $0x7;
	v23 =	vsub.f32 v6, v23;
	v24 =	vsub.f32 v6, v24  }
0x130: {  	v7 =	vbroadcast v7, $0xA;
	v27 =	vsub.f32 v5, v27;
	v21 =	vsub.f32 v5, v21  }
0x131: {  	v10 =	vmul.f32 v10, v10;
	v26 =	vsub.f32 v5, v26;
	v29 =	vsub.f32 v5, v29  }
0x132: {  	v18 =	vmul.f32 v18, v18;
	v32 =	vsub.f32 v5, v32;
	v20 =	vsub.f32 v6, v20  }
0x133: {  	v17 =	vmul.f32 v17, v17;
	v30 =	vsub.f32 v6, v30;
	v34 =	vsub.f32 v5, v34  }
0x134: {  	v28 =	vsub.f32 v5, v28;
	v35 =	vsub.f32 v6, v35;
	v54 =	vmul.f32 v14, v14  }
0x135: {  	v12 =	vsub.f32 v6, v43;
	v25 =	vsub.f32 v5, v25;
	v26 =	vmul.f32 v26, v26  }
0x136: {  	v32 =	vmul.f32 v32, v32;
	v20 =	vmul.f32 v20, v20;
	v8 =	vadd.f32 v54, v8  }
0x137: {  	v19 =	vmul.f32 v19, v19;
	v30 =	vmul.f32 v30, v30;
	v13 =	vadd.f32 v26, v13  }
0x138: {  	v45 =	vsub.f32 v5, v36;
	v28 =	vmul.f32 v28, v28;
	v20 =	vadd.f32 v32, v20;
	[tilespmem:s19+$0xFFFFFF10] =	vst v8  }
0x139: {  	v12 =	vmul.f32 v12, v12;
	v48 =	vmul.f32 v25, v25;
	v19 =	vadd.f32 v19, v30;
	[tilespmem:s19+$0xFFFFFF20] =	vst v13  }
0x13a: {  	v6 =	vsub.f32 v6, v31;
	v49 =	vmul.f32 v45, v45;
	v11 =	vadd.f32 v28, v11;
	[tilespmem:s19+$0xFFFFFF70] =	vst v20  }
0x13b: {  	v50 =	vmul.f32 v24, v24;
	v51 =	vmul.f32 v27, v27;
	v52 =	vadd.f32 v48, v12;
	[tilespmem:s19+$0xFFFFFF40] =	vst v19  }
0x13c: {  	v57 =	vsub.f32 v5, v44;
	v6 =	vmul.f32 v6, v6;
	v53 =	vadd.f32 v49, v18;
	[tilespmem:s19+$0xFFFFFFA0] =	vst v11  }
0x13d: {  	v23 =	vmul.f32 v23, v23;
	v29 =	vmul.f32 v29, v29;
	v55 =	vadd.f32 v51, v50;
	[tilespmem:s19+$0xFFFFFFC0] =	vst v52  }
0x13e: {  	v56 =	vsub.f32 v5, v33;
	v60 =	vmul.f32 v57, v57;
	v6 =	vadd.f32 v10, v6;
	[tilespmem:s19+$0x0] =	vst v53  }
0x13f: {  	v46 =	vmul.f32 v21, v21;
	v61 =	vmul.f32 v34, v34;
	v59 =	vadd.f32 v29, v23;
	[tilespmem:s19+$0xFFFFFF50] =	vst v55  }
0x140: {  	v47 =	vmul.f32 v35, v35;
	v9 =	vadd.f32 v60, v9;
	[tilespmem:s19+$0xFFFFFF30] =	vst v6;
	v6 =	vsub.f32 v5, v58  }
0x141: {  	v8 =	vadd.f32 v61, v15;
	v11 =	vmul.f32 v56, v56;
	v5 =	vsub.f32 v5, v7;
	[tilespmem:s19+$0xFFFFFFD0] =	vst v59  }
0x142: {  	v62 =	vmul.f32 v22, v22;
	v13 =	vadd.f32 v46, v47;
	[tilespmem:s19+$0xFFFFFF60] =	vst v9;
	v6 =	vmul.f32 v6, v6  }
0x143: {  	v63 =	vmul.f32 v16, v16;
	[tilespmem:s19+$0xFFFFFF90] =	vst v8;
	v7 =	vadd.f32 v11, v17;
	v5 =	vmul.f32 v5, v5  }
0x144: {  	[tilespmem:s19+$0xFFFFFFF0] =	vst v13;
	v6 =	vadd.f32 v6, v62  }
0x145: {  	[tilespmem:s19+$0xFFFFFFE0] =	vst v7;
	v5 =	vadd.f32 v5, v63  }
0x146: {  	[tilespmem:s19+$0xFFFFFF80] =	vst v6  }
0x147: {  	s20 =	sand.u32 $0x1FF0, s18;
	[tilespmem:s19+$0xFFFFFFB0] =	vst v5  }
0x148: {  	v7 =	vld [tilespmem:s20+$0x2400];
	_ =	sdelay $0x2  }
0x149: {  	v5 =	vimm.f32 $+Inf;
	v6 =	vimm.s32 $0x0;
	s19 =	simm.s32 $0x1;
	s20 =	simm.s32 $0x10  }
.LBB2_26:
0x14a: {  	s21 =	sand.u32 $0x1FF0, s20  }
0x14b: {  	p0 =	sne.s32 s19, $0x1FF;
	vm0 =	vlt.f32 v7, v5;
	s22 =	smov.u32 s19;
	s19 =	sadd.s32 $0x1, s19  }
.Ltmp12:
0x14c: {  	v5 =	vsel vm0, v7, v5;
	v7 =	vld [tilespmem:s21+$0x2400];
	v6 =	vsel vm0, s18, v6;
	s18 =	smov.u32 s22;
	(pc) =	sbr.rel @p0 .LBB2_26-.Ltmp12, $2  }
0x14d: {  	_ =	sdelay $0x2  }
0x14e: {  	s20 =	sadd.s32 $0x10, s20  }
0x14f: {  	vm0 =	vlt.f32 v7, v5  }
0x150: {  	v5 =	vsel vm0, s18, v6  }
0x151: {  	v6 =	vshll.u32 v5, $0x4;
	v5 =	vor.u32 $0x2000, v1  }
0x152: {  	v7 =	vadd.s32 v5, v6;
	_ =	sdelay $0x3  }
0x153: {  	s18 =	simm.s32 $0x0;
	v6 =	vimm.f32 $+Inf  }
0x154: {  	s20 =	sand.u32 $0x1FF0, s18;
	[tilespmem:v7+s16+$0x0] =	vst.idx.msk $0xffff, v6  }
0x155: {  	v8 =	vld [tilespmem:s20+$0x2400];
	_ =	sdelay $0x2  }
0x156: {  	s19 =	simm.s32 $0x1;
	v7 =	vimm.s32 $0x0;
	s20 =	simm.s32 $0x10  }
.LBB2_28:
0x157: {  	s21 =	sand.u32 $0x1FF0, s20  }
0x158: {  	p0 =	sne.s32 s19, $0x1FF;
	vm0 =	vlt.f32 v8, v6;
	s22 =	smov.u32 s19;
	s19 =	sadd.s32 $0x1, s19  }
.Ltmp13:
0x159: {  	v6 =	vsel vm0, v8, v6;
	v8 =	vld [tilespmem:s21+$0x2400];
	v7 =	vsel vm0, s18, v7;
	s18 =	smov.u32 s22;
	(pc) =	sbr.rel @p0 .LBB2_28-.Ltmp13, $2  }
0x15a: {  	_ =	sdelay $0x2  }
0x15b: {  	s20 =	sadd.s32 $0x10, s20  }
0x15c: {  	vm0 =	vlt.f32 v8, v6  }
0x15d: {  	v7 =	vsel vm0, s18, v7  }
0x15e: {  	v6 =	vshll.u32 v7, $0x4  }
0x15f: {  	v8 =	vadd.s32 v5, v6;
	v6 =	vor.u32 $0x2000, v2  }
0x160: {  	v9 =	vadd.s32 v6, v7;
	_ =	sdelay $0x2  }
0x161: {  	v7 =	vimm.f32 $+Inf  }
0x162: {  	s18 =	simm.s32 $0x0;
	[tilespmem:v8+s16+$0x0] =	vst.idx.msk $0xffff, v7  }
0x163: {  	s20 =	sand.u32 $0x1FF0, s18;
	[tilespmem:v9+s15+$0x0] =	vst.idx.msk $0xffff, v3  }
0x164: {  	v9 =	vld [tilespmem:s20+$0x2400];
	_ =	sdelay $0x2  }
0x165: {  	s19 =	simm.s32 $0x1;
	v8 =	vimm.s32 $0x0;
	s20 =	simm.s32 $0x10  }
.LBB2_30:
0x166: {  	s21 =	sand.u32 $0x1FF0, s20  }
0x167: {  	p0 =	sne.s32 s19, $0x1FF;
	vm0 =	vlt.f32 v9, v7;
	s22 =	smov.u32 s19;
	s19 =	sadd.s32 $0x1, s19  }
.Ltmp14:
0x168: {  	v7 =	vsel vm0, v9, v7;
	v9 =	vld [tilespmem:s21+$0x2400];
	v8 =	vsel vm0, s18, v8;
	s18 =	smov.u32 s22;
	(pc) =	sbr.rel @p0 .LBB2_30-.Ltmp14, $2  }
0x169: {  	_ =	sdelay $0x2  }
0x16a: {  	s20 =	sadd.s32 $0x10, s20  }
0x16b: {  	vm0 =	vlt.f32 v9, v7  }
0x16c: {  	v7 =	vsel vm0, s18, v8  }
0x16d: {  	v8 =	vshll.u32 v7, $0x4  }
0x16e: {  	v8 =	vadd.s32 v5, v8  }
0x16f: {  	v9 =	vadd.s32 v6, v7;
	_ =	sdelay $0x2  }
0x170: {  	v7 =	vimm.f32 $+Inf  }
0x171: {  	s18 =	simm.s32 $0x0;
	[tilespmem:v8+s16+$0x0] =	vst.idx.msk $0xffff, v7  }
0x172: {  	s20 =	sand.u32 $0x1FF0, s18;
	[tilespmem:v9+s15+$0x0] =	vst.idx.msk $0xffff, v3  }
0x173: {  	v9 =	vld [tilespmem:s20+$0x2400];
	_ =	sdelay $0x2  }
0x174: {  	s19 =	simm.s32 $0x1;
	v8 =	vimm.s32 $0x0;
	s20 =	simm.s32 $0x10  }
.LBB2_32:
0x175: {  	s21 =	sand.u32 $0x1FF0, s20  }
0x176: {  	p0 =	sne.s32 s19, $0x1FF;
	vm0 =	vlt.f32 v9, v7;
	s22 =	smov.u32 s19;
	s19 =	sadd.s32 $0x1, s19  }
.Ltmp15:
0x177: {  	v7 =	vsel vm0, v9, v7;
	v9 =	vld [tilespmem:s21+$0x2400];
	v8 =	vsel vm0, s18, v8;
	s18 =	smov.u32 s22;
	(pc) =	sbr.rel @p0 .LBB2_32-.Ltmp15, $2  }
0x178: {  	_ =	sdelay $0x2  }
0x179: {  	s20 =	sadd.s32 $0x10, s20  }
0x17a: {  	vm0 =	vlt.f32 v9, v7  }
0x17b: {  	v7 =	vsel vm0, s18, v8  }
0x17c: {  	v8 =	vshll.u32 v7, $0x4  }
0x17d: {  	v8 =	vadd.s32 v5, v8  }
0x17e: {  	v9 =	vadd.s32 v6, v7;
	_ =	sdelay $0x2  }
0x17f: {  	v7 =	vimm.f32 $+Inf  }
0x180: {  	s18 =	simm.s32 $0x0;
	[tilespmem:v8+s16+$0x0] =	vst.idx.msk $0xffff, v7  }
0x181: {  	s20 =	sand.u32 $0x1FF0, s18;
	[tilespmem:v9+s15+$0x0] =	vst.idx.msk $0xffff, v3  }
0x182: {  	v9 =	vld [tilespmem:s20+$0x2400];
	_ =	sdelay $0x2  }
0x183: {  	s19 =	simm.s32 $0x1;
	v8 =	vimm.s32 $0x0;
	s20 =	simm.s32 $0x10  }
.LBB2_34:
0x184: {  	s21 =	sand.u32 $0x1FF0, s20  }
0x185: {  	p0 =	sne.s32 s19, $0x1FF;
	vm0 =	vlt.f32 v9, v7;
	s22 =	smov.u32 s19;
	s19 =	sadd.s32 $0x1, s19  }
.Ltmp16:
0x186: {  	v7 =	vsel vm0, v9, v7;
	v9 =	vld [tilespmem:s21+$0x2400];
	v8 =	vsel vm0, s18, v8;
	s18 =	smov.u32 s22;
	(pc) =	sbr.rel @p0 .LBB2_34-.Ltmp16, $2  }
0x187: {  	_ =	sdelay $0x2  }
0x188: {  	s20 =	sadd.s32 $0x10, s20  }
0x189: {  	vm0 =	vlt.f32 v9, v7  }
0x18a: {  	v7 =	vsel vm0, s18, v8  }
0x18b: {  	v8 =	vshll.u32 v7, $0x4  }
0x18c: {  	v8 =	vadd.s32 v5, v8  }
0x18d: {  	v9 =	vadd.s32 v6, v7;
	_ =	sdelay $0x2  }
0x18e: {  	v7 =	vimm.f32 $+Inf  }
0x18f: {  	s18 =	simm.s32 $0x0;
	[tilespmem:v8+s16+$0x0] =	vst.idx.msk $0xffff, v7  }
0x190: {  	s20 =	sand.u32 $0x1FF0, s18;
	[tilespmem:v9+s15+$0x0] =	vst.idx.msk $0xffff, v3  }
0x191: {  	v9 =	vld [tilespmem:s20+$0x2400];
	_ =	sdelay $0x2  }
0x192: {  	s19 =	simm.s32 $0x1;
	v8 =	vimm.s32 $0x0;
	s20 =	simm.s32 $0x10  }
.LBB2_36:
0x193: {  	s21 =	sand.u32 $0x1FF0, s20  }
0x194: {  	p0 =	sne.s32 s19, $0x1FF;
	vm0 =	vlt.f32 v9, v7;
	s22 =	smov.u32 s19;
	s19 =	sadd.s32 $0x1, s19  }
.Ltmp17:
0x195: {  	v7 =	vsel vm0, v9, v7;
	v9 =	vld [tilespmem:s21+$0x2400];
	v8 =	vsel vm0, s18, v8;
	s18 =	smov.u32 s22;
	(pc) =	sbr.rel @p0 .LBB2_36-.Ltmp17, $2  }
0x196: {  	_ =	sdelay $0x2  }
0x197: {  	s20 =	sadd.s32 $0x10, s20  }
0x198: {  	vm0 =	vlt.f32 v9, v7  }
0x199: {  	v7 =	vsel vm0, s18, v8  }
0x19a: {  	v8 =	vshll.u32 v7, $0x4  }
0x19b: {  	v8 =	vadd.s32 v5, v8  }
0x19c: {  	v9 =	vadd.s32 v6, v7;
	_ =	sdelay $0x2  }
0x19d: {  	v7 =	vimm.f32 $+Inf  }
0x19e: {  	s18 =	simm.s32 $0x0;
	[tilespmem:v8+s16+$0x0] =	vst.idx.msk $0xffff, v7  }
0x19f: {  	s20 =	sand.u32 $0x1FF0, s18;
	[tilespmem:v9+s15+$0x0] =	vst.idx.msk $0xffff, v3  }
0x1a0: {  	v9 =	vld [tilespmem:s20+$0x2400];
	_ =	sdelay $0x2  }
0x1a1: {  	s19 =	simm.s32 $0x1;
	v8 =	vimm.s32 $0x0;
	s20 =	simm.s32 $0x10  }
.LBB2_38:
0x1a2: {  	s21 =	sand.u32 $0x1FF0, s20  }
0x1a3: {  	p0 =	sne.s32 s19, $0x1FF;
	vm0 =	vlt.f32 v9, v7;
	s22 =	smov.u32 s19;
	s19 =	sadd.s32 $0x1, s19  }
.Ltmp18:
0x1a4: {  	v7 =	vsel vm0, v9, v7;
	v9 =	vld [tilespmem:s21+$0x2400];
	v8 =	vsel vm0, s18, v8;
	s18 =	smov.u32 s22;
	(pc) =	sbr.rel @p0 .LBB2_38-.Ltmp18, $2  }
0x1a5: {  	_ =	sdelay $0x2  }
0x1a6: {  	s20 =	sadd.s32 $0x10, s20  }
0x1a7: {  	vm0 =	vlt.f32 v9, v7  }
0x1a8: {  	v7 =	vsel vm0, s18, v8  }
0x1a9: {  	v8 =	vshll.u32 v7, $0x4  }
0x1aa: {  	v8 =	vadd.s32 v5, v8  }
0x1ab: {  	v9 =	vadd.s32 v6, v7;
	_ =	sdelay $0x2  }
0x1ac: {  	v7 =	vimm.f32 $+Inf  }
0x1ad: {  	s18 =	simm.s32 $0x0;
	[tilespmem:v8+s16+$0x0] =	vst.idx.msk $0xffff, v7  }
0x1ae: {  	s20 =	sand.u32 $0x1FF0, s18;
	[tilespmem:v9+s15+$0x0] =	vst.idx.msk $0xffff, v3  }
0x1af: {  	v9 =	vld [tilespmem:s20+$0x2400];
	_ =	sdelay $0x2  }
0x1b0: {  	s19 =	simm.s32 $0x1;
	v8 =	vimm.s32 $0x0;
	s20 =	simm.s32 $0x10  }
.LBB2_40:
0x1b1: {  	s21 =	sand.u32 $0x1FF0, s20  }
0x1b2: {  	p0 =	sne.s32 s19, $0x1FF;
	vm0 =	vlt.f32 v9, v7;
	s22 =	smov.u32 s19;
	s19 =	sadd.s32 $0x1, s19  }
.Ltmp19:
0x1b3: {  	v7 =	vsel vm0, v9, v7;
	v9 =	vld [tilespmem:s21+$0x2400];
	v8 =	vsel vm0, s18, v8;
	s18 =	smov.u32 s22;
	(pc) =	sbr.rel @p0 .LBB2_40-.Ltmp19, $2  }
0x1b4: {  	_ =	sdelay $0x2  }
0x1b5: {  	s20 =	sadd.s32 $0x10, s20  }
0x1b6: {  	vm0 =	vlt.f32 v9, v7  }
0x1b7: {  	v7 =	vsel vm0, s18, v8  }
0x1b8: {  	v8 =	vshll.u32 v7, $0x4  }
0x1b9: {  	v8 =	vadd.s32 v5, v8  }
0x1ba: {  	v9 =	vadd.s32 v6, v7;
	_ =	sdelay $0x2  }
0x1bb: {  	v7 =	vimm.f32 $+Inf  }
0x1bc: {  	s18 =	simm.s32 $0x0;
	[tilespmem:v8+s16+$0x0] =	vst.idx.msk $0xffff, v7  }
0x1bd: {  	s20 =	sand.u32 $0x1FF0, s18;
	[tilespmem:v9+s15+$0x0] =	vst.idx.msk $0xffff, v3  }
0x1be: {  	v9 =	vld [tilespmem:s20+$0x2400];
	_ =	sdelay $0x2  }
0x1bf: {  	s19 =	simm.s32 $0x1;
	v8 =	vimm.s32 $0x0;
	s20 =	simm.s32 $0x10  }
.LBB2_42:
0x1c0: {  	s21 =	sand.u32 $0x1FF0, s20  }
0x1c1: {  	p0 =	sne.s32 s19, $0x1FF;
	vm0 =	vlt.f32 v9, v7;
	s22 =	smov.u32 s19;
	s19 =	sadd.s32 $0x1, s19  }
.Ltmp20:
0x1c2: {  	v7 =	vsel vm0, v9, v7;
	v9 =	vld [tilespmem:s21+$0x2400];
	v8 =	vsel vm0, s18, v8;
	s18 =	smov.u32 s22;
	(pc) =	sbr.rel @p0 .LBB2_42-.Ltmp20, $2  }
0x1c3: {  	_ =	sdelay $0x2  }
0x1c4: {  	s20 =	sadd.s32 $0x10, s20  }
0x1c5: {  	vm0 =	vlt.f32 v9, v7  }
0x1c6: {  	v7 =	vsel vm0, s18, v8  }
0x1c7: {  	v8 =	vshll.u32 v7, $0x4  }
0x1c8: {  	v5 =	vadd.s32 v5, v8  }
0x1c9: {  	v6 =	vadd.s32 v6, v7;
	_ =	sdelay $0x3  }
0x1ca: {  	[tilespmem:v5+s16+$0x0] =	vst.idx.msk $0xffff, v4  }
0x1cb: {  	[tilespmem:v6+s15+$0x0] =	vst.idx.msk $0xffff, v3  }
0x1cc: {  	v6 =	vld [tilespmem:s7+$0x0]  }
0x1cd: {  	s18 =	simm.s32 $0x0;
	v5 =	vld [tilespmem:s7+$0x200]  }
0x1ce: {  	s20 =	simm.s32 $0x200;
	v8 =	vld [tilespmem:s18+$0x0]  }
0x1cf: {  	s21 =	simm.s32 $0x400;
	s19 =	simm.s32 $0x0;
	s22 =	simm.s32 $0x0;
	v7 =	vld [tilespmem:s20+$0x0]  }
.LBB2_44:
0x1d0: {  	p0 =	sne.s32 s21, $0x7C00;
	_ =	sdelay $0x2  }
0x1d1: {  	v9 =	vbroadcast v8, $0x1;
	v10 =	vbroadcast v8, $0x3  }
0x1d2: {  	v11 =	vbroadcast v8, $0x2;
	v12 =	vbroadcast v7, $0x2  }
0x1d3: {  	v13 =	vbroadcast v7, $0x1;
	v14 =	vbroadcast v7, $0x3;
	v9 =	vsub.f32 v6, v9  }
0x1d4: {  	v15 =	vbroadcast v8, $0x4;
	v11 =	vsub.f32 v6, v11;
	v12 =	vsub.f32 v5, v12  }
0x1d5: {  	v10 =	vsub.f32 v6, v10;
	v13 =	vsub.f32 v5, v13;
	v9 =	vmul.f32 v9, v9  }
0x1d6: {  	v14 =	vsub.f32 v5, v14;
	v11 =	vmul.f32 v11, v11;
	v12 =	vmul.f32 v12, v12  }
0x1d7: {  	v15 =	vsub.f32 v6, v15;
	v10 =	vmul.f32 v10, v10;
	v13 =	vmul.f32 v13, v13  }
0x1d8: {  	v11 =	vadd.f32 v12, v11;
	v12 =	vmul.f32 v14, v14;
	v14 =	vbroadcast v7, $0x4  }
0x1d9: {  	s23 =	sshra.s32 s19, $0x2;
	s19 =	smov.u32 s21;
	v9 =	vadd.f32 v13, v9;
	v13 =	vmul.f32 v15, v15;
	v15 =	vbroadcast v8, $0x5  }
0x1da: {  	[tilespmem:s23+$0x4420] =	vst v11;
	v10 =	vadd.f32 v12, v10;
	v11 =	vsub.f32 v5, v14;
	v12 =	vbroadcast v7, $0x5  }
0x1db: {  	v14 =	vbroadcast v8, $0x6;
	[tilespmem:s23+$0x4410] =	vst v9;
	v9 =	vsub.f32 v6, v15;
	v15 =	vbroadcast v7, $0x6  }
0x1dc: {  	[tilespmem:s23+$0x4430] =	vst v10;
	v10 =	vmul.f32 v11, v11;
	v11 =	vsub.f32 v5, v12;
	v12 =	vbroadcast v8, $0x7  }
0x1dd: {  	v14 =	vsub.f32 v6, v14;
	v9 =	vmul.f32 v9, v9;
	v15 =	vsub.f32 v5, v15  }
0x1de: {  	v10 =	vadd.f32 v10, v13;
	v11 =	vmul.f32 v11, v11;
	v13 =	vbroadcast v7, $0x7  }
0x1df: {  	v14 =	vmul.f32 v14, v14;
	v12 =	vsub.f32 v6, v12;
	v15 =	vmul.f32 v15, v15  }
0x1e0: {  	[tilespmem:s23+$0x4440] =	vst v10;
	v9 =	vadd.f32 v11, v9;
	v10 =	vsub.f32 v5, v13;
	v11 =	vbroadcast v8, $0x8  }
0x1e1: {  	v12 =	vmul.f32 v12, v12;
	v13 =	vadd.f32 v15, v14;
	v14 =	vbroadcast v7, $0x8  }
0x1e2: {  	[tilespmem:s23+$0x4450] =	vst v9;
	v9 =	vmul.f32 v10, v10;
	v10 =	vsub.f32 v6, v11;
	v11 =	vbroadcast v8, $0x9  }
0x1e3: {  	v15 =	vbroadcast v8, $0xA;
	[tilespmem:s23+$0x4460] =	vst v13;
	v13 =	vsub.f32 v5, v14;
	v14 =	vbroadcast v7, $0x9  }
0x1e4: {  	v9 =	vadd.f32 v9, v12;
	v10 =	vmul.f32 v10, v10;
	v11 =	vsub.f32 v6, v11  }
0x1e5: {  	v12 =	vmul.f32 v13, v13;
	v13 =	vsub.f32 v5, v14;
	v14 =	vbroadcast v7, $0xA  }
0x1e6: {  	[tilespmem:s23+$0x4470] =	vst v9;
	v9 =	vmul.f32 v11, v11;
	v11 =	vsub.f32 v6, v15;
	v15 =	vbroadcast v8, $0xB  }
0x1e7: {  	v10 =	vadd.f32 v12, v10;
	v12 =	vmul.f32 v13, v13;
	v13 =	vsub.f32 v5, v14  }
0x1e8: {  	v11 =	vmul.f32 v11, v11;
	v14 =	vsub.f32 v6, v15;
	v15 =	vbroadcast v7, $0xB  }
0x1e9: {  	[tilespmem:s23+$0x4480] =	vst v10;
	v9 =	vadd.f32 v12, v9;
	v10 =	vmul.f32 v13, v13;
	v12 =	vbroadcast v8, $0xC  }
0x1ea: {  	v13 =	vsub.f32 v5, v15;
	v14 =	vmul.f32 v14, v14;
	v15 =	vbroadcast v7, $0xC  }
0x1eb: {  	[tilespmem:s23+$0x4490] =	vst v9;
	v9 =	vadd.f32 v10, v11;
	v10 =	vsub.f32 v6, v12;
	v11 =	vbroadcast v8, $0xD  }
0x1ec: {  	v12 =	vmul.f32 v13, v13;
	v13 =	vsub.f32 v5, v15;
	v15 =	vbroadcast v7, $0xD  }
0x1ed: {  	[tilespmem:s23+$0x44A0] =	vst v9;
	v9 =	vmul.f32 v10, v10;
	v10 =	vsub.f32 v6, v11;
	v11 =	vbroadcast v8, $0xE  }
0x1ee: {  	v12 =	vadd.f32 v12, v14;
	v13 =	vmul.f32 v13, v13;
	v14 =	vsub.f32 v5, v15  }
0x1ef: {  	v15 =	vbroadcast v7, $0xE;
	v10 =	vmul.f32 v10, v10;
	v11 =	vsub.f32 v6, v11  }
0x1f0: {  	[tilespmem:s23+$0x44B0] =	vst v12;
	v9 =	vadd.f32 v13, v9;
	v12 =	vmul.f32 v14, v14;
	v13 =	vbroadcast v8, $0xF  }
0x1f1: {  	v14 =	vsub.f32 v5, v15;
	v15 =	vbroadcast v7, $0xF;
	v11 =	vmul.f32 v11, v11  }
0x1f2: {  	v8 =	vbroadcast v8, $0x0;
	[tilespmem:s23+$0x44C0] =	vst v9;
	v9 =	vadd.f32 v12, v10;
	v10 =	vsub.f32 v6, v13  }
0x1f3: {  	v7 =	vbroadcast v7, $0x0;
	v12 =	vmul.f32 v14, v14;
	v13 =	vsub.f32 v5, v15  }
0x1f4: {  	v8 =	vsub.f32 v6, v8;
	[tilespmem:s23+$0x44D0] =	vst v9;
	v9 =	vmul.f32 v10, v10  }
0x1f5: {  	v7 =	vsub.f32 v5, v7;
	v10 =	vadd.f32 v12, v11;
	v11 =	vmul.f32 v13, v13  }
0x1f6: {  	v8 =	vmul.f32 v8, v8  }
0x1f7: {  	v7 =	vmul.f32 v7, v7;
	v9 =	vadd.f32 v11, v9;
	[tilespmem:s23+$0x44E0] =	vst v10;
	_ =	sdelay $0x1  }
.Ltmp21:
0x1f8: {  	v7 =	vadd.f32 v7, v8;
	[tilespmem:s23+$0x44F0] =	vst v9;
	(pc) =	sbr.rel @p0 .LBB2_44-.Ltmp21, $4  }
0x1f9: {  	_ = 	snop  }
0x1fa: {  	s22 =	sadd.s32 $0x10, s22;
	[tilespmem:s23+$0x4400] =	vst v7  }
0x1fb: {  	s20 =	sadd.s32 $0x10, s20;
	v8 =	vld [tilespmem:s22+$0x0]  }
0x1fc: {  	s21 =	sadd.s32 $0x400, s21;
	v7 =	vld [tilespmem:s20+$0x0]  }
0x1fd: {  	_ =	sdelay $0x2  }
0x1fe: {  	v9 =	vbroadcast v8, $0x1;
	v10 =	vbroadcast v8, $0x2  }
0x1ff: {  	v12 =	vbroadcast v8, $0x3;
	v15 =	vbroadcast v8, $0x4  }
0x200: {  	v39 =	vbroadcast v8, $0x5;
	v40 =	vbroadcast v8, $0x6  }
0x201: {  	v18 =	vbroadcast v8, $0x7;
	v42 =	vbroadcast v8, $0x8  }
0x202: {  	v44 =	vbroadcast v8, $0x9;
	v21 =	vbroadcast v8, $0xA  }
0x203: {  	v22 =	vbroadcast v8, $0xB;
	v47 =	vbroadcast v8, $0xC  }
0x204: {  	v51 =	vbroadcast v8, $0xD;
	v55 =	vbroadcast v8, $0xE  }
0x205: {  	v57 =	vbroadcast v8, $0xF;
	v8 =	vbroadcast v8, $0x0  }
0x206: {  	v11 =	vbroadcast v7, $0x2;
	v13 =	vbroadcast v7, $0x1  }
0x207: {  	v14 =	vbroadcast v7, $0x3;
	v38 =	vbroadcast v7, $0x4  }
0x208: {  	v16 =	vbroadcast v7, $0x5;
	v17 =	vbroadcast v7, $0x6  }
0x209: {  	v41 =	vbroadcast v7, $0x7;
	v19 =	vbroadcast v7, $0x8  }
0x20a: {  	v20 =	vbroadcast v7, $0x9;
	v45 =	vbroadcast v7, $0xA  }
0x20b: {  	v46 =	vbroadcast v7, $0xB;
	v9 =	vsub.f32 v6, v9;
	v10 =	vsub.f32 v6, v10  }
0x20c: {  	v49 =	vbroadcast v7, $0xC;
	v12 =	vsub.f32 v6, v12;
	v15 =	vsub.f32 v6, v15  }
0x20d: {  	v53 =	vbroadcast v7, $0xD;
	v18 =	vsub.f32 v6, v18;
	v21 =	vsub.f32 v6, v21  }
0x20e: {  	v59 =	vbroadcast v7, $0xE;
	v22 =	vsub.f32 v6, v22;
	v54 =	vsub.f32 v6, v51  }
0x20f: {  	v60 =	vbroadcast v7, $0xF;
	v58 =	vsub.f32 v6, v55;
	v11 =	vsub.f32 v5, v11  }
0x210: {  	v7 =	vbroadcast v7, $0x0;
	v13 =	vsub.f32 v5, v13;
	v14 =	vsub.f32 v5, v14  }
0x211: {  	v16 =	vsub.f32 v5, v16;
	v9 =	vmul.f32 v9, v9;
	v10 =	vmul.f32 v10, v10  }
0x212: {  	v17 =	vsub.f32 v5, v17;
	v12 =	vmul.f32 v12, v12;
	v15 =	vmul.f32 v15, v15  }
0x213: {  	v19 =	vsub.f32 v5, v19;
	v43 =	vmul.f32 v18, v18;
	v13 =	vmul.f32 v13, v13  }
0x214: {  	v20 =	vsub.f32 v5, v20;
	v48 =	vmul.f32 v22, v22;
	v11 =	vmul.f32 v11, v11  }
0x215: {  	v14 =	vmul.f32 v14, v14;
	v9 =	vadd.f32 v13, v9;
	v13 =	vsub.f32 v6, v39  }
0x216: {  	v52 =	vsub.f32 v5, v49;
	v16 =	vmul.f32 v16, v16;
	v17 =	vmul.f32 v17, v17  }
0x217: {  	v18 =	vsub.f32 v6, v44;
	v19 =	vmul.f32 v19, v19;
	v13 =	vmul.f32 v13, v13  }
0x218: {  	v20 =	vmul.f32 v20, v20;
	v10 =	vadd.f32 v11, v10;
	v11 =	vsub.f32 v5, v38  }
0x219: {  	v18 =	vmul.f32 v18, v18;
	v13 =	vadd.f32 v16, v13;
	v16 =	vsub.f32 v6, v42  }
0x21a: {  	s19 =	sshra.s32 s19, $0x2;
	v12 =	vadd.f32 v14, v12;
	v14 =	vsub.f32 v6, v40;
	v11 =	vmul.f32 v11, v11  }
0x21b: {  	v18 =	vadd.f32 v20, v18;
	v20 =	vsub.f32 v6, v47;
	[tilespmem:s19+$0x4420] =	vst v10;
	v16 =	vmul.f32 v16, v16  }
0x21c: {  	v14 =	vmul.f32 v14, v14;
	[tilespmem:s19+$0x4410] =	vst v9;
	v11 =	vadd.f32 v11, v15;
	v15 =	vsub.f32 v5, v41  }
0x21d: {  	[tilespmem:s19+$0x4430] =	vst v12;
	v12 =	vmul.f32 v52, v52;
	v16 =	vadd.f32 v19, v16;
	v19 =	vsub.f32 v5, v46  }
0x21e: {  	v56 =	vsub.f32 v5, v53;
	v20 =	vmul.f32 v20, v20;
	[tilespmem:s19+$0x4490] =	vst v18;
	v15 =	vmul.f32 v15, v15  }
0x21f: {  	v14 =	vadd.f32 v17, v14;
	v17 =	vsub.f32 v5, v45;
	[tilespmem:s19+$0x4440] =	vst v11;
	v19 =	vmul.f32 v19, v19  }
0x220: {  	v21 =	vmul.f32 v21, v21;
	v12 =	vadd.f32 v12, v20;
	[tilespmem:s19+$0x4450] =	vst v13;
	v15 =	vadd.f32 v15, v43  }
0x221: {  	v17 =	vmul.f32 v17, v17;
	[tilespmem:s19+$0x4460] =	vst v14;
	v10 =	vadd.f32 v19, v48;
	v19 =	vsub.f32 v6, v57  }
0x222: {  	v11 =	vmul.f32 v54, v54;
	[tilespmem:s19+$0x44C0] =	vst v12;
	v6 =	vsub.f32 v6, v8;
	v8 =	vsub.f32 v5, v59  }
0x223: {  	v13 =	vmul.f32 v56, v56;
	v50 =	vadd.f32 v17, v21;
	[tilespmem:s19+$0x4470] =	vst v15;
	v15 =	vsub.f32 v5, v60  }
0x224: {  	v61 =	vmul.f32 v58, v58;
	[tilespmem:s19+$0x4480] =	vst v16;
	v5 =	vsub.f32 v5, v7;
	v8 =	vmul.f32 v8, v8  }
0x225: {  	[tilespmem:s19+$0x44A0] =	vst v50;
	v7 =	vadd.f32 v13, v11;
	v63 =	vmul.f32 v15, v15;
	v62 =	vmul.f32 v19, v19  }
0x226: {  	[tilespmem:s19+$0x44B0] =	vst v10;
	v6 =	vmul.f32 v6, v6;
	v5 =	vmul.f32 v5, v5;
	v8 =	vadd.f32 v8, v61  }
0x227: {  	[tilespmem:s19+$0x44D0] =	vst v7;
	v7 =	vadd.f32 v63, v62  }
0x228: {  	v5 =	vadd.f32 v5, v6;
	[tilespmem:s19+$0x44E0] =	vst v8  }
0x229: {  	[tilespmem:s19+$0x44F0] =	vst v7  }
0x22a: {  	s20 =	sand.u32 $0x1FF0, s18;
	[tilespmem:s19+$0x4400] =	vst v5  }
0x22b: {  	v7 =	vld [tilespmem:s20+$0x4400];
	_ =	sdelay $0x2  }
0x22c: {  	v6 =	vimm.s32 $0x0;
	v5 =	vimm.f32 $+Inf;
	s19 =	simm.s32 $0x1;
	s20 =	simm.s32 $0x10  }
.LBB2_46:
0x22d: {  	s21 =	sand.u32 $0x1FF0, s20  }
0x22e: {  	p0 =	sne.s32 s19, $0x1FF;
	vm0 =	vlt.f32 v7, v5;
	s22 =	smov.u32 s19;
	s19 =	sadd.s32 $0x1, s19  }
.Ltmp22:
0x22f: {  	v5 =	vsel vm0, v7, v5;
	v7 =	vld [tilespmem:s21+$0x4400];
	v6 =	vsel vm0, s18, v6;
	s18 =	smov.u32 s22;
	(pc) =	sbr.rel @p0 .LBB2_46-.Ltmp22, $2  }
0x230: {  	_ =	sdelay $0x2  }
0x231: {  	s20 =	sadd.s32 $0x10, s20  }
0x232: {  	vm0 =	vlt.f32 v7, v5  }
0x233: {  	v5 =	vsel vm0, s18, v6  }
0x234: {  	v6 =	vshll.u32 v5, $0x4;
	v5 =	vor.u32 $0x4000, v1  }
0x235: {  	v7 =	vadd.s32 v5, v6;
	_ =	sdelay $0x3  }
0x236: {  	s18 =	simm.s32 $0x0;
	v6 =	vimm.f32 $+Inf  }
0x237: {  	s20 =	sand.u32 $0x1FF0, s18;
	[tilespmem:v7+s16+$0x0] =	vst.idx.msk $0xffff, v6  }
0x238: {  	v8 =	vld [tilespmem:s20+$0x4400];
	_ =	sdelay $0x2  }
0x239: {  	s19 =	simm.s32 $0x1;
	v7 =	vimm.s32 $0x0;
	s20 =	simm.s32 $0x10  }
.LBB2_48:
0x23a: {  	s21 =	sand.u32 $0x1FF0, s20  }
0x23b: {  	p0 =	sne.s32 s19, $0x1FF;
	vm0 =	vlt.f32 v8, v6;
	s22 =	smov.u32 s19;
	s19 =	sadd.s32 $0x1, s19  }
.Ltmp23:
0x23c: {  	v6 =	vsel vm0, v8, v6;
	v8 =	vld [tilespmem:s21+$0x4400];
	v7 =	vsel vm0, s18, v7;
	s18 =	smov.u32 s22;
	(pc) =	sbr.rel @p0 .LBB2_48-.Ltmp23, $2  }
0x23d: {  	_ =	sdelay $0x2  }
0x23e: {  	s20 =	sadd.s32 $0x10, s20  }
0x23f: {  	vm0 =	vlt.f32 v8, v6  }
0x240: {  	v7 =	vsel vm0, s18, v7  }
0x241: {  	v6 =	vshll.u32 v7, $0x4  }
0x242: {  	v8 =	vadd.s32 v5, v6;
	v6 =	vor.u32 $0x4000, v2  }
0x243: {  	v9 =	vadd.s32 v6, v7;
	_ =	sdelay $0x2  }
0x244: {  	v7 =	vimm.f32 $+Inf  }
0x245: {  	s18 =	simm.s32 $0x0;
	[tilespmem:v8+s16+$0x0] =	vst.idx.msk $0xffff, v7  }
0x246: {  	s20 =	sand.u32 $0x1FF0, s18;
	[tilespmem:v9+s15+$0x0] =	vst.idx.msk $0xffff, v3  }
0x247: {  	v9 =	vld [tilespmem:s20+$0x4400];
	_ =	sdelay $0x2  }
0x248: {  	s19 =	simm.s32 $0x1;
	v8 =	vimm.s32 $0x0;
	s20 =	simm.s32 $0x10  }
.LBB2_50:
0x249: {  	s21 =	sand.u32 $0x1FF0, s20  }
0x24a: {  	p0 =	sne.s32 s19, $0x1FF;
	vm0 =	vlt.f32 v9, v7;
	s22 =	smov.u32 s19;
	s19 =	sadd.s32 $0x1, s19  }
.Ltmp24:
0x24b: {  	v7 =	vsel vm0, v9, v7;
	v9 =	vld [tilespmem:s21+$0x4400];
	v8 =	vsel vm0, s18, v8;
	s18 =	smov.u32 s22;
	(pc) =	sbr.rel @p0 .LBB2_50-.Ltmp24, $2  }
0x24c: {  	_ =	sdelay $0x2  }
0x24d: {  	s20 =	sadd.s32 $0x10, s20  }
0x24e: {  	vm0 =	vlt.f32 v9, v7  }
0x24f: {  	v7 =	vsel vm0, s18, v8  }
0x250: {  	v8 =	vshll.u32 v7, $0x4  }
0x251: {  	v8 =	vadd.s32 v5, v8  }
0x252: {  	v9 =	vadd.s32 v6, v7;
	_ =	sdelay $0x2  }
0x253: {  	v7 =	vimm.f32 $+Inf  }
0x254: {  	s18 =	simm.s32 $0x0;
	[tilespmem:v8+s16+$0x0] =	vst.idx.msk $0xffff, v7  }
0x255: {  	s20 =	sand.u32 $0x1FF0, s18;
	[tilespmem:v9+s15+$0x0] =	vst.idx.msk $0xffff, v3  }
0x256: {  	v9 =	vld [tilespmem:s20+$0x4400];
	_ =	sdelay $0x2  }
0x257: {  	s19 =	simm.s32 $0x1;
	v8 =	vimm.s32 $0x0;
	s20 =	simm.s32 $0x10  }
.LBB2_52:
0x258: {  	s21 =	sand.u32 $0x1FF0, s20  }
0x259: {  	p0 =	sne.s32 s19, $0x1FF;
	vm0 =	vlt.f32 v9, v7;
	s22 =	smov.u32 s19;
	s19 =	sadd.s32 $0x1, s19  }
.Ltmp25:
0x25a: {  	v7 =	vsel vm0, v9, v7;
	v9 =	vld [tilespmem:s21+$0x4400];
	v8 =	vsel vm0, s18, v8;
	s18 =	smov.u32 s22;
	(pc) =	sbr.rel @p0 .LBB2_52-.Ltmp25, $2  }
0x25b: {  	_ =	sdelay $0x2  }
0x25c: {  	s20 =	sadd.s32 $0x10, s20  }
0x25d: {  	vm0 =	vlt.f32 v9, v7  }
0x25e: {  	v7 =	vsel vm0, s18, v8  }
0x25f: {  	v8 =	vshll.u32 v7, $0x4  }
0x260: {  	v8 =	vadd.s32 v5, v8  }
0x261: {  	v9 =	vadd.s32 v6, v7;
	_ =	sdelay $0x2  }
0x262: {  	v7 =	vimm.f32 $+Inf  }
0x263: {  	s18 =	simm.s32 $0x0;
	[tilespmem:v8+s16+$0x0] =	vst.idx.msk $0xffff, v7  }
0x264: {  	s20 =	sand.u32 $0x1FF0, s18;
	[tilespmem:v9+s15+$0x0] =	vst.idx.msk $0xffff, v3  }
0x265: {  	v9 =	vld [tilespmem:s20+$0x4400];
	_ =	sdelay $0x2  }
0x266: {  	s19 =	simm.s32 $0x1;
	v8 =	vimm.s32 $0x0;
	s20 =	simm.s32 $0x10  }
.LBB2_54:
0x267: {  	s21 =	sand.u32 $0x1FF0, s20  }
0x268: {  	p0 =	sne.s32 s19, $0x1FF;
	vm0 =	vlt.f32 v9, v7;
	s22 =	smov.u32 s19;
	s19 =	sadd.s32 $0x1, s19  }
.Ltmp26:
0x269: {  	v7 =	vsel vm0, v9, v7;
	v9 =	vld [tilespmem:s21+$0x4400];
	v8 =	vsel vm0, s18, v8;
	s18 =	smov.u32 s22;
	(pc) =	sbr.rel @p0 .LBB2_54-.Ltmp26, $2  }
0x26a: {  	_ =	sdelay $0x2  }
0x26b: {  	s20 =	sadd.s32 $0x10, s20  }
0x26c: {  	vm0 =	vlt.f32 v9, v7  }
0x26d: {  	v7 =	vsel vm0, s18, v8  }
0x26e: {  	v8 =	vshll.u32 v7, $0x4  }
0x26f: {  	v8 =	vadd.s32 v5, v8  }
0x270: {  	v9 =	vadd.s32 v6, v7;
	_ =	sdelay $0x2  }
0x271: {  	v7 =	vimm.f32 $+Inf  }
0x272: {  	s18 =	simm.s32 $0x0;
	[tilespmem:v8+s16+$0x0] =	vst.idx.msk $0xffff, v7  }
0x273: {  	s20 =	sand.u32 $0x1FF0, s18;
	[tilespmem:v9+s15+$0x0] =	vst.idx.msk $0xffff, v3  }
0x274: {  	v9 =	vld [tilespmem:s20+$0x4400];
	_ =	sdelay $0x2  }
0x275: {  	s19 =	simm.s32 $0x1;
	v8 =	vimm.s32 $0x0;
	s20 =	simm.s32 $0x10  }
.LBB2_56:
0x276: {  	s21 =	sand.u32 $0x1FF0, s20  }
0x277: {  	p0 =	sne.s32 s19, $0x1FF;
	vm0 =	vlt.f32 v9, v7;
	s22 =	smov.u32 s19;
	s19 =	sadd.s32 $0x1, s19  }
.Ltmp27:
0x278: {  	v7 =	vsel vm0, v9, v7;
	v9 =	vld [tilespmem:s21+$0x4400];
	v8 =	vsel vm0, s18, v8;
	s18 =	smov.u32 s22;
	(pc) =	sbr.rel @p0 .LBB2_56-.Ltmp27, $2  }
0x279: {  	_ =	sdelay $0x2  }
0x27a: {  	s20 =	sadd.s32 $0x10, s20  }
0x27b: {  	vm0 =	vlt.f32 v9, v7  }
0x27c: {  	v7 =	vsel vm0, s18, v8  }
0x27d: {  	v8 =	vshll.u32 v7, $0x4  }
0x27e: {  	v8 =	vadd.s32 v5, v8  }
0x27f: {  	v9 =	vadd.s32 v6, v7;
	_ =	sdelay $0x2  }
0x280: {  	v7 =	vimm.f32 $+Inf  }
0x281: {  	s18 =	simm.s32 $0x0;
	[tilespmem:v8+s16+$0x0] =	vst.idx.msk $0xffff, v7  }
0x282: {  	s20 =	sand.u32 $0x1FF0, s18;
	[tilespmem:v9+s15+$0x0] =	vst.idx.msk $0xffff, v3  }
0x283: {  	v9 =	vld [tilespmem:s20+$0x4400];
	_ =	sdelay $0x2  }
0x284: {  	s19 =	simm.s32 $0x1;
	v8 =	vimm.s32 $0x0;
	s20 =	simm.s32 $0x10  }
.LBB2_58:
0x285: {  	s21 =	sand.u32 $0x1FF0, s20  }
0x286: {  	p0 =	sne.s32 s19, $0x1FF;
	vm0 =	vlt.f32 v9, v7;
	s22 =	smov.u32 s19;
	s19 =	sadd.s32 $0x1, s19  }
.Ltmp28:
0x287: {  	v7 =	vsel vm0, v9, v7;
	v9 =	vld [tilespmem:s21+$0x4400];
	v8 =	vsel vm0, s18, v8;
	s18 =	smov.u32 s22;
	(pc) =	sbr.rel @p0 .LBB2_58-.Ltmp28, $2  }
0x288: {  	_ =	sdelay $0x2  }
0x289: {  	s20 =	sadd.s32 $0x10, s20  }
0x28a: {  	vm0 =	vlt.f32 v9, v7  }
0x28b: {  	v7 =	vsel vm0, s18, v8  }
0x28c: {  	v8 =	vshll.u32 v7, $0x4  }
0x28d: {  	v8 =	vadd.s32 v5, v8  }
0x28e: {  	v9 =	vadd.s32 v6, v7;
	_ =	sdelay $0x2  }
0x28f: {  	v7 =	vimm.f32 $+Inf  }
0x290: {  	s18 =	simm.s32 $0x0;
	[tilespmem:v8+s16+$0x0] =	vst.idx.msk $0xffff, v7  }
0x291: {  	s20 =	sand.u32 $0x1FF0, s18;
	[tilespmem:v9+s15+$0x0] =	vst.idx.msk $0xffff, v3  }
0x292: {  	v9 =	vld [tilespmem:s20+$0x4400];
	_ =	sdelay $0x2  }
0x293: {  	s19 =	simm.s32 $0x1;
	v8 =	vimm.s32 $0x0;
	s20 =	simm.s32 $0x10  }
.LBB2_60:
0x294: {  	s21 =	sand.u32 $0x1FF0, s20  }
0x295: {  	p0 =	sne.s32 s19, $0x1FF;
	vm0 =	vlt.f32 v9, v7;
	s22 =	smov.u32 s19;
	s19 =	sadd.s32 $0x1, s19  }
.Ltmp29:
0x296: {  	v7 =	vsel vm0, v9, v7;
	v9 =	vld [tilespmem:s21+$0x4400];
	v8 =	vsel vm0, s18, v8;
	s18 =	smov.u32 s22;
	(pc) =	sbr.rel @p0 .LBB2_60-.Ltmp29, $2  }
0x297: {  	_ =	sdelay $0x2  }
0x298: {  	s20 =	sadd.s32 $0x10, s20  }
0x299: {  	vm0 =	vlt.f32 v9, v7  }
0x29a: {  	v7 =	vsel vm0, s18, v8  }
0x29b: {  	v8 =	vshll.u32 v7, $0x4  }
0x29c: {  	v8 =	vadd.s32 v5, v8  }
0x29d: {  	v9 =	vadd.s32 v6, v7;
	_ =	sdelay $0x2  }
0x29e: {  	v7 =	vimm.f32 $+Inf  }
0x29f: {  	s18 =	simm.s32 $0x0;
	[tilespmem:v8+s16+$0x0] =	vst.idx.msk $0xffff, v7  }
0x2a0: {  	s20 =	sand.u32 $0x1FF0, s18;
	[tilespmem:v9+s15+$0x0] =	vst.idx.msk $0xffff, v3  }
0x2a1: {  	v9 =	vld [tilespmem:s20+$0x4400];
	_ =	sdelay $0x2  }
0x2a2: {  	s19 =	simm.s32 $0x1;
	v8 =	vimm.s32 $0x0;
	s20 =	simm.s32 $0x10  }
.LBB2_62:
0x2a3: {  	s21 =	sand.u32 $0x1FF0, s20  }
0x2a4: {  	p0 =	sne.s32 s19, $0x1FF;
	vm0 =	vlt.f32 v9, v7;
	s22 =	smov.u32 s19;
	s19 =	sadd.s32 $0x1, s19  }
.Ltmp30:
0x2a5: {  	v7 =	vsel vm0, v9, v7;
	v9 =	vld [tilespmem:s21+$0x4400];
	v8 =	vsel vm0, s18, v8;
	s18 =	smov.u32 s22;
	(pc) =	sbr.rel @p0 .LBB2_62-.Ltmp30, $2  }
0x2a6: {  	_ =	sdelay $0x2  }
0x2a7: {  	s20 =	sadd.s32 $0x10, s20  }
0x2a8: {  	vm0 =	vlt.f32 v9, v7  }
0x2a9: {  	v7 =	vsel vm0, s18, v8  }
0x2aa: {  	v8 =	vshll.u32 v7, $0x4  }
0x2ab: {  	v5 =	vadd.s32 v5, v8  }
0x2ac: {  	v6 =	vadd.s32 v6, v7;
	_ =	sdelay $0x3  }
0x2ad: {  	[tilespmem:v5+s16+$0x0] =	vst.idx.msk $0xffff, v4  }
0x2ae: {  	[tilespmem:v6+s15+$0x0] =	vst.idx.msk $0xffff, v3  }
0x2af: {  	v6 =	vld [tilespmem:s8+$0x0]  }
0x2b0: {  	s18 =	simm.s32 $0x0;
	v5 =	vld [tilespmem:s8+$0x200]  }
0x2b1: {  	s20 =	simm.s32 $0x200;
	v8 =	vld [tilespmem:s18+$0x0]  }
0x2b2: {  	s21 =	simm.s32 $0x400;
	s19 =	simm.s32 $0x0;
	s22 =	simm.s32 $0x0;
	v7 =	vld [tilespmem:s20+$0x0]  }
.LBB2_64:
0x2b3: {  	p0 =	sne.s32 s21, $0x7C00;
	_ =	sdelay $0x2  }
0x2b4: {  	v9 =	vbroadcast v8, $0x1;
	v10 =	vbroadcast v8, $0x3  }
0x2b5: {  	v11 =	vbroadcast v8, $0x2;
	v12 =	vbroadcast v7, $0x2  }
0x2b6: {  	v13 =	vbroadcast v7, $0x1;
	v14 =	vbroadcast v7, $0x3;
	v9 =	vsub.f32 v6, v9  }
0x2b7: {  	v15 =	vbroadcast v8, $0x4;
	v11 =	vsub.f32 v6, v11;
	v12 =	vsub.f32 v5, v12  }
0x2b8: {  	v10 =	vsub.f32 v6, v10;
	v13 =	vsub.f32 v5, v13;
	v9 =	vmul.f32 v9, v9  }
0x2b9: {  	v14 =	vsub.f32 v5, v14;
	v11 =	vmul.f32 v11, v11;
	v12 =	vmul.f32 v12, v12  }
0x2ba: {  	v15 =	vsub.f32 v6, v15;
	v10 =	vmul.f32 v10, v10;
	v13 =	vmul.f32 v13, v13  }
0x2bb: {  	v11 =	vadd.f32 v12, v11;
	v12 =	vmul.f32 v14, v14;
	v14 =	vbroadcast v7, $0x4  }
0x2bc: {  	s23 =	sshra.s32 s19, $0x2;
	s19 =	smov.u32 s21;
	v9 =	vadd.f32 v13, v9;
	v13 =	vmul.f32 v15, v15;
	v15 =	vbroadcast v8, $0x5  }
0x2bd: {  	[tilespmem:s23+$0x6420] =	vst v11;
	v10 =	vadd.f32 v12, v10;
	v11 =	vsub.f32 v5, v14;
	v12 =	vbroadcast v7, $0x5  }
0x2be: {  	v14 =	vbroadcast v8, $0x6;
	[tilespmem:s23+$0x6410] =	vst v9;
	v9 =	vsub.f32 v6, v15;
	v15 =	vbroadcast v7, $0x6  }
0x2bf: {  	[tilespmem:s23+$0x6430] =	vst v10;
	v10 =	vmul.f32 v11, v11;
	v11 =	vsub.f32 v5, v12;
	v12 =	vbroadcast v8, $0x7  }
0x2c0: {  	v14 =	vsub.f32 v6, v14;
	v9 =	vmul.f32 v9, v9;
	v15 =	vsub.f32 v5, v15  }
0x2c1: {  	v10 =	vadd.f32 v10, v13;
	v11 =	vmul.f32 v11, v11;
	v13 =	vbroadcast v7, $0x7  }
0x2c2: {  	v14 =	vmul.f32 v14, v14;
	v12 =	vsub.f32 v6, v12;
	v15 =	vmul.f32 v15, v15  }
0x2c3: {  	[tilespmem:s23+$0x6440] =	vst v10;
	v9 =	vadd.f32 v11, v9;
	v10 =	vsub.f32 v5, v13;
	v11 =	vbroadcast v8, $0x8  }
0x2c4: {  	v12 =	vmul.f32 v12, v12;
	v13 =	vadd.f32 v15, v14;
	v14 =	vbroadcast v7, $0x8  }
0x2c5: {  	[tilespmem:s23+$0x6450] =	vst v9;
	v9 =	vmul.f32 v10, v10;
	v10 =	vsub.f32 v6, v11;
	v11 =	vbroadcast v8, $0x9  }
0x2c6: {  	v15 =	vbroadcast v8, $0xA;
	[tilespmem:s23+$0x6460] =	vst v13;
	v13 =	vsub.f32 v5, v14;
	v14 =	vbroadcast v7, $0x9  }
0x2c7: {  	v9 =	vadd.f32 v9, v12;
	v10 =	vmul.f32 v10, v10;
	v11 =	vsub.f32 v6, v11  }
0x2c8: {  	v12 =	vmul.f32 v13, v13;
	v13 =	vsub.f32 v5, v14;
	v14 =	vbroadcast v7, $0xA  }
0x2c9: {  	[tilespmem:s23+$0x6470] =	vst v9;
	v9 =	vmul.f32 v11, v11;
	v11 =	vsub.f32 v6, v15;
	v15 =	vbroadcast v8, $0xB  }
0x2ca: {  	v10 =	vadd.f32 v12, v10;
	v12 =	vmul.f32 v13, v13;
	v13 =	vsub.f32 v5, v14  }
0x2cb: {  	v11 =	vmul.f32 v11, v11;
	v14 =	vsub.f32 v6, v15;
	v15 =	vbroadcast v7, $0xB  }
0x2cc: {  	[tilespmem:s23+$0x6480] =	vst v10;
	v9 =	vadd.f32 v12, v9;
	v10 =	vmul.f32 v13, v13;
	v12 =	vbroadcast v8, $0xC  }
0x2cd: {  	v13 =	vsub.f32 v5, v15;
	v14 =	vmul.f32 v14, v14;
	v15 =	vbroadcast v7, $0xC  }
0x2ce: {  	[tilespmem:s23+$0x6490] =	vst v9;
	v9 =	vadd.f32 v10, v11;
	v10 =	vsub.f32 v6, v12;
	v11 =	vbroadcast v8, $0xD  }
0x2cf: {  	v12 =	vmul.f32 v13, v13;
	v13 =	vsub.f32 v5, v15;
	v15 =	vbroadcast v7, $0xD  }
0x2d0: {  	[tilespmem:s23+$0x64A0] =	vst v9;
	v9 =	vmul.f32 v10, v10;
	v10 =	vsub.f32 v6, v11;
	v11 =	vbroadcast v8, $0xE  }
0x2d1: {  	v12 =	vadd.f32 v12, v14;
	v13 =	vmul.f32 v13, v13;
	v14 =	vsub.f32 v5, v15  }
0x2d2: {  	v15 =	vbroadcast v7, $0xE;
	v10 =	vmul.f32 v10, v10;
	v11 =	vsub.f32 v6, v11  }
0x2d3: {  	[tilespmem:s23+$0x64B0] =	vst v12;
	v9 =	vadd.f32 v13, v9;
	v12 =	vmul.f32 v14, v14;
	v13 =	vbroadcast v8, $0xF  }
0x2d4: {  	v14 =	vsub.f32 v5, v15;
	v15 =	vbroadcast v7, $0xF;
	v11 =	vmul.f32 v11, v11  }
0x2d5: {  	v8 =	vbroadcast v8, $0x0;
	[tilespmem:s23+$0x64C0] =	vst v9;
	v9 =	vadd.f32 v12, v10;
	v10 =	vsub.f32 v6, v13  }
0x2d6: {  	v7 =	vbroadcast v7, $0x0;
	v12 =	vmul.f32 v14, v14;
	v13 =	vsub.f32 v5, v15  }
0x2d7: {  	v8 =	vsub.f32 v6, v8;
	[tilespmem:s23+$0x64D0] =	vst v9;
	v9 =	vmul.f32 v10, v10  }
0x2d8: {  	v7 =	vsub.f32 v5, v7;
	v10 =	vadd.f32 v12, v11;
	v11 =	vmul.f32 v13, v13  }
0x2d9: {  	v8 =	vmul.f32 v8, v8  }
0x2da: {  	v7 =	vmul.f32 v7, v7;
	v9 =	vadd.f32 v11, v9;
	[tilespmem:s23+$0x64E0] =	vst v10;
	_ =	sdelay $0x1  }
.Ltmp31:
0x2db: {  	v7 =	vadd.f32 v7, v8;
	[tilespmem:s23+$0x64F0] =	vst v9;
	(pc) =	sbr.rel @p0 .LBB2_64-.Ltmp31, $4  }
0x2dc: {  	_ = 	snop  }
0x2dd: {  	s22 =	sadd.s32 $0x10, s22;
	[tilespmem:s23+$0x6400] =	vst v7  }
0x2de: {  	s20 =	sadd.s32 $0x10, s20;
	v8 =	vld [tilespmem:s22+$0x0]  }
0x2df: {  	s21 =	sadd.s32 $0x400, s21;
	v7 =	vld [tilespmem:s20+$0x0]  }
0x2e0: {  	_ =	sdelay $0x2  }
0x2e1: {  	v9 =	vbroadcast v8, $0x1;
	v10 =	vbroadcast v8, $0x2  }
0x2e2: {  	v12 =	vbroadcast v8, $0x3;
	v15 =	vbroadcast v8, $0x4  }
0x2e3: {  	v39 =	vbroadcast v8, $0x5;
	v40 =	vbroadcast v8, $0x6  }
0x2e4: {  	v18 =	vbroadcast v8, $0x7;
	v42 =	vbroadcast v8, $0x8  }
0x2e5: {  	v44 =	vbroadcast v8, $0x9;
	v21 =	vbroadcast v8, $0xA  }
0x2e6: {  	v22 =	vbroadcast v8, $0xB;
	v47 =	vbroadcast v8, $0xC  }
0x2e7: {  	v51 =	vbroadcast v8, $0xD;
	v55 =	vbroadcast v8, $0xE  }
0x2e8: {  	v57 =	vbroadcast v8, $0xF;
	v8 =	vbroadcast v8, $0x0  }
0x2e9: {  	v11 =	vbroadcast v7, $0x2;
	v13 =	vbroadcast v7, $0x1  }
0x2ea: {  	v14 =	vbroadcast v7, $0x3;
	v38 =	vbroadcast v7, $0x4  }
0x2eb: {  	v16 =	vbroadcast v7, $0x5;
	v17 =	vbroadcast v7, $0x6  }
0x2ec: {  	v41 =	vbroadcast v7, $0x7;
	v19 =	vbroadcast v7, $0x8  }
0x2ed: {  	v20 =	vbroadcast v7, $0x9;
	v45 =	vbroadcast v7, $0xA  }
0x2ee: {  	v46 =	vbroadcast v7, $0xB;
	v9 =	vsub.f32 v6, v9;
	v10 =	vsub.f32 v6, v10  }
0x2ef: {  	v49 =	vbroadcast v7, $0xC;
	v12 =	vsub.f32 v6, v12;
	v15 =	vsub.f32 v6, v15  }
0x2f0: {  	v53 =	vbroadcast v7, $0xD;
	v18 =	vsub.f32 v6, v18;
	v21 =	vsub.f32 v6, v21  }
0x2f1: {  	v59 =	vbroadcast v7, $0xE;
	v22 =	vsub.f32 v6, v22;
	v54 =	vsub.f32 v6, v51  }
0x2f2: {  	v60 =	vbroadcast v7, $0xF;
	v58 =	vsub.f32 v6, v55;
	v11 =	vsub.f32 v5, v11  }
0x2f3: {  	v7 =	vbroadcast v7, $0x0;
	v13 =	vsub.f32 v5, v13;
	v14 =	vsub.f32 v5, v14  }
0x2f4: {  	v16 =	vsub.f32 v5, v16;
	v9 =	vmul.f32 v9, v9;
	v10 =	vmul.f32 v10, v10  }
0x2f5: {  	v17 =	vsub.f32 v5, v17;
	v12 =	vmul.f32 v12, v12;
	v15 =	vmul.f32 v15, v15  }
0x2f6: {  	v19 =	vsub.f32 v5, v19;
	v43 =	vmul.f32 v18, v18;
	v13 =	vmul.f32 v13, v13  }
0x2f7: {  	v20 =	vsub.f32 v5, v20;
	v48 =	vmul.f32 v22, v22;
	v11 =	vmul.f32 v11, v11  }
0x2f8: {  	v14 =	vmul.f32 v14, v14;
	v9 =	vadd.f32 v13, v9;
	v13 =	vsub.f32 v6, v39  }
0x2f9: {  	v52 =	vsub.f32 v5, v49;
	v16 =	vmul.f32 v16, v16;
	v17 =	vmul.f32 v17, v17  }
0x2fa: {  	v18 =	vsub.f32 v6, v44;
	v19 =	vmul.f32 v19, v19;
	v13 =	vmul.f32 v13, v13  }
0x2fb: {  	v20 =	vmul.f32 v20, v20;
	v10 =	vadd.f32 v11, v10;
	v11 =	vsub.f32 v5, v38  }
0x2fc: {  	v18 =	vmul.f32 v18, v18;
	v13 =	vadd.f32 v16, v13;
	v16 =	vsub.f32 v6, v42  }
0x2fd: {  	s19 =	sshra.s32 s19, $0x2;
	v12 =	vadd.f32 v14, v12;
	v14 =	vsub.f32 v6, v40;
	v11 =	vmul.f32 v11, v11  }
0x2fe: {  	v18 =	vadd.f32 v20, v18;
	v20 =	vsub.f32 v6, v47;
	[tilespmem:s19+$0x6420] =	vst v10;
	v16 =	vmul.f32 v16, v16  }
0x2ff: {  	v14 =	vmul.f32 v14, v14;
	[tilespmem:s19+$0x6410] =	vst v9;
	v11 =	vadd.f32 v11, v15;
	v15 =	vsub.f32 v5, v41  }
0x300: {  	[tilespmem:s19+$0x6430] =	vst v12;
	v12 =	vmul.f32 v52, v52;
	v16 =	vadd.f32 v19, v16;
	v19 =	vsub.f32 v5, v46  }
0x301: {  	v56 =	vsub.f32 v5, v53;
	v20 =	vmul.f32 v20, v20;
	[tilespmem:s19+$0x6490] =	vst v18;
	v15 =	vmul.f32 v15, v15  }
0x302: {  	v14 =	vadd.f32 v17, v14;
	v17 =	vsub.f32 v5, v45;
	[tilespmem:s19+$0x6440] =	vst v11;
	v19 =	vmul.f32 v19, v19  }
0x303: {  	v21 =	vmul.f32 v21, v21;
	v12 =	vadd.f32 v12, v20;
	[tilespmem:s19+$0x6450] =	vst v13;
	v15 =	vadd.f32 v15, v43  }
0x304: {  	v17 =	vmul.f32 v17, v17;
	[tilespmem:s19+$0x6460] =	vst v14;
	v10 =	vadd.f32 v19, v48;
	v19 =	vsub.f32 v6, v57  }
0x305: {  	v11 =	vmul.f32 v54, v54;
	[tilespmem:s19+$0x64C0] =	vst v12;
	v6 =	vsub.f32 v6, v8;
	v8 =	vsub.f32 v5, v59  }
0x306: {  	v13 =	vmul.f32 v56, v56;
	v50 =	vadd.f32 v17, v21;
	[tilespmem:s19+$0x6470] =	vst v15;
	v15 =	vsub.f32 v5, v60  }
0x307: {  	v61 =	vmul.f32 v58, v58;
	[tilespmem:s19+$0x6480] =	vst v16;
	v5 =	vsub.f32 v5, v7;
	v8 =	vmul.f32 v8, v8  }
0x308: {  	[tilespmem:s19+$0x64A0] =	vst v50;
	v7 =	vadd.f32 v13, v11;
	v63 =	vmul.f32 v15, v15;
	v62 =	vmul.f32 v19, v19  }
0x309: {  	[tilespmem:s19+$0x64B0] =	vst v10;
	v6 =	vmul.f32 v6, v6;
	v5 =	vmul.f32 v5, v5;
	v8 =	vadd.f32 v8, v61  }
0x30a: {  	[tilespmem:s19+$0x64D0] =	vst v7;
	v7 =	vadd.f32 v63, v62  }
0x30b: {  	v5 =	vadd.f32 v5, v6;
	[tilespmem:s19+$0x64E0] =	vst v8  }
0x30c: {  	[tilespmem:s19+$0x64F0] =	vst v7  }
0x30d: {  	s20 =	sand.u32 $0x1FF0, s18;
	[tilespmem:s19+$0x6400] =	vst v5  }
0x30e: {  	v7 =	vld [tilespmem:s20+$0x6400];
	_ =	sdelay $0x2  }
0x30f: {  	v6 =	vimm.s32 $0x0;
	v5 =	vimm.f32 $+Inf;
	s19 =	simm.s32 $0x1;
	s20 =	simm.s32 $0x10  }
.LBB2_66:
0x310: {  	s21 =	sand.u32 $0x1FF0, s20  }
0x311: {  	p0 =	sne.s32 s19, $0x1FF;
	vm0 =	vlt.f32 v7, v5;
	s22 =	smov.u32 s19;
	s19 =	sadd.s32 $0x1, s19  }
.Ltmp32:
0x312: {  	v5 =	vsel vm0, v7, v5;
	v7 =	vld [tilespmem:s21+$0x6400];
	v6 =	vsel vm0, s18, v6;
	s18 =	smov.u32 s22;
	(pc) =	sbr.rel @p0 .LBB2_66-.Ltmp32, $2  }
0x313: {  	_ =	sdelay $0x2  }
0x314: {  	s20 =	sadd.s32 $0x10, s20  }
0x315: {  	vm0 =	vlt.f32 v7, v5  }
0x316: {  	v5 =	vsel vm0, s18, v6  }
0x317: {  	v6 =	vshll.u32 v5, $0x4;
	v5 =	vor.u32 $0x6000, v1  }
0x318: {  	v7 =	vadd.s32 v5, v6;
	_ =	sdelay $0x3  }
0x319: {  	s18 =	simm.s32 $0x0;
	v6 =	vimm.f32 $+Inf  }
0x31a: {  	s20 =	sand.u32 $0x1FF0, s18;
	[tilespmem:v7+s16+$0x0] =	vst.idx.msk $0xffff, v6  }
0x31b: {  	v8 =	vld [tilespmem:s20+$0x6400];
	_ =	sdelay $0x2  }
0x31c: {  	s19 =	simm.s32 $0x1;
	v7 =	vimm.s32 $0x0;
	s20 =	simm.s32 $0x10  }
.LBB2_68:
0x31d: {  	s21 =	sand.u32 $0x1FF0, s20  }
0x31e: {  	p0 =	sne.s32 s19, $0x1FF;
	vm0 =	vlt.f32 v8, v6;
	s22 =	smov.u32 s19;
	s19 =	sadd.s32 $0x1, s19  }
.Ltmp33:
0x31f: {  	v6 =	vsel vm0, v8, v6;
	v8 =	vld [tilespmem:s21+$0x6400];
	v7 =	vsel vm0, s18, v7;
	s18 =	smov.u32 s22;
	(pc) =	sbr.rel @p0 .LBB2_68-.Ltmp33, $2  }
0x320: {  	_ =	sdelay $0x2  }
0x321: {  	s20 =	sadd.s32 $0x10, s20  }
0x322: {  	vm0 =	vlt.f32 v8, v6  }
0x323: {  	v7 =	vsel vm0, s18, v7  }
0x324: {  	v6 =	vshll.u32 v7, $0x4  }
0x325: {  	v8 =	vadd.s32 v5, v6;
	v6 =	vor.u32 $0x6000, v2  }
0x326: {  	v9 =	vadd.s32 v6, v7;
	_ =	sdelay $0x2  }
0x327: {  	v7 =	vimm.f32 $+Inf  }
0x328: {  	s18 =	simm.s32 $0x0;
	[tilespmem:v8+s16+$0x0] =	vst.idx.msk $0xffff, v7  }
0x329: {  	s20 =	sand.u32 $0x1FF0, s18;
	[tilespmem:v9+s15+$0x0] =	vst.idx.msk $0xffff, v3  }
0x32a: {  	v9 =	vld [tilespmem:s20+$0x6400];
	_ =	sdelay $0x2  }
0x32b: {  	s19 =	simm.s32 $0x1;
	v8 =	vimm.s32 $0x0;
	s20 =	simm.s32 $0x10  }
.LBB2_70:
0x32c: {  	s21 =	sand.u32 $0x1FF0, s20  }
0x32d: {  	p0 =	sne.s32 s19, $0x1FF;
	vm0 =	vlt.f32 v9, v7;
	s22 =	smov.u32 s19;
	s19 =	sadd.s32 $0x1, s19  }
.Ltmp34:
0x32e: {  	v7 =	vsel vm0, v9, v7;
	v9 =	vld [tilespmem:s21+$0x6400];
	v8 =	vsel vm0, s18, v8;
	s18 =	smov.u32 s22;
	(pc) =	sbr.rel @p0 .LBB2_70-.Ltmp34, $2  }
0x32f: {  	_ =	sdelay $0x2  }
0x330: {  	s20 =	sadd.s32 $0x10, s20  }
0x331: {  	vm0 =	vlt.f32 v9, v7  }
0x332: {  	v7 =	vsel vm0, s18, v8  }
0x333: {  	v8 =	vshll.u32 v7, $0x4  }
0x334: {  	v8 =	vadd.s32 v5, v8  }
0x335: {  	v9 =	vadd.s32 v6, v7;
	_ =	sdelay $0x2  }
0x336: {  	v7 =	vimm.f32 $+Inf  }
0x337: {  	s18 =	simm.s32 $0x0;
	[tilespmem:v8+s16+$0x0] =	vst.idx.msk $0xffff, v7  }
0x338: {  	s20 =	sand.u32 $0x1FF0, s18;
	[tilespmem:v9+s15+$0x0] =	vst.idx.msk $0xffff, v3  }
0x339: {  	v9 =	vld [tilespmem:s20+$0x6400];
	_ =	sdelay $0x2  }
0x33a: {  	s19 =	simm.s32 $0x1;
	v8 =	vimm.s32 $0x0;
	s20 =	simm.s32 $0x10  }
.LBB2_72:
0x33b: {  	s21 =	sand.u32 $0x1FF0, s20  }
0x33c: {  	p0 =	sne.s32 s19, $0x1FF;
	vm0 =	vlt.f32 v9, v7;
	s22 =	smov.u32 s19;
	s19 =	sadd.s32 $0x1, s19  }
.Ltmp35:
0x33d: {  	v7 =	vsel vm0, v9, v7;
	v9 =	vld [tilespmem:s21+$0x6400];
	v8 =	vsel vm0, s18, v8;
	s18 =	smov.u32 s22;
	(pc) =	sbr.rel @p0 .LBB2_72-.Ltmp35, $2  }
0x33e: {  	_ =	sdelay $0x2  }
0x33f: {  	s20 =	sadd.s32 $0x10, s20  }
0x340: {  	vm0 =	vlt.f32 v9, v7  }
0x341: {  	v7 =	vsel vm0, s18, v8  }
0x342: {  	v8 =	vshll.u32 v7, $0x4  }
0x343: {  	v8 =	vadd.s32 v5, v8  }
0x344: {  	v9 =	vadd.s32 v6, v7;
	_ =	sdelay $0x2  }
0x345: {  	v7 =	vimm.f32 $+Inf  }
0x346: {  	s18 =	simm.s32 $0x0;
	[tilespmem:v8+s16+$0x0] =	vst.idx.msk $0xffff, v7  }
0x347: {  	s20 =	sand.u32 $0x1FF0, s18;
	[tilespmem:v9+s15+$0x0] =	vst.idx.msk $0xffff, v3  }
0x348: {  	v9 =	vld [tilespmem:s20+$0x6400];
	_ =	sdelay $0x2  }
0x349: {  	s19 =	simm.s32 $0x1;
	v8 =	vimm.s32 $0x0;
	s20 =	simm.s32 $0x10  }
.LBB2_74:
0x34a: {  	s21 =	sand.u32 $0x1FF0, s20  }
0x34b: {  	p0 =	sne.s32 s19, $0x1FF;
	vm0 =	vlt.f32 v9, v7;
	s22 =	smov.u32 s19;
	s19 =	sadd.s32 $0x1, s19  }
.Ltmp36:
0x34c: {  	v7 =	vsel vm0, v9, v7;
	v9 =	vld [tilespmem:s21+$0x6400];
	v8 =	vsel vm0, s18, v8;
	s18 =	smov.u32 s22;
	(pc) =	sbr.rel @p0 .LBB2_74-.Ltmp36, $2  }
0x34d: {  	_ =	sdelay $0x2  }
0x34e: {  	s20 =	sadd.s32 $0x10, s20  }
0x34f: {  	vm0 =	vlt.f32 v9, v7  }
0x350: {  	v7 =	vsel vm0, s18, v8  }
0x351: {  	v8 =	vshll.u32 v7, $0x4  }
0x352: {  	v8 =	vadd.s32 v5, v8  }
0x353: {  	v9 =	vadd.s32 v6, v7;
	_ =	sdelay $0x2  }
0x354: {  	v7 =	vimm.f32 $+Inf  }
0x355: {  	s18 =	simm.s32 $0x0;
	[tilespmem:v8+s16+$0x0] =	vst.idx.msk $0xffff, v7  }
0x356: {  	s20 =	sand.u32 $0x1FF0, s18;
	[tilespmem:v9+s15+$0x0] =	vst.idx.msk $0xffff, v3  }
0x357: {  	v9 =	vld [tilespmem:s20+$0x6400];
	_ =	sdelay $0x2  }
0x358: {  	s19 =	simm.s32 $0x1;
	v8 =	vimm.s32 $0x0;
	s20 =	simm.s32 $0x10  }
.LBB2_76:
0x359: {  	s21 =	sand.u32 $0x1FF0, s20  }
0x35a: {  	p0 =	sne.s32 s19, $0x1FF;
	vm0 =	vlt.f32 v9, v7;
	s22 =	smov.u32 s19;
	s19 =	sadd.s32 $0x1, s19  }
.Ltmp37:
0x35b: {  	v7 =	vsel vm0, v9, v7;
	v9 =	vld [tilespmem:s21+$0x6400];
	v8 =	vsel vm0, s18, v8;
	s18 =	smov.u32 s22;
	(pc) =	sbr.rel @p0 .LBB2_76-.Ltmp37, $2  }
0x35c: {  	_ =	sdelay $0x2  }
0x35d: {  	s20 =	sadd.s32 $0x10, s20  }
0x35e: {  	vm0 =	vlt.f32 v9, v7  }
0x35f: {  	v7 =	vsel vm0, s18, v8  }
0x360: {  	v8 =	vshll.u32 v7, $0x4  }
0x361: {  	v8 =	vadd.s32 v5, v8  }
0x362: {  	v9 =	vadd.s32 v6, v7;
	_ =	sdelay $0x2  }
0x363: {  	v7 =	vimm.f32 $+Inf  }
0x364: {  	s18 =	simm.s32 $0x0;
	[tilespmem:v8+s16+$0x0] =	vst.idx.msk $0xffff, v7  }
0x365: {  	s20 =	sand.u32 $0x1FF0, s18;
	[tilespmem:v9+s15+$0x0] =	vst.idx.msk $0xffff, v3  }
0x366: {  	v9 =	vld [tilespmem:s20+$0x6400];
	_ =	sdelay $0x2  }
0x367: {  	s19 =	simm.s32 $0x1;
	v8 =	vimm.s32 $0x0;
	s20 =	simm.s32 $0x10  }
.LBB2_78:
0x368: {  	s21 =	sand.u32 $0x1FF0, s20  }
0x369: {  	p0 =	sne.s32 s19, $0x1FF;
	vm0 =	vlt.f32 v9, v7;
	s22 =	smov.u32 s19;
	s19 =	sadd.s32 $0x1, s19  }
.Ltmp38:
0x36a: {  	v7 =	vsel vm0, v9, v7;
	v9 =	vld [tilespmem:s21+$0x6400];
	v8 =	vsel vm0, s18, v8;
	s18 =	smov.u32 s22;
	(pc) =	sbr.rel @p0 .LBB2_78-.Ltmp38, $2  }
0x36b: {  	_ =	sdelay $0x2  }
0x36c: {  	s20 =	sadd.s32 $0x10, s20  }
0x36d: {  	vm0 =	vlt.f32 v9, v7  }
0x36e: {  	v7 =	vsel vm0, s18, v8  }
0x36f: {  	v8 =	vshll.u32 v7, $0x4  }
0x370: {  	v8 =	vadd.s32 v5, v8  }
0x371: {  	v9 =	vadd.s32 v6, v7;
	_ =	sdelay $0x2  }
0x372: {  	v7 =	vimm.f32 $+Inf  }
0x373: {  	s18 =	simm.s32 $0x0;
	[tilespmem:v8+s16+$0x0] =	vst.idx.msk $0xffff, v7  }
0x374: {  	s20 =	sand.u32 $0x1FF0, s18;
	[tilespmem:v9+s15+$0x0] =	vst.idx.msk $0xffff, v3  }
0x375: {  	v9 =	vld [tilespmem:s20+$0x6400];
	_ =	sdelay $0x2  }
0x376: {  	s19 =	simm.s32 $0x1;
	v8 =	vimm.s32 $0x0;
	s20 =	simm.s32 $0x10  }
.LBB2_80:
0x377: {  	s21 =	sand.u32 $0x1FF0, s20  }
0x378: {  	p0 =	sne.s32 s19, $0x1FF;
	vm0 =	vlt.f32 v9, v7;
	s22 =	smov.u32 s19;
	s19 =	sadd.s32 $0x1, s19  }
.Ltmp39:
0x379: {  	v7 =	vsel vm0, v9, v7;
	v9 =	vld [tilespmem:s21+$0x6400];
	v8 =	vsel vm0, s18, v8;
	s18 =	smov.u32 s22;
	(pc) =	sbr.rel @p0 .LBB2_80-.Ltmp39, $2  }
0x37a: {  	_ =	sdelay $0x2  }
0x37b: {  	s20 =	sadd.s32 $0x10, s20  }
0x37c: {  	vm0 =	vlt.f32 v9, v7  }
0x37d: {  	v7 =	vsel vm0, s18, v8  }
0x37e: {  	v8 =	vshll.u32 v7, $0x4  }
0x37f: {  	v8 =	vadd.s32 v5, v8  }
0x380: {  	v9 =	vadd.s32 v6, v7;
	_ =	sdelay $0x2  }
0x381: {  	v7 =	vimm.f32 $+Inf  }
0x382: {  	s18 =	simm.s32 $0x0;
	[tilespmem:v8+s16+$0x0] =	vst.idx.msk $0xffff, v7  }
0x383: {  	s20 =	sand.u32 $0x1FF0, s18;
	[tilespmem:v9+s15+$0x0] =	vst.idx.msk $0xffff, v3  }
0x384: {  	v9 =	vld [tilespmem:s20+$0x6400];
	_ =	sdelay $0x2  }
0x385: {  	s19 =	simm.s32 $0x1;
	v8 =	vimm.s32 $0x0;
	s20 =	simm.s32 $0x10  }
.LBB2_82:
0x386: {  	s21 =	sand.u32 $0x1FF0, s20  }
0x387: {  	p0 =	sne.s32 s19, $0x1FF;
	vm0 =	vlt.f32 v9, v7;
	s22 =	smov.u32 s19;
	s19 =	sadd.s32 $0x1, s19  }
.Ltmp40:
0x388: {  	v7 =	vsel vm0, v9, v7;
	v9 =	vld [tilespmem:s21+$0x6400];
	v8 =	vsel vm0, s18, v8;
	s18 =	smov.u32 s22;
	(pc) =	sbr.rel @p0 .LBB2_82-.Ltmp40, $2  }
0x389: {  	_ =	sdelay $0x2  }
0x38a: {  	s20 =	sadd.s32 $0x10, s20  }
0x38b: {  	vm0 =	vlt.f32 v9, v7  }
0x38c: {  	v7 =	vsel vm0, s18, v8  }
0x38d: {  	v8 =	vshll.u32 v7, $0x4  }
0x38e: {  	v5 =	vadd.s32 v5, v8  }
0x38f: {  	v6 =	vadd.s32 v6, v7;
	_ =	sdelay $0x2  }
0x390: {  	s17 =	sadd.s32 $0x1, s17  }
0x391: {  	p0 =	sne.s32 s17, s10;
	[tilespmem:v5+s16+$0x0] =	vst.idx.msk $0xffff, v4  }
.Ltmp41:
0x392: {  	[tilespmem:v6+s15+$0x0] =	vst.idx.msk $0xffff, v3;
	(pc) =	sbr.rel @p0 .LBB2_1-.Ltmp41, $4  }
0x393: {  	[hbm4b:s9+s2] =	stream.linear.scatter [tilespmem:s15], [sflag:$0x1], $0x8000, $0x38;
	[tilespmem:$0x10400] =	vst v63  }
0x394: {  	_ =	swait.ge [sflag:s13], $0x8000  }
0x395: {  	[sflag:s13] =	ssyncset.done $0x0  }
0x396: {  	[sflag:s13] =	ssyncadd.s32 $0xFFFF8000  }
0x397: {  	_ =	sfence.sel $0x180000  }
0x398: {  	[bflag:$0x0] =	sbarrier.arrive $0xFFFF  }
0x399: {  	p0 =	sne.s32 s1, $0x0;
	_ =	strace $0x90000047  }
0x39a: {  	s0 =	sadd.s32 @!p0 $0x100000, s0;
	[bflag:$0x2] =	sbarrier.arrive $0xFFFF  }
0x39b: {  	[sflag:s0] =	ssyncadd.tile.s32 @!p0 $0x1;
	_ =	shalt  }
.Lfunc_end2:
_tile_overlayer_lowered:
.L_overlay_start_2:
0x39c: {  	(tag) =	ssettag $0x2  }
0x39d: {  	s0 =	rddreg [dreg:$0x0];
	s2 =	stileid.u32  }
0x39e: {  	s1 =	rddreg [dreg:$0x1];
	p0 =	sne.s32 s2, $0x0  }
0x39f: {  	s3 =	rddreg [dreg:$0x2];
	[bflag:$0x3] =	sbarrier.arrive $0xFFFF;
	s2 =	simm.s32 @!p0 $0x1C01  }
0x3a0: {  	[timem:s3], [sflag:s2] =	dma.local @!p0 [hbm:s0], s1  }
0x3a1: {  	s0 =	simm.s32 @!p0 $0x1  }
0x3a2: {  	_ =	swait.ge @!p0 [sflag:s0], s1  }
0x3a3: {  	s1 =	ssub.s32 @!p0 $0x0, s1;
	[sflag:s0] =	ssyncset.done @!p0 $0x0  }
0x3a4: {  	[sflag:s0] =	ssyncadd.s32 @!p0 s1  }
0x3a5: {  	[bflag:$0x3] =	sbarrier.arrive $0xFFFF  }
0x3a6: {  	_ =	shalt  }

</sc_bundles>
